<compile_context>
chip_gen: v7x
topology: tpu7x:2x2x1
jax: 0.10.2.dev20260603
libtpu: 0.0.44.dev20260713+nightly
codegen_flags: <defaults>
</compile_context>

<pallas_src>
import functools

import jax
import jax.numpy as jnp
from jax import lax
from jax.experimental import pallas as pl
from jax.experimental.pallas import tpu as pltpu
from jax.experimental.pallas import tpu_sc as plsc

F32 = jnp.float32
LANES = 128



def _tc_edge_encode(edge_attr, W_edge, b_edge):
    E, DE = edge_attr.shape
    BE = 8000

    def body(e_ref, w_ref, b_ref, o_ref):
        h = jnp.dot(e_ref[...], w_ref[...], preferred_element_type=F32)
        o_ref[...] = jnp.concatenate(
            [jnp.maximum(h + b_ref[...], 0.0),
             jnp.ones((BE, 1), F32),
             jnp.zeros((BE, LANES - DE - 1), F32)], axis=1)

    return pl.pallas_call(
        body,
        grid=(E // BE,),
        in_specs=[
            pl.BlockSpec((BE, DE), lambda i: (i, 0)),
            pl.BlockSpec((DE, DE), lambda i: (0, 0)),
            pl.BlockSpec((1, DE), lambda i: (0, 0)),
        ],
        out_specs=pl.BlockSpec((BE, LANES), lambda i: (i, 0)),
        out_shape=jax.ShapeDtypeStruct((E, LANES), F32),
    )(edge_attr, W_edge, b_edge.reshape(1, DE))


def _tc_layer1_pre(x, W_feat, b_feat, num_seeds, H_id, ed0, ed1,
                   W1, W1s, W2, b1, DID, DE):
    N, DF = x.shape
    DH = W1.shape[1]
    BM = 2000

    def body(xr, wf, bf, hid, e0r, e1r, w1, w1s, w2, b1r,
             p1_o, base1_o, egg2_o):
        i = pl.program_id(0)
        hfv = (jnp.dot(xr[...], wf[...], preferred_element_type=F32)
               + bf[...])
        row = i * BM + lax.broadcasted_iota(jnp.int32, (BM, 1), 0)
        hfv = jnp.where(row < num_seeds, 0.0, hfv)
        ed = e0r[...] + e1r[...]
        eagg = ed[:, 0:DE]
        deg = jnp.maximum(ed[:, DE:DE + 1], 1.0)
        es = eagg / deg
        w1v = w1[...]
        w1sv = w1s[...]
        hidv = hid[...][:, 0:DID]
        p1_o[...] = (jnp.dot(hfv, w1v[0:DH], preferred_element_type=F32)
                     + jnp.dot(hidv, w1v[DH:DH + DID], preferred_element_type=F32))
        base1_o[...] = (jnp.dot(hfv, w1sv[0:DH], preferred_element_type=F32)
                        + jnp.dot(hidv, w1sv[DH:DH + DID], preferred_element_type=F32)
                        + jnp.dot(es, w1v[DH + DID:DH + DID + DE], preferred_element_type=F32)
                        + b1r[...])
        egg2_o[...] = jnp.dot(es, w2[...][DH:DH + DE], preferred_element_type=F32)

    spec_h = pl.BlockSpec((BM, DH), lambda i: (i, 0))
    spec_e = pl.BlockSpec((BM, LANES), lambda i: (i, 0))
    return pl.pallas_call(
        body,
        grid=(N // BM,),
        in_specs=[
            pl.BlockSpec((BM, DF), lambda i: (i, 0)),
            pl.BlockSpec((DF, DH), lambda i: (0, 0)),
            pl.BlockSpec((1, DH), lambda i: (0, 0)),
            spec_e, spec_e, spec_e,
            pl.BlockSpec(W1.shape, lambda i: (0, 0)),
            pl.BlockSpec(W1s.shape, lambda i: (0, 0)),
            pl.BlockSpec(W2.shape, lambda i: (0, 0)),
            pl.BlockSpec((1, DH), lambda i: (0, 0)),
        ],
        out_specs=[spec_h, spec_h, spec_h],
        out_shape=[jax.ShapeDtypeStruct((N, DH), F32)] * 3,
    )(x, W_feat, b_feat.reshape(1, DH), H_id, ed0, ed1,
      W1, W1s, W2, b1.reshape(1, DH))


def _tc_layer2_pre(a0, a1, ed0, ed1, base1, egg2, W2, W2s, b2, DE):
    N, DH = a0.shape
    BM = 2000

    def body(a0r, a1r, e0r, e1r, b1r, eg, w2, w2s, b2r, p2_o, base2_o):
        deg = jnp.maximum(e0r[...][:, DE:DE + 1] + e1r[...][:, DE:DE + 1], 1.0)
        h1 = jnp.maximum((a0r[...] + a1r[...]) / deg + b1r[...], 0.0)
        p2_o[...] = jnp.dot(h1, w2[...][0:DH], preferred_element_type=F32)
        base2_o[...] = (jnp.dot(h1, w2s[...], preferred_element_type=F32)
                        + eg[...] + b2r[...])

    spec_h = pl.BlockSpec((BM, DH), lambda i: (i, 0))
    spec_e = pl.BlockSpec((BM, LANES), lambda i: (i, 0))
    return pl.pallas_call(
        body,
        grid=(N // BM,),
        in_specs=[
            spec_h, spec_h, spec_e, spec_e, spec_h, spec_h,
            pl.BlockSpec(W2.shape, lambda i: (0, 0)),
            pl.BlockSpec(W2s.shape, lambda i: (0, 0)),
            pl.BlockSpec((1, DH), lambda i: (0, 0)),
        ],
        out_specs=[spec_h, spec_h],
        out_shape=[jax.ShapeDtypeStruct((N, DH), F32)] * 2,
    )(a0, a1, ed0, ed1, base1, egg2, W2, W2s, b2.reshape(1, DH))


def _tc_predict(ga0, ga1, gb2, ge0, ge1, seed_ctx_feat,
                W_ctx, b_ctx, W_pred, b_pred, DE):
    S, DH = ga0.shape
    DCTX = seed_ctx_feat.shape[1]
    OUT = W_pred.shape[1]

    def body(a0r, a1r, b2r, e0r, e1r, ctx, wc, bc, wp, bp, o_ref):
        deg = jnp.maximum(e0r[...][:, DE:DE + 1] + e1r[...][:, DE:DE + 1], 1.0)
        h2 = jnp.maximum((a0r[...] + a1r[...]) / deg + b2r[...], 0.0)
        ctxe = jnp.maximum(
            jnp.dot(ctx[...], wc[...], preferred_element_type=F32) + bc[...], 0.0)
        wpv = wp[...]
        o_ref[...] = (jnp.dot(h2, wpv[0:DH], preferred_element_type=F32)
                      + jnp.dot(ctxe, wpv[DH:DH + DCTX], preferred_element_type=F32)
                      + bp[...])

    return pl.pallas_call(
        body,
        out_shape=jax.ShapeDtypeStruct((S, OUT), F32),
    )(ga0, ga1, gb2, ge0, ge1, seed_ctx_feat,
      W_ctx, b_ctx.reshape(1, DCTX), W_pred, b_pred.reshape(1, OUT))



_NW = 32
_NC = 2


def _sc_encode_pass(embed_pad, node_ids, He1, dst, zeros_l):
    N = embed_pad.shape[0]
    E = dst.shape[0]
    CH = 40
    CHN = 80
    EPW = E // _NW
    NCHE = EPW // CH
    NCHN = N // CHN
    NCHN_PW = (NCHN + _NW - 1) // _NW
    R = 5
    assert NCHE % R == 0
    RPT = (N // 16) // 8 * 8
    TAIL = N - 16 * RPT

    mesh = plsc.VectorSubcoreMesh(core_axis_name="c", subcore_axis_name="s")

    @functools.partial(
        pl.kernel,
        out_type=[
            jax.ShapeDtypeStruct((N, LANES), F32),
            jax.ShapeDtypeStruct((N, LANES), F32),
            jax.ShapeDtypeStruct((N, LANES), F32),
        ],
        mesh=mesh,
        scratch_types=(
            [pltpu.VMEM((CH,), jnp.int32)] * R
            + [pltpu.VMEM((CH, LANES), F32)] * R
            + [pltpu.VMEM((CHN,), jnp.int32),
               pltpu.VMEM((CHN, LANES), F32),
               pltpu.VMEM_SHARED((N, LANES), F32),
               pltpu.VMEM((16,), jnp.int32),
               pltpu.VMEM((16, LANES), F32)]
            + [pltpu.SemaphoreType.DMA] * (2 * R + 1)
        ),
    )
    def k(emb_hbm, ids_hbm, he_hbm, dst_hbm, z_hbm,
          hid_out, ed_out0, ed_out1, *scr):
        dbuf = scr[0:R]
        hebuf = scr[R:2 * R]
        nidx_v = scr[2 * R]
        grows_v = scr[2 * R + 1]
        acc = scr[2 * R + 2]
        zidx = scr[2 * R + 3]
        zrows = scr[2 * R + 4]
        isem = scr[2 * R + 5:3 * R + 5]
        ssem = scr[3 * R + 5:4 * R + 5]
        gsem = scr[4 * R + 5]

        cid = lax.axis_index("c")
        sid = lax.axis_index("s")
        wid = sid * _NC + cid
        ebase = wid * EPW

        pltpu.sync_copy(z_hbm.at[pl.ds(sid * RPT, RPT)],
                        acc.at[pl.ds(sid * RPT, RPT)])

        @pl.when(sid == 0)
        def _():
            pltpu.sync_copy(z_hbm.at[pl.ds(16 * RPT, TAIL)],
                            acc.at[pl.ds(16 * RPT, TAIL)])
        plsc.subcore_barrier()

        def nbody(i, _):
            c = wid + _NW * i

            @pl.when(c < NCHN)
            def _():
                off = c * CHN
                pltpu.sync_copy(ids_hbm.at[pl.ds(off, CHN)], nidx_v)
                pltpu.async_copy(emb_hbm.at[nidx_v], grows_v, gsem).wait()
                pltpu.sync_copy(grows_v, hid_out.at[pl.ds(off, CHN)])
            return _
        lax.fori_loop(0, NCHN_PW, nbody, None)

        def start_loads(j, b):
            off = ebase + j * CH
            pltpu.async_copy(dst_hbm.at[pl.ds(off, CH)], dbuf[b], isem[b])
            pltpu.async_copy(he_hbm.at[pl.ds(off, CH)], hebuf[b], isem[b])

        def wait_loads(j, b):
            off = ebase + j * CH
            pltpu.make_async_copy(dst_hbm.at[pl.ds(off, CH)], dbuf[b],
                                  isem[b]).wait()
            pltpu.make_async_copy(he_hbm.at[pl.ds(off, CH)], hebuf[b],
                                  isem[b]).wait()

        def wait_scatter(b):
            pltpu.make_async_copy(hebuf[b], acc.at[dbuf[b]], ssem[b]).wait()

        start_loads(0, 0)
        start_loads(1, 1)

        def outer(g, _):
            for b in range(R):
                kk = R * g + b

                @pl.when(kk >= 3)
                def _():
                    wait_scatter((b + 2) % R)

                @pl.when(kk + 2 < NCHE)
                def _():
                    start_loads(kk + 2, (b + 2) % R)

                wait_loads(kk, b)
                pltpu.async_copy(hebuf[b], acc.at[dbuf[b]], ssem[b], add=True)
            return _
        lax.fori_loop(0, NCHE // R, outer, None)
        for kk in range(NCHE - 3, NCHE):
            wait_scatter(kk % R)
        zidx[...] = jnp.zeros((16,), jnp.int32)
        pltpu.sync_copy(z_hbm.at[pl.ds(0, 16)], zrows)
        pltpu.sync_copy(zrows, acc.at[zidx], add=True)
        plsc.subcore_barrier()

        for c, ed_out in ((0, ed_out0), (1, ed_out1)):
            @pl.when(cid == c)
            def _():
                pltpu.sync_copy(acc.at[pl.ds(sid * RPT, RPT)],
                                ed_out.at[pl.ds(sid * RPT, RPT)])

                @pl.when(sid == 0)
                def _():
                    pltpu.sync_copy(acc.at[pl.ds(16 * RPT, TAIL)],
                                    ed_out.at[pl.ds(16 * RPT, TAIL)])

    return k(embed_pad, node_ids, He1, dst, zeros_l)


def _sc_gather_scatter(P, src, dst, zeros_l, seed=None):
    N, DH = P.shape
    E = src.shape[0]
    CH = 40
    EPW = E // _NW
    NCH = EPW // CH
    R = 5
    IR = 10
    assert NCH % IR == 0 and NCH > 2 * IR
    RPT = (N // 16) // 8 * 8
    TAIL = N - 16 * RPT

    mesh = plsc.VectorSubcoreMesh(core_axis_name="c", subcore_axis_name="s")

    if seed is None:
        n_in, n_out = 0, _NC
        out_type = [jax.ShapeDtypeStruct((N, DH), F32)] * _NC
        seed_scratch = []
    else:
        S = seed[0].shape[0]
        SPW = S // 16
        n_in, n_out = 4, 5
        out_type = [jax.ShapeDtypeStruct((S, DH), F32)] * 5
        seed_scratch = [pltpu.VMEM((SPW,), jnp.int32),
                        pltpu.VMEM((SPW, DH), F32)]

    @functools.partial(
        pl.kernel,
        out_type=out_type,
        mesh=mesh,
        scratch_types=(
            [pltpu.VMEM((CH,), jnp.int32)] * (2 * IR)
            + [pltpu.VMEM((CH, DH), F32)] * R
            + [pltpu.VMEM_SHARED((N, DH), F32)]
            + [pltpu.VMEM((16,), jnp.int32),
               pltpu.VMEM((16, DH), F32)]
            + seed_scratch
            + [pltpu.SemaphoreType.DMA] * (IR + 2 * R)
        ),
    )
    def k(p_hbm, src_hbm, dst_hbm, z_hbm, *rest):
        seed_in = rest[0:n_in]
        outs = rest[n_in:n_in + n_out]
        scr = rest[n_in + n_out:]
        sbuf = scr[0:IR]
        dbuf = scr[IR:2 * IR]
        rows = scr[2 * IR:2 * IR + R]
        acc = scr[2 * IR + R]
        zidx = scr[2 * IR + R + 1]
        zrows = scr[2 * IR + R + 2]
        nscr = 2 * IR + R + 3
        if seed is not None:
            sixv, grow = scr[nscr], scr[nscr + 1]
            nscr += 2
        isem = scr[nscr:nscr + IR]
        gsem = scr[nscr + IR:nscr + IR + R]
        ssem = scr[nscr + IR + R:nscr + IR + 2 * R]

        cid = lax.axis_index("c")
        sid = lax.axis_index("s")
        wid = sid * _NC + cid
        base = wid * EPW

        pltpu.sync_copy(z_hbm.at[pl.ds(sid * RPT, RPT)],
                        acc.at[pl.ds(sid * RPT, RPT)])

        @pl.when(sid == 0)
        def _():
            pltpu.sync_copy(z_hbm.at[pl.ds(16 * RPT, TAIL)],
                            acc.at[pl.ds(16 * RPT, TAIL)])
        plsc.subcore_barrier()

        def start_idx(j, ib):
            off = base + j * CH
            pltpu.async_copy(src_hbm.at[pl.ds(off, CH)], sbuf[ib], isem[ib])
            pltpu.async_copy(dst_hbm.at[pl.ds(off, CH)], dbuf[ib], isem[ib])

        def wait_idx(j, ib):
            off = base + j * CH
            pltpu.make_async_copy(src_hbm.at[pl.ds(off, CH)], sbuf[ib],
                                  isem[ib]).wait()
            pltpu.make_async_copy(dst_hbm.at[pl.ds(off, CH)], dbuf[ib],
                                  isem[ib]).wait()

        def start_gather(ib, b):
            pltpu.async_copy(p_hbm.at[sbuf[ib]], rows[b], gsem[b])

        def wait_gather(ib, b):
            pltpu.make_async_copy(p_hbm.at[sbuf[ib]], rows[b],
                                  gsem[b]).wait()

        def wait_scatter(ib, b):
            pltpu.make_async_copy(rows[b], acc.at[dbuf[ib]], ssem[b]).wait()

        for j in range(4):
            start_idx(j, j)
        for j in range(2):
            wait_idx(j, j)
            start_gather(j, j)

        def outer(g, _):
            for b in range(IR):
                kk = IR * g + b
                @pl.when(kk >= 3)
                def _():
                    wait_scatter((b - 3) % IR, (b + 2) % R)

                @pl.when(kk + 4 < NCH)
                def _():
                    start_idx(kk + 4, (b + 4) % IR)

                @pl.when(kk + 2 < NCH)
                def _():
                    wait_idx(kk + 2, (b + 2) % IR)
                    start_gather((b + 2) % IR, (b + 2) % R)

                wait_gather(b % IR, b % R)
                pltpu.async_copy(rows[b % R], acc.at[dbuf[b % IR]],
                                 ssem[b % R], add=True)
            return _
        lax.fori_loop(0, NCH // IR, outer, None)

        for kk in range(NCH - 3, NCH):
            wait_scatter(kk % IR, kk % R)
        zidx[...] = jnp.zeros((16,), jnp.int32)
        pltpu.sync_copy(z_hbm.at[pl.ds(0, 16)], zrows)
        pltpu.sync_copy(zrows, acc.at[zidx], add=True)
        plsc.subcore_barrier()

        if seed is None:
            for c, out_hbm in ((0, outs[0]), (1, outs[1])):
                @pl.when(cid == c)
                def _():
                    pltpu.sync_copy(acc.at[pl.ds(sid * RPT, RPT)],
                                    out_hbm.at[pl.ds(sid * RPT, RPT)])

                    @pl.when(sid == 0)
                    def _():
                        pltpu.sync_copy(acc.at[pl.ds(16 * RPT, TAIL)],
                                        out_hbm.at[pl.ds(16 * RPT, TAIL)])
        else:
            sidx_hbm = seed_in[0]
            ga_out = (outs[0], outs[1])
            hbm_jobs = {0: [(seed_in[1], outs[2]), (seed_in[2], outs[3])],
                        1: [(seed_in[3], outs[4])]}
            bs = sid * SPW
            pltpu.sync_copy(sidx_hbm.at[pl.ds(bs, SPW)], sixv)
            for c in (0, 1):
                @pl.when(cid == c)
                def _():
                    pltpu.async_copy(acc.at[sixv], grow, gsem[0]).wait()
                    pltpu.sync_copy(grow, ga_out[c].at[pl.ds(bs, SPW)])
                    for src_a, out_a in hbm_jobs[c]:
                        pltpu.async_copy(src_a.at[sixv], grow,
                                         gsem[0]).wait()
                        pltpu.sync_copy(grow, out_a.at[pl.ds(bs, SPW)])

    if seed is None:
        return k(P, src, dst, zeros_l)
    return k(P, src, dst, zeros_l, *seed)



def kernel(x, input_node_ids, edge_index, edge_attr, seed_ctx_feat,
           seed_lookup_idx, embed_table, W_feat, b_feat, W_edge, b_edge,
           W1, W1s, b1, W2, W2s, b2, W_ctx, b_ctx, W_pred, b_pred):
    N = x.shape[0]
    S = seed_ctx_feat.shape[0]
    DE = edge_attr.shape[1]
    DID = embed_table.shape[1]

    src = edge_index[0].astype(jnp.int32)
    dst = edge_index[1].astype(jnp.int32)
    ids = input_node_ids.astype(jnp.int32)
    sidx = seed_lookup_idx.astype(jnp.int32)
    zeros_l = jnp.zeros((N, LANES), F32)
    embed_pad = jnp.pad(embed_table, ((0, 0), (0, LANES - DID)))

    He1 = _tc_edge_encode(edge_attr, W_edge, b_edge)

    H_id, ed0, ed1 = _sc_encode_pass(embed_pad, ids, He1, dst, zeros_l)

    P1, base1, egg2 = _tc_layer1_pre(
        x, W_feat, b_feat, S, H_id, ed0, ed1, W1, W1s, W2, b1, DID, DE)

    a10, a11 = _sc_gather_scatter(P1, src, dst, zeros_l)

    P2, base2 = _tc_layer2_pre(
        a10, a11, ed0, ed1, base1, egg2, W2, W2s, b2, DE)

    ga0, ga1, gb2, ge0, ge1 = _sc_gather_scatter(
        P2, src, dst, zeros_l, seed=(sidx, base2, ed0, ed1))

    return _tc_predict(ga0, ga1, gb2, ge0, ge1, seed_ctx_feat,
                       W_ctx, b_ctx, W_pred, b_pred, DE)

# --- scband reference (transcript-rebuilt; emitter-appended) ---
"""Pipeline reference for scband-base-gnn-81372450390239 (READ-ONLY COPY).

The authoritative reference and input builder live on the scoring server;
editing this copy changes nothing except your own understanding.
"""

import jax, jax.numpy as jnp
import numpy as np

N = 10000      # num nodes
E = 320000     # num edges (avg_degree=32)
DF = 128       # node feat dim
DE = 16        # edge feat dim
DID = 64       # id embedding dim
DH = 128       # hidden / out size
S = 1024       # num seeds
DCTX = 64      # seed context feat dim
OUT = 16       # predictor out size (num classes)


def setup_inputs(seed: int = 0) -> dict:
    key = jax.random.key(seed)
    ks = jax.random.split(key, 24)
    inp = {}
    # forward args
    inp['x'] = jax.random.normal(ks[0], (N, DF), dtype=jnp.float32)
    inp['input_node_ids'] = jax.random.randint(ks[1], (N,), 0, N, dtype=jnp.int64)
    inp['edge_index'] = jax.random.randint(ks[2], (2, E), 0, N, dtype=jnp.int64)
    inp['edge_attr'] = jax.random.normal(ks[3], (E, DE), dtype=jnp.float32)
    inp['seed_ctx_feat'] = jax.random.normal(ks[4], (S, DCTX), dtype=jnp.float32)
    inp['seed_lookup_idx'] = jax.random.randint(ks[5], (S,), 0, N, dtype=jnp.int64)
    # learned parameters
    inp['embed_table'] = jax.random.normal(ks[6], (N, DID), dtype=jnp.float32) * 0.02  # node_id_encoder
    inp['W_feat'] = jax.random.normal(ks[7], (DF, DH), dtype=jnp.float32) / np.sqrt(DF)  # feat_encoder (nodes)
    inp['b_feat'] = jnp.zeros((DH,), dtype=jnp.float32)
    inp['W_edge'] = jax.random.normal(ks[8], (DE, DE), dtype=jnp.float32) / np.sqrt(DE)  # feat_encoder (edges)
    inp['b_edge'] = jnp.zeros((DE,), dtype=jnp.float32)
    inp['W1'] = jax.random.normal(ks[9], (DH + DID + DE, DH), dtype=jnp.float32) / np.sqrt(DH + DID + DE)
    inp['W1s'] = jax.random.normal(ks[10], (DH + DID, DH), dtype=jnp.float32) / np.sqrt(DH + DID)
    inp['b1'] = jnp.zeros((DH,), dtype=jnp.float32)
    inp['W2'] = jax.random.normal(ks[11], (DH + DE, DH), dtype=jnp.float32) / np.sqrt(DH + DE)
    inp['W2s'] = jax.random.normal(ks[12], (DH, DH), dtype=jnp.float32) / np.sqrt(DH)
    inp['b2'] = jnp.zeros((DH,), dtype=jnp.float32)
    inp['W_ctx'] = jax.random.normal(ks[13], (DCTX, DCTX), dtype=jnp.float32) / np.sqrt(DCTX)  # feat_encoder (seed ctx)
    inp['b_ctx'] = jnp.zeros((DCTX,), dtype=jnp.float32)
    inp['W_pred'] = jax.random.normal(ks[14], (DH + DCTX, OUT), dtype=jnp.float32) / np.sqrt(DH + DCTX)  # Predictor
    inp['b_pred'] = jnp.zeros((OUT,), dtype=jnp.float32)
    return inp


def reference(x, input_node_ids, edge_index, edge_attr, seed_ctx_feat, seed_lookup_idx,
              embed_table, W_feat, b_feat, W_edge, b_edge,
              W1, W1s, b1, W2, W2s, b2, W_ctx, b_ctx, W_pred, b_pred):
    # node_id_encoder: id embedding lookup (gather)
    H_id = jnp.take(embed_table, input_node_ids, axis=0)
    # feat_encoder on node features
    H_feat = x @ W_feat + b_feat
    # seed feature masking: zero neighbor-only feats on the dst/seed slots (H[:num_seeds] = 0.0)
    H_feat = H_feat.at[:S].set(0.0)
    # _cat_feat + embed_ntypes concat: H_node = cat([H_feat, H_id])
    H = jnp.concatenate([H_feat, H_id], axis=1)
    # feat_encoder on edge features
    H_e = jax.nn.relu(edge_attr @ W_edge + b_edge)
    src = edge_index[0]
    dst = edge_index[1]
    ones = jnp.ones((E, 1), dtype=jnp.float32)
    deg = jnp.maximum(jax.ops.segment_sum(ones, dst, num_segments=N), 1.0)
    # GNN layer 1: gather src states, combine with edge feats, scatter-mean to dst
    msg = jnp.concatenate([jnp.take(H, src, axis=0), H_e], axis=1) @ W1
    agg = jax.ops.segment_sum(msg, dst, num_segments=N) / deg
    H = jax.nn.relu(agg + H @ W1s + b1)
    # GNN layer 2
    msg = jnp.concatenate([jnp.take(H, src, axis=0), H_e], axis=1) @ W2
    agg = jax.ops.segment_sum(msg, dst, num_segments=N) / deg
    H = jax.nn.relu(agg + H @ W2s + b2)
    # seed_lookup: gather seed node embeddings
    seed_embeds = jnp.take(H, seed_lookup_idx, axis=0)
    # feat_encoder on seed context feats
    seed_ctx_embeds = jax.nn.relu(seed_ctx_feat @ W_ctx + b_ctx)
    # predictor(seed_embeds, seed_ctx_embeds)
    out = jnp.concatenate([seed_embeds, seed_ctx_embeds], axis=1) @ W_pred + b_pred
    return out

if __name__ == "__main__":
    import jax
    _d = setup_inputs()
    print(jax.jit(kernel)(*tuple(_d.values())))

</pallas_src>

<mosaic_0001>
#map = affine_map<(d0, d1) -> (0, 0)>
#map1 = affine_map<(d0, d1) -> (0)>
module attributes {stable_mosaic.version = 14 : i64} {
  func.func @k(%arg0: i32, %arg1: i32, %arg2: memref<10000x128xf32, #tpu.memory_space<hbm>>, %arg3: memref<320000xi32, #tpu.memory_space<hbm>>, %arg4: memref<320000xi32, #tpu.memory_space<hbm>>, %arg5: memref<10000x128xf32, #tpu.memory_space<hbm>>, %arg6: memref<10000x128xf32, #tpu.memory_space<hbm>>, %arg7: memref<10000x128xf32, #tpu.memory_space<hbm>>, %arg8: memref<40xi32, #tpu.memory_space<vmem>>, %arg9: memref<40xi32, #tpu.memory_space<vmem>>, %arg10: memref<40xi32, #tpu.memory_space<vmem>>, %arg11: memref<40xi32, #tpu.memory_space<vmem>>, %arg12: memref<40xi32, #tpu.memory_space<vmem>>, %arg13: memref<40xi32, #tpu.memory_space<vmem>>, %arg14: memref<40xi32, #tpu.memory_space<vmem>>, %arg15: memref<40xi32, #tpu.memory_space<vmem>>, %arg16: memref<40xi32, #tpu.memory_space<vmem>>, %arg17: memref<40xi32, #tpu.memory_space<vmem>>, %arg18: memref<40xi32, #tpu.memory_space<vmem>>, %arg19: memref<40xi32, #tpu.memory_space<vmem>>, %arg20: memref<40xi32, #tpu.memory_space<vmem>>, %arg21: memref<40xi32, #tpu.memory_space<vmem>>, %arg22: memref<40xi32, #tpu.memory_space<vmem>>, %arg23: memref<40xi32, #tpu.memory_space<vmem>>, %arg24: memref<40xi32, #tpu.memory_space<vmem>>, %arg25: memref<40xi32, #tpu.memory_space<vmem>>, %arg26: memref<40xi32, #tpu.memory_space<vmem>>, %arg27: memref<40xi32, #tpu.memory_space<vmem>>, %arg28: memref<40x128xf32, #tpu.memory_space<vmem>>, %arg29: memref<40x128xf32, #tpu.memory_space<vmem>>, %arg30: memref<40x128xf32, #tpu.memory_space<vmem>>, %arg31: memref<40x128xf32, #tpu.memory_space<vmem>>, %arg32: memref<40x128xf32, #tpu.memory_space<vmem>>, %arg33: memref<10000x128xf32, #tpu.memory_space<vmem_shared>>, %arg34: memref<16xi32, #tpu.memory_space<vmem>>, %arg35: memref<16x128xf32, #tpu.memory_space<vmem>>, %arg36: memref<!tpu.dma_semaphore, #tpu.memory_space<semaphore_mem>>, %arg37: memref<!tpu.dma_semaphore, #tpu.memory_space<semaphore_mem>>, %arg38: memref<!tpu.dma_semaphore, #tpu.memory_space<semaphore_mem>>, %arg39: memref<!tpu.dma_semaphore, #tpu.memory_space<semaphore_mem>>, %arg40: memref<!tpu.dma_semaphore, #tpu.memory_space<semaphore_mem>>, %arg41: memref<!tpu.dma_semaphore, #tpu.memory_space<semaphore_mem>>, %arg42: memref<!tpu.dma_semaphore, #tpu.memory_space<semaphore_mem>>, %arg43: memref<!tpu.dma_semaphore, #tpu.memory_space<semaphore_mem>>, %arg44: memref<!tpu.dma_semaphore, #tpu.memory_space<semaphore_mem>>, %arg45: memref<!tpu.dma_semaphore, #tpu.memory_space<semaphore_mem>>, %arg46: memref<!tpu.dma_semaphore, #tpu.memory_space<semaphore_mem>>, %arg47: memref<!tpu.dma_semaphore, #tpu.memory_space<semaphore_mem>>, %arg48: memref<!tpu.dma_semaphore, #tpu.memory_space<semaphore_mem>>, %arg49: memref<!tpu.dma_semaphore, #tpu.memory_space<semaphore_mem>>, %arg50: memref<!tpu.dma_semaphore, #tpu.memory_space<semaphore_mem>>, %arg51: memref<!tpu.dma_semaphore, #tpu.memory_space<semaphore_mem>>, %arg52: memref<!tpu.dma_semaphore, #tpu.memory_space<semaphore_mem>>, %arg53: memref<!tpu.dma_semaphore, #tpu.memory_space<semaphore_mem>>, %arg54: memref<!tpu.dma_semaphore, #tpu.memory_space<semaphore_mem>>, %arg55: memref<!tpu.dma_semaphore, #tpu.memory_space<semaphore_mem>>) attributes {dimension_semantics = [#tpu.dimension_semantics<core_parallel>, #tpu.dimension_semantics<subcore_parallel>], iteration_bounds = array<i64: 2, 16>, scalar_prefetch = 0 : i64, scratch_operands = 48 : i64, tpu.core_type = #tpu.core_type<sc_vector_subcore>, window_params = [{transform_indices = #map}, {transform_indices = #map1}, {transform_indices = #map1}, {transform_indices = #map}, {transform_indices = #map}, {transform_indices = #map}]} {
    %mul3A = arith.constant 2 : i32
    %mul3A_0 = arith.muli %arg1, %mul3A : i32
    %add3A = arith.addi %mul3A_0, %arg0 : i32
    %mul3A_1 = arith.constant 10000 : i32
    %mul3A_2 = arith.muli %add3A, %mul3A_1 : i32
    %mul3A_3 = arith.constant 624 : i32
    %mul3A_4 = arith.muli %arg1, %mul3A_3 : i32
    %mul3A_5 = arith.constant 624 : i32
    %mul3A_6 = arith.muli %arg1, %mul3A_5 : i32
    "tpu.region"() ({
      %run_scoped3A = tpu.sem_alloc : memref<!tpu.dma_semaphore, #tpu.memory_space<semaphore_mem>>
      %dma_start3A_77 = arith.constant 0 : i32
      %dma_start3A_78 = tpu.memref_slice %arg33[%mul3A_6, %dma_start3A_77] : memref<10000x128xf32, #tpu.memory_space<vmem_shared>> -> memref<624x128xf32, #tpu.memory_space<vmem_shared>>
      %dma_start3A_79 = arith.constant 0 : i32
      %dma_start3A_80 = tpu.memref_slice %arg5[%mul3A_4, %dma_start3A_79] : memref<10000x128xf32, #tpu.memory_space<hbm>> -> memref<624x128xf32, #tpu.memory_space<hbm>>
      tpu.enqueue_dma source(%dma_start3A_80 : memref<624x128xf32, #tpu.memory_space<hbm>>) target(%dma_start3A_78 : memref<624x128xf32, #tpu.memory_space<vmem_shared>>) target_semaphore(%run_scoped3A : memref<!tpu.dma_semaphore, #tpu.memory_space<semaphore_mem>>)
      %dma_wait3A_81 = arith.constant 0 : i32
      %dma_wait3A_82 = tpu.memref_slice %arg33[%mul3A_6, %dma_wait3A_81] : memref<10000x128xf32, #tpu.memory_space<vmem_shared>> -> memref<624x128xf32, #tpu.memory_space<vmem_shared>>
      %dma_wait3A_83 = arith.constant 0 : i32
      %dma_wait3A_84 = tpu.memref_slice %arg5[%mul3A_4, %dma_wait3A_83] : memref<10000x128xf32, #tpu.memory_space<hbm>> -> memref<624x128xf32, #tpu.memory_space<hbm>>
      tpu.wait_dma2 semaphore(%run_scoped3A : memref<!tpu.dma_semaphore, #tpu.memory_space<semaphore_mem>>) src(%dma_wait3A_84 : memref<624x128xf32, #tpu.memory_space<hbm>>) dst(%dma_wait3A_82 : memref<624x128xf32, #tpu.memory_space<vmem_shared>>)
      tpu.yield
    }) : () -> ()
    %eq3A = arith.constant 0 : i32
    %eq3A_7 = arith.cmpi eq, %arg1, %eq3A : i32
    %convert_element_type3A = arith.extui %eq3A_7 : i1 to i32
    %cond3A = arith.constant 0 : i32
    %cond3A_8 = arith.cmpi ne, %convert_element_type3A, %cond3A : i32
    scf.if %cond3A_8 {
      "tpu.region"() ({
        %run_scoped3A = tpu.sem_alloc : memref<!tpu.dma_semaphore, #tpu.memory_space<semaphore_mem>>
        %dma_start3A_77 = arith.constant 9984 : i32
        %dma_start3A_78 = arith.constant 0 : i32
        %dma_start3A_79 = tpu.memref_slice %arg33[%dma_start3A_77, %dma_start3A_78] : memref<10000x128xf32, #tpu.memory_space<vmem_shared>> -> memref<16x128xf32, #tpu.memory_space<vmem_shared>>
        %dma_start3A_80 = arith.constant 9984 : i32
        %dma_start3A_81 = arith.constant 0 : i32
        %dma_start3A_82 = tpu.memref_slice %arg5[%dma_start3A_80, %dma_start3A_81] : memref<10000x128xf32, #tpu.memory_space<hbm>> -> memref<16x128xf32, #tpu.memory_space<hbm>>
        tpu.enqueue_dma source(%dma_start3A_82 : memref<16x128xf32, #tpu.memory_space<hbm>>) target(%dma_start3A_79 : memref<16x128xf32, #tpu.memory_space<vmem_shared>>) target_semaphore(%run_scoped3A : memref<!tpu.dma_semaphore, #tpu.memory_space<semaphore_mem>>)
        %dma_wait3A_83 = arith.constant 9984 : i32
        %dma_wait3A_84 = arith.constant 0 : i32
        %dma_wait3A_85 = tpu.memref_slice %arg33[%dma_wait3A_83, %dma_wait3A_84] : memref<10000x128xf32, #tpu.memory_space<vmem_shared>> -> memref<16x128xf32, #tpu.memory_space<vmem_shared>>
        %dma_wait3A_86 = arith.constant 9984 : i32
        %dma_wait3A_87 = arith.constant 0 : i32
        %dma_wait3A_88 = tpu.memref_slice %arg5[%dma_wait3A_86, %dma_wait3A_87] : memref<10000x128xf32, #tpu.memory_space<hbm>> -> memref<16x128xf32, #tpu.memory_space<hbm>>
        tpu.wait_dma2 semaphore(%run_scoped3A : memref<!tpu.dma_semaphore, #tpu.memory_space<semaphore_mem>>) src(%dma_wait3A_88 : memref<16x128xf32, #tpu.memory_space<hbm>>) dst(%dma_wait3A_85 : memref<16x128xf32, #tpu.memory_space<vmem_shared>>)
        tpu.yield
      }) : () -> ()
    } else {
    }
    %barrier3A = arith.constant 0 : index
    tpu.barrier barrier_id(%barrier3A)
    %add3A_9 = arith.constant 0 : i32
    %add3A_10 = arith.addi %mul3A_2, %add3A_9 : i32
    %dma_start3A = tpu.memref_slice %arg3[%add3A_10] : memref<320000xi32, #tpu.memory_space<hbm>> -> memref<40xi32, #tpu.memory_space<hbm>>
    %dma_start3A_11 = tpu.memref_slice %arg3[%add3A_10] : memref<320000xi32, #tpu.memory_space<hbm>> -> memref<40xi32, #tpu.memory_space<hbm>>
    tpu.enqueue_dma source(%dma_start3A_11 : memref<40xi32, #tpu.memory_space<hbm>>) target(%arg8 : memref<40xi32, #tpu.memory_space<vmem>>) target_semaphore(%arg36 : memref<!tpu.dma_semaphore, #tpu.memory_space<semaphore_mem>>)
    %dma_start3A_12 = tpu.memref_slice %arg4[%add3A_10] : memref<320000xi32, #tpu.memory_space<hbm>> -> memref<40xi32, #tpu.memory_space<hbm>>
    %dma_start3A_13 = tpu.memref_slice %arg4[%add3A_10] : memref<320000xi32, #tpu.memory_space<hbm>> -> memref<40xi32, #tpu.memory_space<hbm>>
    tpu.enqueue_dma source(%dma_start3A_13 : memref<40xi32, #tpu.memory_space<hbm>>) target(%arg18 : memref<40xi32, #tpu.memory_space<vmem>>) target_semaphore(%arg36 : memref<!tpu.dma_semaphore, #tpu.memory_space<semaphore_mem>>)
    %add3A_14 = arith.constant 40 : i32
    %add3A_15 = arith.addi %mul3A_2, %add3A_14 : i32
    %dma_start3A_16 = tpu.memref_slice %arg3[%add3A_15] : memref<320000xi32, #tpu.memory_space<hbm>> -> memref<40xi32, #tpu.memory_space<hbm>>
    %dma_start3A_17 = tpu.memref_slice %arg3[%add3A_15] : memref<320000xi32, #tpu.memory_space<hbm>> -> memref<40xi32, #tpu.memory_space<hbm>>
    tpu.enqueue_dma source(%dma_start3A_17 : memref<40xi32, #tpu.memory_space<hbm>>) target(%arg9 : memref<40xi32, #tpu.memory_space<vmem>>) target_semaphore(%arg37 : memref<!tpu.dma_semaphore, #tpu.memory_space<semaphore_mem>>)
    %dma_start3A_18 = tpu.memref_slice %arg4[%add3A_15] : memref<320000xi32, #tpu.memory_space<hbm>> -> memref<40xi32, #tpu.memory_space<hbm>>
    %dma_start3A_19 = tpu.memref_slice %arg4[%add3A_15] : memref<320000xi32, #tpu.memory_space<hbm>> -> memref<40xi32, #tpu.memory_space<hbm>>
    tpu.enqueue_dma source(%dma_start3A_19 : memref<40xi32, #tpu.memory_space<hbm>>) target(%arg19 : memref<40xi32, #tpu.memory_space<vmem>>) target_semaphore(%arg37 : memref<!tpu.dma_semaphore, #tpu.memory_space<semaphore_mem>>)
    %add3A_20 = arith.constant 80 : i32
    %add3A_21 = arith.addi %mul3A_2, %add3A_20 : i32
    %dma_start3A_22 = tpu.memref_slice %arg3[%add3A_21] : memref<320000xi32, #tpu.memory_space<hbm>> -> memref<40xi32, #tpu.memory_space<hbm>>
    %dma_start3A_23 = tpu.memref_slice %arg3[%add3A_21] : memref<320000xi32, #tpu.memory_space<hbm>> -> memref<40xi32, #tpu.memory_space<hbm>>
    tpu.enqueue_dma source(%dma_start3A_23 : memref<40xi32, #tpu.memory_space<hbm>>) target(%arg10 : memref<40xi32, #tpu.memory_space<vmem>>) target_semaphore(%arg38 : memref<!tpu.dma_semaphore, #tpu.memory_space<semaphore_mem>>)
    %dma_start3A_24 = tpu.memref_slice %arg4[%add3A_21] : memref<320000xi32, #tpu.memory_space<hbm>> -> memref<40xi32, #tpu.memory_space<hbm>>
    %dma_start3A_25 = tpu.memref_slice %arg4[%add3A_21] : memref<320000xi32, #tpu.memory_space<hbm>> -> memref<40xi32, #tpu.memory_space<hbm>>
    tpu.enqueue_dma source(%dma_start3A_25 : memref<40xi32, #tpu.memory_space<hbm>>) target(%arg20 : memref<40xi32, #tpu.memory_space<vmem>>) target_semaphore(%arg38 : memref<!tpu.dma_semaphore, #tpu.memory_space<semaphore_mem>>)
    %add3A_26 = arith.constant 120 : i32
    %add3A_27 = arith.addi %mul3A_2, %add3A_26 : i32
    %dma_start3A_28 = tpu.memref_slice %arg3[%add3A_27] : memref<320000xi32, #tpu.memory_space<hbm>> -> memref<40xi32, #tpu.memory_space<hbm>>
    %dma_start3A_29 = tpu.memref_slice %arg3[%add3A_27] : memref<320000xi32, #tpu.memory_space<hbm>> -> memref<40xi32, #tpu.memory_space<hbm>>
    tpu.enqueue_dma source(%dma_start3A_29 : memref<40xi32, #tpu.memory_space<hbm>>) target(%arg11 : memref<40xi32, #tpu.memory_space<vmem>>) target_semaphore(%arg39 : memref<!tpu.dma_semaphore, #tpu.memory_space<semaphore_mem>>)
    %dma_start3A_30 = tpu.memref_slice %arg4[%add3A_27] : memref<320000xi32, #tpu.memory_space<hbm>> -> memref<40xi32, #tpu.memory_space<hbm>>
    %dma_start3A_31 = tpu.memref_slice %arg4[%add3A_27] : memref<320000xi32, #tpu.memory_space<hbm>> -> memref<40xi32, #tpu.memory_space<hbm>>
    tpu.enqueue_dma source(%dma_start3A_31 : memref<40xi32, #tpu.memory_space<hbm>>) target(%arg21 : memref<40xi32, #tpu.memory_space<vmem>>) target_semaphore(%arg39 : memref<!tpu.dma_semaphore, #tpu.memory_space<semaphore_mem>>)
    %add3A_32 = arith.constant 0 : i32
    %add3A_33 = arith.addi %mul3A_2, %add3A_32 : i32
    %dma_wait3A = tpu.memref_slice %arg3[%add3A_33] : memref<320000xi32, #tpu.memory_space<hbm>> -> memref<40xi32, #tpu.memory_space<hbm>>
    %dma_wait3A_34 = tpu.memref_slice %arg3[%add3A_33] : memref<320000xi32, #tpu.memory_space<hbm>> -> memref<40xi32, #tpu.memory_space<hbm>>
    tpu.wait_dma2 semaphore(%arg36 : memref<!tpu.dma_semaphore, #tpu.memory_space<semaphore_mem>>) src(%dma_wait3A_34 : memref<40xi32, #tpu.memory_space<hbm>>) dst(%arg8 : memref<40xi32, #tpu.memory_space<vmem>>)
    %dma_wait3A_35 = tpu.memref_slice %arg4[%add3A_33] : memref<320000xi32, #tpu.memory_space<hbm>> -> memref<40xi32, #tpu.memory_space<hbm>>
    %dma_wait3A_36 = tpu.memref_slice %arg4[%add3A_33] : memref<320000xi32, #tpu.memory_space<hbm>> -> memref<40xi32, #tpu.memory_space<hbm>>
    tpu.wait_dma2 semaphore(%arg36 : memref<!tpu.dma_semaphore, #tpu.memory_space<semaphore_mem>>) src(%dma_wait3A_36 : memref<40xi32, #tpu.memory_space<hbm>>) dst(%arg18 : memref<40xi32, #tpu.memory_space<vmem>>)
    %dma_start3A_37 = arith.constant 0 : i32
    %dma_start3A_38 = arith.constant 0 : i32
    %dma_start3A_39 = tpu.memref_slice %arg2[%dma_start3A_37, %dma_start3A_38] : memref<10000x128xf32, #tpu.memory_space<hbm>> -> memref<10000x128xf32, #tpu.memory_space<hbm>>
    tpu.enqueue_indirect_dma source(%dma_start3A_39 : memref<10000x128xf32, #tpu.memory_space<hbm>>) target(%arg28 : memref<40x128xf32, #tpu.memory_space<vmem>>) offsets(%arg8 : memref<40xi32, #tpu.memory_space<vmem>>) semaphore(%arg46 : memref<!tpu.dma_semaphore, #tpu.memory_space<semaphore_mem>>)
    %add3A_40 = arith.constant 40 : i32
    %add3A_41 = arith.addi %mul3A_2, %add3A_40 : i32
    %dma_wait3A_42 = tpu.memref_slice %arg3[%add3A_41] : memref<320000xi32, #tpu.memory_space<hbm>> -> memref<40xi32, #tpu.memory_space<hbm>>
    %dma_wait3A_43 = tpu.memref_slice %arg3[%add3A_41] : memref<320000xi32, #tpu.memory_space<hbm>> -> memref<40xi32, #tpu.memory_space<hbm>>
    tpu.wait_dma2 semaphore(%arg37 : memref<!tpu.dma_semaphore, #tpu.memory_space<semaphore_mem>>) src(%dma_wait3A_43 : memref<40xi32, #tpu.memory_space<hbm>>) dst(%arg9 : memref<40xi32, #tpu.memory_space<vmem>>)
    %dma_wait3A_44 = tpu.memref_slice %arg4[%add3A_41] : memref<320000xi32, #tpu.memory_space<hbm>> -> memref<40xi32, #tpu.memory_space<hbm>>
    %dma_wait3A_45 = tpu.memref_slice %arg4[%add3A_41] : memref<320000xi32, #tpu.memory_space<hbm>> -> memref<40xi32, #tpu.memory_space<hbm>>
    tpu.wait_dma2 semaphore(%arg37 : memref<!tpu.dma_semaphore, #tpu.memory_space<semaphore_mem>>) src(%dma_wait3A_45 : memref<40xi32, #tpu.memory_space<hbm>>) dst(%arg19 : memref<40xi32, #tpu.memory_space<vmem>>)
    %dma_start3A_46 = arith.constant 0 : i32
    %dma_start3A_47 = arith.constant 0 : i32
    %dma_start3A_48 = tpu.memref_slice %arg2[%dma_start3A_46, %dma_start3A_47] : memref<10000x128xf32, #tpu.memory_space<hbm>> -> memref<10000x128xf32, #tpu.memory_space<hbm>>
    tpu.enqueue_indirect_dma source(%dma_start3A_48 : memref<10000x128xf32, #tpu.memory_space<hbm>>) target(%arg29 : memref<40x128xf32, #tpu.memory_space<vmem>>) offsets(%arg9 : memref<40xi32, #tpu.memory_space<vmem>>) semaphore(%arg47 : memref<!tpu.dma_semaphore, #tpu.memory_space<semaphore_mem>>)
    %scan3A = arith.constant 0 : i32
    %scan3A_49 = arith.constant 25 : i32
    %scan3A_50 = arith.addi %scan3A, %scan3A_49 : i32
    %scan3A_51 = arith.constant 1 : i32
    scf.for %scan3A_77 = %scan3A to %scan3A_50 step %scan3A_51  : i32 {
      %mul3A_78 = arith.constant 10 : i32
      %mul3A_79 = arith.muli %mul3A_78, %scan3A_77 : i32
      %add3A_80 = arith.constant 0 : i32
      %add3A_81 = arith.addi %mul3A_79, %add3A_80 : i32
      %ge3A = arith.constant 3 : i32
      %ge3A_82 = arith.cmpi sge, %add3A_81, %ge3A : i32
      %convert_element_type3A_83 = arith.extui %ge3A_82 : i1 to i32
      %cond3A_84 = arith.constant 0 : i32
      %cond3A_85 = arith.cmpi ne, %convert_element_type3A_83, %cond3A_84 : i32
      scf.if %cond3A_85 {
        %dma_wait3A_366 = arith.constant 0 : i32
        %dma_wait3A_367 = arith.constant 0 : i32
        %dma_wait3A_368 = tpu.memref_slice %arg33[%dma_wait3A_366, %dma_wait3A_367] : memref<10000x128xf32, #tpu.memory_space<vmem_shared>> -> memref<10000x128xf32, #tpu.memory_space<vmem_shared>>
        tpu.wait_indirect_dma semaphore(%arg53 : memref<!tpu.dma_semaphore, #tpu.memory_space<semaphore_mem>>) src(%arg30 : memref<40x128xf32, #tpu.memory_space<vmem>>) dst(%dma_wait3A_368 : memref<10000x128xf32, #tpu.memory_space<vmem_shared>>)
      } else {
      }
      %add3A_86 = arith.constant 4 : i32
      %add3A_87 = arith.addi %add3A_81, %add3A_86 : i32
      %lt3A = arith.constant 250 : i32
      %lt3A_88 = arith.cmpi slt, %add3A_87, %lt3A : i32
      %convert_element_type3A_89 = arith.extui %lt3A_88 : i1 to i32
      %cond3A_90 = arith.constant 0 : i32
      %cond3A_91 = arith.cmpi ne, %convert_element_type3A_89, %cond3A_90 : i32
      scf.if %cond3A_91 {
        %add3A_366 = arith.constant 4 : i32
        %add3A_367 = arith.addi %add3A_81, %add3A_366 : i32
        %mul3A_368 = arith.constant 40 : i32
        %mul3A_369 = arith.muli %add3A_367, %mul3A_368 : i32
        %add3A_370 = arith.addi %mul3A_2, %mul3A_369 : i32
        %dma_start3A_371 = tpu.memref_slice %arg3[%add3A_370] : memref<320000xi32, #tpu.memory_space<hbm>> -> memref<40xi32, #tpu.memory_space<hbm>>
        %dma_start3A_372 = tpu.memref_slice %arg3[%add3A_370] : memref<320000xi32, #tpu.memory_space<hbm>> -> memref<40xi32, #tpu.memory_space<hbm>>
        tpu.enqueue_dma source(%dma_start3A_372 : memref<40xi32, #tpu.memory_space<hbm>>) target(%arg12 : memref<40xi32, #tpu.memory_space<vmem>>) target_semaphore(%arg40 : memref<!tpu.dma_semaphore, #tpu.memory_space<semaphore_mem>>)
        %dma_start3A_373 = tpu.memref_slice %arg4[%add3A_370] : memref<320000xi32, #tpu.memory_space<hbm>> -> memref<40xi32, #tpu.memory_space<hbm>>
        %dma_start3A_374 = tpu.memref_slice %arg4[%add3A_370] : memref<320000xi32, #tpu.memory_space<hbm>> -> memref<40xi32, #tpu.memory_space<hbm>>
        tpu.enqueue_dma source(%dma_start3A_374 : memref<40xi32, #tpu.memory_space<hbm>>) target(%arg22 : memref<40xi32, #tpu.memory_space<vmem>>) target_semaphore(%arg40 : memref<!tpu.dma_semaphore, #tpu.memory_space<semaphore_mem>>)
      } else {
      }
      %add3A_92 = arith.constant 2 : i32
      %add3A_93 = arith.addi %add3A_81, %add3A_92 : i32
      %lt3A_94 = arith.constant 250 : i32
      %lt3A_95 = arith.cmpi slt, %add3A_93, %lt3A_94 : i32
      %convert_element_type3A_96 = arith.extui %lt3A_95 : i1 to i32
      %cond3A_97 = arith.constant 0 : i32
      %cond3A_98 = arith.cmpi ne, %convert_element_type3A_96, %cond3A_97 : i32
      scf.if %cond3A_98 {
        %add3A_366 = arith.constant 2 : i32
        %add3A_367 = arith.addi %add3A_81, %add3A_366 : i32
        %mul3A_368 = arith.constant 40 : i32
        %mul3A_369 = arith.muli %add3A_367, %mul3A_368 : i32
        %add3A_370 = arith.addi %mul3A_2, %mul3A_369 : i32
        %dma_wait3A_371 = tpu.memref_slice %arg3[%add3A_370] : memref<320000xi32, #tpu.memory_space<hbm>> -> memref<40xi32, #tpu.memory_space<hbm>>
        %dma_wait3A_372 = tpu.memref_slice %arg3[%add3A_370] : memref<320000xi32, #tpu.memory_space<hbm>> -> memref<40xi32, #tpu.memory_space<hbm>>
        tpu.wait_dma2 semaphore(%arg38 : memref<!tpu.dma_semaphore, #tpu.memory_space<semaphore_mem>>) src(%dma_wait3A_372 : memref<40xi32, #tpu.memory_space<hbm>>) dst(%arg10 : memref<40xi32, #tpu.memory_space<vmem>>)
        %dma_wait3A_373 = tpu.memref_slice %arg4[%add3A_370] : memref<320000xi32, #tpu.memory_space<hbm>> -> memref<40xi32, #tpu.memory_space<hbm>>
        %dma_wait3A_374 = tpu.memref_slice %arg4[%add3A_370] : memref<320000xi32, #tpu.memory_space<hbm>> -> memref<40xi32, #tpu.memory_space<hbm>>
        tpu.wait_dma2 semaphore(%arg38 : memref<!tpu.dma_semaphore, #tpu.memory_space<semaphore_mem>>) src(%dma_wait3A_374 : memref<40xi32, #tpu.memory_space<hbm>>) dst(%arg20 : memref<40xi32, #tpu.memory_space<vmem>>)
        %dma_start3A_375 = arith.constant 0 : i32
        %dma_start3A_376 = arith.constant 0 : i32
        %dma_start3A_377 = tpu.memref_slice %arg2[%dma_start3A_375, %dma_start3A_376] : memref<10000x128xf32, #tpu.memory_space<hbm>> -> memref<10000x128xf32, #tpu.memory_space<hbm>>
        tpu.enqueue_indirect_dma source(%dma_start3A_377 : memref<10000x128xf32, #tpu.memory_space<hbm>>) target(%arg30 : memref<40x128xf32, #tpu.memory_space<vmem>>) offsets(%arg10 : memref<40xi32, #tpu.memory_space<vmem>>) semaphore(%arg48 : memref<!tpu.dma_semaphore, #tpu.memory_space<semaphore_mem>>)
      } else {
      }
      %dma_wait3A_99 = arith.constant 0 : i32
      %dma_wait3A_100 = arith.constant 0 : i32
      %dma_wait3A_101 = tpu.memref_slice %arg2[%dma_wait3A_99, %dma_wait3A_100] : memref<10000x128xf32, #tpu.memory_space<hbm>> -> memref<10000x128xf32, #tpu.memory_space<hbm>>
      tpu.wait_indirect_dma semaphore(%arg46 : memref<!tpu.dma_semaphore, #tpu.memory_space<semaphore_mem>>) src(%dma_wait3A_101 : memref<10000x128xf32, #tpu.memory_space<hbm>>) dst(%arg28 : memref<40x128xf32, #tpu.memory_space<vmem>>)
      %dma_start3A_102 = arith.constant 0 : i32
      %dma_start3A_103 = arith.constant 0 : i32
      %dma_start3A_104 = tpu.memref_slice %arg33[%dma_start3A_102, %dma_start3A_103] : memref<10000x128xf32, #tpu.memory_space<vmem_shared>> -> memref<10000x128xf32, #tpu.memory_space<vmem_shared>>
      tpu.enqueue_indirect_dma source(%arg28 : memref<40x128xf32, #tpu.memory_space<vmem>>) target(%dma_start3A_104 : memref<10000x128xf32, #tpu.memory_space<vmem_shared>>) offsets(%arg18 : memref<40xi32, #tpu.memory_space<vmem>>) semaphore(%arg51 : memref<!tpu.dma_semaphore, #tpu.memory_space<semaphore_mem>>) {add = true}
      %mul3A_105 = arith.constant 10 : i32
      %mul3A_106 = arith.muli %mul3A_105, %scan3A_77 : i32
      %add3A_107 = arith.constant 1 : i32
      %add3A_108 = arith.addi %mul3A_106, %add3A_107 : i32
      %ge3A_109 = arith.constant 3 : i32
      %ge3A_110 = arith.cmpi sge, %add3A_108, %ge3A_109 : i32
      %convert_element_type3A_111 = arith.extui %ge3A_110 : i1 to i32
      %cond3A_112 = arith.constant 0 : i32
      %cond3A_113 = arith.cmpi ne, %convert_element_type3A_111, %cond3A_112 : i32
      scf.if %cond3A_113 {
        %dma_wait3A_366 = arith.constant 0 : i32
        %dma_wait3A_367 = arith.constant 0 : i32
        %dma_wait3A_368 = tpu.memref_slice %arg33[%dma_wait3A_366, %dma_wait3A_367] : memref<10000x128xf32, #tpu.memory_space<vmem_shared>> -> memref<10000x128xf32, #tpu.memory_space<vmem_shared>>
        tpu.wait_indirect_dma semaphore(%arg54 : memref<!tpu.dma_semaphore, #tpu.memory_space<semaphore_mem>>) src(%arg31 : memref<40x128xf32, #tpu.memory_space<vmem>>) dst(%dma_wait3A_368 : memref<10000x128xf32, #tpu.memory_space<vmem_shared>>)
      } else {
      }
      %add3A_114 = arith.constant 4 : i32
      %add3A_115 = arith.addi %add3A_108, %add3A_114 : i32
      %lt3A_116 = arith.constant 250 : i32
      %lt3A_117 = arith.cmpi slt, %add3A_115, %lt3A_116 : i32
      %convert_element_type3A_118 = arith.extui %lt3A_117 : i1 to i32
      %cond3A_119 = arith.constant 0 : i32
      %cond3A_120 = arith.cmpi ne, %convert_element_type3A_118, %cond3A_119 : i32
      scf.if %cond3A_120 {
        %add3A_366 = arith.constant 4 : i32
        %add3A_367 = arith.addi %add3A_108, %add3A_366 : i32
        %mul3A_368 = arith.constant 40 : i32
        %mul3A_369 = arith.muli %add3A_367, %mul3A_368 : i32
        %add3A_370 = arith.addi %mul3A_2, %mul3A_369 : i32
        %dma_start3A_371 = tpu.memref_slice %arg3[%add3A_370] : memref<320000xi32, #tpu.memory_space<hbm>> -> memref<40xi32, #tpu.memory_space<hbm>>
        %dma_start3A_372 = tpu.memref_slice %arg3[%add3A_370] : memref<320000xi32, #tpu.memory_space<hbm>> -> memref<40xi32, #tpu.memory_space<hbm>>
        tpu.enqueue_dma source(%dma_start3A_372 : memref<40xi32, #tpu.memory_space<hbm>>) target(%arg13 : memref<40xi32, #tpu.memory_space<vmem>>) target_semaphore(%arg41 : memref<!tpu.dma_semaphore, #tpu.memory_space<semaphore_mem>>)
        %dma_start3A_373 = tpu.memref_slice %arg4[%add3A_370] : memref<320000xi32, #tpu.memory_space<hbm>> -> memref<40xi32, #tpu.memory_space<hbm>>
        %dma_start3A_374 = tpu.memref_slice %arg4[%add3A_370] : memref<320000xi32, #tpu.memory_space<hbm>> -> memref<40xi32, #tpu.memory_space<hbm>>
        tpu.enqueue_dma source(%dma_start3A_374 : memref<40xi32, #tpu.memory_space<hbm>>) target(%arg23 : memref<40xi32, #tpu.memory_space<vmem>>) target_semaphore(%arg41 : memref<!tpu.dma_semaphore, #tpu.memory_space<semaphore_mem>>)
      } else {
      }
      %add3A_121 = arith.constant 2 : i32
      %add3A_122 = arith.addi %add3A_108, %add3A_121 : i32
      %lt3A_123 = arith.constant 250 : i32
      %lt3A_124 = arith.cmpi slt, %add3A_122, %lt3A_123 : i32
      %convert_element_type3A_125 = arith.extui %lt3A_124 : i1 to i32
      %cond3A_126 = arith.constant 0 : i32
      %cond3A_127 = arith.cmpi ne, %convert_element_type3A_125, %cond3A_126 : i32
      scf.if %cond3A_127 {
        %add3A_366 = arith.constant 2 : i32
        %add3A_367 = arith.addi %add3A_108, %add3A_366 : i32
        %mul3A_368 = arith.constant 40 : i32
        %mul3A_369 = arith.muli %add3A_367, %mul3A_368 : i32
        %add3A_370 = arith.addi %mul3A_2, %mul3A_369 : i32
        %dma_wait3A_371 = tpu.memref_slice %arg3[%add3A_370] : memref<320000xi32, #tpu.memory_space<hbm>> -> memref<40xi32, #tpu.memory_space<hbm>>
        %dma_wait3A_372 = tpu.memref_slice %arg3[%add3A_370] : memref<320000xi32, #tpu.memory_space<hbm>> -> memref<40xi32, #tpu.memory_space<hbm>>
        tpu.wait_dma2 semaphore(%arg39 : memref<!tpu.dma_semaphore, #tpu.memory_space<semaphore_mem>>) src(%dma_wait3A_372 : memref<40xi32, #tpu.memory_space<hbm>>) dst(%arg11 : memref<40xi32, #tpu.memory_space<vmem>>)
        %dma_wait3A_373 = tpu.memref_slice %arg4[%add3A_370] : memref<320000xi32, #tpu.memory_space<hbm>> -> memref<40xi32, #tpu.memory_space<hbm>>
        %dma_wait3A_374 = tpu.memref_slice %arg4[%add3A_370] : memref<320000xi32, #tpu.memory_space<hbm>> -> memref<40xi32, #tpu.memory_space<hbm>>
        tpu.wait_dma2 semaphore(%arg39 : memref<!tpu.dma_semaphore, #tpu.memory_space<semaphore_mem>>) src(%dma_wait3A_374 : memref<40xi32, #tpu.memory_space<hbm>>) dst(%arg21 : memref<40xi32, #tpu.memory_space<vmem>>)
        %dma_start3A_375 = arith.constant 0 : i32
        %dma_start3A_376 = arith.constant 0 : i32
        %dma_start3A_377 = tpu.memref_slice %arg2[%dma_start3A_375, %dma_start3A_376] : memref<10000x128xf32, #tpu.memory_space<hbm>> -> memref<10000x128xf32, #tpu.memory_space<hbm>>
        tpu.enqueue_indirect_dma source(%dma_start3A_377 : memref<10000x128xf32, #tpu.memory_space<hbm>>) target(%arg31 : memref<40x128xf32, #tpu.memory_space<vmem>>) offsets(%arg11 : memref<40xi32, #tpu.memory_space<vmem>>) semaphore(%arg49 : memref<!tpu.dma_semaphore, #tpu.memory_space<semaphore_mem>>)
      } else {
      }
      %dma_wait3A_128 = arith.constant 0 : i32
      %dma_wait3A_129 = arith.constant 0 : i32
      %dma_wait3A_130 = tpu.memref_slice %arg2[%dma_wait3A_128, %dma_wait3A_129] : memref<10000x128xf32, #tpu.memory_space<hbm>> -> memref<10000x128xf32, #tpu.memory_space<hbm>>
      tpu.wait_indirect_dma semaphore(%arg47 : memref<!tpu.dma_semaphore, #tpu.memory_space<semaphore_mem>>) src(%dma_wait3A_130 : memref<10000x128xf32, #tpu.memory_space<hbm>>) dst(%arg29 : memref<40x128xf32, #tpu.memory_space<vmem>>)
      %dma_start3A_131 = arith.constant 0 : i32
      %dma_start3A_132 = arith.constant 0 : i32
      %dma_start3A_133 = tpu.memref_slice %arg33[%dma_start3A_131, %dma_start3A_132] : memref<10000x128xf32, #tpu.memory_space<vmem_shared>> -> memref<10000x128xf32, #tpu.memory_space<vmem_shared>>
      tpu.enqueue_indirect_dma source(%arg29 : memref<40x128xf32, #tpu.memory_space<vmem>>) target(%dma_start3A_133 : memref<10000x128xf32, #tpu.memory_space<vmem_shared>>) offsets(%arg19 : memref<40xi32, #tpu.memory_space<vmem>>) semaphore(%arg52 : memref<!tpu.dma_semaphore, #tpu.memory_space<semaphore_mem>>) {add = true}
      %mul3A_134 = arith.constant 10 : i32
      %mul3A_135 = arith.muli %mul3A_134, %scan3A_77 : i32
      %add3A_136 = arith.constant 2 : i32
      %add3A_137 = arith.addi %mul3A_135, %add3A_136 : i32
      %ge3A_138 = arith.constant 3 : i32
      %ge3A_139 = arith.cmpi sge, %add3A_137, %ge3A_138 : i32
      %convert_element_type3A_140 = arith.extui %ge3A_139 : i1 to i32
      %cond3A_141 = arith.constant 0 : i32
      %cond3A_142 = arith.cmpi ne, %convert_element_type3A_140, %cond3A_141 : i32
      scf.if %cond3A_142 {
        %dma_wait3A_366 = arith.constant 0 : i32
        %dma_wait3A_367 = arith.constant 0 : i32
        %dma_wait3A_368 = tpu.memref_slice %arg33[%dma_wait3A_366, %dma_wait3A_367] : memref<10000x128xf32, #tpu.memory_space<vmem_shared>> -> memref<10000x128xf32, #tpu.memory_space<vmem_shared>>
        tpu.wait_indirect_dma semaphore(%arg55 : memref<!tpu.dma_semaphore, #tpu.memory_space<semaphore_mem>>) src(%arg32 : memref<40x128xf32, #tpu.memory_space<vmem>>) dst(%dma_wait3A_368 : memref<10000x128xf32, #tpu.memory_space<vmem_shared>>)
      } else {
      }
      %add3A_143 = arith.constant 4 : i32
      %add3A_144 = arith.addi %add3A_137, %add3A_143 : i32
      %lt3A_145 = arith.constant 250 : i32
      %lt3A_146 = arith.cmpi slt, %add3A_144, %lt3A_145 : i32
      %convert_element_type3A_147 = arith.extui %lt3A_146 : i1 to i32
      %cond3A_148 = arith.constant 0 : i32
      %cond3A_149 = arith.cmpi ne, %convert_element_type3A_147, %cond3A_148 : i32
      scf.if %cond3A_149 {
        %add3A_366 = arith.constant 4 : i32
        %add3A_367 = arith.addi %add3A_137, %add3A_366 : i32
        %mul3A_368 = arith.constant 40 : i32
        %mul3A_369 = arith.muli %add3A_367, %mul3A_368 : i32
        %add3A_370 = arith.addi %mul3A_2, %mul3A_369 : i32
        %dma_start3A_371 = tpu.memref_slice %arg3[%add3A_370] : memref<320000xi32, #tpu.memory_space<hbm>> -> memref<40xi32, #tpu.memory_space<hbm>>
        %dma_start3A_372 = tpu.memref_slice %arg3[%add3A_370] : memref<320000xi32, #tpu.memory_space<hbm>> -> memref<40xi32, #tpu.memory_space<hbm>>
        tpu.enqueue_dma source(%dma_start3A_372 : memref<40xi32, #tpu.memory_space<hbm>>) target(%arg14 : memref<40xi32, #tpu.memory_space<vmem>>) target_semaphore(%arg42 : memref<!tpu.dma_semaphore, #tpu.memory_space<semaphore_mem>>)
        %dma_start3A_373 = tpu.memref_slice %arg4[%add3A_370] : memref<320000xi32, #tpu.memory_space<hbm>> -> memref<40xi32, #tpu.memory_space<hbm>>
        %dma_start3A_374 = tpu.memref_slice %arg4[%add3A_370] : memref<320000xi32, #tpu.memory_space<hbm>> -> memref<40xi32, #tpu.memory_space<hbm>>
        tpu.enqueue_dma source(%dma_start3A_374 : memref<40xi32, #tpu.memory_space<hbm>>) target(%arg24 : memref<40xi32, #tpu.memory_space<vmem>>) target_semaphore(%arg42 : memref<!tpu.dma_semaphore, #tpu.memory_space<semaphore_mem>>)
      } else {
      }
      %add3A_150 = arith.constant 2 : i32
      %add3A_151 = arith.addi %add3A_137, %add3A_150 : i32
      %lt3A_152 = arith.constant 250 : i32
      %lt3A_153 = arith.cmpi slt, %add3A_151, %lt3A_152 : i32
      %convert_element_type3A_154 = arith.extui %lt3A_153 : i1 to i32
      %cond3A_155 = arith.constant 0 : i32
      %cond3A_156 = arith.cmpi ne, %convert_element_type3A_154, %cond3A_155 : i32
      scf.if %cond3A_156 {
        %add3A_366 = arith.constant 2 : i32
        %add3A_367 = arith.addi %add3A_137, %add3A_366 : i32
        %mul3A_368 = arith.constant 40 : i32
        %mul3A_369 = arith.muli %add3A_367, %mul3A_368 : i32
        %add3A_370 = arith.addi %mul3A_2, %mul3A_369 : i32
        %dma_wait3A_371 = tpu.memref_slice %arg3[%add3A_370] : memref<320000xi32, #tpu.memory_space<hbm>> -> memref<40xi32, #tpu.memory_space<hbm>>
        %dma_wait3A_372 = tpu.memref_slice %arg3[%add3A_370] : memref<320000xi32, #tpu.memory_space<hbm>> -> memref<40xi32, #tpu.memory_space<hbm>>
        tpu.wait_dma2 semaphore(%arg40 : memref<!tpu.dma_semaphore, #tpu.memory_space<semaphore_mem>>) src(%dma_wait3A_372 : memref<40xi32, #tpu.memory_space<hbm>>) dst(%arg12 : memref<40xi32, #tpu.memory_space<vmem>>)
        %dma_wait3A_373 = tpu.memref_slice %arg4[%add3A_370] : memref<320000xi32, #tpu.memory_space<hbm>> -> memref<40xi32, #tpu.memory_space<hbm>>
        %dma_wait3A_374 = tpu.memref_slice %arg4[%add3A_370] : memref<320000xi32, #tpu.memory_space<hbm>> -> memref<40xi32, #tpu.memory_space<hbm>>
        tpu.wait_dma2 semaphore(%arg40 : memref<!tpu.dma_semaphore, #tpu.memory_space<semaphore_mem>>) src(%dma_wait3A_374 : memref<40xi32, #tpu.memory_space<hbm>>) dst(%arg22 : memref<40xi32, #tpu.memory_space<vmem>>)
        %dma_start3A_375 = arith.constant 0 : i32
        %dma_start3A_376 = arith.constant 0 : i32
        %dma_start3A_377 = tpu.memref_slice %arg2[%dma_start3A_375, %dma_start3A_376] : memref<10000x128xf32, #tpu.memory_space<hbm>> -> memref<10000x128xf32, #tpu.memory_space<hbm>>
        tpu.enqueue_indirect_dma source(%dma_start3A_377 : memref<10000x128xf32, #tpu.memory_space<hbm>>) target(%arg32 : memref<40x128xf32, #tpu.memory_space<vmem>>) offsets(%arg12 : memref<40xi32, #tpu.memory_space<vmem>>) semaphore(%arg50 : memref<!tpu.dma_semaphore, #tpu.memory_space<semaphore_mem>>)
      } else {
      }
      %dma_wait3A_157 = arith.constant 0 : i32
      %dma_wait3A_158 = arith.constant 0 : i32
      %dma_wait3A_159 = tpu.memref_slice %arg2[%dma_wait3A_157, %dma_wait3A_158] : memref<10000x128xf32, #tpu.memory_space<hbm>> -> memref<10000x128xf32, #tpu.memory_space<hbm>>
      tpu.wait_indirect_dma semaphore(%arg48 : memref<!tpu.dma_semaphore, #tpu.memory_space<semaphore_mem>>) src(%dma_wait3A_159 : memref<10000x128xf32, #tpu.memory_space<hbm>>) dst(%arg30 : memref<40x128xf32, #tpu.memory_space<vmem>>)
      %dma_start3A_160 = arith.constant 0 : i32
      %dma_start3A_161 = arith.constant 0 : i32
      %dma_start3A_162 = tpu.memref_slice %arg33[%dma_start3A_160, %dma_start3A_161] : memref<10000x128xf32, #tpu.memory_space<vmem_shared>> -> memref<10000x128xf32, #tpu.memory_space<vmem_shared>>
      tpu.enqueue_indirect_dma source(%arg30 : memref<40x128xf32, #tpu.memory_space<vmem>>) target(%dma_start3A_162 : memref<10000x128xf32, #tpu.memory_space<vmem_shared>>) offsets(%arg20 : memref<40xi32, #tpu.memory_space<vmem>>) semaphore(%arg53 : memref<!tpu.dma_semaphore, #tpu.memory_space<semaphore_mem>>) {add = true}
      %mul3A_163 = arith.constant 10 : i32
      %mul3A_164 = arith.muli %mul3A_163, %scan3A_77 : i32
      %add3A_165 = arith.constant 3 : i32
      %add3A_166 = arith.addi %mul3A_164, %add3A_165 : i32
      %ge3A_167 = arith.constant 3 : i32
      %ge3A_168 = arith.cmpi sge, %add3A_166, %ge3A_167 : i32
      %convert_element_type3A_169 = arith.extui %ge3A_168 : i1 to i32
      %cond3A_170 = arith.constant 0 : i32
      %cond3A_171 = arith.cmpi ne, %convert_element_type3A_169, %cond3A_170 : i32
      scf.if %cond3A_171 {
        %dma_wait3A_366 = arith.constant 0 : i32
        %dma_wait3A_367 = arith.constant 0 : i32
        %dma_wait3A_368 = tpu.memref_slice %arg33[%dma_wait3A_366, %dma_wait3A_367] : memref<10000x128xf32, #tpu.memory_space<vmem_shared>> -> memref<10000x128xf32, #tpu.memory_space<vmem_shared>>
        tpu.wait_indirect_dma semaphore(%arg51 : memref<!tpu.dma_semaphore, #tpu.memory_space<semaphore_mem>>) src(%arg28 : memref<40x128xf32, #tpu.memory_space<vmem>>) dst(%dma_wait3A_368 : memref<10000x128xf32, #tpu.memory_space<vmem_shared>>)
      } else {
      }
      %add3A_172 = arith.constant 4 : i32
      %add3A_173 = arith.addi %add3A_166, %add3A_172 : i32
      %lt3A_174 = arith.constant 250 : i32
      %lt3A_175 = arith.cmpi slt, %add3A_173, %lt3A_174 : i32
      %convert_element_type3A_176 = arith.extui %lt3A_175 : i1 to i32
      %cond3A_177 = arith.constant 0 : i32
      %cond3A_178 = arith.cmpi ne, %convert_element_type3A_176, %cond3A_177 : i32
      scf.if %cond3A_178 {
        %add3A_366 = arith.constant 4 : i32
        %add3A_367 = arith.addi %add3A_166, %add3A_366 : i32
        %mul3A_368 = arith.constant 40 : i32
        %mul3A_369 = arith.muli %add3A_367, %mul3A_368 : i32
        %add3A_370 = arith.addi %mul3A_2, %mul3A_369 : i32
        %dma_start3A_371 = tpu.memref_slice %arg3[%add3A_370] : memref<320000xi32, #tpu.memory_space<hbm>> -> memref<40xi32, #tpu.memory_space<hbm>>
        %dma_start3A_372 = tpu.memref_slice %arg3[%add3A_370] : memref<320000xi32, #tpu.memory_space<hbm>> -> memref<40xi32, #tpu.memory_space<hbm>>
        tpu.enqueue_dma source(%dma_start3A_372 : memref<40xi32, #tpu.memory_space<hbm>>) target(%arg15 : memref<40xi32, #tpu.memory_space<vmem>>) target_semaphore(%arg43 : memref<!tpu.dma_semaphore, #tpu.memory_space<semaphore_mem>>)
        %dma_start3A_373 = tpu.memref_slice %arg4[%add3A_370] : memref<320000xi32, #tpu.memory_space<hbm>> -> memref<40xi32, #tpu.memory_space<hbm>>
        %dma_start3A_374 = tpu.memref_slice %arg4[%add3A_370] : memref<320000xi32, #tpu.memory_space<hbm>> -> memref<40xi32, #tpu.memory_space<hbm>>
        tpu.enqueue_dma source(%dma_start3A_374 : memref<40xi32, #tpu.memory_space<hbm>>) target(%arg25 : memref<40xi32, #tpu.memory_space<vmem>>) target_semaphore(%arg43 : memref<!tpu.dma_semaphore, #tpu.memory_space<semaphore_mem>>)
      } else {
      }
      %add3A_179 = arith.constant 2 : i32
      %add3A_180 = arith.addi %add3A_166, %add3A_179 : i32
      %lt3A_181 = arith.constant 250 : i32
      %lt3A_182 = arith.cmpi slt, %add3A_180, %lt3A_181 : i32
      %convert_element_type3A_183 = arith.extui %lt3A_182 : i1 to i32
      %cond3A_184 = arith.constant 0 : i32
      %cond3A_185 = arith.cmpi ne, %convert_element_type3A_183, %cond3A_184 : i32
      scf.if %cond3A_185 {
        %add3A_366 = arith.constant 2 : i32
        %add3A_367 = arith.addi %add3A_166, %add3A_366 : i32
        %mul3A_368 = arith.constant 40 : i32
        %mul3A_369 = arith.muli %add3A_367, %mul3A_368 : i32
        %add3A_370 = arith.addi %mul3A_2, %mul3A_369 : i32
        %dma_wait3A_371 = tpu.memref_slice %arg3[%add3A_370] : memref<320000xi32, #tpu.memory_space<hbm>> -> memref<40xi32, #tpu.memory_space<hbm>>
        %dma_wait3A_372 = tpu.memref_slice %arg3[%add3A_370] : memref<320000xi32, #tpu.memory_space<hbm>> -> memref<40xi32, #tpu.memory_space<hbm>>
        tpu.wait_dma2 semaphore(%arg41 : memref<!tpu.dma_semaphore, #tpu.memory_space<semaphore_mem>>) src(%dma_wait3A_372 : memref<40xi32, #tpu.memory_space<hbm>>) dst(%arg13 : memref<40xi32, #tpu.memory_space<vmem>>)
        %dma_wait3A_373 = tpu.memref_slice %arg4[%add3A_370] : memref<320000xi32, #tpu.memory_space<hbm>> -> memref<40xi32, #tpu.memory_space<hbm>>
        %dma_wait3A_374 = tpu.memref_slice %arg4[%add3A_370] : memref<320000xi32, #tpu.memory_space<hbm>> -> memref<40xi32, #tpu.memory_space<hbm>>
        tpu.wait_dma2 semaphore(%arg41 : memref<!tpu.dma_semaphore, #tpu.memory_space<semaphore_mem>>) src(%dma_wait3A_374 : memref<40xi32, #tpu.memory_space<hbm>>) dst(%arg23 : memref<40xi32, #tpu.memory_space<vmem>>)
        %dma_start3A_375 = arith.constant 0 : i32
        %dma_start3A_376 = arith.constant 0 : i32
        %dma_start3A_377 = tpu.memref_slice %arg2[%dma_start3A_375, %dma_start3A_376] : memref<10000x128xf32, #tpu.memory_space<hbm>> -> memref<10000x128xf32, #tpu.memory_space<hbm>>
        tpu.enqueue_indirect_dma source(%dma_start3A_377 : memref<10000x128xf32, #tpu.memory_space<hbm>>) target(%arg28 : memref<40x128xf32, #tpu.memory_space<vmem>>) offsets(%arg13 : memref<40xi32, #tpu.memory_space<vmem>>) semaphore(%arg46 : memref<!tpu.dma_semaphore, #tpu.memory_space<semaphore_mem>>)
      } else {
      }
      %dma_wait3A_186 = arith.constant 0 : i32
      %dma_wait3A_187 = arith.constant 0 : i32
      %dma_wait3A_188 = tpu.memref_slice %arg2[%dma_wait3A_186, %dma_wait3A_187] : memref<10000x128xf32, #tpu.memory_space<hbm>> -> memref<10000x128xf32, #tpu.memory_space<hbm>>
      tpu.wait_indirect_dma semaphore(%arg49 : memref<!tpu.dma_semaphore, #tpu.memory_space<semaphore_mem>>) src(%dma_wait3A_188 : memref<10000x128xf32, #tpu.memory_space<hbm>>) dst(%arg31 : memref<40x128xf32, #tpu.memory_space<vmem>>)
      %dma_start3A_189 = arith.constant 0 : i32
      %dma_start3A_190 = arith.constant 0 : i32
      %dma_start3A_191 = tpu.memref_slice %arg33[%dma_start3A_189, %dma_start3A_190] : memref<10000x128xf32, #tpu.memory_space<vmem_shared>> -> memref<10000x128xf32, #tpu.memory_space<vmem_shared>>
      tpu.enqueue_indirect_dma source(%arg31 : memref<40x128xf32, #tpu.memory_space<vmem>>) target(%dma_start3A_191 : memref<10000x128xf32, #tpu.memory_space<vmem_shared>>) offsets(%arg21 : memref<40xi32, #tpu.memory_space<vmem>>) semaphore(%arg54 : memref<!tpu.dma_semaphore, #tpu.memory_space<semaphore_mem>>) {add = true}
      %mul3A_192 = arith.constant 10 : i32
      %mul3A_193 = arith.muli %mul3A_192, %scan3A_77 : i32
      %add3A_194 = arith.constant 4 : i32
      %add3A_195 = arith.addi %mul3A_193, %add3A_194 : i32
      %ge3A_196 = arith.constant 3 : i32
      %ge3A_197 = arith.cmpi sge, %add3A_195, %ge3A_196 : i32
      %convert_element_type3A_198 = arith.extui %ge3A_197 : i1 to i32
      %cond3A_199 = arith.constant 0 : i32
      %cond3A_200 = arith.cmpi ne, %convert_element_type3A_198, %cond3A_199 : i32
      scf.if %cond3A_200 {
        %dma_wait3A_366 = arith.constant 0 : i32
        %dma_wait3A_367 = arith.constant 0 : i32
        %dma_wait3A_368 = tpu.memref_slice %arg33[%dma_wait3A_366, %dma_wait3A_367] : memref<10000x128xf32, #tpu.memory_space<vmem_shared>> -> memref<10000x128xf32, #tpu.memory_space<vmem_shared>>
        tpu.wait_indirect_dma semaphore(%arg52 : memref<!tpu.dma_semaphore, #tpu.memory_space<semaphore_mem>>) src(%arg29 : memref<40x128xf32, #tpu.memory_space<vmem>>) dst(%dma_wait3A_368 : memref<10000x128xf32, #tpu.memory_space<vmem_shared>>)
      } else {
      }
      %add3A_201 = arith.constant 4 : i32
      %add3A_202 = arith.addi %add3A_195, %add3A_201 : i32
      %lt3A_203 = arith.constant 250 : i32
      %lt3A_204 = arith.cmpi slt, %add3A_202, %lt3A_203 : i32
      %convert_element_type3A_205 = arith.extui %lt3A_204 : i1 to i32
      %cond3A_206 = arith.constant 0 : i32
      %cond3A_207 = arith.cmpi ne, %convert_element_type3A_205, %cond3A_206 : i32
      scf.if %cond3A_207 {
        %add3A_366 = arith.constant 4 : i32
        %add3A_367 = arith.addi %add3A_195, %add3A_366 : i32
        %mul3A_368 = arith.constant 40 : i32
        %mul3A_369 = arith.muli %add3A_367, %mul3A_368 : i32
        %add3A_370 = arith.addi %mul3A_2, %mul3A_369 : i32
        %dma_start3A_371 = tpu.memref_slice %arg3[%add3A_370] : memref<320000xi32, #tpu.memory_space<hbm>> -> memref<40xi32, #tpu.memory_space<hbm>>
        %dma_start3A_372 = tpu.memref_slice %arg3[%add3A_370] : memref<320000xi32, #tpu.memory_space<hbm>> -> memref<40xi32, #tpu.memory_space<hbm>>
        tpu.enqueue_dma source(%dma_start3A_372 : memref<40xi32, #tpu.memory_space<hbm>>) target(%arg16 : memref<40xi32, #tpu.memory_space<vmem>>) target_semaphore(%arg44 : memref<!tpu.dma_semaphore, #tpu.memory_space<semaphore_mem>>)
        %dma_start3A_373 = tpu.memref_slice %arg4[%add3A_370] : memref<320000xi32, #tpu.memory_space<hbm>> -> memref<40xi32, #tpu.memory_space<hbm>>
        %dma_start3A_374 = tpu.memref_slice %arg4[%add3A_370] : memref<320000xi32, #tpu.memory_space<hbm>> -> memref<40xi32, #tpu.memory_space<hbm>>
        tpu.enqueue_dma source(%dma_start3A_374 : memref<40xi32, #tpu.memory_space<hbm>>) target(%arg26 : memref<40xi32, #tpu.memory_space<vmem>>) target_semaphore(%arg44 : memref<!tpu.dma_semaphore, #tpu.memory_space<semaphore_mem>>)
      } else {
      }
      %add3A_208 = arith.constant 2 : i32
      %add3A_209 = arith.addi %add3A_195, %add3A_208 : i32
      %lt3A_210 = arith.constant 250 : i32
      %lt3A_211 = arith.cmpi slt, %add3A_209, %lt3A_210 : i32
      %convert_element_type3A_212 = arith.extui %lt3A_211 : i1 to i32
      %cond3A_213 = arith.constant 0 : i32
      %cond3A_214 = arith.cmpi ne, %convert_element_type3A_212, %cond3A_213 : i32
      scf.if %cond3A_214 {
        %add3A_366 = arith.constant 2 : i32
        %add3A_367 = arith.addi %add3A_195, %add3A_366 : i32
        %mul3A_368 = arith.constant 40 : i32
        %mul3A_369 = arith.muli %add3A_367, %mul3A_368 : i32
        %add3A_370 = arith.addi %mul3A_2, %mul3A_369 : i32
        %dma_wait3A_371 = tpu.memref_slice %arg3[%add3A_370] : memref<320000xi32, #tpu.memory_space<hbm>> -> memref<40xi32, #tpu.memory_space<hbm>>
        %dma_wait3A_372 = tpu.memref_slice %arg3[%add3A_370] : memref<320000xi32, #tpu.memory_space<hbm>> -> memref<40xi32, #tpu.memory_space<hbm>>
        tpu.wait_dma2 semaphore(%arg42 : memref<!tpu.dma_semaphore, #tpu.memory_space<semaphore_mem>>) src(%dma_wait3A_372 : memref<40xi32, #tpu.memory_space<hbm>>) dst(%arg14 : memref<40xi32, #tpu.memory_space<vmem>>)
        %dma_wait3A_373 = tpu.memref_slice %arg4[%add3A_370] : memref<320000xi32, #tpu.memory_space<hbm>> -> memref<40xi32, #tpu.memory_space<hbm>>
        %dma_wait3A_374 = tpu.memref_slice %arg4[%add3A_370] : memref<320000xi32, #tpu.memory_space<hbm>> -> memref<40xi32, #tpu.memory_space<hbm>>
        tpu.wait_dma2 semaphore(%arg42 : memref<!tpu.dma_semaphore, #tpu.memory_space<semaphore_mem>>) src(%dma_wait3A_374 : memref<40xi32, #tpu.memory_space<hbm>>) dst(%arg24 : memref<40xi32, #tpu.memory_space<vmem>>)
        %dma_start3A_375 = arith.constant 0 : i32
        %dma_start3A_376 = arith.constant 0 : i32
        %dma_start3A_377 = tpu.memref_slice %arg2[%dma_start3A_375, %dma_start3A_376] : memref<10000x128xf32, #tpu.memory_space<hbm>> -> memref<10000x128xf32, #tpu.memory_space<hbm>>
        tpu.enqueue_indirect_dma source(%dma_start3A_377 : memref<10000x128xf32, #tpu.memory_space<hbm>>) target(%arg29 : memref<40x128xf32, #tpu.memory_space<vmem>>) offsets(%arg14 : memref<40xi32, #tpu.memory_space<vmem>>) semaphore(%arg47 : memref<!tpu.dma_semaphore, #tpu.memory_space<semaphore_mem>>)
      } else {
      }
      %dma_wait3A_215 = arith.constant 0 : i32
      %dma_wait3A_216 = arith.constant 0 : i32
      %dma_wait3A_217 = tpu.memref_slice %arg2[%dma_wait3A_215, %dma_wait3A_216] : memref<10000x128xf32, #tpu.memory_space<hbm>> -> memref<10000x128xf32, #tpu.memory_space<hbm>>
      tpu.wait_indirect_dma semaphore(%arg50 : memref<!tpu.dma_semaphore, #tpu.memory_space<semaphore_mem>>) src(%dma_wait3A_217 : memref<10000x128xf32, #tpu.memory_space<hbm>>) dst(%arg32 : memref<40x128xf32, #tpu.memory_space<vmem>>)
      %dma_start3A_218 = arith.constant 0 : i32
      %dma_start3A_219 = arith.constant 0 : i32
      %dma_start3A_220 = tpu.memref_slice %arg33[%dma_start3A_218, %dma_start3A_219] : memref<10000x128xf32, #tpu.memory_space<vmem_shared>> -> memref<10000x128xf32, #tpu.memory_space<vmem_shared>>
      tpu.enqueue_indirect_dma source(%arg32 : memref<40x128xf32, #tpu.memory_space<vmem>>) target(%dma_start3A_220 : memref<10000x128xf32, #tpu.memory_space<vmem_shared>>) offsets(%arg22 : memref<40xi32, #tpu.memory_space<vmem>>) semaphore(%arg55 : memref<!tpu.dma_semaphore, #tpu.memory_space<semaphore_mem>>) {add = true}
      %mul3A_221 = arith.constant 10 : i32
      %mul3A_222 = arith.muli %mul3A_221, %scan3A_77 : i32
      %add3A_223 = arith.constant 5 : i32
      %add3A_224 = arith.addi %mul3A_222, %add3A_223 : i32
      %ge3A_225 = arith.constant 3 : i32
      %ge3A_226 = arith.cmpi sge, %add3A_224, %ge3A_225 : i32
      %convert_element_type3A_227 = arith.extui %ge3A_226 : i1 to i32
      %cond3A_228 = arith.constant 0 : i32
      %cond3A_229 = arith.cmpi ne, %convert_element_type3A_227, %cond3A_228 : i32
      scf.if %cond3A_229 {
        %dma_wait3A_366 = arith.constant 0 : i32
        %dma_wait3A_367 = arith.constant 0 : i32
        %dma_wait3A_368 = tpu.memref_slice %arg33[%dma_wait3A_366, %dma_wait3A_367] : memref<10000x128xf32, #tpu.memory_space<vmem_shared>> -> memref<10000x128xf32, #tpu.memory_space<vmem_shared>>
        tpu.wait_indirect_dma semaphore(%arg53 : memref<!tpu.dma_semaphore, #tpu.memory_space<semaphore_mem>>) src(%arg30 : memref<40x128xf32, #tpu.memory_space<vmem>>) dst(%dma_wait3A_368 : memref<10000x128xf32, #tpu.memory_space<vmem_shared>>)
      } else {
      }
      %add3A_230 = arith.constant 4 : i32
      %add3A_231 = arith.addi %add3A_224, %add3A_230 : i32
      %lt3A_232 = arith.constant 250 : i32
      %lt3A_233 = arith.cmpi slt, %add3A_231, %lt3A_232 : i32
      %convert_element_type3A_234 = arith.extui %lt3A_233 : i1 to i32
      %cond3A_235 = arith.constant 0 : i32
      %cond3A_236 = arith.cmpi ne, %convert_element_type3A_234, %cond3A_235 : i32
      scf.if %cond3A_236 {
        %add3A_366 = arith.constant 4 : i32
        %add3A_367 = arith.addi %add3A_224, %add3A_366 : i32
        %mul3A_368 = arith.constant 40 : i32
        %mul3A_369 = arith.muli %add3A_367, %mul3A_368 : i32
        %add3A_370 = arith.addi %mul3A_2, %mul3A_369 : i32
        %dma_start3A_371 = tpu.memref_slice %arg3[%add3A_370] : memref<320000xi32, #tpu.memory_space<hbm>> -> memref<40xi32, #tpu.memory_space<hbm>>
        %dma_start3A_372 = tpu.memref_slice %arg3[%add3A_370] : memref<320000xi32, #tpu.memory_space<hbm>> -> memref<40xi32, #tpu.memory_space<hbm>>
        tpu.enqueue_dma source(%dma_start3A_372 : memref<40xi32, #tpu.memory_space<hbm>>) target(%arg17 : memref<40xi32, #tpu.memory_space<vmem>>) target_semaphore(%arg45 : memref<!tpu.dma_semaphore, #tpu.memory_space<semaphore_mem>>)
        %dma_start3A_373 = tpu.memref_slice %arg4[%add3A_370] : memref<320000xi32, #tpu.memory_space<hbm>> -> memref<40xi32, #tpu.memory_space<hbm>>
        %dma_start3A_374 = tpu.memref_slice %arg4[%add3A_370] : memref<320000xi32, #tpu.memory_space<hbm>> -> memref<40xi32, #tpu.memory_space<hbm>>
        tpu.enqueue_dma source(%dma_start3A_374 : memref<40xi32, #tpu.memory_space<hbm>>) target(%arg27 : memref<40xi32, #tpu.memory_space<vmem>>) target_semaphore(%arg45 : memref<!tpu.dma_semaphore, #tpu.memory_space<semaphore_mem>>)
      } else {
      }
      %add3A_237 = arith.constant 2 : i32
      %add3A_238 = arith.addi %add3A_224, %add3A_237 : i32
      %lt3A_239 = arith.constant 250 : i32
      %lt3A_240 = arith.cmpi slt, %add3A_238, %lt3A_239 : i32
      %convert_element_type3A_241 = arith.extui %lt3A_240 : i1 to i32
      %cond3A_242 = arith.constant 0 : i32
      %cond3A_243 = arith.cmpi ne, %convert_element_type3A_241, %cond3A_242 : i32
      scf.if %cond3A_243 {
        %add3A_366 = arith.constant 2 : i32
        %add3A_367 = arith.addi %add3A_224, %add3A_366 : i32
        %mul3A_368 = arith.constant 40 : i32
        %mul3A_369 = arith.muli %add3A_367, %mul3A_368 : i32
        %add3A_370 = arith.addi %mul3A_2, %mul3A_369 : i32
        %dma_wait3A_371 = tpu.memref_slice %arg3[%add3A_370] : memref<320000xi32, #tpu.memory_space<hbm>> -> memref<40xi32, #tpu.memory_space<hbm>>
        %dma_wait3A_372 = tpu.memref_slice %arg3[%add3A_370] : memref<320000xi32, #tpu.memory_space<hbm>> -> memref<40xi32, #tpu.memory_space<hbm>>
        tpu.wait_dma2 semaphore(%arg43 : memref<!tpu.dma_semaphore, #tpu.memory_space<semaphore_mem>>) src(%dma_wait3A_372 : memref<40xi32, #tpu.memory_space<hbm>>) dst(%arg15 : memref<40xi32, #tpu.memory_space<vmem>>)
        %dma_wait3A_373 = tpu.memref_slice %arg4[%add3A_370] : memref<320000xi32, #tpu.memory_space<hbm>> -> memref<40xi32, #tpu.memory_space<hbm>>
        %dma_wait3A_374 = tpu.memref_slice %arg4[%add3A_370] : memref<320000xi32, #tpu.memory_space<hbm>> -> memref<40xi32, #tpu.memory_space<hbm>>
        tpu.wait_dma2 semaphore(%arg43 : memref<!tpu.dma_semaphore, #tpu.memory_space<semaphore_mem>>) src(%dma_wait3A_374 : memref<40xi32, #tpu.memory_space<hbm>>) dst(%arg25 : memref<40xi32, #tpu.memory_space<vmem>>)
        %dma_start3A_375 = arith.constant 0 : i32
        %dma_start3A_376 = arith.constant 0 : i32
        %dma_start3A_377 = tpu.memref_slice %arg2[%dma_start3A_375, %dma_start3A_376] : memref<10000x128xf32, #tpu.memory_space<hbm>> -> memref<10000x128xf32, #tpu.memory_space<hbm>>
        tpu.enqueue_indirect_dma source(%dma_start3A_377 : memref<10000x128xf32, #tpu.memory_space<hbm>>) target(%arg30 : memref<40x128xf32, #tpu.memory_space<vmem>>) offsets(%arg15 : memref<40xi32, #tpu.memory_space<vmem>>) semaphore(%arg48 : memref<!tpu.dma_semaphore, #tpu.memory_space<semaphore_mem>>)
      } else {
      }
      %dma_wait3A_244 = arith.constant 0 : i32
      %dma_wait3A_245 = arith.constant 0 : i32
      %dma_wait3A_246 = tpu.memref_slice %arg2[%dma_wait3A_244, %dma_wait3A_245] : memref<10000x128xf32, #tpu.memory_space<hbm>> -> memref<10000x128xf32, #tpu.memory_space<hbm>>
      tpu.wait_indirect_dma semaphore(%arg46 : memref<!tpu.dma_semaphore, #tpu.memory_space<semaphore_mem>>) src(%dma_wait3A_246 : memref<10000x128xf32, #tpu.memory_space<hbm>>) dst(%arg28 : memref<40x128xf32, #tpu.memory_space<vmem>>)
      %dma_start3A_247 = arith.constant 0 : i32
      %dma_start3A_248 = arith.constant 0 : i32
      %dma_start3A_249 = tpu.memref_slice %arg33[%dma_start3A_247, %dma_start3A_248] : memref<10000x128xf32, #tpu.memory_space<vmem_shared>> -> memref<10000x128xf32, #tpu.memory_space<vmem_shared>>
      tpu.enqueue_indirect_dma source(%arg28 : memref<40x128xf32, #tpu.memory_space<vmem>>) target(%dma_start3A_249 : memref<10000x128xf32, #tpu.memory_space<vmem_shared>>) offsets(%arg23 : memref<40xi32, #tpu.memory_space<vmem>>) semaphore(%arg51 : memref<!tpu.dma_semaphore, #tpu.memory_space<semaphore_mem>>) {add = true}
      %mul3A_250 = arith.constant 10 : i32
      %mul3A_251 = arith.muli %mul3A_250, %scan3A_77 : i32
      %add3A_252 = arith.constant 6 : i32
      %add3A_253 = arith.addi %mul3A_251, %add3A_252 : i32
      %ge3A_254 = arith.constant 3 : i32
      %ge3A_255 = arith.cmpi sge, %add3A_253, %ge3A_254 : i32
      %convert_element_type3A_256 = arith.extui %ge3A_255 : i1 to i32
      %cond3A_257 = arith.constant 0 : i32
      %cond3A_258 = arith.cmpi ne, %convert_element_type3A_256, %cond3A_257 : i32
      scf.if %cond3A_258 {
        %dma_wait3A_366 = arith.constant 0 : i32
        %dma_wait3A_367 = arith.constant 0 : i32
        %dma_wait3A_368 = tpu.memref_slice %arg33[%dma_wait3A_366, %dma_wait3A_367] : memref<10000x128xf32, #tpu.memory_space<vmem_shared>> -> memref<10000x128xf32, #tpu.memory_space<vmem_shared>>
        tpu.wait_indirect_dma semaphore(%arg54 : memref<!tpu.dma_semaphore, #tpu.memory_space<semaphore_mem>>) src(%arg31 : memref<40x128xf32, #tpu.memory_space<vmem>>) dst(%dma_wait3A_368 : memref<10000x128xf32, #tpu.memory_space<vmem_shared>>)
      } else {
      }
      %add3A_259 = arith.constant 4 : i32
      %add3A_260 = arith.addi %add3A_253, %add3A_259 : i32
      %lt3A_261 = arith.constant 250 : i32
      %lt3A_262 = arith.cmpi slt, %add3A_260, %lt3A_261 : i32
      %convert_element_type3A_263 = arith.extui %lt3A_262 : i1 to i32
      %cond3A_264 = arith.constant 0 : i32
      %cond3A_265 = arith.cmpi ne, %convert_element_type3A_263, %cond3A_264 : i32
      scf.if %cond3A_265 {
        %add3A_366 = arith.constant 4 : i32
        %add3A_367 = arith.addi %add3A_253, %add3A_366 : i32
        %mul3A_368 = arith.constant 40 : i32
        %mul3A_369 = arith.muli %add3A_367, %mul3A_368 : i32
        %add3A_370 = arith.addi %mul3A_2, %mul3A_369 : i32
        %dma_start3A_371 = tpu.memref_slice %arg3[%add3A_370] : memref<320000xi32, #tpu.memory_space<hbm>> -> memref<40xi32, #tpu.memory_space<hbm>>
        %dma_start3A_372 = tpu.memref_slice %arg3[%add3A_370] : memref<320000xi32, #tpu.memory_space<hbm>> -> memref<40xi32, #tpu.memory_space<hbm>>
        tpu.enqueue_dma source(%dma_start3A_372 : memref<40xi32, #tpu.memory_space<hbm>>) target(%arg8 : memref<40xi32, #tpu.memory_space<vmem>>) target_semaphore(%arg36 : memref<!tpu.dma_semaphore, #tpu.memory_space<semaphore_mem>>)
        %dma_start3A_373 = tpu.memref_slice %arg4[%add3A_370] : memref<320000xi32, #tpu.memory_space<hbm>> -> memref<40xi32, #tpu.memory_space<hbm>>
        %dma_start3A_374 = tpu.memref_slice %arg4[%add3A_370] : memref<320000xi32, #tpu.memory_space<hbm>> -> memref<40xi32, #tpu.memory_space<hbm>>
        tpu.enqueue_dma source(%dma_start3A_374 : memref<40xi32, #tpu.memory_space<hbm>>) target(%arg18 : memref<40xi32, #tpu.memory_space<vmem>>) target_semaphore(%arg36 : memref<!tpu.dma_semaphore, #tpu.memory_space<semaphore_mem>>)
      } else {
      }
      %add3A_266 = arith.constant 2 : i32
      %add3A_267 = arith.addi %add3A_253, %add3A_266 : i32
      %lt3A_268 = arith.constant 250 : i32
      %lt3A_269 = arith.cmpi slt, %add3A_267, %lt3A_268 : i32
      %convert_element_type3A_270 = arith.extui %lt3A_269 : i1 to i32
      %cond3A_271 = arith.constant 0 : i32
      %cond3A_272 = arith.cmpi ne, %convert_element_type3A_270, %cond3A_271 : i32
      scf.if %cond3A_272 {
        %add3A_366 = arith.constant 2 : i32
        %add3A_367 = arith.addi %add3A_253, %add3A_366 : i32
        %mul3A_368 = arith.constant 40 : i32
        %mul3A_369 = arith.muli %add3A_367, %mul3A_368 : i32
        %add3A_370 = arith.addi %mul3A_2, %mul3A_369 : i32
        %dma_wait3A_371 = tpu.memref_slice %arg3[%add3A_370] : memref<320000xi32, #tpu.memory_space<hbm>> -> memref<40xi32, #tpu.memory_space<hbm>>
        %dma_wait3A_372 = tpu.memref_slice %arg3[%add3A_370] : memref<320000xi32, #tpu.memory_space<hbm>> -> memref<40xi32, #tpu.memory_space<hbm>>
        tpu.wait_dma2 semaphore(%arg44 : memref<!tpu.dma_semaphore, #tpu.memory_space<semaphore_mem>>) src(%dma_wait3A_372 : memref<40xi32, #tpu.memory_space<hbm>>) dst(%arg16 : memref<40xi32, #tpu.memory_space<vmem>>)
        %dma_wait3A_373 = tpu.memref_slice %arg4[%add3A_370] : memref<320000xi32, #tpu.memory_space<hbm>> -> memref<40xi32, #tpu.memory_space<hbm>>
        %dma_wait3A_374 = tpu.memref_slice %arg4[%add3A_370] : memref<320000xi32, #tpu.memory_space<hbm>> -> memref<40xi32, #tpu.memory_space<hbm>>
        tpu.wait_dma2 semaphore(%arg44 : memref<!tpu.dma_semaphore, #tpu.memory_space<semaphore_mem>>) src(%dma_wait3A_374 : memref<40xi32, #tpu.memory_space<hbm>>) dst(%arg26 : memref<40xi32, #tpu.memory_space<vmem>>)
        %dma_start3A_375 = arith.constant 0 : i32
        %dma_start3A_376 = arith.constant 0 : i32
        %dma_start3A_377 = tpu.memref_slice %arg2[%dma_start3A_375, %dma_start3A_376] : memref<10000x128xf32, #tpu.memory_space<hbm>> -> memref<10000x128xf32, #tpu.memory_space<hbm>>
        tpu.enqueue_indirect_dma source(%dma_start3A_377 : memref<10000x128xf32, #tpu.memory_space<hbm>>) target(%arg31 : memref<40x128xf32, #tpu.memory_space<vmem>>) offsets(%arg16 : memref<40xi32, #tpu.memory_space<vmem>>) semaphore(%arg49 : memref<!tpu.dma_semaphore, #tpu.memory_space<semaphore_mem>>)
      } else {
      }
      %dma_wait3A_273 = arith.constant 0 : i32
      %dma_wait3A_274 = arith.constant 0 : i32
      %dma_wait3A_275 = tpu.memref_slice %arg2[%dma_wait3A_273, %dma_wait3A_274] : memref<10000x128xf32, #tpu.memory_space<hbm>> -> memref<10000x128xf32, #tpu.memory_space<hbm>>
      tpu.wait_indirect_dma semaphore(%arg47 : memref<!tpu.dma_semaphore, #tpu.memory_space<semaphore_mem>>) src(%dma_wait3A_275 : memref<10000x128xf32, #tpu.memory_space<hbm>>) dst(%arg29 : memref<40x128xf32, #tpu.memory_space<vmem>>)
      %dma_start3A_276 = arith.constant 0 : i32
      %dma_start3A_277 = arith.constant 0 : i32
      %dma_start3A_278 = tpu.memref_slice %arg33[%dma_start3A_276, %dma_start3A_277] : memref<10000x128xf32, #tpu.memory_space<vmem_shared>> -> memref<10000x128xf32, #tpu.memory_space<vmem_shared>>
      tpu.enqueue_indirect_dma source(%arg29 : memref<40x128xf32, #tpu.memory_space<vmem>>) target(%dma_start3A_278 : memref<10000x128xf32, #tpu.memory_space<vmem_shared>>) offsets(%arg24 : memref<40xi32, #tpu.memory_space<vmem>>) semaphore(%arg52 : memref<!tpu.dma_semaphore, #tpu.memory_space<semaphore_mem>>) {add = true}
      %mul3A_279 = arith.constant 10 : i32
      %mul3A_280 = arith.muli %mul3A_279, %scan3A_77 : i32
      %add3A_281 = arith.constant 7 : i32
      %add3A_282 = arith.addi %mul3A_280, %add3A_281 : i32
      %ge3A_283 = arith.constant 3 : i32
      %ge3A_284 = arith.cmpi sge, %add3A_282, %ge3A_283 : i32
      %convert_element_type3A_285 = arith.extui %ge3A_284 : i1 to i32
      %cond3A_286 = arith.constant 0 : i32
      %cond3A_287 = arith.cmpi ne, %convert_element_type3A_285, %cond3A_286 : i32
      scf.if %cond3A_287 {
        %dma_wait3A_366 = arith.constant 0 : i32
        %dma_wait3A_367 = arith.constant 0 : i32
        %dma_wait3A_368 = tpu.memref_slice %arg33[%dma_wait3A_366, %dma_wait3A_367] : memref<10000x128xf32, #tpu.memory_space<vmem_shared>> -> memref<10000x128xf32, #tpu.memory_space<vmem_shared>>
        tpu.wait_indirect_dma semaphore(%arg55 : memref<!tpu.dma_semaphore, #tpu.memory_space<semaphore_mem>>) src(%arg32 : memref<40x128xf32, #tpu.memory_space<vmem>>) dst(%dma_wait3A_368 : memref<10000x128xf32, #tpu.memory_space<vmem_shared>>)
      } else {
      }
      %add3A_288 = arith.constant 4 : i32
      %add3A_289 = arith.addi %add3A_282, %add3A_288 : i32
      %lt3A_290 = arith.constant 250 : i32
      %lt3A_291 = arith.cmpi slt, %add3A_289, %lt3A_290 : i32
      %convert_element_type3A_292 = arith.extui %lt3A_291 : i1 to i32
      %cond3A_293 = arith.constant 0 : i32
      %cond3A_294 = arith.cmpi ne, %convert_element_type3A_292, %cond3A_293 : i32
      scf.if %cond3A_294 {
        %add3A_366 = arith.constant 4 : i32
        %add3A_367 = arith.addi %add3A_282, %add3A_366 : i32
        %mul3A_368 = arith.constant 40 : i32
        %mul3A_369 = arith.muli %add3A_367, %mul3A_368 : i32
        %add3A_370 = arith.addi %mul3A_2, %mul3A_369 : i32
        %dma_start3A_371 = tpu.memref_slice %arg3[%add3A_370] : memref<320000xi32, #tpu.memory_space<hbm>> -> memref<40xi32, #tpu.memory_space<hbm>>
        %dma_start3A_372 = tpu.memref_slice %arg3[%add3A_370] : memref<320000xi32, #tpu.memory_space<hbm>> -> memref<40xi32, #tpu.memory_space<hbm>>
        tpu.enqueue_dma source(%dma_start3A_372 : memref<40xi32, #tpu.memory_space<hbm>>) target(%arg9 : memref<40xi32, #tpu.memory_space<vmem>>) target_semaphore(%arg37 : memref<!tpu.dma_semaphore, #tpu.memory_space<semaphore_mem>>)
        %dma_start3A_373 = tpu.memref_slice %arg4[%add3A_370] : memref<320000xi32, #tpu.memory_space<hbm>> -> memref<40xi32, #tpu.memory_space<hbm>>
        %dma_start3A_374 = tpu.memref_slice %arg4[%add3A_370] : memref<320000xi32, #tpu.memory_space<hbm>> -> memref<40xi32, #tpu.memory_space<hbm>>
        tpu.enqueue_dma source(%dma_start3A_374 : memref<40xi32, #tpu.memory_space<hbm>>) target(%arg19 : memref<40xi32, #tpu.memory_space<vmem>>) target_semaphore(%arg37 : memref<!tpu.dma_semaphore, #tpu.memory_space<semaphore_mem>>)
      } else {
      }
      %add3A_295 = arith.constant 2 : i32
      %add3A_296 = arith.addi %add3A_282, %add3A_295 : i32
      %lt3A_297 = arith.constant 250 : i32
      %lt3A_298 = arith.cmpi slt, %add3A_296, %lt3A_297 : i32
      %convert_element_type3A_299 = arith.extui %lt3A_298 : i1 to i32
      %cond3A_300 = arith.constant 0 : i32
      %cond3A_301 = arith.cmpi ne, %convert_element_type3A_299, %cond3A_300 : i32
      scf.if %cond3A_301 {
        %add3A_366 = arith.constant 2 : i32
        %add3A_367 = arith.addi %add3A_282, %add3A_366 : i32
        %mul3A_368 = arith.constant 40 : i32
        %mul3A_369 = arith.muli %add3A_367, %mul3A_368 : i32
        %add3A_370 = arith.addi %mul3A_2, %mul3A_369 : i32
        %dma_wait3A_371 = tpu.memref_slice %arg3[%add3A_370] : memref<320000xi32, #tpu.memory_space<hbm>> -> memref<40xi32, #tpu.memory_space<hbm>>
        %dma_wait3A_372 = tpu.memref_slice %arg3[%add3A_370] : memref<320000xi32, #tpu.memory_space<hbm>> -> memref<40xi32, #tpu.memory_space<hbm>>
        tpu.wait_dma2 semaphore(%arg45 : memref<!tpu.dma_semaphore, #tpu.memory_space<semaphore_mem>>) src(%dma_wait3A_372 : memref<40xi32, #tpu.memory_space<hbm>>) dst(%arg17 : memref<40xi32, #tpu.memory_space<vmem>>)
        %dma_wait3A_373 = tpu.memref_slice %arg4[%add3A_370] : memref<320000xi32, #tpu.memory_space<hbm>> -> memref<40xi32, #tpu.memory_space<hbm>>
        %dma_wait3A_374 = tpu.memref_slice %arg4[%add3A_370] : memref<320000xi32, #tpu.memory_space<hbm>> -> memref<40xi32, #tpu.memory_space<hbm>>
        tpu.wait_dma2 semaphore(%arg45 : memref<!tpu.dma_semaphore, #tpu.memory_space<semaphore_mem>>) src(%dma_wait3A_374 : memref<40xi32, #tpu.memory_space<hbm>>) dst(%arg27 : memref<40xi32, #tpu.memory_space<vmem>>)
        %dma_start3A_375 = arith.constant 0 : i32
        %dma_start3A_376 = arith.constant 0 : i32
        %dma_start3A_377 = tpu.memref_slice %arg2[%dma_start3A_375, %dma_start3A_376] : memref<10000x128xf32, #tpu.memory_space<hbm>> -> memref<10000x128xf32, #tpu.memory_space<hbm>>
        tpu.enqueue_indirect_dma source(%dma_start3A_377 : memref<10000x128xf32, #tpu.memory_space<hbm>>) target(%arg32 : memref<40x128xf32, #tpu.memory_space<vmem>>) offsets(%arg17 : memref<40xi32, #tpu.memory_space<vmem>>) semaphore(%arg50 : memref<!tpu.dma_semaphore, #tpu.memory_space<semaphore_mem>>)
      } else {
      }
      %dma_wait3A_302 = arith.constant 0 : i32
      %dma_wait3A_303 = arith.constant 0 : i32
      %dma_wait3A_304 = tpu.memref_slice %arg2[%dma_wait3A_302, %dma_wait3A_303] : memref<10000x128xf32, #tpu.memory_space<hbm>> -> memref<10000x128xf32, #tpu.memory_space<hbm>>
      tpu.wait_indirect_dma semaphore(%arg48 : memref<!tpu.dma_semaphore, #tpu.memory_space<semaphore_mem>>) src(%dma_wait3A_304 : memref<10000x128xf32, #tpu.memory_space<hbm>>) dst(%arg30 : memref<40x128xf32, #tpu.memory_space<vmem>>)
      %dma_start3A_305 = arith.constant 0 : i32
      %dma_start3A_306 = arith.constant 0 : i32
      %dma_start3A_307 = tpu.memref_slice %arg33[%dma_start3A_305, %dma_start3A_306] : memref<10000x128xf32, #tpu.memory_space<vmem_shared>> -> memref<10000x128xf32, #tpu.memory_space<vmem_shared>>
      tpu.enqueue_indirect_dma source(%arg30 : memref<40x128xf32, #tpu.memory_space<vmem>>) target(%dma_start3A_307 : memref<10000x128xf32, #tpu.memory_space<vmem_shared>>) offsets(%arg25 : memref<40xi32, #tpu.memory_space<vmem>>) semaphore(%arg53 : memref<!tpu.dma_semaphore, #tpu.memory_space<semaphore_mem>>) {add = true}
      %mul3A_308 = arith.constant 10 : i32
      %mul3A_309 = arith.muli %mul3A_308, %scan3A_77 : i32
      %add3A_310 = arith.constant 8 : i32
      %add3A_311 = arith.addi %mul3A_309, %add3A_310 : i32
      %ge3A_312 = arith.constant 3 : i32
      %ge3A_313 = arith.cmpi sge, %add3A_311, %ge3A_312 : i32
      %convert_element_type3A_314 = arith.extui %ge3A_313 : i1 to i32
      %cond3A_315 = arith.constant 0 : i32
      %cond3A_316 = arith.cmpi ne, %convert_element_type3A_314, %cond3A_315 : i32
      scf.if %cond3A_316 {
        %dma_wait3A_366 = arith.constant 0 : i32
        %dma_wait3A_367 = arith.constant 0 : i32
        %dma_wait3A_368 = tpu.memref_slice %arg33[%dma_wait3A_366, %dma_wait3A_367] : memref<10000x128xf32, #tpu.memory_space<vmem_shared>> -> memref<10000x128xf32, #tpu.memory_space<vmem_shared>>
        tpu.wait_indirect_dma semaphore(%arg51 : memref<!tpu.dma_semaphore, #tpu.memory_space<semaphore_mem>>) src(%arg28 : memref<40x128xf32, #tpu.memory_space<vmem>>) dst(%dma_wait3A_368 : memref<10000x128xf32, #tpu.memory_space<vmem_shared>>)
      } else {
      }
      %add3A_317 = arith.constant 4 : i32
      %add3A_318 = arith.addi %add3A_311, %add3A_317 : i32
      %lt3A_319 = arith.constant 250 : i32
      %lt3A_320 = arith.cmpi slt, %add3A_318, %lt3A_319 : i32
      %convert_element_type3A_321 = arith.extui %lt3A_320 : i1 to i32
      %cond3A_322 = arith.constant 0 : i32
      %cond3A_323 = arith.cmpi ne, %convert_element_type3A_321, %cond3A_322 : i32
      scf.if %cond3A_323 {
        %add3A_366 = arith.constant 4 : i32
        %add3A_367 = arith.addi %add3A_311, %add3A_366 : i32
        %mul3A_368 = arith.constant 40 : i32
        %mul3A_369 = arith.muli %add3A_367, %mul3A_368 : i32
        %add3A_370 = arith.addi %mul3A_2, %mul3A_369 : i32
        %dma_start3A_371 = tpu.memref_slice %arg3[%add3A_370] : memref<320000xi32, #tpu.memory_space<hbm>> -> memref<40xi32, #tpu.memory_space<hbm>>
        %dma_start3A_372 = tpu.memref_slice %arg3[%add3A_370] : memref<320000xi32, #tpu.memory_space<hbm>> -> memref<40xi32, #tpu.memory_space<hbm>>
        tpu.enqueue_dma source(%dma_start3A_372 : memref<40xi32, #tpu.memory_space<hbm>>) target(%arg10 : memref<40xi32, #tpu.memory_space<vmem>>) target_semaphore(%arg38 : memref<!tpu.dma_semaphore, #tpu.memory_space<semaphore_mem>>)
        %dma_start3A_373 = tpu.memref_slice %arg4[%add3A_370] : memref<320000xi32, #tpu.memory_space<hbm>> -> memref<40xi32, #tpu.memory_space<hbm>>
        %dma_start3A_374 = tpu.memref_slice %arg4[%add3A_370] : memref<320000xi32, #tpu.memory_space<hbm>> -> memref<40xi32, #tpu.memory_space<hbm>>
        tpu.enqueue_dma source(%dma_start3A_374 : memref<40xi32, #tpu.memory_space<hbm>>) target(%arg20 : memref<40xi32, #tpu.memory_space<vmem>>) target_semaphore(%arg38 : memref<!tpu.dma_semaphore, #tpu.memory_space<semaphore_mem>>)
      } else {
      }
      %add3A_324 = arith.constant 2 : i32
      %add3A_325 = arith.addi %add3A_311, %add3A_324 : i32
      %lt3A_326 = arith.constant 250 : i32
      %lt3A_327 = arith.cmpi slt, %add3A_325, %lt3A_326 : i32
      %convert_element_type3A_328 = arith.extui %lt3A_327 : i1 to i32
      %cond3A_329 = arith.constant 0 : i32
      %cond3A_330 = arith.cmpi ne, %convert_element_type3A_328, %cond3A_329 : i32
      scf.if %cond3A_330 {
        %add3A_366 = arith.constant 2 : i32
        %add3A_367 = arith.addi %add3A_311, %add3A_366 : i32
        %mul3A_368 = arith.constant 40 : i32
        %mul3A_369 = arith.muli %add3A_367, %mul3A_368 : i32
        %add3A_370 = arith.addi %mul3A_2, %mul3A_369 : i32
        %dma_wait3A_371 = tpu.memref_slice %arg3[%add3A_370] : memref<320000xi32, #tpu.memory_space<hbm>> -> memref<40xi32, #tpu.memory_space<hbm>>
        %dma_wait3A_372 = tpu.memref_slice %arg3[%add3A_370] : memref<320000xi32, #tpu.memory_space<hbm>> -> memref<40xi32, #tpu.memory_space<hbm>>
        tpu.wait_dma2 semaphore(%arg36 : memref<!tpu.dma_semaphore, #tpu.memory_space<semaphore_mem>>) src(%dma_wait3A_372 : memref<40xi32, #tpu.memory_space<hbm>>) dst(%arg8 : memref<40xi32, #tpu.memory_space<vmem>>)
        %dma_wait3A_373 = tpu.memref_slice %arg4[%add3A_370] : memref<320000xi32, #tpu.memory_space<hbm>> -> memref<40xi32, #tpu.memory_space<hbm>>
        %dma_wait3A_374 = tpu.memref_slice %arg4[%add3A_370] : memref<320000xi32, #tpu.memory_space<hbm>> -> memref<40xi32, #tpu.memory_space<hbm>>
        tpu.wait_dma2 semaphore(%arg36 : memref<!tpu.dma_semaphore, #tpu.memory_space<semaphore_mem>>) src(%dma_wait3A_374 : memref<40xi32, #tpu.memory_space<hbm>>) dst(%arg18 : memref<40xi32, #tpu.memory_space<vmem>>)
        %dma_start3A_375 = arith.constant 0 : i32
        %dma_start3A_376 = arith.constant 0 : i32
        %dma_start3A_377 = tpu.memref_slice %arg2[%dma_start3A_375, %dma_start3A_376] : memref<10000x128xf32, #tpu.memory_space<hbm>> -> memref<10000x128xf32, #tpu.memory_space<hbm>>
        tpu.enqueue_indirect_dma source(%dma_start3A_377 : memref<10000x128xf32, #tpu.memory_space<hbm>>) target(%arg28 : memref<40x128xf32, #tpu.memory_space<vmem>>) offsets(%arg8 : memref<40xi32, #tpu.memory_space<vmem>>) semaphore(%arg46 : memref<!tpu.dma_semaphore, #tpu.memory_space<semaphore_mem>>)
      } else {
      }
      %dma_wait3A_331 = arith.constant 0 : i32
      %dma_wait3A_332 = arith.constant 0 : i32
      %dma_wait3A_333 = tpu.memref_slice %arg2[%dma_wait3A_331, %dma_wait3A_332] : memref<10000x128xf32, #tpu.memory_space<hbm>> -> memref<10000x128xf32, #tpu.memory_space<hbm>>
      tpu.wait_indirect_dma semaphore(%arg49 : memref<!tpu.dma_semaphore, #tpu.memory_space<semaphore_mem>>) src(%dma_wait3A_333 : memref<10000x128xf32, #tpu.memory_space<hbm>>) dst(%arg31 : memref<40x128xf32, #tpu.memory_space<vmem>>)
      %dma_start3A_334 = arith.constant 0 : i32
      %dma_start3A_335 = arith.constant 0 : i32
      %dma_start3A_336 = tpu.memref_slice %arg33[%dma_start3A_334, %dma_start3A_335] : memref<10000x128xf32, #tpu.memory_space<vmem_shared>> -> memref<10000x128xf32, #tpu.memory_space<vmem_shared>>
      tpu.enqueue_indirect_dma source(%arg31 : memref<40x128xf32, #tpu.memory_space<vmem>>) target(%dma_start3A_336 : memref<10000x128xf32, #tpu.memory_space<vmem_shared>>) offsets(%arg26 : memref<40xi32, #tpu.memory_space<vmem>>) semaphore(%arg54 : memref<!tpu.dma_semaphore, #tpu.memory_space<semaphore_mem>>) {add = true}
      %mul3A_337 = arith.constant 10 : i32
      %mul3A_338 = arith.muli %mul3A_337, %scan3A_77 : i32
      %add3A_339 = arith.constant 9 : i32
      %add3A_340 = arith.addi %mul3A_338, %add3A_339 : i32
      %ge3A_341 = arith.constant 3 : i32
      %ge3A_342 = arith.cmpi sge, %add3A_340, %ge3A_341 : i32
      %convert_element_type3A_343 = arith.extui %ge3A_342 : i1 to i32
      %cond3A_344 = arith.constant 0 : i32
      %cond3A_345 = arith.cmpi ne, %convert_element_type3A_343, %cond3A_344 : i32
      scf.if %cond3A_345 {
        %dma_wait3A_366 = arith.constant 0 : i32
        %dma_wait3A_367 = arith.constant 0 : i32
        %dma_wait3A_368 = tpu.memref_slice %arg33[%dma_wait3A_366, %dma_wait3A_367] : memref<10000x128xf32, #tpu.memory_space<vmem_shared>> -> memref<10000x128xf32, #tpu.memory_space<vmem_shared>>
        tpu.wait_indirect_dma semaphore(%arg52 : memref<!tpu.dma_semaphore, #tpu.memory_space<semaphore_mem>>) src(%arg29 : memref<40x128xf32, #tpu.memory_space<vmem>>) dst(%dma_wait3A_368 : memref<10000x128xf32, #tpu.memory_space<vmem_shared>>)
      } else {
      }
      %add3A_346 = arith.constant 4 : i32
      %add3A_347 = arith.addi %add3A_340, %add3A_346 : i32
      %lt3A_348 = arith.constant 250 : i32
      %lt3A_349 = arith.cmpi slt, %add3A_347, %lt3A_348 : i32
      %convert_element_type3A_350 = arith.extui %lt3A_349 : i1 to i32
      %cond3A_351 = arith.constant 0 : i32
      %cond3A_352 = arith.cmpi ne, %convert_element_type3A_350, %cond3A_351 : i32
      scf.if %cond3A_352 {
        %add3A_366 = arith.constant 4 : i32
        %add3A_367 = arith.addi %add3A_340, %add3A_366 : i32
        %mul3A_368 = arith.constant 40 : i32
        %mul3A_369 = arith.muli %add3A_367, %mul3A_368 : i32
        %add3A_370 = arith.addi %mul3A_2, %mul3A_369 : i32
        %dma_start3A_371 = tpu.memref_slice %arg3[%add3A_370] : memref<320000xi32, #tpu.memory_space<hbm>> -> memref<40xi32, #tpu.memory_space<hbm>>
        %dma_start3A_372 = tpu.memref_slice %arg3[%add3A_370] : memref<320000xi32, #tpu.memory_space<hbm>> -> memref<40xi32, #tpu.memory_space<hbm>>
        tpu.enqueue_dma source(%dma_start3A_372 : memref<40xi32, #tpu.memory_space<hbm>>) target(%arg11 : memref<40xi32, #tpu.memory_space<vmem>>) target_semaphore(%arg39 : memref<!tpu.dma_semaphore, #tpu.memory_space<semaphore_mem>>)
        %dma_start3A_373 = tpu.memref_slice %arg4[%add3A_370] : memref<320000xi32, #tpu.memory_space<hbm>> -> memref<40xi32, #tpu.memory_space<hbm>>
        %dma_start3A_374 = tpu.memref_slice %arg4[%add3A_370] : memref<320000xi32, #tpu.memory_space<hbm>> -> memref<40xi32, #tpu.memory_space<hbm>>
        tpu.enqueue_dma source(%dma_start3A_374 : memref<40xi32, #tpu.memory_space<hbm>>) target(%arg21 : memref<40xi32, #tpu.memory_space<vmem>>) target_semaphore(%arg39 : memref<!tpu.dma_semaphore, #tpu.memory_space<semaphore_mem>>)
      } else {
      }
      %add3A_353 = arith.constant 2 : i32
      %add3A_354 = arith.addi %add3A_340, %add3A_353 : i32
      %lt3A_355 = arith.constant 250 : i32
      %lt3A_356 = arith.cmpi slt, %add3A_354, %lt3A_355 : i32
      %convert_element_type3A_357 = arith.extui %lt3A_356 : i1 to i32
      %cond3A_358 = arith.constant 0 : i32
      %cond3A_359 = arith.cmpi ne, %convert_element_type3A_357, %cond3A_358 : i32
      scf.if %cond3A_359 {
        %add3A_366 = arith.constant 2 : i32
        %add3A_367 = arith.addi %add3A_340, %add3A_366 : i32
        %mul3A_368 = arith.constant 40 : i32
        %mul3A_369 = arith.muli %add3A_367, %mul3A_368 : i32
        %add3A_370 = arith.addi %mul3A_2, %mul3A_369 : i32
        %dma_wait3A_371 = tpu.memref_slice %arg3[%add3A_370] : memref<320000xi32, #tpu.memory_space<hbm>> -> memref<40xi32, #tpu.memory_space<hbm>>
        %dma_wait3A_372 = tpu.memref_slice %arg3[%add3A_370] : memref<320000xi32, #tpu.memory_space<hbm>> -> memref<40xi32, #tpu.memory_space<hbm>>
        tpu.wait_dma2 semaphore(%arg37 : memref<!tpu.dma_semaphore, #tpu.memory_space<semaphore_mem>>) src(%dma_wait3A_372 : memref<40xi32, #tpu.memory_space<hbm>>) dst(%arg9 : memref<40xi32, #tpu.memory_space<vmem>>)
        %dma_wait3A_373 = tpu.memref_slice %arg4[%add3A_370] : memref<320000xi32, #tpu.memory_space<hbm>> -> memref<40xi32, #tpu.memory_space<hbm>>
        %dma_wait3A_374 = tpu.memref_slice %arg4[%add3A_370] : memref<320000xi32, #tpu.memory_space<hbm>> -> memref<40xi32, #tpu.memory_space<hbm>>
        tpu.wait_dma2 semaphore(%arg37 : memref<!tpu.dma_semaphore, #tpu.memory_space<semaphore_mem>>) src(%dma_wait3A_374 : memref<40xi32, #tpu.memory_space<hbm>>) dst(%arg19 : memref<40xi32, #tpu.memory_space<vmem>>)
        %dma_start3A_375 = arith.constant 0 : i32
        %dma_start3A_376 = arith.constant 0 : i32
        %dma_start3A_377 = tpu.memref_slice %arg2[%dma_start3A_375, %dma_start3A_376] : memref<10000x128xf32, #tpu.memory_space<hbm>> -> memref<10000x128xf32, #tpu.memory_space<hbm>>
        tpu.enqueue_indirect_dma source(%dma_start3A_377 : memref<10000x128xf32, #tpu.memory_space<hbm>>) target(%arg29 : memref<40x128xf32, #tpu.memory_space<vmem>>) offsets(%arg9 : memref<40xi32, #tpu.memory_space<vmem>>) semaphore(%arg47 : memref<!tpu.dma_semaphore, #tpu.memory_space<semaphore_mem>>)
      } else {
      }
      %dma_wait3A_360 = arith.constant 0 : i32
      %dma_wait3A_361 = arith.constant 0 : i32
      %dma_wait3A_362 = tpu.memref_slice %arg2[%dma_wait3A_360, %dma_wait3A_361] : memref<10000x128xf32, #tpu.memory_space<hbm>> -> memref<10000x128xf32, #tpu.memory_space<hbm>>
      tpu.wait_indirect_dma semaphore(%arg50 : memref<!tpu.dma_semaphore, #tpu.memory_space<semaphore_mem>>) src(%dma_wait3A_362 : memref<10000x128xf32, #tpu.memory_space<hbm>>) dst(%arg32 : memref<40x128xf32, #tpu.memory_space<vmem>>)
      %dma_start3A_363 = arith.constant 0 : i32
      %dma_start3A_364 = arith.constant 0 : i32
      %dma_start3A_365 = tpu.memref_slice %arg33[%dma_start3A_363, %dma_start3A_364] : memref<10000x128xf32, #tpu.memory_space<vmem_shared>> -> memref<10000x128xf32, #tpu.memory_space<vmem_shared>>
      tpu.enqueue_indirect_dma source(%arg32 : memref<40x128xf32, #tpu.memory_space<vmem>>) target(%dma_start3A_365 : memref<10000x128xf32, #tpu.memory_space<vmem_shared>>) offsets(%arg27 : memref<40xi32, #tpu.memory_space<vmem>>) semaphore(%arg55 : memref<!tpu.dma_semaphore, #tpu.memory_space<semaphore_mem>>) {add = true}
    }
    %scan3A_52 = arith.constant 25 : i32
    %dma_wait3A_53 = arith.constant 0 : i32
    %dma_wait3A_54 = arith.constant 0 : i32
    %dma_wait3A_55 = tpu.memref_slice %arg33[%dma_wait3A_53, %dma_wait3A_54] : memref<10000x128xf32, #tpu.memory_space<vmem_shared>> -> memref<10000x128xf32, #tpu.memory_space<vmem_shared>>
    tpu.wait_indirect_dma semaphore(%arg53 : memref<!tpu.dma_semaphore, #tpu.memory_space<semaphore_mem>>) src(%arg30 : memref<40x128xf32, #tpu.memory_space<vmem>>) dst(%dma_wait3A_55 : memref<10000x128xf32, #tpu.memory_space<vmem_shared>>)
    %dma_wait3A_56 = arith.constant 0 : i32
    %dma_wait3A_57 = arith.constant 0 : i32
    %dma_wait3A_58 = tpu.memref_slice %arg33[%dma_wait3A_56, %dma_wait3A_57] : memref<10000x128xf32, #tpu.memory_space<vmem_shared>> -> memref<10000x128xf32, #tpu.memory_space<vmem_shared>>
    tpu.wait_indirect_dma semaphore(%arg54 : memref<!tpu.dma_semaphore, #tpu.memory_space<semaphore_mem>>) src(%arg31 : memref<40x128xf32, #tpu.memory_space<vmem>>) dst(%dma_wait3A_58 : memref<10000x128xf32, #tpu.memory_space<vmem_shared>>)
    %dma_wait3A_59 = arith.constant 0 : i32
    %dma_wait3A_60 = arith.constant 0 : i32
    %dma_wait3A_61 = tpu.memref_slice %arg33[%dma_wait3A_59, %dma_wait3A_60] : memref<10000x128xf32, #tpu.memory_space<vmem_shared>> -> memref<10000x128xf32, #tpu.memory_space<vmem_shared>>
    tpu.wait_indirect_dma semaphore(%arg55 : memref<!tpu.dma_semaphore, #tpu.memory_space<semaphore_mem>>) src(%arg32 : memref<40x128xf32, #tpu.memory_space<vmem>>) dst(%dma_wait3A_61 : memref<10000x128xf32, #tpu.memory_space<vmem_shared>>)
    %broadcast_in_dim3A = arith.constant 0 : i32
    %broadcast_in_dim3A_62 = vector.broadcast %broadcast_in_dim3A : i32 to vector<16xi32>
    %swap3A = arith.constant 0 : index
    %swap3A_63 = tpu.vector_load %arg34[%swap3A] {strides = array<i32>} : memref<16xi32, #tpu.memory_space<vmem>>, vector<16xi32>,
    %swap3A_64 = vector.shape_cast %swap3A_63 : vector<16xi32> to vector<16xi32>
    %swap3A_65 = vector.shape_cast %broadcast_in_dim3A_62 : vector<16xi32> to vector<16xi32>
    tpu.vector_store %arg34[%swap3A], %swap3A_65 {strides = array<i32>} : memref<16xi32, #tpu.memory_space<vmem>>, vector<16xi32>,
    "tpu.region"() ({
      %run_scoped3A = tpu.sem_alloc : memref<!tpu.dma_semaphore, #tpu.memory_space<semaphore_mem>>
      %dma_start3A_77 = arith.constant 0 : i32
      %dma_start3A_78 = arith.constant 0 : i32
      %dma_start3A_79 = tpu.memref_slice %arg5[%dma_start3A_77, %dma_start3A_78] : memref<10000x128xf32, #tpu.memory_space<hbm>> -> memref<16x128xf32, #tpu.memory_space<hbm>>
      %dma_start3A_80 = arith.constant 0 : i32
      %dma_start3A_81 = arith.constant 0 : i32
      %dma_start3A_82 = tpu.memref_slice %arg5[%dma_start3A_80, %dma_start3A_81] : memref<10000x128xf32, #tpu.memory_space<hbm>> -> memref<16x128xf32, #tpu.memory_space<hbm>>
      tpu.enqueue_dma source(%dma_start3A_82 : memref<16x128xf32, #tpu.memory_space<hbm>>) target(%arg35 : memref<16x128xf32, #tpu.memory_space<vmem>>) target_semaphore(%run_scoped3A : memref<!tpu.dma_semaphore, #tpu.memory_space<semaphore_mem>>)
      %dma_wait3A_83 = arith.constant 0 : i32
      %dma_wait3A_84 = arith.constant 0 : i32
      %dma_wait3A_85 = tpu.memref_slice %arg5[%dma_wait3A_83, %dma_wait3A_84] : memref<10000x128xf32, #tpu.memory_space<hbm>> -> memref<16x128xf32, #tpu.memory_space<hbm>>
      %dma_wait3A_86 = arith.constant 0 : i32
      %dma_wait3A_87 = arith.constant 0 : i32
      %dma_wait3A_88 = tpu.memref_slice %arg5[%dma_wait3A_86, %dma_wait3A_87] : memref<10000x128xf32, #tpu.memory_space<hbm>> -> memref<16x128xf32, #tpu.memory_space<hbm>>
      tpu.wait_dma2 semaphore(%run_scoped3A : memref<!tpu.dma_semaphore, #tpu.memory_space<semaphore_mem>>) src(%dma_wait3A_88 : memref<16x128xf32, #tpu.memory_space<hbm>>) dst(%arg35 : memref<16x128xf32, #tpu.memory_space<vmem>>)
      tpu.yield
    }) : () -> ()
    "tpu.region"() ({
      %run_scoped3A = tpu.sem_alloc : memref<!tpu.dma_semaphore, #tpu.memory_space<semaphore_mem>>
      %dma_start3A_77 = arith.constant 0 : i32
      %dma_start3A_78 = arith.constant 0 : i32
      %dma_start3A_79 = tpu.memref_slice %arg33[%dma_start3A_77, %dma_start3A_78] : memref<10000x128xf32, #tpu.memory_space<vmem_shared>> -> memref<10000x128xf32, #tpu.memory_space<vmem_shared>>
      tpu.enqueue_indirect_dma source(%arg35 : memref<16x128xf32, #tpu.memory_space<vmem>>) target(%dma_start3A_79 : memref<10000x128xf32, #tpu.memory_space<vmem_shared>>) offsets(%arg34 : memref<16xi32, #tpu.memory_space<vmem>>) semaphore(%run_scoped3A : memref<!tpu.dma_semaphore, #tpu.memory_space<semaphore_mem>>) {add = true}
      %dma_wait3A_80 = arith.constant 0 : i32
      %dma_wait3A_81 = arith.constant 0 : i32
      %dma_wait3A_82 = tpu.memref_slice %arg33[%dma_wait3A_80, %dma_wait3A_81] : memref<10000x128xf32, #tpu.memory_space<vmem_shared>> -> memref<10000x128xf32, #tpu.memory_space<vmem_shared>>
      tpu.wait_indirect_dma semaphore(%run_scoped3A : memref<!tpu.dma_semaphore, #tpu.memory_space<semaphore_mem>>) src(%arg35 : memref<16x128xf32, #tpu.memory_space<vmem>>) dst(%dma_wait3A_82 : memref<10000x128xf32, #tpu.memory_space<vmem_shared>>)
      tpu.yield
    }) : () -> ()
    %barrier3A_66 = arith.constant 0 : index
    tpu.barrier barrier_id(%barrier3A_66)
    %eq3A_67 = arith.constant 0 : i32
    %eq3A_68 = arith.cmpi eq, %arg0, %eq3A_67 : i32
    %convert_element_type3A_69 = arith.extui %eq3A_68 : i1 to i32
    %cond3A_70 = arith.constant 0 : i32
    %cond3A_71 = arith.cmpi ne, %convert_element_type3A_69, %cond3A_70 : i32
    scf.if %cond3A_71 {
      %mul3A_77 = arith.constant 624 : i32
      %mul3A_78 = arith.muli %arg1, %mul3A_77 : i32
      %mul3A_79 = arith.constant 624 : i32
      %mul3A_80 = arith.muli %arg1, %mul3A_79 : i32
      "tpu.region"() ({
        %run_scoped3A = tpu.sem_alloc : memref<!tpu.dma_semaphore, #tpu.memory_space<semaphore_mem>>
        %dma_start3A_86 = arith.constant 0 : i32
        %dma_start3A_87 = tpu.memref_slice %arg6[%mul3A_80, %dma_start3A_86] : memref<10000x128xf32, #tpu.memory_space<hbm>> -> memref<624x128xf32, #tpu.memory_space<hbm>>
        %dma_start3A_88 = arith.constant 0 : i32
        %dma_start3A_89 = tpu.memref_slice %arg33[%mul3A_78, %dma_start3A_88] : memref<10000x128xf32, #tpu.memory_space<vmem_shared>> -> memref<624x128xf32, #tpu.memory_space<vmem_shared>>
        tpu.enqueue_dma source(%dma_start3A_89 : memref<624x128xf32, #tpu.memory_space<vmem_shared>>) target(%dma_start3A_87 : memref<624x128xf32, #tpu.memory_space<hbm>>) target_semaphore(%run_scoped3A : memref<!tpu.dma_semaphore, #tpu.memory_space<semaphore_mem>>)
        %dma_wait3A_90 = arith.constant 0 : i32
        %dma_wait3A_91 = tpu.memref_slice %arg6[%mul3A_80, %dma_wait3A_90] : memref<10000x128xf32, #tpu.memory_space<hbm>> -> memref<624x128xf32, #tpu.memory_space<hbm>>
        %dma_wait3A_92 = arith.constant 0 : i32
        %dma_wait3A_93 = tpu.memref_slice %arg33[%mul3A_78, %dma_wait3A_92] : memref<10000x128xf32, #tpu.memory_space<vmem_shared>> -> memref<624x128xf32, #tpu.memory_space<vmem_shared>>
        tpu.wait_dma2 semaphore(%run_scoped3A : memref<!tpu.dma_semaphore, #tpu.memory_space<semaphore_mem>>) src(%dma_wait3A_93 : memref<624x128xf32, #tpu.memory_space<vmem_shared>>) dst(%dma_wait3A_91 : memref<624x128xf32, #tpu.memory_space<hbm>>)
        tpu.yield
      }) : () -> ()
      %eq3A_81 = arith.constant 0 : i32
      %eq3A_82 = arith.cmpi eq, %arg1, %eq3A_81 : i32
      %convert_element_type3A_83 = arith.extui %eq3A_82 : i1 to i32
      %cond3A_84 = arith.constant 0 : i32
      %cond3A_85 = arith.cmpi ne, %convert_element_type3A_83, %cond3A_84 : i32
      scf.if %cond3A_85 {
        "tpu.region"() ({
          %run_scoped3A = tpu.sem_alloc : memref<!tpu.dma_semaphore, #tpu.memory_space<semaphore_mem>>
          %dma_start3A_86 = arith.constant 9984 : i32
          %dma_start3A_87 = arith.constant 0 : i32
          %dma_start3A_88 = tpu.memref_slice %arg6[%dma_start3A_86, %dma_start3A_87] : memref<10000x128xf32, #tpu.memory_space<hbm>> -> memref<16x128xf32, #tpu.memory_space<hbm>>
          %dma_start3A_89 = arith.constant 9984 : i32
          %dma_start3A_90 = arith.constant 0 : i32
          %dma_start3A_91 = tpu.memref_slice %arg33[%dma_start3A_89, %dma_start3A_90] : memref<10000x128xf32, #tpu.memory_space<vmem_shared>> -> memref<16x128xf32, #tpu.memory_space<vmem_shared>>
          tpu.enqueue_dma source(%dma_start3A_91 : memref<16x128xf32, #tpu.memory_space<vmem_shared>>) target(%dma_start3A_88 : memref<16x128xf32, #tpu.memory_space<hbm>>) target_semaphore(%run_scoped3A : memref<!tpu.dma_semaphore, #tpu.memory_space<semaphore_mem>>)
          %dma_wait3A_92 = arith.constant 9984 : i32
          %dma_wait3A_93 = arith.constant 0 : i32
          %dma_wait3A_94 = tpu.memref_slice %arg6[%dma_wait3A_92, %dma_wait3A_93] : memref<10000x128xf32, #tpu.memory_space<hbm>> -> memref<16x128xf32, #tpu.memory_space<hbm>>
          %dma_wait3A_95 = arith.constant 9984 : i32
          %dma_wait3A_96 = arith.constant 0 : i32
          %dma_wait3A_97 = tpu.memref_slice %arg33[%dma_wait3A_95, %dma_wait3A_96] : memref<10000x128xf32, #tpu.memory_space<vmem_shared>> -> memref<16x128xf32, #tpu.memory_space<vmem_shared>>
          tpu.wait_dma2 semaphore(%run_scoped3A : memref<!tpu.dma_semaphore, #tpu.memory_space<semaphore_mem>>) src(%dma_wait3A_97 : memref<16x128xf32, #tpu.memory_space<vmem_shared>>) dst(%dma_wait3A_94 : memref<16x128xf32, #tpu.memory_space<hbm>>)
          tpu.yield
        }) : () -> ()
      } else {
      }
    } else {
    }
    %eq3A_72 = arith.constant 1 : i32
    %eq3A_73 = arith.cmpi eq, %arg0, %eq3A_72 : i32
    %convert_element_type3A_74 = arith.extui %eq3A_73 : i1 to i32
    %cond3A_75 = arith.constant 0 : i32
    %cond3A_76 = arith.cmpi ne, %convert_element_type3A_74, %cond3A_75 : i32
    scf.if %cond3A_76 {
      %mul3A_77 = arith.constant 624 : i32
      %mul3A_78 = arith.muli %arg1, %mul3A_77 : i32
      %mul3A_79 = arith.constant 624 : i32
      %mul3A_80 = arith.muli %arg1, %mul3A_79 : i32
      "tpu.region"() ({
        %run_scoped3A = tpu.sem_alloc : memref<!tpu.dma_semaphore, #tpu.memory_space<semaphore_mem>>
        %dma_start3A_86 = arith.constant 0 : i32
        %dma_start3A_87 = tpu.memref_slice %arg7[%mul3A_80, %dma_start3A_86] : memref<10000x128xf32, #tpu.memory_space<hbm>> -> memref<624x128xf32, #tpu.memory_space<hbm>>
        %dma_start3A_88 = arith.constant 0 : i32
        %dma_start3A_89 = tpu.memref_slice %arg33[%mul3A_78, %dma_start3A_88] : memref<10000x128xf32, #tpu.memory_space<vmem_shared>> -> memref<624x128xf32, #tpu.memory_space<vmem_shared>>
        tpu.enqueue_dma source(%dma_start3A_89 : memref<624x128xf32, #tpu.memory_space<vmem_shared>>) target(%dma_start3A_87 : memref<624x128xf32, #tpu.memory_space<hbm>>) target_semaphore(%run_scoped3A : memref<!tpu.dma_semaphore, #tpu.memory_space<semaphore_mem>>)
        %dma_wait3A_90 = arith.constant 0 : i32
        %dma_wait3A_91 = tpu.memref_slice %arg7[%mul3A_80, %dma_wait3A_90] : memref<10000x128xf32, #tpu.memory_space<hbm>> -> memref<624x128xf32, #tpu.memory_space<hbm>>
        %dma_wait3A_92 = arith.constant 0 : i32
        %dma_wait3A_93 = tpu.memref_slice %arg33[%mul3A_78, %dma_wait3A_92] : memref<10000x128xf32, #tpu.memory_space<vmem_shared>> -> memref<624x128xf32, #tpu.memory_space<vmem_shared>>
        tpu.wait_dma2 semaphore(%run_scoped3A : memref<!tpu.dma_semaphore, #tpu.memory_space<semaphore_mem>>) src(%dma_wait3A_93 : memref<624x128xf32, #tpu.memory_space<vmem_shared>>) dst(%dma_wait3A_91 : memref<624x128xf32, #tpu.memory_space<hbm>>)
        tpu.yield
      }) : () -> ()
      %eq3A_81 = arith.constant 0 : i32
      %eq3A_82 = arith.cmpi eq, %arg1, %eq3A_81 : i32
      %convert_element_type3A_83 = arith.extui %eq3A_82 : i1 to i32
      %cond3A_84 = arith.constant 0 : i32
      %cond3A_85 = arith.cmpi ne, %convert_element_type3A_83, %cond3A_84 : i32
      scf.if %cond3A_85 {
        "tpu.region"() ({
          %run_scoped3A = tpu.sem_alloc : memref<!tpu.dma_semaphore, #tpu.memory_space<semaphore_mem>>
          %dma_start3A_86 = arith.constant 9984 : i32
          %dma_start3A_87 = arith.constant 0 : i32
          %dma_start3A_88 = tpu.memref_slice %arg7[%dma_start3A_86, %dma_start3A_87] : memref<10000x128xf32, #tpu.memory_space<hbm>> -> memref<16x128xf32, #tpu.memory_space<hbm>>
          %dma_start3A_89 = arith.constant 9984 : i32
          %dma_start3A_90 = arith.constant 0 : i32
          %dma_start3A_91 = tpu.memref_slice %arg33[%dma_start3A_89, %dma_start3A_90] : memref<10000x128xf32, #tpu.memory_space<vmem_shared>> -> memref<16x128xf32, #tpu.memory_space<vmem_shared>>
          tpu.enqueue_dma source(%dma_start3A_91 : memref<16x128xf32, #tpu.memory_space<vmem_shared>>) target(%dma_start3A_88 : memref<16x128xf32, #tpu.memory_space<hbm>>) target_semaphore(%run_scoped3A : memref<!tpu.dma_semaphore, #tpu.memory_space<semaphore_mem>>)
          %dma_wait3A_92 = arith.constant 9984 : i32
          %dma_wait3A_93 = arith.constant 0 : i32
          %dma_wait3A_94 = tpu.memref_slice %arg7[%dma_wait3A_92, %dma_wait3A_93] : memref<10000x128xf32, #tpu.memory_space<hbm>> -> memref<16x128xf32, #tpu.memory_space<hbm>>
          %dma_wait3A_95 = arith.constant 9984 : i32
          %dma_wait3A_96 = arith.constant 0 : i32
          %dma_wait3A_97 = tpu.memref_slice %arg33[%dma_wait3A_95, %dma_wait3A_96] : memref<10000x128xf32, #tpu.memory_space<vmem_shared>> -> memref<16x128xf32, #tpu.memory_space<vmem_shared>>
          tpu.wait_dma2 semaphore(%run_scoped3A : memref<!tpu.dma_semaphore, #tpu.memory_space<semaphore_mem>>) src(%dma_wait3A_97 : memref<16x128xf32, #tpu.memory_space<vmem_shared>>) dst(%dma_wait3A_94 : memref<16x128xf32, #tpu.memory_space<hbm>>)
          tpu.yield
        }) : () -> ()
      } else {
      }
    } else {
    }
    return
  }
}

#map = affine_map<(d0, d1) -> (0, 0)>
#map1 = affine_map<(d0, d1) -> (0)>
module attributes {stable_mosaic.version = 14 : i64} {
  func.func @k(%arg0: i32, %arg1: i32, %arg2: memref<10000x128xf32, #tpu.memory_space<hbm>>, %arg3: memref<320000xi32, #tpu.memory_space<hbm>>, %arg4: memref<320000xi32, #tpu.memory_space<hbm>>, %arg5: memref<10000x128xf32, #tpu.memory_space<hbm>>, %arg6: memref<1024xi32, #tpu.memory_space<hbm>>, %arg7: memref<10000x128xf32, #tpu.memory_space<hbm>>, %arg8: memref<10000x128xf32, #tpu.memory_space<hbm>>, %arg9: memref<10000x128xf32, #tpu.memory_space<hbm>>, %arg10: memref<1024x128xf32, #tpu.memory_space<hbm>>, %arg11: memref<1024x128xf32, #tpu.memory_space<hbm>>, %arg12: memref<1024x128xf32, #tpu.memory_space<hbm>>, %arg13: memref<1024x128xf32, #tpu.memory_space<hbm>>, %arg14: memref<1024x128xf32, #tpu.memory_space<hbm>>, %arg15: memref<40xi32, #tpu.memory_space<vmem>>, %arg16: memref<40xi32, #tpu.memory_space<vmem>>, %arg17: memref<40xi32, #tpu.memory_space<vmem>>, %arg18: memref<40xi32, #tpu.memory_space<vmem>>, %arg19: memref<40xi32, #tpu.memory_space<vmem>>, %arg20: memref<40xi32, #tpu.memory_space<vmem>>, %arg21: memref<40xi32, #tpu.memory_space<vmem>>, %arg22: memref<40xi32, #tpu.memory_space<vmem>>, %arg23: memref<40xi32, #tpu.memory_space<vmem>>, %arg24: memref<40xi32, #tpu.memory_space<vmem>>, %arg25: memref<40xi32, #tpu.memory_space<vmem>>, %arg26: memref<40xi32, #tpu.memory_space<vmem>>, %arg27: memref<40xi32, #tpu.memory_space<vmem>>, %arg28: memref<40xi32, #tpu.memory_space<vmem>>, %arg29: memref<40xi32, #tpu.memory_space<vmem>>, %arg30: memref<40xi32, #tpu.memory_space<vmem>>, %arg31: memref<40xi32, #tpu.memory_space<vmem>>, %arg32: memref<40xi32, #tpu.memory_space<vmem>>, %arg33: memref<40xi32, #tpu.memory_space<vmem>>, %arg34: memref<40xi32, #tpu.memory_space<vmem>>, %arg35: memref<40x128xf32, #tpu.memory_space<vmem>>, %arg36: memref<40x128xf32, #tpu.memory_space<vmem>>, %arg37: memref<40x128xf32, #tpu.memory_space<vmem>>, %arg38: memref<40x128xf32, #tpu.memory_space<vmem>>, %arg39: memref<40x128xf32, #tpu.memory_space<vmem>>, %arg40: memref<10000x128xf32, #tpu.memory_space<vmem_shared>>, %arg41: memref<16xi32, #tpu.memory_space<vmem>>, %arg42: memref<16x128xf32, #tpu.memory_space<vmem>>, %arg43: memref<64xi32, #tpu.memory_space<vmem>>, %arg44: memref<64x128xf32, #tpu.memory_space<vmem>>, %arg45: memref<!tpu.dma_semaphore, #tpu.memory_space<semaphore_mem>>, %arg46: memref<!tpu.dma_semaphore, #tpu.memory_space<semaphore_mem>>, %arg47: memref<!tpu.dma_semaphore, #tpu.memory_space<semaphore_mem>>, %arg48: memref<!tpu.dma_semaphore, #tpu.memory_space<semaphore_mem>>, %arg49: memref<!tpu.dma_semaphore, #tpu.memory_space<semaphore_mem>>, %arg50: memref<!tpu.dma_semaphore, #tpu.memory_space<semaphore_mem>>, %arg51: memref<!tpu.dma_semaphore, #tpu.memory_space<semaphore_mem>>, %arg52: memref<!tpu.dma_semaphore, #tpu.memory_space<semaphore_mem>>, %arg53: memref<!tpu.dma_semaphore, #tpu.memory_space<semaphore_mem>>, %arg54: memref<!tpu.dma_semaphore, #tpu.memory_space<semaphore_mem>>, %arg55: memref<!tpu.dma_semaphore, #tpu.memory_space<semaphore_mem>>, %arg56: memref<!tpu.dma_semaphore, #tpu.memory_space<semaphore_mem>>, %arg57: memref<!tpu.dma_semaphore, #tpu.memory_space<semaphore_mem>>, %arg58: memref<!tpu.dma_semaphore, #tpu.memory_space<semaphore_mem>>, %arg59: memref<!tpu.dma_semaphore, #tpu.memory_space<semaphore_mem>>, %arg60: memref<!tpu.dma_semaphore, #tpu.memory_space<semaphore_mem>>, %arg61: memref<!tpu.dma_semaphore, #tpu.memory_space<semaphore_mem>>, %arg62: memref<!tpu.dma_semaphore, #tpu.memory_space<semaphore_mem>>, %arg63: memref<!tpu.dma_semaphore, #tpu.memory_space<semaphore_mem>>, %arg64: memref<!tpu.dma_semaphore, #tpu.memory_space<semaphore_mem>>) attributes {dimension_semantics = [#tpu.dimension_semantics<core_parallel>, #tpu.dimension_semantics<subcore_parallel>], iteration_bounds = array<i64: 2, 16>, scalar_prefetch = 0 : i64, scratch_operands = 50 : i64, tpu.core_type = #tpu.core_type<sc_vector_subcore>, window_params = [{transform_indices = #map}, {transform_indices = #map1}, {transform_indices = #map1}, {transform_indices = #map}, {transform_indices = #map1}, {transform_indices = #map}, {transform_indices = #map}, {transform_indices = #map}, {transform_indices = #map}, {transform_indices = #map}, {transform_indices = #map}, {transform_indices = #map}, {transform_indices = #map}]} {
    %mul3A = arith.constant 2 : i32
    %mul3A_0 = arith.muli %arg1, %mul3A : i32
    %add3A = arith.addi %mul3A_0, %arg0 : i32
    %mul3A_1 = arith.constant 10000 : i32
    %mul3A_2 = arith.muli %add3A, %mul3A_1 : i32
    %mul3A_3 = arith.constant 624 : i32
    %mul3A_4 = arith.muli %arg1, %mul3A_3 : i32
    %mul3A_5 = arith.constant 624 : i32
    %mul3A_6 = arith.muli %arg1, %mul3A_5 : i32
    "tpu.region"() ({
      %run_scoped3A = tpu.sem_alloc : memref<!tpu.dma_semaphore, #tpu.memory_space<semaphore_mem>>
      %dma_start3A_79 = arith.constant 0 : i32
      %dma_start3A_80 = tpu.memref_slice %arg40[%mul3A_6, %dma_start3A_79] : memref<10000x128xf32, #tpu.memory_space<vmem_shared>> -> memref<624x128xf32, #tpu.memory_space<vmem_shared>>
      %dma_start3A_81 = arith.constant 0 : i32
      %dma_start3A_82 = tpu.memref_slice %arg5[%mul3A_4, %dma_start3A_81] : memref<10000x128xf32, #tpu.memory_space<hbm>> -> memref<624x128xf32, #tpu.memory_space<hbm>>
      tpu.enqueue_dma source(%dma_start3A_82 : memref<624x128xf32, #tpu.memory_space<hbm>>) target(%dma_start3A_80 : memref<624x128xf32, #tpu.memory_space<vmem_shared>>) target_semaphore(%run_scoped3A : memref<!tpu.dma_semaphore, #tpu.memory_space<semaphore_mem>>)
      %dma_wait3A_83 = arith.constant 0 : i32
      %dma_wait3A_84 = tpu.memref_slice %arg40[%mul3A_6, %dma_wait3A_83] : memref<10000x128xf32, #tpu.memory_space<vmem_shared>> -> memref<624x128xf32, #tpu.memory_space<vmem_shared>>
      %dma_wait3A_85 = arith.constant 0 : i32
      %dma_wait3A_86 = tpu.memref_slice %arg5[%mul3A_4, %dma_wait3A_85] : memref<10000x128xf32, #tpu.memory_space<hbm>> -> memref<624x128xf32, #tpu.memory_space<hbm>>
      tpu.wait_dma2 semaphore(%run_scoped3A : memref<!tpu.dma_semaphore, #tpu.memory_space<semaphore_mem>>) src(%dma_wait3A_86 : memref<624x128xf32, #tpu.memory_space<hbm>>) dst(%dma_wait3A_84 : memref<624x128xf32, #tpu.memory_space<vmem_shared>>)
      tpu.yield
    }) : () -> ()
    %eq3A = arith.constant 0 : i32
    %eq3A_7 = arith.cmpi eq, %arg1, %eq3A : i32
    %convert_element_type3A = arith.extui %eq3A_7 : i1 to i32
    %cond3A = arith.constant 0 : i32
    %cond3A_8 = arith.cmpi ne, %convert_element_type3A, %cond3A : i32
    scf.if %cond3A_8 {
      "tpu.region"() ({
        %run_scoped3A = tpu.sem_alloc : memref<!tpu.dma_semaphore, #tpu.memory_space<semaphore_mem>>
        %dma_start3A_79 = arith.constant 9984 : i32
        %dma_start3A_80 = arith.constant 0 : i32
        %dma_start3A_81 = tpu.memref_slice %arg40[%dma_start3A_79, %dma_start3A_80] : memref<10000x128xf32, #tpu.memory_space<vmem_shared>> -> memref<16x128xf32, #tpu.memory_space<vmem_shared>>
        %dma_start3A_82 = arith.constant 9984 : i32
        %dma_start3A_83 = arith.constant 0 : i32
        %dma_start3A_84 = tpu.memref_slice %arg5[%dma_start3A_82, %dma_start3A_83] : memref<10000x128xf32, #tpu.memory_space<hbm>> -> memref<16x128xf32, #tpu.memory_space<hbm>>
        tpu.enqueue_dma source(%dma_start3A_84 : memref<16x128xf32, #tpu.memory_space<hbm>>) target(%dma_start3A_81 : memref<16x128xf32, #tpu.memory_space<vmem_shared>>) target_semaphore(%run_scoped3A : memref<!tpu.dma_semaphore, #tpu.memory_space<semaphore_mem>>)
        %dma_wait3A_85 = arith.constant 9984 : i32
        %dma_wait3A_86 = arith.constant 0 : i32
        %dma_wait3A_87 = tpu.memref_slice %arg40[%dma_wait3A_85, %dma_wait3A_86] : memref<10000x128xf32, #tpu.memory_space<vmem_shared>> -> memref<16x128xf32, #tpu.memory_space<vmem_shared>>
        %dma_wait3A_88 = arith.constant 9984 : i32
        %dma_wait3A_89 = arith.constant 0 : i32
        %dma_wait3A_90 = tpu.memref_slice %arg5[%dma_wait3A_88, %dma_wait3A_89] : memref<10000x128xf32, #tpu.memory_space<hbm>> -> memref<16x128xf32, #tpu.memory_space<hbm>>
        tpu.wait_dma2 semaphore(%run_scoped3A : memref<!tpu.dma_semaphore, #tpu.memory_space<semaphore_mem>>) src(%dma_wait3A_90 : memref<16x128xf32, #tpu.memory_space<hbm>>) dst(%dma_wait3A_87 : memref<16x128xf32, #tpu.memory_space<vmem_shared>>)
        tpu.yield
      }) : () -> ()
    } else {
    }
    %barrier3A = arith.constant 0 : index
    tpu.barrier barrier_id(%barrier3A)
    %add3A_9 = arith.constant 0 : i32
    %add3A_10 = arith.addi %mul3A_2, %add3A_9 : i32
    %dma_start3A = tpu.memref_slice %arg3[%add3A_10] : memref<320000xi32, #tpu.memory_space<hbm>> -> memref<40xi32, #tpu.memory_space<hbm>>
    %dma_start3A_11 = tpu.memref_slice %arg3[%add3A_10] : memref<320000xi32, #tpu.memory_space<hbm>> -> memref<40xi32, #tpu.memory_space<hbm>>
    tpu.enqueue_dma source(%dma_start3A_11 : memref<40xi32, #tpu.memory_space<hbm>>) target(%arg15 : memref<40xi32, #tpu.memory_space<vmem>>) target_semaphore(%arg45 : memref<!tpu.dma_semaphore, #tpu.memory_space<semaphore_mem>>)
    %dma_start3A_12 = tpu.memref_slice %arg4[%add3A_10] : memref<320000xi32, #tpu.memory_space<hbm>> -> memref<40xi32, #tpu.memory_space<hbm>>
    %dma_start3A_13 = tpu.memref_slice %arg4[%add3A_10] : memref<320000xi32, #tpu.memory_space<hbm>> -> memref<40xi32, #tpu.memory_space<hbm>>
    tpu.enqueue_dma source(%dma_start3A_13 : memref<40xi32, #tpu.memory_space<hbm>>) target(%arg25 : memref<40xi32, #tpu.memory_space<vmem>>) target_semaphore(%arg45 : memref<!tpu.dma_semaphore, #tpu.memory_space<semaphore_mem>>)
    %add3A_14 = arith.constant 40 : i32
    %add3A_15 = arith.addi %mul3A_2, %add3A_14 : i32
    %dma_start3A_16 = tpu.memref_slice %arg3[%add3A_15] : memref<320000xi32, #tpu.memory_space<hbm>> -> memref<40xi32, #tpu.memory_space<hbm>>
    %dma_start3A_17 = tpu.memref_slice %arg3[%add3A_15] : memref<320000xi32, #tpu.memory_space<hbm>> -> memref<40xi32, #tpu.memory_space<hbm>>
    tpu.enqueue_dma source(%dma_start3A_17 : memref<40xi32, #tpu.memory_space<hbm>>) target(%arg16 : memref<40xi32, #tpu.memory_space<vmem>>) target_semaphore(%arg46 : memref<!tpu.dma_semaphore, #tpu.memory_space<semaphore_mem>>)
    %dma_start3A_18 = tpu.memref_slice %arg4[%add3A_15] : memref<320000xi32, #tpu.memory_space<hbm>> -> memref<40xi32, #tpu.memory_space<hbm>>
    %dma_start3A_19 = tpu.memref_slice %arg4[%add3A_15] : memref<320000xi32, #tpu.memory_space<hbm>> -> memref<40xi32, #tpu.memory_space<hbm>>
    tpu.enqueue_dma source(%dma_start3A_19 : memref<40xi32, #tpu.memory_space<hbm>>) target(%arg26 : memref<40xi32, #tpu.memory_space<vmem>>) target_semaphore(%arg46 : memref<!tpu.dma_semaphore, #tpu.memory_space<semaphore_mem>>)
    %add3A_20 = arith.constant 80 : i32
    %add3A_21 = arith.addi %mul3A_2, %add3A_20 : i32
    %dma_start3A_22 = tpu.memref_slice %arg3[%add3A_21] : memref<320000xi32, #tpu.memory_space<hbm>> -> memref<40xi32, #tpu.memory_space<hbm>>
    %dma_start3A_23 = tpu.memref_slice %arg3[%add3A_21] : memref<320000xi32, #tpu.memory_space<hbm>> -> memref<40xi32, #tpu.memory_space<hbm>>
    tpu.enqueue_dma source(%dma_start3A_23 : memref<40xi32, #tpu.memory_space<hbm>>) target(%arg17 : memref<40xi32, #tpu.memory_space<vmem>>) target_semaphore(%arg47 : memref<!tpu.dma_semaphore, #tpu.memory_space<semaphore_mem>>)
    %dma_start3A_24 = tpu.memref_slice %arg4[%add3A_21] : memref<320000xi32, #tpu.memory_space<hbm>> -> memref<40xi32, #tpu.memory_space<hbm>>
    %dma_start3A_25 = tpu.memref_slice %arg4[%add3A_21] : memref<320000xi32, #tpu.memory_space<hbm>> -> memref<40xi32, #tpu.memory_space<hbm>>
    tpu.enqueue_dma source(%dma_start3A_25 : memref<40xi32, #tpu.memory_space<hbm>>) target(%arg27 : memref<40xi32, #tpu.memory_space<vmem>>) target_semaphore(%arg47 : memref<!tpu.dma_semaphore, #tpu.memory_space<semaphore_mem>>)
    %add3A_26 = arith.constant 120 : i32
    %add3A_27 = arith.addi %mul3A_2, %add3A_26 : i32
    %dma_start3A_28 = tpu.memref_slice %arg3[%add3A_27] : memref<320000xi32, #tpu.memory_space<hbm>> -> memref<40xi32, #tpu.memory_space<hbm>>
    %dma_start3A_29 = tpu.memref_slice %arg3[%add3A_27] : memref<320000xi32, #tpu.memory_space<hbm>> -> memref<40xi32, #tpu.memory_space<hbm>>
    tpu.enqueue_dma source(%dma_start3A_29 : memref<40xi32, #tpu.memory_space<hbm>>) target(%arg18 : memref<40xi32, #tpu.memory_space<vmem>>) target_semaphore(%arg48 : memref<!tpu.dma_semaphore, #tpu.memory_space<semaphore_mem>>)
    %dma_start3A_30 = tpu.memref_slice %arg4[%add3A_27] : memref<320000xi32, #tpu.memory_space<hbm>> -> memref<40xi32, #tpu.memory_space<hbm>>
    %dma_start3A_31 = tpu.memref_slice %arg4[%add3A_27] : memref<320000xi32, #tpu.memory_space<hbm>> -> memref<40xi32, #tpu.memory_space<hbm>>
    tpu.enqueue_dma source(%dma_start3A_31 : memref<40xi32, #tpu.memory_space<hbm>>) target(%arg28 : memref<40xi32, #tpu.memory_space<vmem>>) target_semaphore(%arg48 : memref<!tpu.dma_semaphore, #tpu.memory_space<semaphore_mem>>)
    %add3A_32 = arith.constant 0 : i32
    %add3A_33 = arith.addi %mul3A_2, %add3A_32 : i32
    %dma_wait3A = tpu.memref_slice %arg3[%add3A_33] : memref<320000xi32, #tpu.memory_space<hbm>> -> memref<40xi32, #tpu.memory_space<hbm>>
    %dma_wait3A_34 = tpu.memref_slice %arg3[%add3A_33] : memref<320000xi32, #tpu.memory_space<hbm>> -> memref<40xi32, #tpu.memory_space<hbm>>
    tpu.wait_dma2 semaphore(%arg45 : memref<!tpu.dma_semaphore, #tpu.memory_space<semaphore_mem>>) src(%dma_wait3A_34 : memref<40xi32, #tpu.memory_space<hbm>>) dst(%arg15 : memref<40xi32, #tpu.memory_space<vmem>>)
    %dma_wait3A_35 = tpu.memref_slice %arg4[%add3A_33] : memref<320000xi32, #tpu.memory_space<hbm>> -> memref<40xi32, #tpu.memory_space<hbm>>
    %dma_wait3A_36 = tpu.memref_slice %arg4[%add3A_33] : memref<320000xi32, #tpu.memory_space<hbm>> -> memref<40xi32, #tpu.memory_space<hbm>>
    tpu.wait_dma2 semaphore(%arg45 : memref<!tpu.dma_semaphore, #tpu.memory_space<semaphore_mem>>) src(%dma_wait3A_36 : memref<40xi32, #tpu.memory_space<hbm>>) dst(%arg25 : memref<40xi32, #tpu.memory_space<vmem>>)
    %dma_start3A_37 = arith.constant 0 : i32
    %dma_start3A_38 = arith.constant 0 : i32
    %dma_start3A_39 = tpu.memref_slice %arg2[%dma_start3A_37, %dma_start3A_38] : memref<10000x128xf32, #tpu.memory_space<hbm>> -> memref<10000x128xf32, #tpu.memory_space<hbm>>
    tpu.enqueue_indirect_dma source(%dma_start3A_39 : memref<10000x128xf32, #tpu.memory_space<hbm>>) target(%arg35 : memref<40x128xf32, #tpu.memory_space<vmem>>) offsets(%arg15 : memref<40xi32, #tpu.memory_space<vmem>>) semaphore(%arg55 : memref<!tpu.dma_semaphore, #tpu.memory_space<semaphore_mem>>)
    %add3A_40 = arith.constant 40 : i32
    %add3A_41 = arith.addi %mul3A_2, %add3A_40 : i32
    %dma_wait3A_42 = tpu.memref_slice %arg3[%add3A_41] : memref<320000xi32, #tpu.memory_space<hbm>> -> memref<40xi32, #tpu.memory_space<hbm>>
    %dma_wait3A_43 = tpu.memref_slice %arg3[%add3A_41] : memref<320000xi32, #tpu.memory_space<hbm>> -> memref<40xi32, #tpu.memory_space<hbm>>
    tpu.wait_dma2 semaphore(%arg46 : memref<!tpu.dma_semaphore, #tpu.memory_space<semaphore_mem>>) src(%dma_wait3A_43 : memref<40xi32, #tpu.memory_space<hbm>>) dst(%arg16 : memref<40xi32, #tpu.memory_space<vmem>>)
    %dma_wait3A_44 = tpu.memref_slice %arg4[%add3A_41] : memref<320000xi32, #tpu.memory_space<hbm>> -> memref<40xi32, #tpu.memory_space<hbm>>
    %dma_wait3A_45 = tpu.memref_slice %arg4[%add3A_41] : memref<320000xi32, #tpu.memory_space<hbm>> -> memref<40xi32, #tpu.memory_space<hbm>>
    tpu.wait_dma2 semaphore(%arg46 : memref<!tpu.dma_semaphore, #tpu.memory_space<semaphore_mem>>) src(%dma_wait3A_45 : memref<40xi32, #tpu.memory_space<hbm>>) dst(%arg26 : memref<40xi32, #tpu.memory_space<vmem>>)
    %dma_start3A_46 = arith.constant 0 : i32
    %dma_start3A_47 = arith.constant 0 : i32
    %dma_start3A_48 = tpu.memref_slice %arg2[%dma_start3A_46, %dma_start3A_47] : memref<10000x128xf32, #tpu.memory_space<hbm>> -> memref<10000x128xf32, #tpu.memory_space<hbm>>
    tpu.enqueue_indirect_dma source(%dma_start3A_48 : memref<10000x128xf32, #tpu.memory_space<hbm>>) target(%arg36 : memref<40x128xf32, #tpu.memory_space<vmem>>) offsets(%arg16 : memref<40xi32, #tpu.memory_space<vmem>>) semaphore(%arg56 : memref<!tpu.dma_semaphore, #tpu.memory_space<semaphore_mem>>)
    %scan3A = arith.constant 0 : i32
    %scan3A_49 = arith.constant 25 : i32
    %scan3A_50 = arith.addi %scan3A, %scan3A_49 : i32
    %scan3A_51 = arith.constant 1 : i32
    scf.for %scan3A_79 = %scan3A to %scan3A_50 step %scan3A_51  : i32 {
      %mul3A_80 = arith.constant 10 : i32
      %mul3A_81 = arith.muli %mul3A_80, %scan3A_79 : i32
      %add3A_82 = arith.constant 0 : i32
      %add3A_83 = arith.addi %mul3A_81, %add3A_82 : i32
      %ge3A = arith.constant 3 : i32
      %ge3A_84 = arith.cmpi sge, %add3A_83, %ge3A : i32
      %convert_element_type3A_85 = arith.extui %ge3A_84 : i1 to i32
      %cond3A_86 = arith.constant 0 : i32
      %cond3A_87 = arith.cmpi ne, %convert_element_type3A_85, %cond3A_86 : i32
      scf.if %cond3A_87 {
        %dma_wait3A_368 = arith.constant 0 : i32
        %dma_wait3A_369 = arith.constant 0 : i32
        %dma_wait3A_370 = tpu.memref_slice %arg40[%dma_wait3A_368, %dma_wait3A_369] : memref<10000x128xf32, #tpu.memory_space<vmem_shared>> -> memref<10000x128xf32, #tpu.memory_space<vmem_shared>>
        tpu.wait_indirect_dma semaphore(%arg62 : memref<!tpu.dma_semaphore, #tpu.memory_space<semaphore_mem>>) src(%arg37 : memref<40x128xf32, #tpu.memory_space<vmem>>) dst(%dma_wait3A_370 : memref<10000x128xf32, #tpu.memory_space<vmem_shared>>)
      } else {
      }
      %add3A_88 = arith.constant 4 : i32
      %add3A_89 = arith.addi %add3A_83, %add3A_88 : i32
      %lt3A = arith.constant 250 : i32
      %lt3A_90 = arith.cmpi slt, %add3A_89, %lt3A : i32
      %convert_element_type3A_91 = arith.extui %lt3A_90 : i1 to i32
      %cond3A_92 = arith.constant 0 : i32
      %cond3A_93 = arith.cmpi ne, %convert_element_type3A_91, %cond3A_92 : i32
      scf.if %cond3A_93 {
        %add3A_368 = arith.constant 4 : i32
        %add3A_369 = arith.addi %add3A_83, %add3A_368 : i32
        %mul3A_370 = arith.constant 40 : i32
        %mul3A_371 = arith.muli %add3A_369, %mul3A_370 : i32
        %add3A_372 = arith.addi %mul3A_2, %mul3A_371 : i32
        %dma_start3A_373 = tpu.memref_slice %arg3[%add3A_372] : memref<320000xi32, #tpu.memory_space<hbm>> -> memref<40xi32, #tpu.memory_space<hbm>>
        %dma_start3A_374 = tpu.memref_slice %arg3[%add3A_372] : memref<320000xi32, #tpu.memory_space<hbm>> -> memref<40xi32, #tpu.memory_space<hbm>>
        tpu.enqueue_dma source(%dma_start3A_374 : memref<40xi32, #tpu.memory_space<hbm>>) target(%arg19 : memref<40xi32, #tpu.memory_space<vmem>>) target_semaphore(%arg49 : memref<!tpu.dma_semaphore, #tpu.memory_space<semaphore_mem>>)
        %dma_start3A_375 = tpu.memref_slice %arg4[%add3A_372] : memref<320000xi32, #tpu.memory_space<hbm>> -> memref<40xi32, #tpu.memory_space<hbm>>
        %dma_start3A_376 = tpu.memref_slice %arg4[%add3A_372] : memref<320000xi32, #tpu.memory_space<hbm>> -> memref<40xi32, #tpu.memory_space<hbm>>
        tpu.enqueue_dma source(%dma_start3A_376 : memref<40xi32, #tpu.memory_space<hbm>>) target(%arg29 : memref<40xi32, #tpu.memory_space<vmem>>) target_semaphore(%arg49 : memref<!tpu.dma_semaphore, #tpu.memory_space<semaphore_mem>>)
      } else {
      }
      %add3A_94 = arith.constant 2 : i32
      %add3A_95 = arith.addi %add3A_83, %add3A_94 : i32
      %lt3A_96 = arith.constant 250 : i32
      %lt3A_97 = arith.cmpi slt, %add3A_95, %lt3A_96 : i32
      %convert_element_type3A_98 = arith.extui %lt3A_97 : i1 to i32
      %cond3A_99 = arith.constant 0 : i32
      %cond3A_100 = arith.cmpi ne, %convert_element_type3A_98, %cond3A_99 : i32
      scf.if %cond3A_100 {
        %add3A_368 = arith.constant 2 : i32
        %add3A_369 = arith.addi %add3A_83, %add3A_368 : i32
        %mul3A_370 = arith.constant 40 : i32
        %mul3A_371 = arith.muli %add3A_369, %mul3A_370 : i32
        %add3A_372 = arith.addi %mul3A_2, %mul3A_371 : i32
        %dma_wait3A_373 = tpu.memref_slice %arg3[%add3A_372] : memref<320000xi32, #tpu.memory_space<hbm>> -> memref<40xi32, #tpu.memory_space<hbm>>
        %dma_wait3A_374 = tpu.memref_slice %arg3[%add3A_372] : memref<320000xi32, #tpu.memory_space<hbm>> -> memref<40xi32, #tpu.memory_space<hbm>>
        tpu.wait_dma2 semaphore(%arg47 : memref<!tpu.dma_semaphore, #tpu.memory_space<semaphore_mem>>) src(%dma_wait3A_374 : memref<40xi32, #tpu.memory_space<hbm>>) dst(%arg17 : memref<40xi32, #tpu.memory_space<vmem>>)
        %dma_wait3A_375 = tpu.memref_slice %arg4[%add3A_372] : memref<320000xi32, #tpu.memory_space<hbm>> -> memref<40xi32, #tpu.memory_space<hbm>>
        %dma_wait3A_376 = tpu.memref_slice %arg4[%add3A_372] : memref<320000xi32, #tpu.memory_space<hbm>> -> memref<40xi32, #tpu.memory_space<hbm>>
        tpu.wait_dma2 semaphore(%arg47 : memref<!tpu.dma_semaphore, #tpu.memory_space<semaphore_mem>>) src(%dma_wait3A_376 : memref<40xi32, #tpu.memory_space<hbm>>) dst(%arg27 : memref<40xi32, #tpu.memory_space<vmem>>)
        %dma_start3A_377 = arith.constant 0 : i32
        %dma_start3A_378 = arith.constant 0 : i32
        %dma_start3A_379 = tpu.memref_slice %arg2[%dma_start3A_377, %dma_start3A_378] : memref<10000x128xf32, #tpu.memory_space<hbm>> -> memref<10000x128xf32, #tpu.memory_space<hbm>>
        tpu.enqueue_indirect_dma source(%dma_start3A_379 : memref<10000x128xf32, #tpu.memory_space<hbm>>) target(%arg37 : memref<40x128xf32, #tpu.memory_space<vmem>>) offsets(%arg17 : memref<40xi32, #tpu.memory_space<vmem>>) semaphore(%arg57 : memref<!tpu.dma_semaphore, #tpu.memory_space<semaphore_mem>>)
      } else {
      }
      %dma_wait3A_101 = arith.constant 0 : i32
      %dma_wait3A_102 = arith.constant 0 : i32
      %dma_wait3A_103 = tpu.memref_slice %arg2[%dma_wait3A_101, %dma_wait3A_102] : memref<10000x128xf32, #tpu.memory_space<hbm>> -> memref<10000x128xf32, #tpu.memory_space<hbm>>
      tpu.wait_indirect_dma semaphore(%arg55 : memref<!tpu.dma_semaphore, #tpu.memory_space<semaphore_mem>>) src(%dma_wait3A_103 : memref<10000x128xf32, #tpu.memory_space<hbm>>) dst(%arg35 : memref<40x128xf32, #tpu.memory_space<vmem>>)
      %dma_start3A_104 = arith.constant 0 : i32
      %dma_start3A_105 = arith.constant 0 : i32
      %dma_start3A_106 = tpu.memref_slice %arg40[%dma_start3A_104, %dma_start3A_105] : memref<10000x128xf32, #tpu.memory_space<vmem_shared>> -> memref<10000x128xf32, #tpu.memory_space<vmem_shared>>
      tpu.enqueue_indirect_dma source(%arg35 : memref<40x128xf32, #tpu.memory_space<vmem>>) target(%dma_start3A_106 : memref<10000x128xf32, #tpu.memory_space<vmem_shared>>) offsets(%arg25 : memref<40xi32, #tpu.memory_space<vmem>>) semaphore(%arg60 : memref<!tpu.dma_semaphore, #tpu.memory_space<semaphore_mem>>) {add = true}
      %mul3A_107 = arith.constant 10 : i32
      %mul3A_108 = arith.muli %mul3A_107, %scan3A_79 : i32
      %add3A_109 = arith.constant 1 : i32
      %add3A_110 = arith.addi %mul3A_108, %add3A_109 : i32
      %ge3A_111 = arith.constant 3 : i32
      %ge3A_112 = arith.cmpi sge, %add3A_110, %ge3A_111 : i32
      %convert_element_type3A_113 = arith.extui %ge3A_112 : i1 to i32
      %cond3A_114 = arith.constant 0 : i32
      %cond3A_115 = arith.cmpi ne, %convert_element_type3A_113, %cond3A_114 : i32
      scf.if %cond3A_115 {
        %dma_wait3A_368 = arith.constant 0 : i32
        %dma_wait3A_369 = arith.constant 0 : i32
        %dma_wait3A_370 = tpu.memref_slice %arg40[%dma_wait3A_368, %dma_wait3A_369] : memref<10000x128xf32, #tpu.memory_space<vmem_shared>> -> memref<10000x128xf32, #tpu.memory_space<vmem_shared>>
        tpu.wait_indirect_dma semaphore(%arg63 : memref<!tpu.dma_semaphore, #tpu.memory_space<semaphore_mem>>) src(%arg38 : memref<40x128xf32, #tpu.memory_space<vmem>>) dst(%dma_wait3A_370 : memref<10000x128xf32, #tpu.memory_space<vmem_shared>>)
      } else {
      }
      %add3A_116 = arith.constant 4 : i32
      %add3A_117 = arith.addi %add3A_110, %add3A_116 : i32
      %lt3A_118 = arith.constant 250 : i32
      %lt3A_119 = arith.cmpi slt, %add3A_117, %lt3A_118 : i32
      %convert_element_type3A_120 = arith.extui %lt3A_119 : i1 to i32
      %cond3A_121 = arith.constant 0 : i32
      %cond3A_122 = arith.cmpi ne, %convert_element_type3A_120, %cond3A_121 : i32
      scf.if %cond3A_122 {
        %add3A_368 = arith.constant 4 : i32
        %add3A_369 = arith.addi %add3A_110, %add3A_368 : i32
        %mul3A_370 = arith.constant 40 : i32
        %mul3A_371 = arith.muli %add3A_369, %mul3A_370 : i32
        %add3A_372 = arith.addi %mul3A_2, %mul3A_371 : i32
        %dma_start3A_373 = tpu.memref_slice %arg3[%add3A_372] : memref<320000xi32, #tpu.memory_space<hbm>> -> memref<40xi32, #tpu.memory_space<hbm>>
        %dma_start3A_374 = tpu.memref_slice %arg3[%add3A_372] : memref<320000xi32, #tpu.memory_space<hbm>> -> memref<40xi32, #tpu.memory_space<hbm>>
        tpu.enqueue_dma source(%dma_start3A_374 : memref<40xi32, #tpu.memory_space<hbm>>) target(%arg20 : memref<40xi32, #tpu.memory_space<vmem>>) target_semaphore(%arg50 : memref<!tpu.dma_semaphore, #tpu.memory_space<semaphore_mem>>)
        %dma_start3A_375 = tpu.memref_slice %arg4[%add3A_372] : memref<320000xi32, #tpu.memory_space<hbm>> -> memref<40xi32, #tpu.memory_space<hbm>>
        %dma_start3A_376 = tpu.memref_slice %arg4[%add3A_372] : memref<320000xi32, #tpu.memory_space<hbm>> -> memref<40xi32, #tpu.memory_space<hbm>>
        tpu.enqueue_dma source(%dma_start3A_376 : memref<40xi32, #tpu.memory_space<hbm>>) target(%arg30 : memref<40xi32, #tpu.memory_space<vmem>>) target_semaphore(%arg50 : memref<!tpu.dma_semaphore, #tpu.memory_space<semaphore_mem>>)
      } else {
      }
      %add3A_123 = arith.constant 2 : i32
      %add3A_124 = arith.addi %add3A_110, %add3A_123 : i32
      %lt3A_125 = arith.constant 250 : i32
      %lt3A_126 = arith.cmpi slt, %add3A_124, %lt3A_125 : i32
      %convert_element_type3A_127 = arith.extui %lt3A_126 : i1 to i32
      %cond3A_128 = arith.constant 0 : i32
      %cond3A_129 = arith.cmpi ne, %convert_element_type3A_127, %cond3A_128 : i32
      scf.if %cond3A_129 {
        %add3A_368 = arith.constant 2 : i32
        %add3A_369 = arith.addi %add3A_110, %add3A_368 : i32
        %mul3A_370 = arith.constant 40 : i32
        %mul3A_371 = arith.muli %add3A_369, %mul3A_370 : i32
        %add3A_372 = arith.addi %mul3A_2, %mul3A_371 : i32
        %dma_wait3A_373 = tpu.memref_slice %arg3[%add3A_372] : memref<320000xi32, #tpu.memory_space<hbm>> -> memref<40xi32, #tpu.memory_space<hbm>>
        %dma_wait3A_374 = tpu.memref_slice %arg3[%add3A_372] : memref<320000xi32, #tpu.memory_space<hbm>> -> memref<40xi32, #tpu.memory_space<hbm>>
        tpu.wait_dma2 semaphore(%arg48 : memref<!tpu.dma_semaphore, #tpu.memory_space<semaphore_mem>>) src(%dma_wait3A_374 : memref<40xi32, #tpu.memory_space<hbm>>) dst(%arg18 : memref<40xi32, #tpu.memory_space<vmem>>)
        %dma_wait3A_375 = tpu.memref_slice %arg4[%add3A_372] : memref<320000xi32, #tpu.memory_space<hbm>> -> memref<40xi32, #tpu.memory_space<hbm>>
        %dma_wait3A_376 = tpu.memref_slice %arg4[%add3A_372] : memref<320000xi32, #tpu.memory_space<hbm>> -> memref<40xi32, #tpu.memory_space<hbm>>
        tpu.wait_dma2 semaphore(%arg48 : memref<!tpu.dma_semaphore, #tpu.memory_space<semaphore_mem>>) src(%dma_wait3A_376 : memref<40xi32, #tpu.memory_space<hbm>>) dst(%arg28 : memref<40xi32, #tpu.memory_space<vmem>>)
        %dma_start3A_377 = arith.constant 0 : i32
        %dma_start3A_378 = arith.constant 0 : i32
        %dma_start3A_379 = tpu.memref_slice %arg2[%dma_start3A_377, %dma_start3A_378] : memref<10000x128xf32, #tpu.memory_space<hbm>> -> memref<10000x128xf32, #tpu.memory_space<hbm>>
        tpu.enqueue_indirect_dma source(%dma_start3A_379 : memref<10000x128xf32, #tpu.memory_space<hbm>>) target(%arg38 : memref<40x128xf32, #tpu.memory_space<vmem>>) offsets(%arg18 : memref<40xi32, #tpu.memory_space<vmem>>) semaphore(%arg58 : memref<!tpu.dma_semaphore, #tpu.memory_space<semaphore_mem>>)
      } else {
      }
      %dma_wait3A_130 = arith.constant 0 : i32
      %dma_wait3A_131 = arith.constant 0 : i32
      %dma_wait3A_132 = tpu.memref_slice %arg2[%dma_wait3A_130, %dma_wait3A_131] : memref<10000x128xf32, #tpu.memory_space<hbm>> -> memref<10000x128xf32, #tpu.memory_space<hbm>>
      tpu.wait_indirect_dma semaphore(%arg56 : memref<!tpu.dma_semaphore, #tpu.memory_space<semaphore_mem>>) src(%dma_wait3A_132 : memref<10000x128xf32, #tpu.memory_space<hbm>>) dst(%arg36 : memref<40x128xf32, #tpu.memory_space<vmem>>)
      %dma_start3A_133 = arith.constant 0 : i32
      %dma_start3A_134 = arith.constant 0 : i32
      %dma_start3A_135 = tpu.memref_slice %arg40[%dma_start3A_133, %dma_start3A_134] : memref<10000x128xf32, #tpu.memory_space<vmem_shared>> -> memref<10000x128xf32, #tpu.memory_space<vmem_shared>>
      tpu.enqueue_indirect_dma source(%arg36 : memref<40x128xf32, #tpu.memory_space<vmem>>) target(%dma_start3A_135 : memref<10000x128xf32, #tpu.memory_space<vmem_shared>>) offsets(%arg26 : memref<40xi32, #tpu.memory_space<vmem>>) semaphore(%arg61 : memref<!tpu.dma_semaphore, #tpu.memory_space<semaphore_mem>>) {add = true}
      %mul3A_136 = arith.constant 10 : i32
      %mul3A_137 = arith.muli %mul3A_136, %scan3A_79 : i32
      %add3A_138 = arith.constant 2 : i32
      %add3A_139 = arith.addi %mul3A_137, %add3A_138 : i32
      %ge3A_140 = arith.constant 3 : i32
      %ge3A_141 = arith.cmpi sge, %add3A_139, %ge3A_140 : i32
      %convert_element_type3A_142 = arith.extui %ge3A_141 : i1 to i32
      %cond3A_143 = arith.constant 0 : i32
      %cond3A_144 = arith.cmpi ne, %convert_element_type3A_142, %cond3A_143 : i32
      scf.if %cond3A_144 {
        %dma_wait3A_368 = arith.constant 0 : i32
        %dma_wait3A_369 = arith.constant 0 : i32
        %dma_wait3A_370 = tpu.memref_slice %arg40[%dma_wait3A_368, %dma_wait3A_369] : memref<10000x128xf32, #tpu.memory_space<vmem_shared>> -> memref<10000x128xf32, #tpu.memory_space<vmem_shared>>
        tpu.wait_indirect_dma semaphore(%arg64 : memref<!tpu.dma_semaphore, #tpu.memory_space<semaphore_mem>>) src(%arg39 : memref<40x128xf32, #tpu.memory_space<vmem>>) dst(%dma_wait3A_370 : memref<10000x128xf32, #tpu.memory_space<vmem_shared>>)
      } else {
      }
      %add3A_145 = arith.constant 4 : i32
      %add3A_146 = arith.addi %add3A_139, %add3A_145 : i32
      %lt3A_147 = arith.constant 250 : i32
      %lt3A_148 = arith.cmpi slt, %add3A_146, %lt3A_147 : i32
      %convert_element_type3A_149 = arith.extui %lt3A_148 : i1 to i32
      %cond3A_150 = arith.constant 0 : i32
      %cond3A_151 = arith.cmpi ne, %convert_element_type3A_149, %cond3A_150 : i32
      scf.if %cond3A_151 {
        %add3A_368 = arith.constant 4 : i32
        %add3A_369 = arith.addi %add3A_139, %add3A_368 : i32
        %mul3A_370 = arith.constant 40 : i32
        %mul3A_371 = arith.muli %add3A_369, %mul3A_370 : i32
        %add3A_372 = arith.addi %mul3A_2, %mul3A_371 : i32
        %dma_start3A_373 = tpu.memref_slice %arg3[%add3A_372] : memref<320000xi32, #tpu.memory_space<hbm>> -> memref<40xi32, #tpu.memory_space<hbm>>
        %dma_start3A_374 = tpu.memref_slice %arg3[%add3A_372] : memref<320000xi32, #tpu.memory_space<hbm>> -> memref<40xi32, #tpu.memory_space<hbm>>
        tpu.enqueue_dma source(%dma_start3A_374 : memref<40xi32, #tpu.memory_space<hbm>>) target(%arg21 : memref<40xi32, #tpu.memory_space<vmem>>) target_semaphore(%arg51 : memref<!tpu.dma_semaphore, #tpu.memory_space<semaphore_mem>>)
        %dma_start3A_375 = tpu.memref_slice %arg4[%add3A_372] : memref<320000xi32, #tpu.memory_space<hbm>> -> memref<40xi32, #tpu.memory_space<hbm>>
        %dma_start3A_376 = tpu.memref_slice %arg4[%add3A_372] : memref<320000xi32, #tpu.memory_space<hbm>> -> memref<40xi32, #tpu.memory_space<hbm>>
        tpu.enqueue_dma source(%dma_start3A_376 : memref<40xi32, #tpu.memory_space<hbm>>) target(%arg31 : memref<40xi32, #tpu.memory_space<vmem>>) target_semaphore(%arg51 : memref<!tpu.dma_semaphore, #tpu.memory_space<semaphore_mem>>)
      } else {
      }
      %add3A_152 = arith.constant 2 : i32
      %add3A_153 = arith.addi %add3A_139, %add3A_152 : i32
      %lt3A_154 = arith.constant 250 : i32
      %lt3A_155 = arith.cmpi slt, %add3A_153, %lt3A_154 : i32
      %convert_element_type3A_156 = arith.extui %lt3A_155 : i1 to i32
      %cond3A_157 = arith.constant 0 : i32
      %cond3A_158 = arith.cmpi ne, %convert_element_type3A_156, %cond3A_157 : i32
      scf.if %cond3A_158 {
        %add3A_368 = arith.constant 2 : i32
        %add3A_369 = arith.addi %add3A_139, %add3A_368 : i32
        %mul3A_370 = arith.constant 40 : i32
        %mul3A_371 = arith.muli %add3A_369, %mul3A_370 : i32
        %add3A_372 = arith.addi %mul3A_2, %mul3A_371 : i32
        %dma_wait3A_373 = tpu.memref_slice %arg3[%add3A_372] : memref<320000xi32, #tpu.memory_space<hbm>> -> memref<40xi32, #tpu.memory_space<hbm>>
        %dma_wait3A_374 = tpu.memref_slice %arg3[%add3A_372] : memref<320000xi32, #tpu.memory_space<hbm>> -> memref<40xi32, #tpu.memory_space<hbm>>
        tpu.wait_dma2 semaphore(%arg49 : memref<!tpu.dma_semaphore, #tpu.memory_space<semaphore_mem>>) src(%dma_wait3A_374 : memref<40xi32, #tpu.memory_space<hbm>>) dst(%arg19 : memref<40xi32, #tpu.memory_space<vmem>>)
        %dma_wait3A_375 = tpu.memref_slice %arg4[%add3A_372] : memref<320000xi32, #tpu.memory_space<hbm>> -> memref<40xi32, #tpu.memory_space<hbm>>
        %dma_wait3A_376 = tpu.memref_slice %arg4[%add3A_372] : memref<320000xi32, #tpu.memory_space<hbm>> -> memref<40xi32, #tpu.memory_space<hbm>>
        tpu.wait_dma2 semaphore(%arg49 : memref<!tpu.dma_semaphore, #tpu.memory_space<semaphore_mem>>) src(%dma_wait3A_376 : memref<40xi32, #tpu.memory_space<hbm>>) dst(%arg29 : memref<40xi32, #tpu.memory_space<vmem>>)
        %dma_start3A_377 = arith.constant 0 : i32
        %dma_start3A_378 = arith.constant 0 : i32
        %dma_start3A_379 = tpu.memref_slice %arg2[%dma_start3A_377, %dma_start3A_378] : memref<10000x128xf32, #tpu.memory_space<hbm>> -> memref<10000x128xf32, #tpu.memory_space<hbm>>
        tpu.enqueue_indirect_dma source(%dma_start3A_379 : memref<10000x128xf32, #tpu.memory_space<hbm>>) target(%arg39 : memref<40x128xf32, #tpu.memory_space<vmem>>) offsets(%arg19 : memref<40xi32, #tpu.memory_space<vmem>>) semaphore(%arg59 : memref<!tpu.dma_semaphore, #tpu.memory_space<semaphore_mem>>)
      } else {
      }
      %dma_wait3A_159 = arith.constant 0 : i32
      %dma_wait3A_160 = arith.constant 0 : i32
      %dma_wait3A_161 = tpu.memref_slice %arg2[%dma_wait3A_159, %dma_wait3A_160] : memref<10000x128xf32, #tpu.memory_space<hbm>> -> memref<10000x128xf32, #tpu.memory_space<hbm>>
      tpu.wait_indirect_dma semaphore(%arg57 : memref<!tpu.dma_semaphore, #tpu.memory_space<semaphore_mem>>) src(%dma_wait3A_161 : memref<10000x128xf32, #tpu.memory_space<hbm>>) dst(%arg37 : memref<40x128xf32, #tpu.memory_space<vmem>>)
      %dma_start3A_162 = arith.constant 0 : i32
      %dma_start3A_163 = arith.constant 0 : i32
      %dma_start3A_164 = tpu.memref_slice %arg40[%dma_start3A_162, %dma_start3A_163] : memref<10000x128xf32, #tpu.memory_space<vmem_shared>> -> memref<10000x128xf32, #tpu.memory_space<vmem_shared>>
      tpu.enqueue_indirect_dma source(%arg37 : memref<40x128xf32, #tpu.memory_space<vmem>>) target(%dma_start3A_164 : memref<10000x128xf32, #tpu.memory_space<vmem_shared>>) offsets(%arg27 : memref<40xi32, #tpu.memory_space<vmem>>) semaphore(%arg62 : memref<!tpu.dma_semaphore, #tpu.memory_space<semaphore_mem>>) {add = true}
      %mul3A_165 = arith.constant 10 : i32
      %mul3A_166 = arith.muli %mul3A_165, %scan3A_79 : i32
      %add3A_167 = arith.constant 3 : i32
      %add3A_168 = arith.addi %mul3A_166, %add3A_167 : i32
      %ge3A_169 = arith.constant 3 : i32
      %ge3A_170 = arith.cmpi sge, %add3A_168, %ge3A_169 : i32
      %convert_element_type3A_171 = arith.extui %ge3A_170 : i1 to i32
      %cond3A_172 = arith.constant 0 : i32
      %cond3A_173 = arith.cmpi ne, %convert_element_type3A_171, %cond3A_172 : i32
      scf.if %cond3A_173 {
        %dma_wait3A_368 = arith.constant 0 : i32
        %dma_wait3A_369 = arith.constant 0 : i32
        %dma_wait3A_370 = tpu.memref_slice %arg40[%dma_wait3A_368, %dma_wait3A_369] : memref<10000x128xf32, #tpu.memory_space<vmem_shared>> -> memref<10000x128xf32, #tpu.memory_space<vmem_shared>>
        tpu.wait_indirect_dma semaphore(%arg60 : memref<!tpu.dma_semaphore, #tpu.memory_space<semaphore_mem>>) src(%arg35 : memref<40x128xf32, #tpu.memory_space<vmem>>) dst(%dma_wait3A_370 : memref<10000x128xf32, #tpu.memory_space<vmem_shared>>)
      } else {
      }
      %add3A_174 = arith.constant 4 : i32
      %add3A_175 = arith.addi %add3A_168, %add3A_174 : i32
      %lt3A_176 = arith.constant 250 : i32
      %lt3A_177 = arith.cmpi slt, %add3A_175, %lt3A_176 : i32
      %convert_element_type3A_178 = arith.extui %lt3A_177 : i1 to i32
      %cond3A_179 = arith.constant 0 : i32
      %cond3A_180 = arith.cmpi ne, %convert_element_type3A_178, %cond3A_179 : i32
      scf.if %cond3A_180 {
        %add3A_368 = arith.constant 4 : i32
        %add3A_369 = arith.addi %add3A_168, %add3A_368 : i32
        %mul3A_370 = arith.constant 40 : i32
        %mul3A_371 = arith.muli %add3A_369, %mul3A_370 : i32
        %add3A_372 = arith.addi %mul3A_2, %mul3A_371 : i32
        %dma_start3A_373 = tpu.memref_slice %arg3[%add3A_372] : memref<320000xi32, #tpu.memory_space<hbm>> -> memref<40xi32, #tpu.memory_space<hbm>>
        %dma_start3A_374 = tpu.memref_slice %arg3[%add3A_372] : memref<320000xi32, #tpu.memory_space<hbm>> -> memref<40xi32, #tpu.memory_space<hbm>>
        tpu.enqueue_dma source(%dma_start3A_374 : memref<40xi32, #tpu.memory_space<hbm>>) target(%arg22 : memref<40xi32, #tpu.memory_space<vmem>>) target_semaphore(%arg52 : memref<!tpu.dma_semaphore, #tpu.memory_space<semaphore_mem>>)
        %dma_start3A_375 = tpu.memref_slice %arg4[%add3A_372] : memref<320000xi32, #tpu.memory_space<hbm>> -> memref<40xi32, #tpu.memory_space<hbm>>
        %dma_start3A_376 = tpu.memref_slice %arg4[%add3A_372] : memref<320000xi32, #tpu.memory_space<hbm>> -> memref<40xi32, #tpu.memory_space<hbm>>
        tpu.enqueue_dma source(%dma_start3A_376 : memref<40xi32, #tpu.memory_space<hbm>>) target(%arg32 : memref<40xi32, #tpu.memory_space<vmem>>) target_semaphore(%arg52 : memref<!tpu.dma_semaphore, #tpu.memory_space<semaphore_mem>>)
      } else {
      }
      %add3A_181 = arith.constant 2 : i32
      %add3A_182 = arith.addi %add3A_168, %add3A_181 : i32
      %lt3A_183 = arith.constant 250 : i32
      %lt3A_184 = arith.cmpi slt, %add3A_182, %lt3A_183 : i32
      %convert_element_type3A_185 = arith.extui %lt3A_184 : i1 to i32
      %cond3A_186 = arith.constant 0 : i32
      %cond3A_187 = arith.cmpi ne, %convert_element_type3A_185, %cond3A_186 : i32
      scf.if %cond3A_187 {
        %add3A_368 = arith.constant 2 : i32
        %add3A_369 = arith.addi %add3A_168, %add3A_368 : i32
        %mul3A_370 = arith.constant 40 : i32
        %mul3A_371 = arith.muli %add3A_369, %mul3A_370 : i32
        %add3A_372 = arith.addi %mul3A_2, %mul3A_371 : i32
        %dma_wait3A_373 = tpu.memref_slice %arg3[%add3A_372] : memref<320000xi32, #tpu.memory_space<hbm>> -> memref<40xi32, #tpu.memory_space<hbm>>
        %dma_wait3A_374 = tpu.memref_slice %arg3[%add3A_372] : memref<320000xi32, #tpu.memory_space<hbm>> -> memref<40xi32, #tpu.memory_space<hbm>>
        tpu.wait_dma2 semaphore(%arg50 : memref<!tpu.dma_semaphore, #tpu.memory_space<semaphore_mem>>) src(%dma_wait3A_374 : memref<40xi32, #tpu.memory_space<hbm>>) dst(%arg20 : memref<40xi32, #tpu.memory_space<vmem>>)
        %dma_wait3A_375 = tpu.memref_slice %arg4[%add3A_372] : memref<320000xi32, #tpu.memory_space<hbm>> -> memref<40xi32, #tpu.memory_space<hbm>>
        %dma_wait3A_376 = tpu.memref_slice %arg4[%add3A_372] : memref<320000xi32, #tpu.memory_space<hbm>> -> memref<40xi32, #tpu.memory_space<hbm>>
        tpu.wait_dma2 semaphore(%arg50 : memref<!tpu.dma_semaphore, #tpu.memory_space<semaphore_mem>>) src(%dma_wait3A_376 : memref<40xi32, #tpu.memory_space<hbm>>) dst(%arg30 : memref<40xi32, #tpu.memory_space<vmem>>)
        %dma_start3A_377 = arith.constant 0 : i32
        %dma_start3A_378 = arith.constant 0 : i32
        %dma_start3A_379 = tpu.memref_slice %arg2[%dma_start3A_377, %dma_start3A_378] : memref<10000x128xf32, #tpu.memory_space<hbm>> -> memref<10000x128xf32, #tpu.memory_space<hbm>>
        tpu.enqueue_indirect_dma source(%dma_start3A_379 : memref<10000x128xf32, #tpu.memory_space<hbm>>) target(%arg35 : memref<40x128xf32, #tpu.memory_space<vmem>>) offsets(%arg20 : memref<40xi32, #tpu.memory_space<vmem>>) semaphore(%arg55 : memref<!tpu.dma_semaphore, #tpu.memory_space<semaphore_mem>>)
      } else {
      }
      %dma_wait3A_188 = arith.constant 0 : i32
      %dma_wait3A_189 = arith.constant 0 : i32
      %dma_wait3A_190 = tpu.memref_slice %arg2[%dma_wait3A_188, %dma_wait3A_189] : memref<10000x128xf32, #tpu.memory_space<hbm>> -> memref<10000x128xf32, #tpu.memory_space<hbm>>
      tpu.wait_indirect_dma semaphore(%arg58 : memref<!tpu.dma_semaphore, #tpu.memory_space<semaphore_mem>>) src(%dma_wait3A_190 : memref<10000x128xf32, #tpu.memory_space<hbm>>) dst(%arg38 : memref<40x128xf32, #tpu.memory_space<vmem>>)
      %dma_start3A_191 = arith.constant 0 : i32
      %dma_start3A_192 = arith.constant 0 : i32
      %dma_start3A_193 = tpu.memref_slice %arg40[%dma_start3A_191, %dma_start3A_192] : memref<10000x128xf32, #tpu.memory_space<vmem_shared>> -> memref<10000x128xf32, #tpu.memory_space<vmem_shared>>
      tpu.enqueue_indirect_dma source(%arg38 : memref<40x128xf32, #tpu.memory_space<vmem>>) target(%dma_start3A_193 : memref<10000x128xf32, #tpu.memory_space<vmem_shared>>) offsets(%arg28 : memref<40xi32, #tpu.memory_space<vmem>>) semaphore(%arg63 : memref<!tpu.dma_semaphore, #tpu.memory_space<semaphore_mem>>) {add = true}
      %mul3A_194 = arith.constant 10 : i32
      %mul3A_195 = arith.muli %mul3A_194, %scan3A_79 : i32
      %add3A_196 = arith.constant 4 : i32
      %add3A_197 = arith.addi %mul3A_195, %add3A_196 : i32
      %ge3A_198 = arith.constant 3 : i32
      %ge3A_199 = arith.cmpi sge, %add3A_197, %ge3A_198 : i32
      %convert_element_type3A_200 = arith.extui %ge3A_199 : i1 to i32
      %cond3A_201 = arith.constant 0 : i32
      %cond3A_202 = arith.cmpi ne, %convert_element_type3A_200, %cond3A_201 : i32
      scf.if %cond3A_202 {
        %dma_wait3A_368 = arith.constant 0 : i32
        %dma_wait3A_369 = arith.constant 0 : i32
        %dma_wait3A_370 = tpu.memref_slice %arg40[%dma_wait3A_368, %dma_wait3A_369] : memref<10000x128xf32, #tpu.memory_space<vmem_shared>> -> memref<10000x128xf32, #tpu.memory_space<vmem_shared>>
        tpu.wait_indirect_dma semaphore(%arg61 : memref<!tpu.dma_semaphore, #tpu.memory_space<semaphore_mem>>) src(%arg36 : memref<40x128xf32, #tpu.memory_space<vmem>>) dst(%dma_wait3A_370 : memref<10000x128xf32, #tpu.memory_space<vmem_shared>>)
      } else {
      }
      %add3A_203 = arith.constant 4 : i32
      %add3A_204 = arith.addi %add3A_197, %add3A_203 : i32
      %lt3A_205 = arith.constant 250 : i32
      %lt3A_206 = arith.cmpi slt, %add3A_204, %lt3A_205 : i32
      %convert_element_type3A_207 = arith.extui %lt3A_206 : i1 to i32
      %cond3A_208 = arith.constant 0 : i32
      %cond3A_209 = arith.cmpi ne, %convert_element_type3A_207, %cond3A_208 : i32
      scf.if %cond3A_209 {
        %add3A_368 = arith.constant 4 : i32
        %add3A_369 = arith.addi %add3A_197, %add3A_368 : i32
        %mul3A_370 = arith.constant 40 : i32
        %mul3A_371 = arith.muli %add3A_369, %mul3A_370 : i32
        %add3A_372 = arith.addi %mul3A_2, %mul3A_371 : i32
        %dma_start3A_373 = tpu.memref_slice %arg3[%add3A_372] : memref<320000xi32, #tpu.memory_space<hbm>> -> memref<40xi32, #tpu.memory_space<hbm>>
        %dma_start3A_374 = tpu.memref_slice %arg3[%add3A_372] : memref<320000xi32, #tpu.memory_space<hbm>> -> memref<40xi32, #tpu.memory_space<hbm>>
        tpu.enqueue_dma source(%dma_start3A_374 : memref<40xi32, #tpu.memory_space<hbm>>) target(%arg23 : memref<40xi32, #tpu.memory_space<vmem>>) target_semaphore(%arg53 : memref<!tpu.dma_semaphore, #tpu.memory_space<semaphore_mem>>)
        %dma_start3A_375 = tpu.memref_slice %arg4[%add3A_372] : memref<320000xi32, #tpu.memory_space<hbm>> -> memref<40xi32, #tpu.memory_space<hbm>>
        %dma_start3A_376 = tpu.memref_slice %arg4[%add3A_372] : memref<320000xi32, #tpu.memory_space<hbm>> -> memref<40xi32, #tpu.memory_space<hbm>>
        tpu.enqueue_dma source(%dma_start3A_376 : memref<40xi32, #tpu.memory_space<hbm>>) target(%arg33 : memref<40xi32, #tpu.memory_space<vmem>>) target_semaphore(%arg53 : memref<!tpu.dma_semaphore, #tpu.memory_space<semaphore_mem>>)
      } else {
      }
      %add3A_210 = arith.constant 2 : i32
      %add3A_211 = arith.addi %add3A_197, %add3A_210 : i32
      %lt3A_212 = arith.constant 250 : i32
      %lt3A_213 = arith.cmpi slt, %add3A_211, %lt3A_212 : i32
      %convert_element_type3A_214 = arith.extui %lt3A_213 : i1 to i32
      %cond3A_215 = arith.constant 0 : i32
      %cond3A_216 = arith.cmpi ne, %convert_element_type3A_214, %cond3A_215 : i32
      scf.if %cond3A_216 {
        %add3A_368 = arith.constant 2 : i32
        %add3A_369 = arith.addi %add3A_197, %add3A_368 : i32
        %mul3A_370 = arith.constant 40 : i32
        %mul3A_371 = arith.muli %add3A_369, %mul3A_370 : i32
        %add3A_372 = arith.addi %mul3A_2, %mul3A_371 : i32
        %dma_wait3A_373 = tpu.memref_slice %arg3[%add3A_372] : memref<320000xi32, #tpu.memory_space<hbm>> -> memref<40xi32, #tpu.memory_space<hbm>>
        %dma_wait3A_374 = tpu.memref_slice %arg3[%add3A_372] : memref<320000xi32, #tpu.memory_space<hbm>> -> memref<40xi32, #tpu.memory_space<hbm>>
        tpu.wait_dma2 semaphore(%arg51 : memref<!tpu.dma_semaphore, #tpu.memory_space<semaphore_mem>>) src(%dma_wait3A_374 : memref<40xi32, #tpu.memory_space<hbm>>) dst(%arg21 : memref<40xi32, #tpu.memory_space<vmem>>)
        %dma_wait3A_375 = tpu.memref_slice %arg4[%add3A_372] : memref<320000xi32, #tpu.memory_space<hbm>> -> memref<40xi32, #tpu.memory_space<hbm>>
        %dma_wait3A_376 = tpu.memref_slice %arg4[%add3A_372] : memref<320000xi32, #tpu.memory_space<hbm>> -> memref<40xi32, #tpu.memory_space<hbm>>
        tpu.wait_dma2 semaphore(%arg51 : memref<!tpu.dma_semaphore, #tpu.memory_space<semaphore_mem>>) src(%dma_wait3A_376 : memref<40xi32, #tpu.memory_space<hbm>>) dst(%arg31 : memref<40xi32, #tpu.memory_space<vmem>>)
        %dma_start3A_377 = arith.constant 0 : i32
        %dma_start3A_378 = arith.constant 0 : i32
        %dma_start3A_379 = tpu.memref_slice %arg2[%dma_start3A_377, %dma_start3A_378] : memref<10000x128xf32, #tpu.memory_space<hbm>> -> memref<10000x128xf32, #tpu.memory_space<hbm>>
        tpu.enqueue_indirect_dma source(%dma_start3A_379 : memref<10000x128xf32, #tpu.memory_space<hbm>>) target(%arg36 : memref<40x128xf32, #tpu.memory_space<vmem>>) offsets(%arg21 : memref<40xi32, #tpu.memory_space<vmem>>) semaphore(%arg56 : memref<!tpu.dma_semaphore, #tpu.memory_space<semaphore_mem>>)
      } else {
      }
      %dma_wait3A_217 = arith.constant 0 : i32
      %dma_wait3A_218 = arith.constant 0 : i32
      %dma_wait3A_219 = tpu.memref_slice %arg2[%dma_wait3A_217, %dma_wait3A_218] : memref<10000x128xf32, #tpu.memory_space<hbm>> -> memref<10000x128xf32, #tpu.memory_space<hbm>>
      tpu.wait_indirect_dma semaphore(%arg59 : memref<!tpu.dma_semaphore, #tpu.memory_space<semaphore_mem>>) src(%dma_wait3A_219 : memref<10000x128xf32, #tpu.memory_space<hbm>>) dst(%arg39 : memref<40x128xf32, #tpu.memory_space<vmem>>)
      %dma_start3A_220 = arith.constant 0 : i32
      %dma_start3A_221 = arith.constant 0 : i32
      %dma_start3A_222 = tpu.memref_slice %arg40[%dma_start3A_220, %dma_start3A_221] : memref<10000x128xf32, #tpu.memory_space<vmem_shared>> -> memref<10000x128xf32, #tpu.memory_space<vmem_shared>>
      tpu.enqueue_indirect_dma source(%arg39 : memref<40x128xf32, #tpu.memory_space<vmem>>) target(%dma_start3A_222 : memref<10000x128xf32, #tpu.memory_space<vmem_shared>>) offsets(%arg29 : memref<40xi32, #tpu.memory_space<vmem>>) semaphore(%arg64 : memref<!tpu.dma_semaphore, #tpu.memory_space<semaphore_mem>>) {add = true}
      %mul3A_223 = arith.constant 10 : i32
      %mul3A_224 = arith.muli %mul3A_223, %scan3A_79 : i32
      %add3A_225 = arith.constant 5 : i32
      %add3A_226 = arith.addi %mul3A_224, %add3A_225 : i32
      %ge3A_227 = arith.constant 3 : i32
      %ge3A_228 = arith.cmpi sge, %add3A_226, %ge3A_227 : i32
      %convert_element_type3A_229 = arith.extui %ge3A_228 : i1 to i32
      %cond3A_230 = arith.constant 0 : i32
      %cond3A_231 = arith.cmpi ne, %convert_element_type3A_229, %cond3A_230 : i32
      scf.if %cond3A_231 {
        %dma_wait3A_368 = arith.constant 0 : i32
        %dma_wait3A_369 = arith.constant 0 : i32
        %dma_wait3A_370 = tpu.memref_slice %arg40[%dma_wait3A_368, %dma_wait3A_369] : memref<10000x128xf32, #tpu.memory_space<vmem_shared>> -> memref<10000x128xf32, #tpu.memory_space<vmem_shared>>
        tpu.wait_indirect_dma semaphore(%arg62 : memref<!tpu.dma_semaphore, #tpu.memory_space<semaphore_mem>>) src(%arg37 : memref<40x128xf32, #tpu.memory_space<vmem>>) dst(%dma_wait3A_370 : memref<10000x128xf32, #tpu.memory_space<vmem_shared>>)
      } else {
      }
      %add3A_232 = arith.constant 4 : i32
      %add3A_233 = arith.addi %add3A_226, %add3A_232 : i32
      %lt3A_234 = arith.constant 250 : i32
      %lt3A_235 = arith.cmpi slt, %add3A_233, %lt3A_234 : i32
      %convert_element_type3A_236 = arith.extui %lt3A_235 : i1 to i32
      %cond3A_237 = arith.constant 0 : i32
      %cond3A_238 = arith.cmpi ne, %convert_element_type3A_236, %cond3A_237 : i32
      scf.if %cond3A_238 {
        %add3A_368 = arith.constant 4 : i32
        %add3A_369 = arith.addi %add3A_226, %add3A_368 : i32
        %mul3A_370 = arith.constant 40 : i32
        %mul3A_371 = arith.muli %add3A_369, %mul3A_370 : i32
        %add3A_372 = arith.addi %mul3A_2, %mul3A_371 : i32
        %dma_start3A_373 = tpu.memref_slice %arg3[%add3A_372] : memref<320000xi32, #tpu.memory_space<hbm>> -> memref<40xi32, #tpu.memory_space<hbm>>
        %dma_start3A_374 = tpu.memref_slice %arg3[%add3A_372] : memref<320000xi32, #tpu.memory_space<hbm>> -> memref<40xi32, #tpu.memory_space<hbm>>
        tpu.enqueue_dma source(%dma_start3A_374 : memref<40xi32, #tpu.memory_space<hbm>>) target(%arg24 : memref<40xi32, #tpu.memory_space<vmem>>) target_semaphore(%arg54 : memref<!tpu.dma_semaphore, #tpu.memory_space<semaphore_mem>>)
        %dma_start3A_375 = tpu.memref_slice %arg4[%add3A_372] : memref<320000xi32, #tpu.memory_space<hbm>> -> memref<40xi32, #tpu.memory_space<hbm>>
        %dma_start3A_376 = tpu.memref_slice %arg4[%add3A_372] : memref<320000xi32, #tpu.memory_space<hbm>> -> memref<40xi32, #tpu.memory_space<hbm>>
        tpu.enqueue_dma source(%dma_start3A_376 : memref<40xi32, #tpu.memory_space<hbm>>) target(%arg34 : memref<40xi32, #tpu.memory_space<vmem>>) target_semaphore(%arg54 : memref<!tpu.dma_semaphore, #tpu.memory_space<semaphore_mem>>)
      } else {
      }
      %add3A_239 = arith.constant 2 : i32
      %add3A_240 = arith.addi %add3A_226, %add3A_239 : i32
      %lt3A_241 = arith.constant 250 : i32
      %lt3A_242 = arith.cmpi slt, %add3A_240, %lt3A_241 : i32
      %convert_element_type3A_243 = arith.extui %lt3A_242 : i1 to i32
      %cond3A_244 = arith.constant 0 : i32
      %cond3A_245 = arith.cmpi ne, %convert_element_type3A_243, %cond3A_244 : i32
      scf.if %cond3A_245 {
        %add3A_368 = arith.constant 2 : i32
        %add3A_369 = arith.addi %add3A_226, %add3A_368 : i32
        %mul3A_370 = arith.constant 40 : i32
        %mul3A_371 = arith.muli %add3A_369, %mul3A_370 : i32
        %add3A_372 = arith.addi %mul3A_2, %mul3A_371 : i32
        %dma_wait3A_373 = tpu.memref_slice %arg3[%add3A_372] : memref<320000xi32, #tpu.memory_space<hbm>> -> memref<40xi32, #tpu.memory_space<hbm>>
        %dma_wait3A_374 = tpu.memref_slice %arg3[%add3A_372] : memref<320000xi32, #tpu.memory_space<hbm>> -> memref<40xi32, #tpu.memory_space<hbm>>
        tpu.wait_dma2 semaphore(%arg52 : memref<!tpu.dma_semaphore, #tpu.memory_space<semaphore_mem>>) src(%dma_wait3A_374 : memref<40xi32, #tpu.memory_space<hbm>>) dst(%arg22 : memref<40xi32, #tpu.memory_space<vmem>>)
        %dma_wait3A_375 = tpu.memref_slice %arg4[%add3A_372] : memref<320000xi32, #tpu.memory_space<hbm>> -> memref<40xi32, #tpu.memory_space<hbm>>
        %dma_wait3A_376 = tpu.memref_slice %arg4[%add3A_372] : memref<320000xi32, #tpu.memory_space<hbm>> -> memref<40xi32, #tpu.memory_space<hbm>>
        tpu.wait_dma2 semaphore(%arg52 : memref<!tpu.dma_semaphore, #tpu.memory_space<semaphore_mem>>) src(%dma_wait3A_376 : memref<40xi32, #tpu.memory_space<hbm>>) dst(%arg32 : memref<40xi32, #tpu.memory_space<vmem>>)
        %dma_start3A_377 = arith.constant 0 : i32
        %dma_start3A_378 = arith.constant 0 : i32
        %dma_start3A_379 = tpu.memref_slice %arg2[%dma_start3A_377, %dma_start3A_378] : memref<10000x128xf32, #tpu.memory_space<hbm>> -> memref<10000x128xf32, #tpu.memory_space<hbm>>
        tpu.enqueue_indirect_dma source(%dma_start3A_379 : memref<10000x128xf32, #tpu.memory_space<hbm>>) target(%arg37 : memref<40x128xf32, #tpu.memory_space<vmem>>) offsets(%arg22 : memref<40xi32, #tpu.memory_space<vmem>>) semaphore(%arg57 : memref<!tpu.dma_semaphore, #tpu.memory_space<semaphore_mem>>)
      } else {
      }
      %dma_wait3A_246 = arith.constant 0 : i32
      %dma_wait3A_247 = arith.constant 0 : i32
      %dma_wait3A_248 = tpu.memref_slice %arg2[%dma_wait3A_246, %dma_wait3A_247] : memref<10000x128xf32, #tpu.memory_space<hbm>> -> memref<10000x128xf32, #tpu.memory_space<hbm>>
      tpu.wait_indirect_dma semaphore(%arg55 : memref<!tpu.dma_semaphore, #tpu.memory_space<semaphore_mem>>) src(%dma_wait3A_248 : memref<10000x128xf32, #tpu.memory_space<hbm>>) dst(%arg35 : memref<40x128xf32, #tpu.memory_space<vmem>>)
      %dma_start3A_249 = arith.constant 0 : i32
      %dma_start3A_250 = arith.constant 0 : i32
      %dma_start3A_251 = tpu.memref_slice %arg40[%dma_start3A_249, %dma_start3A_250] : memref<10000x128xf32, #tpu.memory_space<vmem_shared>> -> memref<10000x128xf32, #tpu.memory_space<vmem_shared>>
      tpu.enqueue_indirect_dma source(%arg35 : memref<40x128xf32, #tpu.memory_space<vmem>>) target(%dma_start3A_251 : memref<10000x128xf32, #tpu.memory_space<vmem_shared>>) offsets(%arg30 : memref<40xi32, #tpu.memory_space<vmem>>) semaphore(%arg60 : memref<!tpu.dma_semaphore, #tpu.memory_space<semaphore_mem>>) {add = true}
      %mul3A_252 = arith.constant 10 : i32
      %mul3A_253 = arith.muli %mul3A_252, %scan3A_79 : i32
      %add3A_254 = arith.constant 6 : i32
      %add3A_255 = arith.addi %mul3A_253, %add3A_254 : i32
      %ge3A_256 = arith.constant 3 : i32
      %ge3A_257 = arith.cmpi sge, %add3A_255, %ge3A_256 : i32
      %convert_element_type3A_258 = arith.extui %ge3A_257 : i1 to i32
      %cond3A_259 = arith.constant 0 : i32
      %cond3A_260 = arith.cmpi ne, %convert_element_type3A_258, %cond3A_259 : i32
      scf.if %cond3A_260 {
        %dma_wait3A_368 = arith.constant 0 : i32
        %dma_wait3A_369 = arith.constant 0 : i32
        %dma_wait3A_370 = tpu.memref_slice %arg40[%dma_wait3A_368, %dma_wait3A_369] : memref<10000x128xf32, #tpu.memory_space<vmem_shared>> -> memref<10000x128xf32, #tpu.memory_space<vmem_shared>>
        tpu.wait_indirect_dma semaphore(%arg63 : memref<!tpu.dma_semaphore, #tpu.memory_space<semaphore_mem>>) src(%arg38 : memref<40x128xf32, #tpu.memory_space<vmem>>) dst(%dma_wait3A_370 : memref<10000x128xf32, #tpu.memory_space<vmem_shared>>)
      } else {
      }
      %add3A_261 = arith.constant 4 : i32
      %add3A_262 = arith.addi %add3A_255, %add3A_261 : i32
      %lt3A_263 = arith.constant 250 : i32
      %lt3A_264 = arith.cmpi slt, %add3A_262, %lt3A_263 : i32
      %convert_element_type3A_265 = arith.extui %lt3A_264 : i1 to i32
      %cond3A_266 = arith.constant 0 : i32
      %cond3A_267 = arith.cmpi ne, %convert_element_type3A_265, %cond3A_266 : i32
      scf.if %cond3A_267 {
        %add3A_368 = arith.constant 4 : i32
        %add3A_369 = arith.addi %add3A_255, %add3A_368 : i32
        %mul3A_370 = arith.constant 40 : i32
        %mul3A_371 = arith.muli %add3A_369, %mul3A_370 : i32
        %add3A_372 = arith.addi %mul3A_2, %mul3A_371 : i32
        %dma_start3A_373 = tpu.memref_slice %arg3[%add3A_372] : memref<320000xi32, #tpu.memory_space<hbm>> -> memref<40xi32, #tpu.memory_space<hbm>>
        %dma_start3A_374 = tpu.memref_slice %arg3[%add3A_372] : memref<320000xi32, #tpu.memory_space<hbm>> -> memref<40xi32, #tpu.memory_space<hbm>>
        tpu.enqueue_dma source(%dma_start3A_374 : memref<40xi32, #tpu.memory_space<hbm>>) target(%arg15 : memref<40xi32, #tpu.memory_space<vmem>>) target_semaphore(%arg45 : memref<!tpu.dma_semaphore, #tpu.memory_space<semaphore_mem>>)
        %dma_start3A_375 = tpu.memref_slice %arg4[%add3A_372] : memref<320000xi32, #tpu.memory_space<hbm>> -> memref<40xi32, #tpu.memory_space<hbm>>
        %dma_start3A_376 = tpu.memref_slice %arg4[%add3A_372] : memref<320000xi32, #tpu.memory_space<hbm>> -> memref<40xi32, #tpu.memory_space<hbm>>
        tpu.enqueue_dma source(%dma_start3A_376 : memref<40xi32, #tpu.memory_space<hbm>>) target(%arg25 : memref<40xi32, #tpu.memory_space<vmem>>) target_semaphore(%arg45 : memref<!tpu.dma_semaphore, #tpu.memory_space<semaphore_mem>>)
      } else {
      }
      %add3A_268 = arith.constant 2 : i32
      %add3A_269 = arith.addi %add3A_255, %add3A_268 : i32
      %lt3A_270 = arith.constant 250 : i32
      %lt3A_271 = arith.cmpi slt, %add3A_269, %lt3A_270 : i32
      %convert_element_type3A_272 = arith.extui %lt3A_271 : i1 to i32
      %cond3A_273 = arith.constant 0 : i32
      %cond3A_274 = arith.cmpi ne, %convert_element_type3A_272, %cond3A_273 : i32
      scf.if %cond3A_274 {
        %add3A_368 = arith.constant 2 : i32
        %add3A_369 = arith.addi %add3A_255, %add3A_368 : i32
        %mul3A_370 = arith.constant 40 : i32
        %mul3A_371 = arith.muli %add3A_369, %mul3A_370 : i32
        %add3A_372 = arith.addi %mul3A_2, %mul3A_371 : i32
        %dma_wait3A_373 = tpu.memref_slice %arg3[%add3A_372] : memref<320000xi32, #tpu.memory_space<hbm>> -> memref<40xi32, #tpu.memory_space<hbm>>
        %dma_wait3A_374 = tpu.memref_slice %arg3[%add3A_372] : memref<320000xi32, #tpu.memory_space<hbm>> -> memref<40xi32, #tpu.memory_space<hbm>>
        tpu.wait_dma2 semaphore(%arg53 : memref<!tpu.dma_semaphore, #tpu.memory_space<semaphore_mem>>) src(%dma_wait3A_374 : memref<40xi32, #tpu.memory_space<hbm>>) dst(%arg23 : memref<40xi32, #tpu.memory_space<vmem>>)
        %dma_wait3A_375 = tpu.memref_slice %arg4[%add3A_372] : memref<320000xi32, #tpu.memory_space<hbm>> -> memref<40xi32, #tpu.memory_space<hbm>>
        %dma_wait3A_376 = tpu.memref_slice %arg4[%add3A_372] : memref<320000xi32, #tpu.memory_space<hbm>> -> memref<40xi32, #tpu.memory_space<hbm>>
        tpu.wait_dma2 semaphore(%arg53 : memref<!tpu.dma_semaphore, #tpu.memory_space<semaphore_mem>>) src(%dma_wait3A_376 : memref<40xi32, #tpu.memory_space<hbm>>) dst(%arg33 : memref<40xi32, #tpu.memory_space<vmem>>)
        %dma_start3A_377 = arith.constant 0 : i32
        %dma_start3A_378 = arith.constant 0 : i32
        %dma_start3A_379 = tpu.memref_slice %arg2[%dma_start3A_377, %dma_start3A_378] : memref<10000x128xf32, #tpu.memory_space<hbm>> -> memref<10000x128xf32, #tpu.memory_space<hbm>>
        tpu.enqueue_indirect_dma source(%dma_start3A_379 : memref<10000x128xf32, #tpu.memory_space<hbm>>) target(%arg38 : memref<40x128xf32, #tpu.memory_space<vmem>>) offsets(%arg23 : memref<40xi32, #tpu.memory_space<vmem>>) semaphore(%arg58 : memref<!tpu.dma_semaphore, #tpu.memory_space<semaphore_mem>>)
      } else {
      }
      %dma_wait3A_275 = arith.constant 0 : i32
      %dma_wait3A_276 = arith.constant 0 : i32
      %dma_wait3A_277 = tpu.memref_slice %arg2[%dma_wait3A_275, %dma_wait3A_276] : memref<10000x128xf32, #tpu.memory_space<hbm>> -> memref<10000x128xf32, #tpu.memory_space<hbm>>
      tpu.wait_indirect_dma semaphore(%arg56 : memref<!tpu.dma_semaphore, #tpu.memory_space<semaphore_mem>>) src(%dma_wait3A_277 : memref<10000x128xf32, #tpu.memory_space<hbm>>) dst(%arg36 : memref<40x128xf32, #tpu.memory_space<vmem>>)
      %dma_start3A_278 = arith.constant 0 : i32
      %dma_start3A_279 = arith.constant 0 : i32
      %dma_start3A_280 = tpu.memref_slice %arg40[%dma_start3A_278, %dma_start3A_279] : memref<10000x128xf32, #tpu.memory_space<vmem_shared>> -> memref<10000x128xf32, #tpu.memory_space<vmem_shared>>
      tpu.enqueue_indirect_dma source(%arg36 : memref<40x128xf32, #tpu.memory_space<vmem>>) target(%dma_start3A_280 : memref<10000x128xf32, #tpu.memory_space<vmem_shared>>) offsets(%arg31 : memref<40xi32, #tpu.memory_space<vmem>>) semaphore(%arg61 : memref<!tpu.dma_semaphore, #tpu.memory_space<semaphore_mem>>) {add = true}
      %mul3A_281 = arith.constant 10 : i32
      %mul3A_282 = arith.muli %mul3A_281, %scan3A_79 : i32
      %add3A_283 = arith.constant 7 : i32
      %add3A_284 = arith.addi %mul3A_282, %add3A_283 : i32
      %ge3A_285 = arith.constant 3 : i32
      %ge3A_286 = arith.cmpi sge, %add3A_284, %ge3A_285 : i32
      %convert_element_type3A_287 = arith.extui %ge3A_286 : i1 to i32
      %cond3A_288 = arith.constant 0 : i32
      %cond3A_289 = arith.cmpi ne, %convert_element_type3A_287, %cond3A_288 : i32
      scf.if %cond3A_289 {
        %dma_wait3A_368 = arith.constant 0 : i32
        %dma_wait3A_369 = arith.constant 0 : i32
        %dma_wait3A_370 = tpu.memref_slice %arg40[%dma_wait3A_368, %dma_wait3A_369] : memref<10000x128xf32, #tpu.memory_space<vmem_shared>> -> memref<10000x128xf32, #tpu.memory_space<vmem_shared>>
        tpu.wait_indirect_dma semaphore(%arg64 : memref<!tpu.dma_semaphore, #tpu.memory_space<semaphore_mem>>) src(%arg39 : memref<40x128xf32, #tpu.memory_space<vmem>>) dst(%dma_wait3A_370 : memref<10000x128xf32, #tpu.memory_space<vmem_shared>>)
      } else {
      }
      %add3A_290 = arith.constant 4 : i32
      %add3A_291 = arith.addi %add3A_284, %add3A_290 : i32
      %lt3A_292 = arith.constant 250 : i32
      %lt3A_293 = arith.cmpi slt, %add3A_291, %lt3A_292 : i32
      %convert_element_type3A_294 = arith.extui %lt3A_293 : i1 to i32
      %cond3A_295 = arith.constant 0 : i32
      %cond3A_296 = arith.cmpi ne, %convert_element_type3A_294, %cond3A_295 : i32
      scf.if %cond3A_296 {
        %add3A_368 = arith.constant 4 : i32
        %add3A_369 = arith.addi %add3A_284, %add3A_368 : i32
        %mul3A_370 = arith.constant 40 : i32
        %mul3A_371 = arith.muli %add3A_369, %mul3A_370 : i32
        %add3A_372 = arith.addi %mul3A_2, %mul3A_371 : i32
        %dma_start3A_373 = tpu.memref_slice %arg3[%add3A_372] : memref<320000xi32, #tpu.memory_space<hbm>> -> memref<40xi32, #tpu.memory_space<hbm>>
        %dma_start3A_374 = tpu.memref_slice %arg3[%add3A_372] : memref<320000xi32, #tpu.memory_space<hbm>> -> memref<40xi32, #tpu.memory_space<hbm>>
        tpu.enqueue_dma source(%dma_start3A_374 : memref<40xi32, #tpu.memory_space<hbm>>) target(%arg16 : memref<40xi32, #tpu.memory_space<vmem>>) target_semaphore(%arg46 : memref<!tpu.dma_semaphore, #tpu.memory_space<semaphore_mem>>)
        %dma_start3A_375 = tpu.memref_slice %arg4[%add3A_372] : memref<320000xi32, #tpu.memory_space<hbm>> -> memref<40xi32, #tpu.memory_space<hbm>>
        %dma_start3A_376 = tpu.memref_slice %arg4[%add3A_372] : memref<320000xi32, #tpu.memory_space<hbm>> -> memref<40xi32, #tpu.memory_space<hbm>>
        tpu.enqueue_dma source(%dma_start3A_376 : memref<40xi32, #tpu.memory_space<hbm>>) target(%arg26 : memref<40xi32, #tpu.memory_space<vmem>>) target_semaphore(%arg46 : memref<!tpu.dma_semaphore, #tpu.memory_space<semaphore_mem>>)
      } else {
      }
      %add3A_297 = arith.constant 2 : i32
      %add3A_298 = arith.addi %add3A_284, %add3A_297 : i32
      %lt3A_299 = arith.constant 250 : i32
      %lt3A_300 = arith.cmpi slt, %add3A_298, %lt3A_299 : i32
      %convert_element_type3A_301 = arith.extui %lt3A_300 : i1 to i32
      %cond3A_302 = arith.constant 0 : i32
      %cond3A_303 = arith.cmpi ne, %convert_element_type3A_301, %cond3A_302 : i32
      scf.if %cond3A_303 {
        %add3A_368 = arith.constant 2 : i32
        %add3A_369 = arith.addi %add3A_284, %add3A_368 : i32
        %mul3A_370 = arith.constant 40 : i32
        %mul3A_371 = arith.muli %add3A_369, %mul3A_370 : i32
        %add3A_372 = arith.addi %mul3A_2, %mul3A_371 : i32
        %dma_wait3A_373 = tpu.memref_slice %arg3[%add3A_372] : memref<320000xi32, #tpu.memory_space<hbm>> -> memref<40xi32, #tpu.memory_space<hbm>>
        %dma_wait3A_374 = tpu.memref_slice %arg3[%add3A_372] : memref<320000xi32, #tpu.memory_space<hbm>> -> memref<40xi32, #tpu.memory_space<hbm>>
        tpu.wait_dma2 semaphore(%arg54 : memref<!tpu.dma_semaphore, #tpu.memory_space<semaphore_mem>>) src(%dma_wait3A_374 : memref<40xi32, #tpu.memory_space<hbm>>) dst(%arg24 : memref<40xi32, #tpu.memory_space<vmem>>)
        %dma_wait3A_375 = tpu.memref_slice %arg4[%add3A_372] : memref<320000xi32, #tpu.memory_space<hbm>> -> memref<40xi32, #tpu.memory_space<hbm>>
        %dma_wait3A_376 = tpu.memref_slice %arg4[%add3A_372] : memref<320000xi32, #tpu.memory_space<hbm>> -> memref<40xi32, #tpu.memory_space<hbm>>
        tpu.wait_dma2 semaphore(%arg54 : memref<!tpu.dma_semaphore, #tpu.memory_space<semaphore_mem>>) src(%dma_wait3A_376 : memref<40xi32, #tpu.memory_space<hbm>>) dst(%arg34 : memref<40xi32, #tpu.memory_space<vmem>>)
        %dma_start3A_377 = arith.constant 0 : i32
        %dma_start3A_378 = arith.constant 0 : i32
        %dma_start3A_379 = tpu.memref_slice %arg2[%dma_start3A_377, %dma_start3A_378] : memref<10000x128xf32, #tpu.memory_space<hbm>> -> memref<10000x128xf32, #tpu.memory_space<hbm>>
        tpu.enqueue_indirect_dma source(%dma_start3A_379 : memref<10000x128xf32, #tpu.memory_space<hbm>>) target(%arg39 : memref<40x128xf32, #tpu.memory_space<vmem>>) offsets(%arg24 : memref<40xi32, #tpu.memory_space<vmem>>) semaphore(%arg59 : memref<!tpu.dma_semaphore, #tpu.memory_space<semaphore_mem>>)
      } else {
      }
      %dma_wait3A_304 = arith.constant 0 : i32
      %dma_wait3A_305 = arith.constant 0 : i32
      %dma_wait3A_306 = tpu.memref_slice %arg2[%dma_wait3A_304, %dma_wait3A_305] : memref<10000x128xf32, #tpu.memory_space<hbm>> -> memref<10000x128xf32, #tpu.memory_space<hbm>>
      tpu.wait_indirect_dma semaphore(%arg57 : memref<!tpu.dma_semaphore, #tpu.memory_space<semaphore_mem>>) src(%dma_wait3A_306 : memref<10000x128xf32, #tpu.memory_space<hbm>>) dst(%arg37 : memref<40x128xf32, #tpu.memory_space<vmem>>)
      %dma_start3A_307 = arith.constant 0 : i32
      %dma_start3A_308 = arith.constant 0 : i32
      %dma_start3A_309 = tpu.memref_slice %arg40[%dma_start3A_307, %dma_start3A_308] : memref<10000x128xf32, #tpu.memory_space<vmem_shared>> -> memref<10000x128xf32, #tpu.memory_space<vmem_shared>>
      tpu.enqueue_indirect_dma source(%arg37 : memref<40x128xf32, #tpu.memory_space<vmem>>) target(%dma_start3A_309 : memref<10000x128xf32, #tpu.memory_space<vmem_shared>>) offsets(%arg32 : memref<40xi32, #tpu.memory_space<vmem>>) semaphore(%arg62 : memref<!tpu.dma_semaphore, #tpu.memory_space<semaphore_mem>>) {add = true}
      %mul3A_310 = arith.constant 10 : i32
      %mul3A_311 = arith.muli %mul3A_310, %scan3A_79 : i32
      %add3A_312 = arith.constant 8 : i32
      %add3A_313 = arith.addi %mul3A_311, %add3A_312 : i32
      %ge3A_314 = arith.constant 3 : i32
      %ge3A_315 = arith.cmpi sge, %add3A_313, %ge3A_314 : i32
      %convert_element_type3A_316 = arith.extui %ge3A_315 : i1 to i32
      %cond3A_317 = arith.constant 0 : i32
      %cond3A_318 = arith.cmpi ne, %convert_element_type3A_316, %cond3A_317 : i32
      scf.if %cond3A_318 {
        %dma_wait3A_368 = arith.constant 0 : i32
        %dma_wait3A_369 = arith.constant 0 : i32
        %dma_wait3A_370 = tpu.memref_slice %arg40[%dma_wait3A_368, %dma_wait3A_369] : memref<10000x128xf32, #tpu.memory_space<vmem_shared>> -> memref<10000x128xf32, #tpu.memory_space<vmem_shared>>
        tpu.wait_indirect_dma semaphore(%arg60 : memref<!tpu.dma_semaphore, #tpu.memory_space<semaphore_mem>>) src(%arg35 : memref<40x128xf32, #tpu.memory_space<vmem>>) dst(%dma_wait3A_370 : memref<10000x128xf32, #tpu.memory_space<vmem_shared>>)
      } else {
      }
      %add3A_319 = arith.constant 4 : i32
      %add3A_320 = arith.addi %add3A_313, %add3A_319 : i32
      %lt3A_321 = arith.constant 250 : i32
      %lt3A_322 = arith.cmpi slt, %add3A_320, %lt3A_321 : i32
      %convert_element_type3A_323 = arith.extui %lt3A_322 : i1 to i32
      %cond3A_324 = arith.constant 0 : i32
      %cond3A_325 = arith.cmpi ne, %convert_element_type3A_323, %cond3A_324 : i32
      scf.if %cond3A_325 {
        %add3A_368 = arith.constant 4 : i32
        %add3A_369 = arith.addi %add3A_313, %add3A_368 : i32
        %mul3A_370 = arith.constant 40 : i32
        %mul3A_371 = arith.muli %add3A_369, %mul3A_370 : i32
        %add3A_372 = arith.addi %mul3A_2, %mul3A_371 : i32
        %dma_start3A_373 = tpu.memref_slice %arg3[%add3A_372] : memref<320000xi32, #tpu.memory_space<hbm>> -> memref<40xi32, #tpu.memory_space<hbm>>
        %dma_start3A_374 = tpu.memref_slice %arg3[%add3A_372] : memref<320000xi32, #tpu.memory_space<hbm>> -> memref<40xi32, #tpu.memory_space<hbm>>
        tpu.enqueue_dma source(%dma_start3A_374 : memref<40xi32, #tpu.memory_space<hbm>>) target(%arg17 : memref<40xi32, #tpu.memory_space<vmem>>) target_semaphore(%arg47 : memref<!tpu.dma_semaphore, #tpu.memory_space<semaphore_mem>>)
        %dma_start3A_375 = tpu.memref_slice %arg4[%add3A_372] : memref<320000xi32, #tpu.memory_space<hbm>> -> memref<40xi32, #tpu.memory_space<hbm>>
        %dma_start3A_376 = tpu.memref_slice %arg4[%add3A_372] : memref<320000xi32, #tpu.memory_space<hbm>> -> memref<40xi32, #tpu.memory_space<hbm>>
        tpu.enqueue_dma source(%dma_start3A_376 : memref<40xi32, #tpu.memory_space<hbm>>) target(%arg27 : memref<40xi32, #tpu.memory_space<vmem>>) target_semaphore(%arg47 : memref<!tpu.dma_semaphore, #tpu.memory_space<semaphore_mem>>)
      } else {
      }
      %add3A_326 = arith.constant 2 : i32
      %add3A_327 = arith.addi %add3A_313, %add3A_326 : i32
      %lt3A_328 = arith.constant 250 : i32
      %lt3A_329 = arith.cmpi slt, %add3A_327, %lt3A_328 : i32
      %convert_element_type3A_330 = arith.extui %lt3A_329 : i1 to i32
      %cond3A_331 = arith.constant 0 : i32
      %cond3A_332 = arith.cmpi ne, %convert_element_type3A_330, %cond3A_331 : i32
      scf.if %cond3A_332 {
        %add3A_368 = arith.constant 2 : i32
        %add3A_369 = arith.addi %add3A_313, %add3A_368 : i32
        %mul3A_370 = arith.constant 40 : i32
        %mul3A_371 = arith.muli %add3A_369, %mul3A_370 : i32
        %add3A_372 = arith.addi %mul3A_2, %mul3A_371 : i32
        %dma_wait3A_373 = tpu.memref_slice %arg3[%add3A_372] : memref<320000xi32, #tpu.memory_space<hbm>> -> memref<40xi32, #tpu.memory_space<hbm>>
        %dma_wait3A_374 = tpu.memref_slice %arg3[%add3A_372] : memref<320000xi32, #tpu.memory_space<hbm>> -> memref<40xi32, #tpu.memory_space<hbm>>
        tpu.wait_dma2 semaphore(%arg45 : memref<!tpu.dma_semaphore, #tpu.memory_space<semaphore_mem>>) src(%dma_wait3A_374 : memref<40xi32, #tpu.memory_space<hbm>>) dst(%arg15 : memref<40xi32, #tpu.memory_space<vmem>>)
        %dma_wait3A_375 = tpu.memref_slice %arg4[%add3A_372] : memref<320000xi32, #tpu.memory_space<hbm>> -> memref<40xi32, #tpu.memory_space<hbm>>
        %dma_wait3A_376 = tpu.memref_slice %arg4[%add3A_372] : memref<320000xi32, #tpu.memory_space<hbm>> -> memref<40xi32, #tpu.memory_space<hbm>>
        tpu.wait_dma2 semaphore(%arg45 : memref<!tpu.dma_semaphore, #tpu.memory_space<semaphore_mem>>) src(%dma_wait3A_376 : memref<40xi32, #tpu.memory_space<hbm>>) dst(%arg25 : memref<40xi32, #tpu.memory_space<vmem>>)
        %dma_start3A_377 = arith.constant 0 : i32
        %dma_start3A_378 = arith.constant 0 : i32
        %dma_start3A_379 = tpu.memref_slice %arg2[%dma_start3A_377, %dma_start3A_378] : memref<10000x128xf32, #tpu.memory_space<hbm>> -> memref<10000x128xf32, #tpu.memory_space<hbm>>
        tpu.enqueue_indirect_dma source(%dma_start3A_379 : memref<10000x128xf32, #tpu.memory_space<hbm>>) target(%arg35 : memref<40x128xf32, #tpu.memory_space<vmem>>) offsets(%arg15 : memref<40xi32, #tpu.memory_space<vmem>>) semaphore(%arg55 : memref<!tpu.dma_semaphore, #tpu.memory_space<semaphore_mem>>)
      } else {
      }
      %dma_wait3A_333 = arith.constant 0 : i32
      %dma_wait3A_334 = arith.constant 0 : i32
      %dma_wait3A_335 = tpu.memref_slice %arg2[%dma_wait3A_333, %dma_wait3A_334] : memref<10000x128xf32, #tpu.memory_space<hbm>> -> memref<10000x128xf32, #tpu.memory_space<hbm>>
      tpu.wait_indirect_dma semaphore(%arg58 : memref<!tpu.dma_semaphore, #tpu.memory_space<semaphore_mem>>) src(%dma_wait3A_335 : memref<10000x128xf32, #tpu.memory_space<hbm>>) dst(%arg38 : memref<40x128xf32, #tpu.memory_space<vmem>>)
      %dma_start3A_336 = arith.constant 0 : i32
      %dma_start3A_337 = arith.constant 0 : i32
      %dma_start3A_338 = tpu.memref_slice %arg40[%dma_start3A_336, %dma_start3A_337] : memref<10000x128xf32, #tpu.memory_space<vmem_shared>> -> memref<10000x128xf32, #tpu.memory_space<vmem_shared>>
      tpu.enqueue_indirect_dma source(%arg38 : memref<40x128xf32, #tpu.memory_space<vmem>>) target(%dma_start3A_338 : memref<10000x128xf32, #tpu.memory_space<vmem_shared>>) offsets(%arg33 : memref<40xi32, #tpu.memory_space<vmem>>) semaphore(%arg63 : memref<!tpu.dma_semaphore, #tpu.memory_space<semaphore_mem>>) {add = true}
      %mul3A_339 = arith.constant 10 : i32
      %mul3A_340 = arith.muli %mul3A_339, %scan3A_79 : i32
      %add3A_341 = arith.constant 9 : i32
      %add3A_342 = arith.addi %mul3A_340, %add3A_341 : i32
      %ge3A_343 = arith.constant 3 : i32
      %ge3A_344 = arith.cmpi sge, %add3A_342, %ge3A_343 : i32
      %convert_element_type3A_345 = arith.extui %ge3A_344 : i1 to i32
      %cond3A_346 = arith.constant 0 : i32
      %cond3A_347 = arith.cmpi ne, %convert_element_type3A_345, %cond3A_346 : i32
      scf.if %cond3A_347 {
        %dma_wait3A_368 = arith.constant 0 : i32
        %dma_wait3A_369 = arith.constant 0 : i32
        %dma_wait3A_370 = tpu.memref_slice %arg40[%dma_wait3A_368, %dma_wait3A_369] : memref<10000x128xf32, #tpu.memory_space<vmem_shared>> -> memref<10000x128xf32, #tpu.memory_space<vmem_shared>>
        tpu.wait_indirect_dma semaphore(%arg61 : memref<!tpu.dma_semaphore, #tpu.memory_space<semaphore_mem>>) src(%arg36 : memref<40x128xf32, #tpu.memory_space<vmem>>) dst(%dma_wait3A_370 : memref<10000x128xf32, #tpu.memory_space<vmem_shared>>)
      } else {
      }
      %add3A_348 = arith.constant 4 : i32
      %add3A_349 = arith.addi %add3A_342, %add3A_348 : i32
      %lt3A_350 = arith.constant 250 : i32
      %lt3A_351 = arith.cmpi slt, %add3A_349, %lt3A_350 : i32
      %convert_element_type3A_352 = arith.extui %lt3A_351 : i1 to i32
      %cond3A_353 = arith.constant 0 : i32
      %cond3A_354 = arith.cmpi ne, %convert_element_type3A_352, %cond3A_353 : i32
      scf.if %cond3A_354 {
        %add3A_368 = arith.constant 4 : i32
        %add3A_369 = arith.addi %add3A_342, %add3A_368 : i32
        %mul3A_370 = arith.constant 40 : i32
        %mul3A_371 = arith.muli %add3A_369, %mul3A_370 : i32
        %add3A_372 = arith.addi %mul3A_2, %mul3A_371 : i32
        %dma_start3A_373 = tpu.memref_slice %arg3[%add3A_372] : memref<320000xi32, #tpu.memory_space<hbm>> -> memref<40xi32, #tpu.memory_space<hbm>>
        %dma_start3A_374 = tpu.memref_slice %arg3[%add3A_372] : memref<320000xi32, #tpu.memory_space<hbm>> -> memref<40xi32, #tpu.memory_space<hbm>>
        tpu.enqueue_dma source(%dma_start3A_374 : memref<40xi32, #tpu.memory_space<hbm>>) target(%arg18 : memref<40xi32, #tpu.memory_space<vmem>>) target_semaphore(%arg48 : memref<!tpu.dma_semaphore, #tpu.memory_space<semaphore_mem>>)
        %dma_start3A_375 = tpu.memref_slice %arg4[%add3A_372] : memref<320000xi32, #tpu.memory_space<hbm>> -> memref<40xi32, #tpu.memory_space<hbm>>
        %dma_start3A_376 = tpu.memref_slice %arg4[%add3A_372] : memref<320000xi32, #tpu.memory_space<hbm>> -> memref<40xi32, #tpu.memory_space<hbm>>
        tpu.enqueue_dma source(%dma_start3A_376 : memref<40xi32, #tpu.memory_space<hbm>>) target(%arg28 : memref<40xi32, #tpu.memory_space<vmem>>) target_semaphore(%arg48 : memref<!tpu.dma_semaphore, #tpu.memory_space<semaphore_mem>>)
      } else {
      }
      %add3A_355 = arith.constant 2 : i32
      %add3A_356 = arith.addi %add3A_342, %add3A_355 : i32
      %lt3A_357 = arith.constant 250 : i32
      %lt3A_358 = arith.cmpi slt, %add3A_356, %lt3A_357 : i32
      %convert_element_type3A_359 = arith.extui %lt3A_358 : i1 to i32
      %cond3A_360 = arith.constant 0 : i32
      %cond3A_361 = arith.cmpi ne, %convert_element_type3A_359, %cond3A_360 : i32
      scf.if %cond3A_361 {
        %add3A_368 = arith.constant 2 : i32
        %add3A_369 = arith.addi %add3A_342, %add3A_368 : i32
        %mul3A_370 = arith.constant 40 : i32
        %mul3A_371 = arith.muli %add3A_369, %mul3A_370 : i32
        %add3A_372 = arith.addi %mul3A_2, %mul3A_371 : i32
        %dma_wait3A_373 = tpu.memref_slice %arg3[%add3A_372] : memref<320000xi32, #tpu.memory_space<hbm>> -> memref<40xi32, #tpu.memory_space<hbm>>
        %dma_wait3A_374 = tpu.memref_slice %arg3[%add3A_372] : memref<320000xi32, #tpu.memory_space<hbm>> -> memref<40xi32, #tpu.memory_space<hbm>>
        tpu.wait_dma2 semaphore(%arg46 : memref<!tpu.dma_semaphore, #tpu.memory_space<semaphore_mem>>) src(%dma_wait3A_374 : memref<40xi32, #tpu.memory_space<hbm>>) dst(%arg16 : memref<40xi32, #tpu.memory_space<vmem>>)
        %dma_wait3A_375 = tpu.memref_slice %arg4[%add3A_372] : memref<320000xi32, #tpu.memory_space<hbm>> -> memref<40xi32, #tpu.memory_space<hbm>>
        %dma_wait3A_376 = tpu.memref_slice %arg4[%add3A_372] : memref<320000xi32, #tpu.memory_space<hbm>> -> memref<40xi32, #tpu.memory_space<hbm>>
        tpu.wait_dma2 semaphore(%arg46 : memref<!tpu.dma_semaphore, #tpu.memory_space<semaphore_mem>>) src(%dma_wait3A_376 : memref<40xi32, #tpu.memory_space<hbm>>) dst(%arg26 : memref<40xi32, #tpu.memory_space<vmem>>)
        %dma_start3A_377 = arith.constant 0 : i32
        %dma_start3A_378 = arith.constant 0 : i32
        %dma_start3A_379 = tpu.memref_slice %arg2[%dma_start3A_377, %dma_start3A_378] : memref<10000x128xf32, #tpu.memory_space<hbm>> -> memref<10000x128xf32, #tpu.memory_space<hbm>>
        tpu.enqueue_indirect_dma source(%dma_start3A_379 : memref<10000x128xf32, #tpu.memory_space<hbm>>) target(%arg36 : memref<40x128xf32, #tpu.memory_space<vmem>>) offsets(%arg16 : memref<40xi32, #tpu.memory_space<vmem>>) semaphore(%arg56 : memref<!tpu.dma_semaphore, #tpu.memory_space<semaphore_mem>>)
      } else {
      }
      %dma_wait3A_362 = arith.constant 0 : i32
      %dma_wait3A_363 = arith.constant 0 : i32
      %dma_wait3A_364 = tpu.memref_slice %arg2[%dma_wait3A_362, %dma_wait3A_363] : memref<10000x128xf32, #tpu.memory_space<hbm>> -> memref<10000x128xf32, #tpu.memory_space<hbm>>
      tpu.wait_indirect_dma semaphore(%arg59 : memref<!tpu.dma_semaphore, #tpu.memory_space<semaphore_mem>>) src(%dma_wait3A_364 : memref<10000x128xf32, #tpu.memory_space<hbm>>) dst(%arg39 : memref<40x128xf32, #tpu.memory_space<vmem>>)
      %dma_start3A_365 = arith.constant 0 : i32
      %dma_start3A_366 = arith.constant 0 : i32
      %dma_start3A_367 = tpu.memref_slice %arg40[%dma_start3A_365, %dma_start3A_366] : memref<10000x128xf32, #tpu.memory_space<vmem_shared>> -> memref<10000x128xf32, #tpu.memory_space<vmem_shared>>
      tpu.enqueue_indirect_dma source(%arg39 : memref<40x128xf32, #tpu.memory_space<vmem>>) target(%dma_start3A_367 : memref<10000x128xf32, #tpu.memory_space<vmem_shared>>) offsets(%arg34 : memref<40xi32, #tpu.memory_space<vmem>>) semaphore(%arg64 : memref<!tpu.dma_semaphore, #tpu.memory_space<semaphore_mem>>) {add = true}
    }
    %scan3A_52 = arith.constant 25 : i32
    %dma_wait3A_53 = arith.constant 0 : i32
    %dma_wait3A_54 = arith.constant 0 : i32
    %dma_wait3A_55 = tpu.memref_slice %arg40[%dma_wait3A_53, %dma_wait3A_54] : memref<10000x128xf32, #tpu.memory_space<vmem_shared>> -> memref<10000x128xf32, #tpu.memory_space<vmem_shared>>
    tpu.wait_indirect_dma semaphore(%arg62 : memref<!tpu.dma_semaphore, #tpu.memory_space<semaphore_mem>>) src(%arg37 : memref<40x128xf32, #tpu.memory_space<vmem>>) dst(%dma_wait3A_55 : memref<10000x128xf32, #tpu.memory_space<vmem_shared>>)
    %dma_wait3A_56 = arith.constant 0 : i32
    %dma_wait3A_57 = arith.constant 0 : i32
    %dma_wait3A_58 = tpu.memref_slice %arg40[%dma_wait3A_56, %dma_wait3A_57] : memref<10000x128xf32, #tpu.memory_space<vmem_shared>> -> memref<10000x128xf32, #tpu.memory_space<vmem_shared>>
    tpu.wait_indirect_dma semaphore(%arg63 : memref<!tpu.dma_semaphore, #tpu.memory_space<semaphore_mem>>) src(%arg38 : memref<40x128xf32, #tpu.memory_space<vmem>>) dst(%dma_wait3A_58 : memref<10000x128xf32, #tpu.memory_space<vmem_shared>>)
    %dma_wait3A_59 = arith.constant 0 : i32
    %dma_wait3A_60 = arith.constant 0 : i32
    %dma_wait3A_61 = tpu.memref_slice %arg40[%dma_wait3A_59, %dma_wait3A_60] : memref<10000x128xf32, #tpu.memory_space<vmem_shared>> -> memref<10000x128xf32, #tpu.memory_space<vmem_shared>>
    tpu.wait_indirect_dma semaphore(%arg64 : memref<!tpu.dma_semaphore, #tpu.memory_space<semaphore_mem>>) src(%arg39 : memref<40x128xf32, #tpu.memory_space<vmem>>) dst(%dma_wait3A_61 : memref<10000x128xf32, #tpu.memory_space<vmem_shared>>)
    %broadcast_in_dim3A = arith.constant 0 : i32
    %broadcast_in_dim3A_62 = vector.broadcast %broadcast_in_dim3A : i32 to vector<16xi32>
    %swap3A = arith.constant 0 : index
    %swap3A_63 = tpu.vector_load %arg41[%swap3A] {strides = array<i32>} : memref<16xi32, #tpu.memory_space<vmem>>, vector<16xi32>,
    %swap3A_64 = vector.shape_cast %swap3A_63 : vector<16xi32> to vector<16xi32>
    %swap3A_65 = vector.shape_cast %broadcast_in_dim3A_62 : vector<16xi32> to vector<16xi32>
    tpu.vector_store %arg41[%swap3A], %swap3A_65 {strides = array<i32>} : memref<16xi32, #tpu.memory_space<vmem>>, vector<16xi32>,
    "tpu.region"() ({
      %run_scoped3A = tpu.sem_alloc : memref<!tpu.dma_semaphore, #tpu.memory_space<semaphore_mem>>
      %dma_start3A_79 = arith.constant 0 : i32
      %dma_start3A_80 = arith.constant 0 : i32
      %dma_start3A_81 = tpu.memref_slice %arg5[%dma_start3A_79, %dma_start3A_80] : memref<10000x128xf32, #tpu.memory_space<hbm>> -> memref<16x128xf32, #tpu.memory_space<hbm>>
      %dma_start3A_82 = arith.constant 0 : i32
      %dma_start3A_83 = arith.constant 0 : i32
      %dma_start3A_84 = tpu.memref_slice %arg5[%dma_start3A_82, %dma_start3A_83] : memref<10000x128xf32, #tpu.memory_space<hbm>> -> memref<16x128xf32, #tpu.memory_space<hbm>>
      tpu.enqueue_dma source(%dma_start3A_84 : memref<16x128xf32, #tpu.memory_space<hbm>>) target(%arg42 : memref<16x128xf32, #tpu.memory_space<vmem>>) target_semaphore(%run_scoped3A : memref<!tpu.dma_semaphore, #tpu.memory_space<semaphore_mem>>)
      %dma_wait3A_85 = arith.constant 0 : i32
      %dma_wait3A_86 = arith.constant 0 : i32
      %dma_wait3A_87 = tpu.memref_slice %arg5[%dma_wait3A_85, %dma_wait3A_86] : memref<10000x128xf32, #tpu.memory_space<hbm>> -> memref<16x128xf32, #tpu.memory_space<hbm>>
      %dma_wait3A_88 = arith.constant 0 : i32
      %dma_wait3A_89 = arith.constant 0 : i32
      %dma_wait3A_90 = tpu.memref_slice %arg5[%dma_wait3A_88, %dma_wait3A_89] : memref<10000x128xf32, #tpu.memory_space<hbm>> -> memref<16x128xf32, #tpu.memory_space<hbm>>
      tpu.wait_dma2 semaphore(%run_scoped3A : memref<!tpu.dma_semaphore, #tpu.memory_space<semaphore_mem>>) src(%dma_wait3A_90 : memref<16x128xf32, #tpu.memory_space<hbm>>) dst(%arg42 : memref<16x128xf32, #tpu.memory_space<vmem>>)
      tpu.yield
    }) : () -> ()
    "tpu.region"() ({
      %run_scoped3A = tpu.sem_alloc : memref<!tpu.dma_semaphore, #tpu.memory_space<semaphore_mem>>
      %dma_start3A_79 = arith.constant 0 : i32
      %dma_start3A_80 = arith.constant 0 : i32
      %dma_start3A_81 = tpu.memref_slice %arg40[%dma_start3A_79, %dma_start3A_80] : memref<10000x128xf32, #tpu.memory_space<vmem_shared>> -> memref<10000x128xf32, #tpu.memory_space<vmem_shared>>
      tpu.enqueue_indirect_dma source(%arg42 : memref<16x128xf32, #tpu.memory_space<vmem>>) target(%dma_start3A_81 : memref<10000x128xf32, #tpu.memory_space<vmem_shared>>) offsets(%arg41 : memref<16xi32, #tpu.memory_space<vmem>>) semaphore(%run_scoped3A : memref<!tpu.dma_semaphore, #tpu.memory_space<semaphore_mem>>) {add = true}
      %dma_wait3A_82 = arith.constant 0 : i32
      %dma_wait3A_83 = arith.constant 0 : i32
      %dma_wait3A_84 = tpu.memref_slice %arg40[%dma_wait3A_82, %dma_wait3A_83] : memref<10000x128xf32, #tpu.memory_space<vmem_shared>> -> memref<10000x128xf32, #tpu.memory_space<vmem_shared>>
      tpu.wait_indirect_dma semaphore(%run_scoped3A : memref<!tpu.dma_semaphore, #tpu.memory_space<semaphore_mem>>) src(%arg42 : memref<16x128xf32, #tpu.memory_space<vmem>>) dst(%dma_wait3A_84 : memref<10000x128xf32, #tpu.memory_space<vmem_shared>>)
      tpu.yield
    }) : () -> ()
    %barrier3A_66 = arith.constant 0 : index
    tpu.barrier barrier_id(%barrier3A_66)
    %mul3A_67 = arith.constant 64 : i32
    %mul3A_68 = arith.muli %arg1, %mul3A_67 : i32
    "tpu.region"() ({
      %run_scoped3A = tpu.sem_alloc : memref<!tpu.dma_semaphore, #tpu.memory_space<semaphore_mem>>
      %dma_start3A_79 = tpu.memref_slice %arg6[%mul3A_68] : memref<1024xi32, #tpu.memory_space<hbm>> -> memref<64xi32, #tpu.memory_space<hbm>>
      %dma_start3A_80 = tpu.memref_slice %arg6[%mul3A_68] : memref<1024xi32, #tpu.memory_space<hbm>> -> memref<64xi32, #tpu.memory_space<hbm>>
      tpu.enqueue_dma source(%dma_start3A_80 : memref<64xi32, #tpu.memory_space<hbm>>) target(%arg43 : memref<64xi32, #tpu.memory_space<vmem>>) target_semaphore(%run_scoped3A : memref<!tpu.dma_semaphore, #tpu.memory_space<semaphore_mem>>)
      %dma_wait3A_81 = tpu.memref_slice %arg6[%mul3A_68] : memref<1024xi32, #tpu.memory_space<hbm>> -> memref<64xi32, #tpu.memory_space<hbm>>
      %dma_wait3A_82 = tpu.memref_slice %arg6[%mul3A_68] : memref<1024xi32, #tpu.memory_space<hbm>> -> memref<64xi32, #tpu.memory_space<hbm>>
      tpu.wait_dma2 semaphore(%run_scoped3A : memref<!tpu.dma_semaphore, #tpu.memory_space<semaphore_mem>>) src(%dma_wait3A_82 : memref<64xi32, #tpu.memory_space<hbm>>) dst(%arg43 : memref<64xi32, #tpu.memory_space<vmem>>)
      tpu.yield
    }) : () -> ()
    %eq3A_69 = arith.constant 0 : i32
    %eq3A_70 = arith.cmpi eq, %arg0, %eq3A_69 : i32
    %convert_element_type3A_71 = arith.extui %eq3A_70 : i1 to i32
    %cond3A_72 = arith.constant 0 : i32
    %cond3A_73 = arith.cmpi ne, %convert_element_type3A_71, %cond3A_72 : i32
    scf.if %cond3A_73 {
      %dma_start3A_79 = arith.constant 0 : i32
      %dma_start3A_80 = arith.constant 0 : i32
      %dma_start3A_81 = tpu.memref_slice %arg40[%dma_start3A_79, %dma_start3A_80] : memref<10000x128xf32, #tpu.memory_space<vmem_shared>> -> memref<10000x128xf32, #tpu.memory_space<vmem_shared>>
      tpu.enqueue_indirect_dma source(%dma_start3A_81 : memref<10000x128xf32, #tpu.memory_space<vmem_shared>>) target(%arg44 : memref<64x128xf32, #tpu.memory_space<vmem>>) offsets(%arg43 : memref<64xi32, #tpu.memory_space<vmem>>) semaphore(%arg55 : memref<!tpu.dma_semaphore, #tpu.memory_space<semaphore_mem>>)
      %dma_wait3A_82 = arith.constant 0 : i32
      %dma_wait3A_83 = arith.constant 0 : i32
      %dma_wait3A_84 = tpu.memref_slice %arg40[%dma_wait3A_82, %dma_wait3A_83] : memref<10000x128xf32, #tpu.memory_space<vmem_shared>> -> memref<10000x128xf32, #tpu.memory_space<vmem_shared>>
      tpu.wait_indirect_dma semaphore(%arg55 : memref<!tpu.dma_semaphore, #tpu.memory_space<semaphore_mem>>) src(%dma_wait3A_84 : memref<10000x128xf32, #tpu.memory_space<vmem_shared>>) dst(%arg44 : memref<64x128xf32, #tpu.memory_space<vmem>>)
      "tpu.region"() ({
        %run_scoped3A = tpu.sem_alloc : memref<!tpu.dma_semaphore, #tpu.memory_space<semaphore_mem>>
        %dma_start3A_97 = arith.constant 0 : i32
        %dma_start3A_98 = tpu.memref_slice %arg10[%mul3A_68, %dma_start3A_97] : memref<1024x128xf32, #tpu.memory_space<hbm>> -> memref<64x128xf32, #tpu.memory_space<hbm>>
        %dma_start3A_99 = arith.constant 0 : i32
        %dma_start3A_100 = tpu.memref_slice %arg10[%mul3A_68, %dma_start3A_99] : memref<1024x128xf32, #tpu.memory_space<hbm>> -> memref<64x128xf32, #tpu.memory_space<hbm>>
        tpu.enqueue_dma source(%arg44 : memref<64x128xf32, #tpu.memory_space<vmem>>) target(%dma_start3A_100 : memref<64x128xf32, #tpu.memory_space<hbm>>) target_semaphore(%run_scoped3A : memref<!tpu.dma_semaphore, #tpu.memory_space<semaphore_mem>>)
        %dma_wait3A_101 = arith.constant 0 : i32
        %dma_wait3A_102 = tpu.memref_slice %arg10[%mul3A_68, %dma_wait3A_101] : memref<1024x128xf32, #tpu.memory_space<hbm>> -> memref<64x128xf32, #tpu.memory_space<hbm>>
        %dma_wait3A_103 = arith.constant 0 : i32
        %dma_wait3A_104 = tpu.memref_slice %arg10[%mul3A_68, %dma_wait3A_103] : memref<1024x128xf32, #tpu.memory_space<hbm>> -> memref<64x128xf32, #tpu.memory_space<hbm>>
        tpu.wait_dma2 semaphore(%run_scoped3A : memref<!tpu.dma_semaphore, #tpu.memory_space<semaphore_mem>>) src(%arg44 : memref<64x128xf32, #tpu.memory_space<vmem>>) dst(%dma_wait3A_104 : memref<64x128xf32, #tpu.memory_space<hbm>>)
        tpu.yield
      }) : () -> ()
      %dma_start3A_85 = arith.constant 0 : i32
      %dma_start3A_86 = arith.constant 0 : i32
      %dma_start3A_87 = tpu.memref_slice %arg7[%dma_start3A_85, %dma_start3A_86] : memref<10000x128xf32, #tpu.memory_space<hbm>> -> memref<10000x128xf32, #tpu.memory_space<hbm>>
      tpu.enqueue_indirect_dma source(%dma_start3A_87 : memref<10000x128xf32, #tpu.memory_space<hbm>>) target(%arg44 : memref<64x128xf32, #tpu.memory_space<vmem>>) offsets(%arg43 : memref<64xi32, #tpu.memory_space<vmem>>) semaphore(%arg55 : memref<!tpu.dma_semaphore, #tpu.memory_space<semaphore_mem>>)
      %dma_wait3A_88 = arith.constant 0 : i32
      %dma_wait3A_89 = arith.constant 0 : i32
      %dma_wait3A_90 = tpu.memref_slice %arg7[%dma_wait3A_88, %dma_wait3A_89] : memref<10000x128xf32, #tpu.memory_space<hbm>> -> memref<10000x128xf32, #tpu.memory_space<hbm>>
      tpu.wait_indirect_dma semaphore(%arg55 : memref<!tpu.dma_semaphore, #tpu.memory_space<semaphore_mem>>) src(%dma_wait3A_90 : memref<10000x128xf32, #tpu.memory_space<hbm>>) dst(%arg44 : memref<64x128xf32, #tpu.memory_space<vmem>>)
      "tpu.region"() ({
        %run_scoped3A = tpu.sem_alloc : memref<!tpu.dma_semaphore, #tpu.memory_space<semaphore_mem>>
        %dma_start3A_97 = arith.constant 0 : i32
        %dma_start3A_98 = tpu.memref_slice %arg12[%mul3A_68, %dma_start3A_97] : memref<1024x128xf32, #tpu.memory_space<hbm>> -> memref<64x128xf32, #tpu.memory_space<hbm>>
        %dma_start3A_99 = arith.constant 0 : i32
        %dma_start3A_100 = tpu.memref_slice %arg12[%mul3A_68, %dma_start3A_99] : memref<1024x128xf32, #tpu.memory_space<hbm>> -> memref<64x128xf32, #tpu.memory_space<hbm>>
        tpu.enqueue_dma source(%arg44 : memref<64x128xf32, #tpu.memory_space<vmem>>) target(%dma_start3A_100 : memref<64x128xf32, #tpu.memory_space<hbm>>) target_semaphore(%run_scoped3A : memref<!tpu.dma_semaphore, #tpu.memory_space<semaphore_mem>>)
        %dma_wait3A_101 = arith.constant 0 : i32
        %dma_wait3A_102 = tpu.memref_slice %arg12[%mul3A_68, %dma_wait3A_101] : memref<1024x128xf32, #tpu.memory_space<hbm>> -> memref<64x128xf32, #tpu.memory_space<hbm>>
        %dma_wait3A_103 = arith.constant 0 : i32
        %dma_wait3A_104 = tpu.memref_slice %arg12[%mul3A_68, %dma_wait3A_103] : memref<1024x128xf32, #tpu.memory_space<hbm>> -> memref<64x128xf32, #tpu.memory_space<hbm>>
        tpu.wait_dma2 semaphore(%run_scoped3A : memref<!tpu.dma_semaphore, #tpu.memory_space<semaphore_mem>>) src(%arg44 : memref<64x128xf32, #tpu.memory_space<vmem>>) dst(%dma_wait3A_104 : memref<64x128xf32, #tpu.memory_space<hbm>>)
        tpu.yield
      }) : () -> ()
      %dma_start3A_91 = arith.constant 0 : i32
      %dma_start3A_92 = arith.constant 0 : i32
      %dma_start3A_93 = tpu.memref_slice %arg8[%dma_start3A_91, %dma_start3A_92] : memref<10000x128xf32, #tpu.memory_space<hbm>> -> memref<10000x128xf32, #tpu.memory_space<hbm>>
      tpu.enqueue_indirect_dma source(%dma_start3A_93 : memref<10000x128xf32, #tpu.memory_space<hbm>>) target(%arg44 : memref<64x128xf32, #tpu.memory_space<vmem>>) offsets(%arg43 : memref<64xi32, #tpu.memory_space<vmem>>) semaphore(%arg55 : memref<!tpu.dma_semaphore, #tpu.memory_space<semaphore_mem>>)
      %dma_wait3A_94 = arith.constant 0 : i32
      %dma_wait3A_95 = arith.constant 0 : i32
      %dma_wait3A_96 = tpu.memref_slice %arg8[%dma_wait3A_94, %dma_wait3A_95] : memref<10000x128xf32, #tpu.memory_space<hbm>> -> memref<10000x128xf32, #tpu.memory_space<hbm>>
      tpu.wait_indirect_dma semaphore(%arg55 : memref<!tpu.dma_semaphore, #tpu.memory_space<semaphore_mem>>) src(%dma_wait3A_96 : memref<10000x128xf32, #tpu.memory_space<hbm>>) dst(%arg44 : memref<64x128xf32, #tpu.memory_space<vmem>>)
      "tpu.region"() ({
        %run_scoped3A = tpu.sem_alloc : memref<!tpu.dma_semaphore, #tpu.memory_space<semaphore_mem>>
        %dma_start3A_97 = arith.constant 0 : i32
        %dma_start3A_98 = tpu.memref_slice %arg13[%mul3A_68, %dma_start3A_97] : memref<1024x128xf32, #tpu.memory_space<hbm>> -> memref<64x128xf32, #tpu.memory_space<hbm>>
        %dma_start3A_99 = arith.constant 0 : i32
        %dma_start3A_100 = tpu.memref_slice %arg13[%mul3A_68, %dma_start3A_99] : memref<1024x128xf32, #tpu.memory_space<hbm>> -> memref<64x128xf32, #tpu.memory_space<hbm>>
        tpu.enqueue_dma source(%arg44 : memref<64x128xf32, #tpu.memory_space<vmem>>) target(%dma_start3A_100 : memref<64x128xf32, #tpu.memory_space<hbm>>) target_semaphore(%run_scoped3A : memref<!tpu.dma_semaphore, #tpu.memory_space<semaphore_mem>>)
        %dma_wait3A_101 = arith.constant 0 : i32
        %dma_wait3A_102 = tpu.memref_slice %arg13[%mul3A_68, %dma_wait3A_101] : memref<1024x128xf32, #tpu.memory_space<hbm>> -> memref<64x128xf32, #tpu.memory_space<hbm>>
        %dma_wait3A_103 = arith.constant 0 : i32
        %dma_wait3A_104 = tpu.memref_slice %arg13[%mul3A_68, %dma_wait3A_103] : memref<1024x128xf32, #tpu.memory_space<hbm>> -> memref<64x128xf32, #tpu.memory_space<hbm>>
        tpu.wait_dma2 semaphore(%run_scoped3A : memref<!tpu.dma_semaphore, #tpu.memory_space<semaphore_mem>>) src(%arg44 : memref<64x128xf32, #tpu.memory_space<vmem>>) dst(%dma_wait3A_104 : memref<64x128xf32, #tpu.memory_space<hbm>>)
        tpu.yield
      }) : () -> ()
    } else {
    }
    %eq3A_74 = arith.constant 1 : i32
    %eq3A_75 = arith.cmpi eq, %arg0, %eq3A_74 : i32
    %convert_element_type3A_76 = arith.extui %eq3A_75 : i1 to i32
    %cond3A_77 = arith.constant 0 : i32
    %cond3A_78 = arith.cmpi ne, %convert_element_type3A_76, %cond3A_77 : i32
    scf.if %cond3A_78 {
      %dma_start3A_79 = arith.constant 0 : i32
      %dma_start3A_80 = arith.constant 0 : i32
      %dma_start3A_81 = tpu.memref_slice %arg40[%dma_start3A_79, %dma_start3A_80] : memref<10000x128xf32, #tpu.memory_space<vmem_shared>> -> memref<10000x128xf32, #tpu.memory_space<vmem_shared>>
      tpu.enqueue_indirect_dma source(%dma_start3A_81 : memref<10000x128xf32, #tpu.memory_space<vmem_shared>>) target(%arg44 : memref<64x128xf32, #tpu.memory_space<vmem>>) offsets(%arg43 : memref<64xi32, #tpu.memory_space<vmem>>) semaphore(%arg55 : memref<!tpu.dma_semaphore, #tpu.memory_space<semaphore_mem>>)
      %dma_wait3A_82 = arith.constant 0 : i32
      %dma_wait3A_83 = arith.constant 0 : i32
      %dma_wait3A_84 = tpu.memref_slice %arg40[%dma_wait3A_82, %dma_wait3A_83] : memref<10000x128xf32, #tpu.memory_space<vmem_shared>> -> memref<10000x128xf32, #tpu.memory_space<vmem_shared>>
      tpu.wait_indirect_dma semaphore(%arg55 : memref<!tpu.dma_semaphore, #tpu.memory_space<semaphore_mem>>) src(%dma_wait3A_84 : memref<10000x128xf32, #tpu.memory_space<vmem_shared>>) dst(%arg44 : memref<64x128xf32, #tpu.memory_space<vmem>>)
      "tpu.region"() ({
        %run_scoped3A = tpu.sem_alloc : memref<!tpu.dma_semaphore, #tpu.memory_space<semaphore_mem>>
        %dma_start3A_91 = arith.constant 0 : i32
        %dma_start3A_92 = tpu.memref_slice %arg11[%mul3A_68, %dma_start3A_91] : memref<1024x128xf32, #tpu.memory_space<hbm>> -> memref<64x128xf32, #tpu.memory_space<hbm>>
        %dma_start3A_93 = arith.constant 0 : i32
        %dma_start3A_94 = tpu.memref_slice %arg11[%mul3A_68, %dma_start3A_93] : memref<1024x128xf32, #tpu.memory_space<hbm>> -> memref<64x128xf32, #tpu.memory_space<hbm>>
        tpu.enqueue_dma source(%arg44 : memref<64x128xf32, #tpu.memory_space<vmem>>) target(%dma_start3A_94 : memref<64x128xf32, #tpu.memory_space<hbm>>) target_semaphore(%run_scoped3A : memref<!tpu.dma_semaphore, #tpu.memory_space<semaphore_mem>>)
        %dma_wait3A_95 = arith.constant 0 : i32
        %dma_wait3A_96 = tpu.memref_slice %arg11[%mul3A_68, %dma_wait3A_95] : memref<1024x128xf32, #tpu.memory_space<hbm>> -> memref<64x128xf32, #tpu.memory_space<hbm>>
        %dma_wait3A_97 = arith.constant 0 : i32
        %dma_wait3A_98 = tpu.memref_slice %arg11[%mul3A_68, %dma_wait3A_97] : memref<1024x128xf32, #tpu.memory_space<hbm>> -> memref<64x128xf32, #tpu.memory_space<hbm>>
        tpu.wait_dma2 semaphore(%run_scoped3A : memref<!tpu.dma_semaphore, #tpu.memory_space<semaphore_mem>>) src(%arg44 : memref<64x128xf32, #tpu.memory_space<vmem>>) dst(%dma_wait3A_98 : memref<64x128xf32, #tpu.memory_space<hbm>>)
        tpu.yield
      }) : () -> ()
      %dma_start3A_85 = arith.constant 0 : i32
      %dma_start3A_86 = arith.constant 0 : i32
      %dma_start3A_87 = tpu.memref_slice %arg9[%dma_start3A_85, %dma_start3A_86] : memref<10000x128xf32, #tpu.memory_space<hbm>> -> memref<10000x128xf32, #tpu.memory_space<hbm>>
      tpu.enqueue_indirect_dma source(%dma_start3A_87 : memref<10000x128xf32, #tpu.memory_space<hbm>>) target(%arg44 : memref<64x128xf32, #tpu.memory_space<vmem>>) offsets(%arg43 : memref<64xi32, #tpu.memory_space<vmem>>) semaphore(%arg55 : memref<!tpu.dma_semaphore, #tpu.memory_space<semaphore_mem>>)
      %dma_wait3A_88 = arith.constant 0 : i32
      %dma_wait3A_89 = arith.constant 0 : i32
      %dma_wait3A_90 = tpu.memref_slice %arg9[%dma_wait3A_88, %dma_wait3A_89] : memref<10000x128xf32, #tpu.memory_space<hbm>> -> memref<10000x128xf32, #tpu.memory_space<hbm>>
      tpu.wait_indirect_dma semaphore(%arg55 : memref<!tpu.dma_semaphore, #tpu.memory_space<semaphore_mem>>) src(%dma_wait3A_90 : memref<10000x128xf32, #tpu.memory_space<hbm>>) dst(%arg44 : memref<64x128xf32, #tpu.memory_space<vmem>>)
      "tpu.region"() ({
        %run_scoped3A = tpu.sem_alloc : memref<!tpu.dma_semaphore, #tpu.memory_space<semaphore_mem>>
        %dma_start3A_91 = arith.constant 0 : i32
        %dma_start3A_92 = tpu.memref_slice %arg14[%mul3A_68, %dma_start3A_91] : memref<1024x128xf32, #tpu.memory_space<hbm>> -> memref<64x128xf32, #tpu.memory_space<hbm>>
        %dma_start3A_93 = arith.constant 0 : i32
        %dma_start3A_94 = tpu.memref_slice %arg14[%mul3A_68, %dma_start3A_93] : memref<1024x128xf32, #tpu.memory_space<hbm>> -> memref<64x128xf32, #tpu.memory_space<hbm>>
        tpu.enqueue_dma source(%arg44 : memref<64x128xf32, #tpu.memory_space<vmem>>) target(%dma_start3A_94 : memref<64x128xf32, #tpu.memory_space<hbm>>) target_semaphore(%run_scoped3A : memref<!tpu.dma_semaphore, #tpu.memory_space<semaphore_mem>>)
        %dma_wait3A_95 = arith.constant 0 : i32
        %dma_wait3A_96 = tpu.memref_slice %arg14[%mul3A_68, %dma_wait3A_95] : memref<1024x128xf32, #tpu.memory_space<hbm>> -> memref<64x128xf32, #tpu.memory_space<hbm>>
        %dma_wait3A_97 = arith.constant 0 : i32
        %dma_wait3A_98 = tpu.memref_slice %arg14[%mul3A_68, %dma_wait3A_97] : memref<1024x128xf32, #tpu.memory_space<hbm>> -> memref<64x128xf32, #tpu.memory_space<hbm>>
        tpu.wait_dma2 semaphore(%run_scoped3A : memref<!tpu.dma_semaphore, #tpu.memory_space<semaphore_mem>>) src(%arg44 : memref<64x128xf32, #tpu.memory_space<vmem>>) dst(%dma_wait3A_98 : memref<64x128xf32, #tpu.memory_space<hbm>>)
        tpu.yield
      }) : () -> ()
    } else {
    }
    return
  }
}

#map = affine_map<(d0, d1) -> (0, 0)>
#map1 = affine_map<(d0, d1) -> (0)>
module attributes {stable_mosaic.version = 14 : i64} {
  func.func @k(%arg0: i32, %arg1: i32, %arg2: memref<10000x128xf32, #tpu.memory_space<hbm>>, %arg3: memref<10000xi32, #tpu.memory_space<hbm>>, %arg4: memref<320000x128xf32, #tpu.memory_space<hbm>>, %arg5: memref<320000xi32, #tpu.memory_space<hbm>>, %arg6: memref<10000x128xf32, #tpu.memory_space<hbm>>, %arg7: memref<10000x128xf32, #tpu.memory_space<hbm>>, %arg8: memref<10000x128xf32, #tpu.memory_space<hbm>>, %arg9: memref<10000x128xf32, #tpu.memory_space<hbm>>, %arg10: memref<40xi32, #tpu.memory_space<vmem>>, %arg11: memref<40xi32, #tpu.memory_space<vmem>>, %arg12: memref<40xi32, #tpu.memory_space<vmem>>, %arg13: memref<40xi32, #tpu.memory_space<vmem>>, %arg14: memref<40xi32, #tpu.memory_space<vmem>>, %arg15: memref<40x128xf32, #tpu.memory_space<vmem>>, %arg16: memref<40x128xf32, #tpu.memory_space<vmem>>, %arg17: memref<40x128xf32, #tpu.memory_space<vmem>>, %arg18: memref<40x128xf32, #tpu.memory_space<vmem>>, %arg19: memref<40x128xf32, #tpu.memory_space<vmem>>, %arg20: memref<80xi32, #tpu.memory_space<vmem>>, %arg21: memref<80x128xf32, #tpu.memory_space<vmem>>, %arg22: memref<10000x128xf32, #tpu.memory_space<vmem_shared>>, %arg23: memref<16xi32, #tpu.memory_space<vmem>>, %arg24: memref<16x128xf32, #tpu.memory_space<vmem>>, %arg25: memref<!tpu.dma_semaphore, #tpu.memory_space<semaphore_mem>>, %arg26: memref<!tpu.dma_semaphore, #tpu.memory_space<semaphore_mem>>, %arg27: memref<!tpu.dma_semaphore, #tpu.memory_space<semaphore_mem>>, %arg28: memref<!tpu.dma_semaphore, #tpu.memory_space<semaphore_mem>>, %arg29: memref<!tpu.dma_semaphore, #tpu.memory_space<semaphore_mem>>, %arg30: memref<!tpu.dma_semaphore, #tpu.memory_space<semaphore_mem>>, %arg31: memref<!tpu.dma_semaphore, #tpu.memory_space<semaphore_mem>>, %arg32: memref<!tpu.dma_semaphore, #tpu.memory_space<semaphore_mem>>, %arg33: memref<!tpu.dma_semaphore, #tpu.memory_space<semaphore_mem>>, %arg34: memref<!tpu.dma_semaphore, #tpu.memory_space<semaphore_mem>>, %arg35: memref<!tpu.dma_semaphore, #tpu.memory_space<semaphore_mem>>) attributes {dimension_semantics = [#tpu.dimension_semantics<core_parallel>, #tpu.dimension_semantics<subcore_parallel>], iteration_bounds = array<i64: 2, 16>, scalar_prefetch = 0 : i64, scratch_operands = 26 : i64, tpu.core_type = #tpu.core_type<sc_vector_subcore>, window_params = [{transform_indices = #map}, {transform_indices = #map1}, {transform_indices = #map}, {transform_indices = #map1}, {transform_indices = #map}, {transform_indices = #map}, {transform_indices = #map}, {transform_indices = #map}]} {
    %mul3A = arith.constant 2 : i32
    %mul3A_0 = arith.muli %arg1, %mul3A : i32
    %add3A = arith.addi %mul3A_0, %arg0 : i32
    %mul3A_1 = arith.constant 10000 : i32
    %mul3A_2 = arith.muli %add3A, %mul3A_1 : i32
    %mul3A_3 = arith.constant 624 : i32
    %mul3A_4 = arith.muli %arg1, %mul3A_3 : i32
    %mul3A_5 = arith.constant 624 : i32
    %mul3A_6 = arith.muli %arg1, %mul3A_5 : i32
    "tpu.region"() ({
      %run_scoped3A = tpu.sem_alloc : memref<!tpu.dma_semaphore, #tpu.memory_space<semaphore_mem>>
      %dma_start3A_56 = arith.constant 0 : i32
      %dma_start3A_57 = tpu.memref_slice %arg22[%mul3A_6, %dma_start3A_56] : memref<10000x128xf32, #tpu.memory_space<vmem_shared>> -> memref<624x128xf32, #tpu.memory_space<vmem_shared>>
      %dma_start3A_58 = arith.constant 0 : i32
      %dma_start3A_59 = tpu.memref_slice %arg6[%mul3A_4, %dma_start3A_58] : memref<10000x128xf32, #tpu.memory_space<hbm>> -> memref<624x128xf32, #tpu.memory_space<hbm>>
      tpu.enqueue_dma source(%dma_start3A_59 : memref<624x128xf32, #tpu.memory_space<hbm>>) target(%dma_start3A_57 : memref<624x128xf32, #tpu.memory_space<vmem_shared>>) target_semaphore(%run_scoped3A : memref<!tpu.dma_semaphore, #tpu.memory_space<semaphore_mem>>)
      %dma_wait3A_60 = arith.constant 0 : i32
      %dma_wait3A_61 = tpu.memref_slice %arg22[%mul3A_6, %dma_wait3A_60] : memref<10000x128xf32, #tpu.memory_space<vmem_shared>> -> memref<624x128xf32, #tpu.memory_space<vmem_shared>>
      %dma_wait3A_62 = arith.constant 0 : i32
      %dma_wait3A_63 = tpu.memref_slice %arg6[%mul3A_4, %dma_wait3A_62] : memref<10000x128xf32, #tpu.memory_space<hbm>> -> memref<624x128xf32, #tpu.memory_space<hbm>>
      tpu.wait_dma2 semaphore(%run_scoped3A : memref<!tpu.dma_semaphore, #tpu.memory_space<semaphore_mem>>) src(%dma_wait3A_63 : memref<624x128xf32, #tpu.memory_space<hbm>>) dst(%dma_wait3A_61 : memref<624x128xf32, #tpu.memory_space<vmem_shared>>)
      tpu.yield
    }) : () -> ()
    %eq3A = arith.constant 0 : i32
    %eq3A_7 = arith.cmpi eq, %arg1, %eq3A : i32
    %convert_element_type3A = arith.extui %eq3A_7 : i1 to i32
    %cond3A = arith.constant 0 : i32
    %cond3A_8 = arith.cmpi ne, %convert_element_type3A, %cond3A : i32
    scf.if %cond3A_8 {
      "tpu.region"() ({
        %run_scoped3A = tpu.sem_alloc : memref<!tpu.dma_semaphore, #tpu.memory_space<semaphore_mem>>
        %dma_start3A_56 = arith.constant 9984 : i32
        %dma_start3A_57 = arith.constant 0 : i32
        %dma_start3A_58 = tpu.memref_slice %arg22[%dma_start3A_56, %dma_start3A_57] : memref<10000x128xf32, #tpu.memory_space<vmem_shared>> -> memref<16x128xf32, #tpu.memory_space<vmem_shared>>
        %dma_start3A_59 = arith.constant 9984 : i32
        %dma_start3A_60 = arith.constant 0 : i32
        %dma_start3A_61 = tpu.memref_slice %arg6[%dma_start3A_59, %dma_start3A_60] : memref<10000x128xf32, #tpu.memory_space<hbm>> -> memref<16x128xf32, #tpu.memory_space<hbm>>
        tpu.enqueue_dma source(%dma_start3A_61 : memref<16x128xf32, #tpu.memory_space<hbm>>) target(%dma_start3A_58 : memref<16x128xf32, #tpu.memory_space<vmem_shared>>) target_semaphore(%run_scoped3A : memref<!tpu.dma_semaphore, #tpu.memory_space<semaphore_mem>>)
        %dma_wait3A_62 = arith.constant 9984 : i32
        %dma_wait3A_63 = arith.constant 0 : i32
        %dma_wait3A_64 = tpu.memref_slice %arg22[%dma_wait3A_62, %dma_wait3A_63] : memref<10000x128xf32, #tpu.memory_space<vmem_shared>> -> memref<16x128xf32, #tpu.memory_space<vmem_shared>>
        %dma_wait3A_65 = arith.constant 9984 : i32
        %dma_wait3A_66 = arith.constant 0 : i32
        %dma_wait3A_67 = tpu.memref_slice %arg6[%dma_wait3A_65, %dma_wait3A_66] : memref<10000x128xf32, #tpu.memory_space<hbm>> -> memref<16x128xf32, #tpu.memory_space<hbm>>
        tpu.wait_dma2 semaphore(%run_scoped3A : memref<!tpu.dma_semaphore, #tpu.memory_space<semaphore_mem>>) src(%dma_wait3A_67 : memref<16x128xf32, #tpu.memory_space<hbm>>) dst(%dma_wait3A_64 : memref<16x128xf32, #tpu.memory_space<vmem_shared>>)
        tpu.yield
      }) : () -> ()
    } else {
    }
    %barrier3A = arith.constant 0 : index
    tpu.barrier barrier_id(%barrier3A)
    %scan3A = arith.constant 0 : i32
    %scan3A_9 = arith.constant 4 : i32
    %scan3A_10 = arith.addi %scan3A, %scan3A_9 : i32
    %scan3A_11 = arith.constant 1 : i32
    scf.for %scan3A_56 = %scan3A to %scan3A_10 step %scan3A_11  : i32 {
      %mul3A_57 = arith.constant 32 : i32
      %mul3A_58 = arith.muli %mul3A_57, %scan3A_56 : i32
      %add3A_59 = arith.addi %add3A, %mul3A_58 : i32
      %lt3A = arith.constant 125 : i32
      %lt3A_60 = arith.cmpi slt, %add3A_59, %lt3A : i32
      %convert_element_type3A_61 = arith.extui %lt3A_60 : i1 to i32
      %cond3A_62 = arith.constant 0 : i32
      %cond3A_63 = arith.cmpi ne, %convert_element_type3A_61, %cond3A_62 : i32
      scf.if %cond3A_63 {
        %mul3A_64 = arith.constant 80 : i32
        %mul3A_65 = arith.muli %add3A_59, %mul3A_64 : i32
        "tpu.region"() ({
          %run_scoped3A = tpu.sem_alloc : memref<!tpu.dma_semaphore, #tpu.memory_space<semaphore_mem>>
          %dma_start3A_72 = tpu.memref_slice %arg3[%mul3A_65] : memref<10000xi32, #tpu.memory_space<hbm>> -> memref<80xi32, #tpu.memory_space<hbm>>
          %dma_start3A_73 = tpu.memref_slice %arg3[%mul3A_65] : memref<10000xi32, #tpu.memory_space<hbm>> -> memref<80xi32, #tpu.memory_space<hbm>>
          tpu.enqueue_dma source(%dma_start3A_73 : memref<80xi32, #tpu.memory_space<hbm>>) target(%arg20 : memref<80xi32, #tpu.memory_space<vmem>>) target_semaphore(%run_scoped3A : memref<!tpu.dma_semaphore, #tpu.memory_space<semaphore_mem>>)
          %dma_wait3A_74 = tpu.memref_slice %arg3[%mul3A_65] : memref<10000xi32, #tpu.memory_space<hbm>> -> memref<80xi32, #tpu.memory_space<hbm>>
          %dma_wait3A_75 = tpu.memref_slice %arg3[%mul3A_65] : memref<10000xi32, #tpu.memory_space<hbm>> -> memref<80xi32, #tpu.memory_space<hbm>>
          tpu.wait_dma2 semaphore(%run_scoped3A : memref<!tpu.dma_semaphore, #tpu.memory_space<semaphore_mem>>) src(%dma_wait3A_75 : memref<80xi32, #tpu.memory_space<hbm>>) dst(%arg20 : memref<80xi32, #tpu.memory_space<vmem>>)
          tpu.yield
        }) : () -> ()
        %dma_start3A_66 = arith.constant 0 : i32
        %dma_start3A_67 = arith.constant 0 : i32
        %dma_start3A_68 = tpu.memref_slice %arg2[%dma_start3A_66, %dma_start3A_67] : memref<10000x128xf32, #tpu.memory_space<hbm>> -> memref<10000x128xf32, #tpu.memory_space<hbm>>
        tpu.enqueue_indirect_dma source(%dma_start3A_68 : memref<10000x128xf32, #tpu.memory_space<hbm>>) target(%arg21 : memref<80x128xf32, #tpu.memory_space<vmem>>) offsets(%arg20 : memref<80xi32, #tpu.memory_space<vmem>>) semaphore(%arg35 : memref<!tpu.dma_semaphore, #tpu.memory_space<semaphore_mem>>)
        %dma_wait3A_69 = arith.constant 0 : i32
        %dma_wait3A_70 = arith.constant 0 : i32
        %dma_wait3A_71 = tpu.memref_slice %arg2[%dma_wait3A_69, %dma_wait3A_70] : memref<10000x128xf32, #tpu.memory_space<hbm>> -> memref<10000x128xf32, #tpu.memory_space<hbm>>
        tpu.wait_indirect_dma semaphore(%arg35 : memref<!tpu.dma_semaphore, #tpu.memory_space<semaphore_mem>>) src(%dma_wait3A_71 : memref<10000x128xf32, #tpu.memory_space<hbm>>) dst(%arg21 : memref<80x128xf32, #tpu.memory_space<vmem>>)
        "tpu.region"() ({
          %run_scoped3A = tpu.sem_alloc : memref<!tpu.dma_semaphore, #tpu.memory_space<semaphore_mem>>
          %dma_start3A_72 = arith.constant 0 : i32
          %dma_start3A_73 = tpu.memref_slice %arg7[%mul3A_65, %dma_start3A_72] : memref<10000x128xf32, #tpu.memory_space<hbm>> -> memref<80x128xf32, #tpu.memory_space<hbm>>
          %dma_start3A_74 = arith.constant 0 : i32
          %dma_start3A_75 = tpu.memref_slice %arg7[%mul3A_65, %dma_start3A_74] : memref<10000x128xf32, #tpu.memory_space<hbm>> -> memref<80x128xf32, #tpu.memory_space<hbm>>
          tpu.enqueue_dma source(%arg21 : memref<80x128xf32, #tpu.memory_space<vmem>>) target(%dma_start3A_75 : memref<80x128xf32, #tpu.memory_space<hbm>>) target_semaphore(%run_scoped3A : memref<!tpu.dma_semaphore, #tpu.memory_space<semaphore_mem>>)
          %dma_wait3A_76 = arith.constant 0 : i32
          %dma_wait3A_77 = tpu.memref_slice %arg7[%mul3A_65, %dma_wait3A_76] : memref<10000x128xf32, #tpu.memory_space<hbm>> -> memref<80x128xf32, #tpu.memory_space<hbm>>
          %dma_wait3A_78 = arith.constant 0 : i32
          %dma_wait3A_79 = tpu.memref_slice %arg7[%mul3A_65, %dma_wait3A_78] : memref<10000x128xf32, #tpu.memory_space<hbm>> -> memref<80x128xf32, #tpu.memory_space<hbm>>
          tpu.wait_dma2 semaphore(%run_scoped3A : memref<!tpu.dma_semaphore, #tpu.memory_space<semaphore_mem>>) src(%arg21 : memref<80x128xf32, #tpu.memory_space<vmem>>) dst(%dma_wait3A_79 : memref<80x128xf32, #tpu.memory_space<hbm>>)
          tpu.yield
        }) : () -> ()
      } else {
      }
    }
    %scan3A_12 = arith.constant 4 : i32
    %add3A_13 = arith.constant 0 : i32
    %add3A_14 = arith.addi %mul3A_2, %add3A_13 : i32
    %dma_start3A = tpu.memref_slice %arg5[%add3A_14] : memref<320000xi32, #tpu.memory_space<hbm>> -> memref<40xi32, #tpu.memory_space<hbm>>
    %dma_start3A_15 = tpu.memref_slice %arg5[%add3A_14] : memref<320000xi32, #tpu.memory_space<hbm>> -> memref<40xi32, #tpu.memory_space<hbm>>
    tpu.enqueue_dma source(%dma_start3A_15 : memref<40xi32, #tpu.memory_space<hbm>>) target(%arg10 : memref<40xi32, #tpu.memory_space<vmem>>) target_semaphore(%arg25 : memref<!tpu.dma_semaphore, #tpu.memory_space<semaphore_mem>>)
    %dma_start3A_16 = arith.constant 0 : i32
    %dma_start3A_17 = tpu.memref_slice %arg4[%add3A_14, %dma_start3A_16] : memref<320000x128xf32, #tpu.memory_space<hbm>> -> memref<40x128xf32, #tpu.memory_space<hbm>>
    %dma_start3A_18 = arith.constant 0 : i32
    %dma_start3A_19 = tpu.memref_slice %arg4[%add3A_14, %dma_start3A_18] : memref<320000x128xf32, #tpu.memory_space<hbm>> -> memref<40x128xf32, #tpu.memory_space<hbm>>
    tpu.enqueue_dma source(%dma_start3A_19 : memref<40x128xf32, #tpu.memory_space<hbm>>) target(%arg15 : memref<40x128xf32, #tpu.memory_space<vmem>>) target_semaphore(%arg25 : memref<!tpu.dma_semaphore, #tpu.memory_space<semaphore_mem>>)
    %add3A_20 = arith.constant 40 : i32
    %add3A_21 = arith.addi %mul3A_2, %add3A_20 : i32
    %dma_start3A_22 = tpu.memref_slice %arg5[%add3A_21] : memref<320000xi32, #tpu.memory_space<hbm>> -> memref<40xi32, #tpu.memory_space<hbm>>
    %dma_start3A_23 = tpu.memref_slice %arg5[%add3A_21] : memref<320000xi32, #tpu.memory_space<hbm>> -> memref<40xi32, #tpu.memory_space<hbm>>
    tpu.enqueue_dma source(%dma_start3A_23 : memref<40xi32, #tpu.memory_space<hbm>>) target(%arg11 : memref<40xi32, #tpu.memory_space<vmem>>) target_semaphore(%arg26 : memref<!tpu.dma_semaphore, #tpu.memory_space<semaphore_mem>>)
    %dma_start3A_24 = arith.constant 0 : i32
    %dma_start3A_25 = tpu.memref_slice %arg4[%add3A_21, %dma_start3A_24] : memref<320000x128xf32, #tpu.memory_space<hbm>> -> memref<40x128xf32, #tpu.memory_space<hbm>>
    %dma_start3A_26 = arith.constant 0 : i32
    %dma_start3A_27 = tpu.memref_slice %arg4[%add3A_21, %dma_start3A_26] : memref<320000x128xf32, #tpu.memory_space<hbm>> -> memref<40x128xf32, #tpu.memory_space<hbm>>
    tpu.enqueue_dma source(%dma_start3A_27 : memref<40x128xf32, #tpu.memory_space<hbm>>) target(%arg16 : memref<40x128xf32, #tpu.memory_space<vmem>>) target_semaphore(%arg26 : memref<!tpu.dma_semaphore, #tpu.memory_space<semaphore_mem>>)
    %scan3A_28 = arith.constant 0 : i32
    %scan3A_29 = arith.constant 50 : i32
    %scan3A_30 = arith.addi %scan3A_28, %scan3A_29 : i32
    %scan3A_31 = arith.constant 1 : i32
    scf.for %scan3A_56 = %scan3A_28 to %scan3A_30 step %scan3A_31  : i32 {
      %mul3A_57 = arith.constant 5 : i32
      %mul3A_58 = arith.muli %mul3A_57, %scan3A_56 : i32
      %add3A_59 = arith.constant 0 : i32
      %add3A_60 = arith.addi %mul3A_58, %add3A_59 : i32
      %ge3A = arith.constant 3 : i32
      %ge3A_61 = arith.cmpi sge, %add3A_60, %ge3A : i32
      %convert_element_type3A_62 = arith.extui %ge3A_61 : i1 to i32
      %cond3A_63 = arith.constant 0 : i32
      %cond3A_64 = arith.cmpi ne, %convert_element_type3A_62, %cond3A_63 : i32
      scf.if %cond3A_64 {
        %dma_wait3A_195 = arith.constant 0 : i32
        %dma_wait3A_196 = arith.constant 0 : i32
        %dma_wait3A_197 = tpu.memref_slice %arg22[%dma_wait3A_195, %dma_wait3A_196] : memref<10000x128xf32, #tpu.memory_space<vmem_shared>> -> memref<10000x128xf32, #tpu.memory_space<vmem_shared>>
        tpu.wait_indirect_dma semaphore(%arg32 : memref<!tpu.dma_semaphore, #tpu.memory_space<semaphore_mem>>) src(%arg17 : memref<40x128xf32, #tpu.memory_space<vmem>>) dst(%dma_wait3A_197 : memref<10000x128xf32, #tpu.memory_space<vmem_shared>>)
      } else {
      }
      %add3A_65 = arith.constant 2 : i32
      %add3A_66 = arith.addi %add3A_60, %add3A_65 : i32
      %lt3A = arith.constant 250 : i32
      %lt3A_67 = arith.cmpi slt, %add3A_66, %lt3A : i32
      %convert_element_type3A_68 = arith.extui %lt3A_67 : i1 to i32
      %cond3A_69 = arith.constant 0 : i32
      %cond3A_70 = arith.cmpi ne, %convert_element_type3A_68, %cond3A_69 : i32
      scf.if %cond3A_70 {
        %add3A_195 = arith.constant 2 : i32
        %add3A_196 = arith.addi %add3A_60, %add3A_195 : i32
        %mul3A_197 = arith.constant 40 : i32
        %mul3A_198 = arith.muli %add3A_196, %mul3A_197 : i32
        %add3A_199 = arith.addi %mul3A_2, %mul3A_198 : i32
        %dma_start3A_200 = tpu.memref_slice %arg5[%add3A_199] : memref<320000xi32, #tpu.memory_space<hbm>> -> memref<40xi32, #tpu.memory_space<hbm>>
        %dma_start3A_201 = tpu.memref_slice %arg5[%add3A_199] : memref<320000xi32, #tpu.memory_space<hbm>> -> memref<40xi32, #tpu.memory_space<hbm>>
        tpu.enqueue_dma source(%dma_start3A_201 : memref<40xi32, #tpu.memory_space<hbm>>) target(%arg12 : memref<40xi32, #tpu.memory_space<vmem>>) target_semaphore(%arg27 : memref<!tpu.dma_semaphore, #tpu.memory_space<semaphore_mem>>)
        %dma_start3A_202 = arith.constant 0 : i32
        %dma_start3A_203 = tpu.memref_slice %arg4[%add3A_199, %dma_start3A_202] : memref<320000x128xf32, #tpu.memory_space<hbm>> -> memref<40x128xf32, #tpu.memory_space<hbm>>
        %dma_start3A_204 = arith.constant 0 : i32
        %dma_start3A_205 = tpu.memref_slice %arg4[%add3A_199, %dma_start3A_204] : memref<320000x128xf32, #tpu.memory_space<hbm>> -> memref<40x128xf32, #tpu.memory_space<hbm>>
        tpu.enqueue_dma source(%dma_start3A_205 : memref<40x128xf32, #tpu.memory_space<hbm>>) target(%arg17 : memref<40x128xf32, #tpu.memory_space<vmem>>) target_semaphore(%arg27 : memref<!tpu.dma_semaphore, #tpu.memory_space<semaphore_mem>>)
      } else {
      }
      %mul3A_71 = arith.constant 40 : i32
      %mul3A_72 = arith.muli %add3A_60, %mul3A_71 : i32
      %add3A_73 = arith.addi %mul3A_2, %mul3A_72 : i32
      %dma_wait3A_74 = tpu.memref_slice %arg5[%add3A_73] : memref<320000xi32, #tpu.memory_space<hbm>> -> memref<40xi32, #tpu.memory_space<hbm>>
      %dma_wait3A_75 = tpu.memref_slice %arg5[%add3A_73] : memref<320000xi32, #tpu.memory_space<hbm>> -> memref<40xi32, #tpu.memory_space<hbm>>
      tpu.wait_dma2 semaphore(%arg25 : memref<!tpu.dma_semaphore, #tpu.memory_space<semaphore_mem>>) src(%dma_wait3A_75 : memref<40xi32, #tpu.memory_space<hbm>>) dst(%arg10 : memref<40xi32, #tpu.memory_space<vmem>>)
      %dma_wait3A_76 = arith.constant 0 : i32
      %dma_wait3A_77 = tpu.memref_slice %arg4[%add3A_73, %dma_wait3A_76] : memref<320000x128xf32, #tpu.memory_space<hbm>> -> memref<40x128xf32, #tpu.memory_space<hbm>>
      %dma_wait3A_78 = arith.constant 0 : i32
      %dma_wait3A_79 = tpu.memref_slice %arg4[%add3A_73, %dma_wait3A_78] : memref<320000x128xf32, #tpu.memory_space<hbm>> -> memref<40x128xf32, #tpu.memory_space<hbm>>
      tpu.wait_dma2 semaphore(%arg25 : memref<!tpu.dma_semaphore, #tpu.memory_space<semaphore_mem>>) src(%dma_wait3A_79 : memref<40x128xf32, #tpu.memory_space<hbm>>) dst(%arg15 : memref<40x128xf32, #tpu.memory_space<vmem>>)
      %dma_start3A_80 = arith.constant 0 : i32
      %dma_start3A_81 = arith.constant 0 : i32
      %dma_start3A_82 = tpu.memref_slice %arg22[%dma_start3A_80, %dma_start3A_81] : memref<10000x128xf32, #tpu.memory_space<vmem_shared>> -> memref<10000x128xf32, #tpu.memory_space<vmem_shared>>
      tpu.enqueue_indirect_dma source(%arg15 : memref<40x128xf32, #tpu.memory_space<vmem>>) target(%dma_start3A_82 : memref<10000x128xf32, #tpu.memory_space<vmem_shared>>) offsets(%arg10 : memref<40xi32, #tpu.memory_space<vmem>>) semaphore(%arg30 : memref<!tpu.dma_semaphore, #tpu.memory_space<semaphore_mem>>) {add = true}
      %mul3A_83 = arith.constant 5 : i32
      %mul3A_84 = arith.muli %mul3A_83, %scan3A_56 : i32
      %add3A_85 = arith.constant 1 : i32
      %add3A_86 = arith.addi %mul3A_84, %add3A_85 : i32
      %ge3A_87 = arith.constant 3 : i32
      %ge3A_88 = arith.cmpi sge, %add3A_86, %ge3A_87 : i32
      %convert_element_type3A_89 = arith.extui %ge3A_88 : i1 to i32
      %cond3A_90 = arith.constant 0 : i32
      %cond3A_91 = arith.cmpi ne, %convert_element_type3A_89, %cond3A_90 : i32
      scf.if %cond3A_91 {
        %dma_wait3A_195 = arith.constant 0 : i32
        %dma_wait3A_196 = arith.constant 0 : i32
        %dma_wait3A_197 = tpu.memref_slice %arg22[%dma_wait3A_195, %dma_wait3A_196] : memref<10000x128xf32, #tpu.memory_space<vmem_shared>> -> memref<10000x128xf32, #tpu.memory_space<vmem_shared>>
        tpu.wait_indirect_dma semaphore(%arg33 : memref<!tpu.dma_semaphore, #tpu.memory_space<semaphore_mem>>) src(%arg18 : memref<40x128xf32, #tpu.memory_space<vmem>>) dst(%dma_wait3A_197 : memref<10000x128xf32, #tpu.memory_space<vmem_shared>>)
      } else {
      }
      %add3A_92 = arith.constant 2 : i32
      %add3A_93 = arith.addi %add3A_86, %add3A_92 : i32
      %lt3A_94 = arith.constant 250 : i32
      %lt3A_95 = arith.cmpi slt, %add3A_93, %lt3A_94 : i32
      %convert_element_type3A_96 = arith.extui %lt3A_95 : i1 to i32
      %cond3A_97 = arith.constant 0 : i32
      %cond3A_98 = arith.cmpi ne, %convert_element_type3A_96, %cond3A_97 : i32
      scf.if %cond3A_98 {
        %add3A_195 = arith.constant 2 : i32
        %add3A_196 = arith.addi %add3A_86, %add3A_195 : i32
        %mul3A_197 = arith.constant 40 : i32
        %mul3A_198 = arith.muli %add3A_196, %mul3A_197 : i32
        %add3A_199 = arith.addi %mul3A_2, %mul3A_198 : i32
        %dma_start3A_200 = tpu.memref_slice %arg5[%add3A_199] : memref<320000xi32, #tpu.memory_space<hbm>> -> memref<40xi32, #tpu.memory_space<hbm>>
        %dma_start3A_201 = tpu.memref_slice %arg5[%add3A_199] : memref<320000xi32, #tpu.memory_space<hbm>> -> memref<40xi32, #tpu.memory_space<hbm>>
        tpu.enqueue_dma source(%dma_start3A_201 : memref<40xi32, #tpu.memory_space<hbm>>) target(%arg13 : memref<40xi32, #tpu.memory_space<vmem>>) target_semaphore(%arg28 : memref<!tpu.dma_semaphore, #tpu.memory_space<semaphore_mem>>)
        %dma_start3A_202 = arith.constant 0 : i32
        %dma_start3A_203 = tpu.memref_slice %arg4[%add3A_199, %dma_start3A_202] : memref<320000x128xf32, #tpu.memory_space<hbm>> -> memref<40x128xf32, #tpu.memory_space<hbm>>
        %dma_start3A_204 = arith.constant 0 : i32
        %dma_start3A_205 = tpu.memref_slice %arg4[%add3A_199, %dma_start3A_204] : memref<320000x128xf32, #tpu.memory_space<hbm>> -> memref<40x128xf32, #tpu.memory_space<hbm>>
        tpu.enqueue_dma source(%dma_start3A_205 : memref<40x128xf32, #tpu.memory_space<hbm>>) target(%arg18 : memref<40x128xf32, #tpu.memory_space<vmem>>) target_semaphore(%arg28 : memref<!tpu.dma_semaphore, #tpu.memory_space<semaphore_mem>>)
      } else {
      }
      %mul3A_99 = arith.constant 40 : i32
      %mul3A_100 = arith.muli %add3A_86, %mul3A_99 : i32
      %add3A_101 = arith.addi %mul3A_2, %mul3A_100 : i32
      %dma_wait3A_102 = tpu.memref_slice %arg5[%add3A_101] : memref<320000xi32, #tpu.memory_space<hbm>> -> memref<40xi32, #tpu.memory_space<hbm>>
      %dma_wait3A_103 = tpu.memref_slice %arg5[%add3A_101] : memref<320000xi32, #tpu.memory_space<hbm>> -> memref<40xi32, #tpu.memory_space<hbm>>
      tpu.wait_dma2 semaphore(%arg26 : memref<!tpu.dma_semaphore, #tpu.memory_space<semaphore_mem>>) src(%dma_wait3A_103 : memref<40xi32, #tpu.memory_space<hbm>>) dst(%arg11 : memref<40xi32, #tpu.memory_space<vmem>>)
      %dma_wait3A_104 = arith.constant 0 : i32
      %dma_wait3A_105 = tpu.memref_slice %arg4[%add3A_101, %dma_wait3A_104] : memref<320000x128xf32, #tpu.memory_space<hbm>> -> memref<40x128xf32, #tpu.memory_space<hbm>>
      %dma_wait3A_106 = arith.constant 0 : i32
      %dma_wait3A_107 = tpu.memref_slice %arg4[%add3A_101, %dma_wait3A_106] : memref<320000x128xf32, #tpu.memory_space<hbm>> -> memref<40x128xf32, #tpu.memory_space<hbm>>
      tpu.wait_dma2 semaphore(%arg26 : memref<!tpu.dma_semaphore, #tpu.memory_space<semaphore_mem>>) src(%dma_wait3A_107 : memref<40x128xf32, #tpu.memory_space<hbm>>) dst(%arg16 : memref<40x128xf32, #tpu.memory_space<vmem>>)
      %dma_start3A_108 = arith.constant 0 : i32
      %dma_start3A_109 = arith.constant 0 : i32
      %dma_start3A_110 = tpu.memref_slice %arg22[%dma_start3A_108, %dma_start3A_109] : memref<10000x128xf32, #tpu.memory_space<vmem_shared>> -> memref<10000x128xf32, #tpu.memory_space<vmem_shared>>
      tpu.enqueue_indirect_dma source(%arg16 : memref<40x128xf32, #tpu.memory_space<vmem>>) target(%dma_start3A_110 : memref<10000x128xf32, #tpu.memory_space<vmem_shared>>) offsets(%arg11 : memref<40xi32, #tpu.memory_space<vmem>>) semaphore(%arg31 : memref<!tpu.dma_semaphore, #tpu.memory_space<semaphore_mem>>) {add = true}
      %mul3A_111 = arith.constant 5 : i32
      %mul3A_112 = arith.muli %mul3A_111, %scan3A_56 : i32
      %add3A_113 = arith.constant 2 : i32
      %add3A_114 = arith.addi %mul3A_112, %add3A_113 : i32
      %ge3A_115 = arith.constant 3 : i32
      %ge3A_116 = arith.cmpi sge, %add3A_114, %ge3A_115 : i32
      %convert_element_type3A_117 = arith.extui %ge3A_116 : i1 to i32
      %cond3A_118 = arith.constant 0 : i32
      %cond3A_119 = arith.cmpi ne, %convert_element_type3A_117, %cond3A_118 : i32
      scf.if %cond3A_119 {
        %dma_wait3A_195 = arith.constant 0 : i32
        %dma_wait3A_196 = arith.constant 0 : i32
        %dma_wait3A_197 = tpu.memref_slice %arg22[%dma_wait3A_195, %dma_wait3A_196] : memref<10000x128xf32, #tpu.memory_space<vmem_shared>> -> memref<10000x128xf32, #tpu.memory_space<vmem_shared>>
        tpu.wait_indirect_dma semaphore(%arg34 : memref<!tpu.dma_semaphore, #tpu.memory_space<semaphore_mem>>) src(%arg19 : memref<40x128xf32, #tpu.memory_space<vmem>>) dst(%dma_wait3A_197 : memref<10000x128xf32, #tpu.memory_space<vmem_shared>>)
      } else {
      }
      %add3A_120 = arith.constant 2 : i32
      %add3A_121 = arith.addi %add3A_114, %add3A_120 : i32
      %lt3A_122 = arith.constant 250 : i32
      %lt3A_123 = arith.cmpi slt, %add3A_121, %lt3A_122 : i32
      %convert_element_type3A_124 = arith.extui %lt3A_123 : i1 to i32
      %cond3A_125 = arith.constant 0 : i32
      %cond3A_126 = arith.cmpi ne, %convert_element_type3A_124, %cond3A_125 : i32
      scf.if %cond3A_126 {
        %add3A_195 = arith.constant 2 : i32
        %add3A_196 = arith.addi %add3A_114, %add3A_195 : i32
        %mul3A_197 = arith.constant 40 : i32
        %mul3A_198 = arith.muli %add3A_196, %mul3A_197 : i32
        %add3A_199 = arith.addi %mul3A_2, %mul3A_198 : i32
        %dma_start3A_200 = tpu.memref_slice %arg5[%add3A_199] : memref<320000xi32, #tpu.memory_space<hbm>> -> memref<40xi32, #tpu.memory_space<hbm>>
        %dma_start3A_201 = tpu.memref_slice %arg5[%add3A_199] : memref<320000xi32, #tpu.memory_space<hbm>> -> memref<40xi32, #tpu.memory_space<hbm>>
        tpu.enqueue_dma source(%dma_start3A_201 : memref<40xi32, #tpu.memory_space<hbm>>) target(%arg14 : memref<40xi32, #tpu.memory_space<vmem>>) target_semaphore(%arg29 : memref<!tpu.dma_semaphore, #tpu.memory_space<semaphore_mem>>)
        %dma_start3A_202 = arith.constant 0 : i32
        %dma_start3A_203 = tpu.memref_slice %arg4[%add3A_199, %dma_start3A_202] : memref<320000x128xf32, #tpu.memory_space<hbm>> -> memref<40x128xf32, #tpu.memory_space<hbm>>
        %dma_start3A_204 = arith.constant 0 : i32
        %dma_start3A_205 = tpu.memref_slice %arg4[%add3A_199, %dma_start3A_204] : memref<320000x128xf32, #tpu.memory_space<hbm>> -> memref<40x128xf32, #tpu.memory_space<hbm>>
        tpu.enqueue_dma source(%dma_start3A_205 : memref<40x128xf32, #tpu.memory_space<hbm>>) target(%arg19 : memref<40x128xf32, #tpu.memory_space<vmem>>) target_semaphore(%arg29 : memref<!tpu.dma_semaphore, #tpu.memory_space<semaphore_mem>>)
      } else {
      }
      %mul3A_127 = arith.constant 40 : i32
      %mul3A_128 = arith.muli %add3A_114, %mul3A_127 : i32
      %add3A_129 = arith.addi %mul3A_2, %mul3A_128 : i32
      %dma_wait3A_130 = tpu.memref_slice %arg5[%add3A_129] : memref<320000xi32, #tpu.memory_space<hbm>> -> memref<40xi32, #tpu.memory_space<hbm>>
      %dma_wait3A_131 = tpu.memref_slice %arg5[%add3A_129] : memref<320000xi32, #tpu.memory_space<hbm>> -> memref<40xi32, #tpu.memory_space<hbm>>
      tpu.wait_dma2 semaphore(%arg27 : memref<!tpu.dma_semaphore, #tpu.memory_space<semaphore_mem>>) src(%dma_wait3A_131 : memref<40xi32, #tpu.memory_space<hbm>>) dst(%arg12 : memref<40xi32, #tpu.memory_space<vmem>>)
      %dma_wait3A_132 = arith.constant 0 : i32
      %dma_wait3A_133 = tpu.memref_slice %arg4[%add3A_129, %dma_wait3A_132] : memref<320000x128xf32, #tpu.memory_space<hbm>> -> memref<40x128xf32, #tpu.memory_space<hbm>>
      %dma_wait3A_134 = arith.constant 0 : i32
      %dma_wait3A_135 = tpu.memref_slice %arg4[%add3A_129, %dma_wait3A_134] : memref<320000x128xf32, #tpu.memory_space<hbm>> -> memref<40x128xf32, #tpu.memory_space<hbm>>
      tpu.wait_dma2 semaphore(%arg27 : memref<!tpu.dma_semaphore, #tpu.memory_space<semaphore_mem>>) src(%dma_wait3A_135 : memref<40x128xf32, #tpu.memory_space<hbm>>) dst(%arg17 : memref<40x128xf32, #tpu.memory_space<vmem>>)
      %dma_start3A_136 = arith.constant 0 : i32
      %dma_start3A_137 = arith.constant 0 : i32
      %dma_start3A_138 = tpu.memref_slice %arg22[%dma_start3A_136, %dma_start3A_137] : memref<10000x128xf32, #tpu.memory_space<vmem_shared>> -> memref<10000x128xf32, #tpu.memory_space<vmem_shared>>
      tpu.enqueue_indirect_dma source(%arg17 : memref<40x128xf32, #tpu.memory_space<vmem>>) target(%dma_start3A_138 : memref<10000x128xf32, #tpu.memory_space<vmem_shared>>) offsets(%arg12 : memref<40xi32, #tpu.memory_space<vmem>>) semaphore(%arg32 : memref<!tpu.dma_semaphore, #tpu.memory_space<semaphore_mem>>) {add = true}
      %mul3A_139 = arith.constant 5 : i32
      %mul3A_140 = arith.muli %mul3A_139, %scan3A_56 : i32
      %add3A_141 = arith.constant 3 : i32
      %add3A_142 = arith.addi %mul3A_140, %add3A_141 : i32
      %ge3A_143 = arith.constant 3 : i32
      %ge3A_144 = arith.cmpi sge, %add3A_142, %ge3A_143 : i32
      %convert_element_type3A_145 = arith.extui %ge3A_144 : i1 to i32
      %cond3A_146 = arith.constant 0 : i32
      %cond3A_147 = arith.cmpi ne, %convert_element_type3A_145, %cond3A_146 : i32
      scf.if %cond3A_147 {
        %dma_wait3A_195 = arith.constant 0 : i32
        %dma_wait3A_196 = arith.constant 0 : i32
        %dma_wait3A_197 = tpu.memref_slice %arg22[%dma_wait3A_195, %dma_wait3A_196] : memref<10000x128xf32, #tpu.memory_space<vmem_shared>> -> memref<10000x128xf32, #tpu.memory_space<vmem_shared>>
        tpu.wait_indirect_dma semaphore(%arg30 : memref<!tpu.dma_semaphore, #tpu.memory_space<semaphore_mem>>) src(%arg15 : memref<40x128xf32, #tpu.memory_space<vmem>>) dst(%dma_wait3A_197 : memref<10000x128xf32, #tpu.memory_space<vmem_shared>>)
      } else {
      }
      %add3A_148 = arith.constant 2 : i32
      %add3A_149 = arith.addi %add3A_142, %add3A_148 : i32
      %lt3A_150 = arith.constant 250 : i32
      %lt3A_151 = arith.cmpi slt, %add3A_149, %lt3A_150 : i32
      %convert_element_type3A_152 = arith.extui %lt3A_151 : i1 to i32
      %cond3A_153 = arith.constant 0 : i32
      %cond3A_154 = arith.cmpi ne, %convert_element_type3A_152, %cond3A_153 : i32
      scf.if %cond3A_154 {
        %add3A_195 = arith.constant 2 : i32
        %add3A_196 = arith.addi %add3A_142, %add3A_195 : i32
        %mul3A_197 = arith.constant 40 : i32
        %mul3A_198 = arith.muli %add3A_196, %mul3A_197 : i32
        %add3A_199 = arith.addi %mul3A_2, %mul3A_198 : i32
        %dma_start3A_200 = tpu.memref_slice %arg5[%add3A_199] : memref<320000xi32, #tpu.memory_space<hbm>> -> memref<40xi32, #tpu.memory_space<hbm>>
        %dma_start3A_201 = tpu.memref_slice %arg5[%add3A_199] : memref<320000xi32, #tpu.memory_space<hbm>> -> memref<40xi32, #tpu.memory_space<hbm>>
        tpu.enqueue_dma source(%dma_start3A_201 : memref<40xi32, #tpu.memory_space<hbm>>) target(%arg10 : memref<40xi32, #tpu.memory_space<vmem>>) target_semaphore(%arg25 : memref<!tpu.dma_semaphore, #tpu.memory_space<semaphore_mem>>)
        %dma_start3A_202 = arith.constant 0 : i32
        %dma_start3A_203 = tpu.memref_slice %arg4[%add3A_199, %dma_start3A_202] : memref<320000x128xf32, #tpu.memory_space<hbm>> -> memref<40x128xf32, #tpu.memory_space<hbm>>
        %dma_start3A_204 = arith.constant 0 : i32
        %dma_start3A_205 = tpu.memref_slice %arg4[%add3A_199, %dma_start3A_204] : memref<320000x128xf32, #tpu.memory_space<hbm>> -> memref<40x128xf32, #tpu.memory_space<hbm>>
        tpu.enqueue_dma source(%dma_start3A_205 : memref<40x128xf32, #tpu.memory_space<hbm>>) target(%arg15 : memref<40x128xf32, #tpu.memory_space<vmem>>) target_semaphore(%arg25 : memref<!tpu.dma_semaphore, #tpu.memory_space<semaphore_mem>>)
      } else {
      }
      %mul3A_155 = arith.constant 40 : i32
      %mul3A_156 = arith.muli %add3A_142, %mul3A_155 : i32
      %add3A_157 = arith.addi %mul3A_2, %mul3A_156 : i32
      %dma_wait3A_158 = tpu.memref_slice %arg5[%add3A_157] : memref<320000xi32, #tpu.memory_space<hbm>> -> memref<40xi32, #tpu.memory_space<hbm>>
      %dma_wait3A_159 = tpu.memref_slice %arg5[%add3A_157] : memref<320000xi32, #tpu.memory_space<hbm>> -> memref<40xi32, #tpu.memory_space<hbm>>
      tpu.wait_dma2 semaphore(%arg28 : memref<!tpu.dma_semaphore, #tpu.memory_space<semaphore_mem>>) src(%dma_wait3A_159 : memref<40xi32, #tpu.memory_space<hbm>>) dst(%arg13 : memref<40xi32, #tpu.memory_space<vmem>>)
      %dma_wait3A_160 = arith.constant 0 : i32
      %dma_wait3A_161 = tpu.memref_slice %arg4[%add3A_157, %dma_wait3A_160] : memref<320000x128xf32, #tpu.memory_space<hbm>> -> memref<40x128xf32, #tpu.memory_space<hbm>>
      %dma_wait3A_162 = arith.constant 0 : i32
      %dma_wait3A_163 = tpu.memref_slice %arg4[%add3A_157, %dma_wait3A_162] : memref<320000x128xf32, #tpu.memory_space<hbm>> -> memref<40x128xf32, #tpu.memory_space<hbm>>
      tpu.wait_dma2 semaphore(%arg28 : memref<!tpu.dma_semaphore, #tpu.memory_space<semaphore_mem>>) src(%dma_wait3A_163 : memref<40x128xf32, #tpu.memory_space<hbm>>) dst(%arg18 : memref<40x128xf32, #tpu.memory_space<vmem>>)
      %dma_start3A_164 = arith.constant 0 : i32
      %dma_start3A_165 = arith.constant 0 : i32
      %dma_start3A_166 = tpu.memref_slice %arg22[%dma_start3A_164, %dma_start3A_165] : memref<10000x128xf32, #tpu.memory_space<vmem_shared>> -> memref<10000x128xf32, #tpu.memory_space<vmem_shared>>
      tpu.enqueue_indirect_dma source(%arg18 : memref<40x128xf32, #tpu.memory_space<vmem>>) target(%dma_start3A_166 : memref<10000x128xf32, #tpu.memory_space<vmem_shared>>) offsets(%arg13 : memref<40xi32, #tpu.memory_space<vmem>>) semaphore(%arg33 : memref<!tpu.dma_semaphore, #tpu.memory_space<semaphore_mem>>) {add = true}
      %mul3A_167 = arith.constant 5 : i32
      %mul3A_168 = arith.muli %mul3A_167, %scan3A_56 : i32
      %add3A_169 = arith.constant 4 : i32
      %add3A_170 = arith.addi %mul3A_168, %add3A_169 : i32
      %ge3A_171 = arith.constant 3 : i32
      %ge3A_172 = arith.cmpi sge, %add3A_170, %ge3A_171 : i32
      %convert_element_type3A_173 = arith.extui %ge3A_172 : i1 to i32
      %cond3A_174 = arith.constant 0 : i32
      %cond3A_175 = arith.cmpi ne, %convert_element_type3A_173, %cond3A_174 : i32
      scf.if %cond3A_175 {
        %dma_wait3A_195 = arith.constant 0 : i32
        %dma_wait3A_196 = arith.constant 0 : i32
        %dma_wait3A_197 = tpu.memref_slice %arg22[%dma_wait3A_195, %dma_wait3A_196] : memref<10000x128xf32, #tpu.memory_space<vmem_shared>> -> memref<10000x128xf32, #tpu.memory_space<vmem_shared>>
        tpu.wait_indirect_dma semaphore(%arg31 : memref<!tpu.dma_semaphore, #tpu.memory_space<semaphore_mem>>) src(%arg16 : memref<40x128xf32, #tpu.memory_space<vmem>>) dst(%dma_wait3A_197 : memref<10000x128xf32, #tpu.memory_space<vmem_shared>>)
      } else {
      }
      %add3A_176 = arith.constant 2 : i32
      %add3A_177 = arith.addi %add3A_170, %add3A_176 : i32
      %lt3A_178 = arith.constant 250 : i32
      %lt3A_179 = arith.cmpi slt, %add3A_177, %lt3A_178 : i32
      %convert_element_type3A_180 = arith.extui %lt3A_179 : i1 to i32
      %cond3A_181 = arith.constant 0 : i32
      %cond3A_182 = arith.cmpi ne, %convert_element_type3A_180, %cond3A_181 : i32
      scf.if %cond3A_182 {
        %add3A_195 = arith.constant 2 : i32
        %add3A_196 = arith.addi %add3A_170, %add3A_195 : i32
        %mul3A_197 = arith.constant 40 : i32
        %mul3A_198 = arith.muli %add3A_196, %mul3A_197 : i32
        %add3A_199 = arith.addi %mul3A_2, %mul3A_198 : i32
        %dma_start3A_200 = tpu.memref_slice %arg5[%add3A_199] : memref<320000xi32, #tpu.memory_space<hbm>> -> memref<40xi32, #tpu.memory_space<hbm>>
        %dma_start3A_201 = tpu.memref_slice %arg5[%add3A_199] : memref<320000xi32, #tpu.memory_space<hbm>> -> memref<40xi32, #tpu.memory_space<hbm>>
        tpu.enqueue_dma source(%dma_start3A_201 : memref<40xi32, #tpu.memory_space<hbm>>) target(%arg11 : memref<40xi32, #tpu.memory_space<vmem>>) target_semaphore(%arg26 : memref<!tpu.dma_semaphore, #tpu.memory_space<semaphore_mem>>)
        %dma_start3A_202 = arith.constant 0 : i32
        %dma_start3A_203 = tpu.memref_slice %arg4[%add3A_199, %dma_start3A_202] : memref<320000x128xf32, #tpu.memory_space<hbm>> -> memref<40x128xf32, #tpu.memory_space<hbm>>
        %dma_start3A_204 = arith.constant 0 : i32
        %dma_start3A_205 = tpu.memref_slice %arg4[%add3A_199, %dma_start3A_204] : memref<320000x128xf32, #tpu.memory_space<hbm>> -> memref<40x128xf32, #tpu.memory_space<hbm>>
        tpu.enqueue_dma source(%dma_start3A_205 : memref<40x128xf32, #tpu.memory_space<hbm>>) target(%arg16 : memref<40x128xf32, #tpu.memory_space<vmem>>) target_semaphore(%arg26 : memref<!tpu.dma_semaphore, #tpu.memory_space<semaphore_mem>>)
      } else {
      }
      %mul3A_183 = arith.constant 40 : i32
      %mul3A_184 = arith.muli %add3A_170, %mul3A_183 : i32
      %add3A_185 = arith.addi %mul3A_2, %mul3A_184 : i32
      %dma_wait3A_186 = tpu.memref_slice %arg5[%add3A_185] : memref<320000xi32, #tpu.memory_space<hbm>> -> memref<40xi32, #tpu.memory_space<hbm>>
      %dma_wait3A_187 = tpu.memref_slice %arg5[%add3A_185] : memref<320000xi32, #tpu.memory_space<hbm>> -> memref<40xi32, #tpu.memory_space<hbm>>
      tpu.wait_dma2 semaphore(%arg29 : memref<!tpu.dma_semaphore, #tpu.memory_space<semaphore_mem>>) src(%dma_wait3A_187 : memref<40xi32, #tpu.memory_space<hbm>>) dst(%arg14 : memref<40xi32, #tpu.memory_space<vmem>>)
      %dma_wait3A_188 = arith.constant 0 : i32
      %dma_wait3A_189 = tpu.memref_slice %arg4[%add3A_185, %dma_wait3A_188] : memref<320000x128xf32, #tpu.memory_space<hbm>> -> memref<40x128xf32, #tpu.memory_space<hbm>>
      %dma_wait3A_190 = arith.constant 0 : i32
      %dma_wait3A_191 = tpu.memref_slice %arg4[%add3A_185, %dma_wait3A_190] : memref<320000x128xf32, #tpu.memory_space<hbm>> -> memref<40x128xf32, #tpu.memory_space<hbm>>
      tpu.wait_dma2 semaphore(%arg29 : memref<!tpu.dma_semaphore, #tpu.memory_space<semaphore_mem>>) src(%dma_wait3A_191 : memref<40x128xf32, #tpu.memory_space<hbm>>) dst(%arg19 : memref<40x128xf32, #tpu.memory_space<vmem>>)
      %dma_start3A_192 = arith.constant 0 : i32
      %dma_start3A_193 = arith.constant 0 : i32
      %dma_start3A_194 = tpu.memref_slice %arg22[%dma_start3A_192, %dma_start3A_193] : memref<10000x128xf32, #tpu.memory_space<vmem_shared>> -> memref<10000x128xf32, #tpu.memory_space<vmem_shared>>
      tpu.enqueue_indirect_dma source(%arg19 : memref<40x128xf32, #tpu.memory_space<vmem>>) target(%dma_start3A_194 : memref<10000x128xf32, #tpu.memory_space<vmem_shared>>) offsets(%arg14 : memref<40xi32, #tpu.memory_space<vmem>>) semaphore(%arg34 : memref<!tpu.dma_semaphore, #tpu.memory_space<semaphore_mem>>) {add = true}
    }
    %scan3A_32 = arith.constant 50 : i32
    %dma_wait3A = arith.constant 0 : i32
    %dma_wait3A_33 = arith.constant 0 : i32
    %dma_wait3A_34 = tpu.memref_slice %arg22[%dma_wait3A, %dma_wait3A_33] : memref<10000x128xf32, #tpu.memory_space<vmem_shared>> -> memref<10000x128xf32, #tpu.memory_space<vmem_shared>>
    tpu.wait_indirect_dma semaphore(%arg32 : memref<!tpu.dma_semaphore, #tpu.memory_space<semaphore_mem>>) src(%arg17 : memref<40x128xf32, #tpu.memory_space<vmem>>) dst(%dma_wait3A_34 : memref<10000x128xf32, #tpu.memory_space<vmem_shared>>)
    %dma_wait3A_35 = arith.constant 0 : i32
    %dma_wait3A_36 = arith.constant 0 : i32
    %dma_wait3A_37 = tpu.memref_slice %arg22[%dma_wait3A_35, %dma_wait3A_36] : memref<10000x128xf32, #tpu.memory_space<vmem_shared>> -> memref<10000x128xf32, #tpu.memory_space<vmem_shared>>
    tpu.wait_indirect_dma semaphore(%arg33 : memref<!tpu.dma_semaphore, #tpu.memory_space<semaphore_mem>>) src(%arg18 : memref<40x128xf32, #tpu.memory_space<vmem>>) dst(%dma_wait3A_37 : memref<10000x128xf32, #tpu.memory_space<vmem_shared>>)
    %dma_wait3A_38 = arith.constant 0 : i32
    %dma_wait3A_39 = arith.constant 0 : i32
    %dma_wait3A_40 = tpu.memref_slice %arg22[%dma_wait3A_38, %dma_wait3A_39] : memref<10000x128xf32, #tpu.memory_space<vmem_shared>> -> memref<10000x128xf32, #tpu.memory_space<vmem_shared>>
    tpu.wait_indirect_dma semaphore(%arg34 : memref<!tpu.dma_semaphore, #tpu.memory_space<semaphore_mem>>) src(%arg19 : memref<40x128xf32, #tpu.memory_space<vmem>>) dst(%dma_wait3A_40 : memref<10000x128xf32, #tpu.memory_space<vmem_shared>>)
    %broadcast_in_dim3A = arith.constant 0 : i32
    %broadcast_in_dim3A_41 = vector.broadcast %broadcast_in_dim3A : i32 to vector<16xi32>
    %swap3A = arith.constant 0 : index
    %swap3A_42 = tpu.vector_load %arg23[%swap3A] {strides = array<i32>} : memref<16xi32, #tpu.memory_space<vmem>>, vector<16xi32>,
    %swap3A_43 = vector.shape_cast %swap3A_42 : vector<16xi32> to vector<16xi32>
    %swap3A_44 = vector.shape_cast %broadcast_in_dim3A_41 : vector<16xi32> to vector<16xi32>
    tpu.vector_store %arg23[%swap3A], %swap3A_44 {strides = array<i32>} : memref<16xi32, #tpu.memory_space<vmem>>, vector<16xi32>,
    "tpu.region"() ({
      %run_scoped3A = tpu.sem_alloc : memref<!tpu.dma_semaphore, #tpu.memory_space<semaphore_mem>>
      %dma_start3A_56 = arith.constant 0 : i32
      %dma_start3A_57 = arith.constant 0 : i32
      %dma_start3A_58 = tpu.memref_slice %arg6[%dma_start3A_56, %dma_start3A_57] : memref<10000x128xf32, #tpu.memory_space<hbm>> -> memref<16x128xf32, #tpu.memory_space<hbm>>
      %dma_start3A_59 = arith.constant 0 : i32
      %dma_start3A_60 = arith.constant 0 : i32
      %dma_start3A_61 = tpu.memref_slice %arg6[%dma_start3A_59, %dma_start3A_60] : memref<10000x128xf32, #tpu.memory_space<hbm>> -> memref<16x128xf32, #tpu.memory_space<hbm>>
      tpu.enqueue_dma source(%dma_start3A_61 : memref<16x128xf32, #tpu.memory_space<hbm>>) target(%arg24 : memref<16x128xf32, #tpu.memory_space<vmem>>) target_semaphore(%run_scoped3A : memref<!tpu.dma_semaphore, #tpu.memory_space<semaphore_mem>>)
      %dma_wait3A_62 = arith.constant 0 : i32
      %dma_wait3A_63 = arith.constant 0 : i32
      %dma_wait3A_64 = tpu.memref_slice %arg6[%dma_wait3A_62, %dma_wait3A_63] : memref<10000x128xf32, #tpu.memory_space<hbm>> -> memref<16x128xf32, #tpu.memory_space<hbm>>
      %dma_wait3A_65 = arith.constant 0 : i32
      %dma_wait3A_66 = arith.constant 0 : i32
      %dma_wait3A_67 = tpu.memref_slice %arg6[%dma_wait3A_65, %dma_wait3A_66] : memref<10000x128xf32, #tpu.memory_space<hbm>> -> memref<16x128xf32, #tpu.memory_space<hbm>>
      tpu.wait_dma2 semaphore(%run_scoped3A : memref<!tpu.dma_semaphore, #tpu.memory_space<semaphore_mem>>) src(%dma_wait3A_67 : memref<16x128xf32, #tpu.memory_space<hbm>>) dst(%arg24 : memref<16x128xf32, #tpu.memory_space<vmem>>)
      tpu.yield
    }) : () -> ()
    "tpu.region"() ({
      %run_scoped3A = tpu.sem_alloc : memref<!tpu.dma_semaphore, #tpu.memory_space<semaphore_mem>>
      %dma_start3A_56 = arith.constant 0 : i32
      %dma_start3A_57 = arith.constant 0 : i32
      %dma_start3A_58 = tpu.memref_slice %arg22[%dma_start3A_56, %dma_start3A_57] : memref<10000x128xf32, #tpu.memory_space<vmem_shared>> -> memref<10000x128xf32, #tpu.memory_space<vmem_shared>>
      tpu.enqueue_indirect_dma source(%arg24 : memref<16x128xf32, #tpu.memory_space<vmem>>) target(%dma_start3A_58 : memref<10000x128xf32, #tpu.memory_space<vmem_shared>>) offsets(%arg23 : memref<16xi32, #tpu.memory_space<vmem>>) semaphore(%run_scoped3A : memref<!tpu.dma_semaphore, #tpu.memory_space<semaphore_mem>>) {add = true}
      %dma_wait3A_59 = arith.constant 0 : i32
      %dma_wait3A_60 = arith.constant 0 : i32
      %dma_wait3A_61 = tpu.memref_slice %arg22[%dma_wait3A_59, %dma_wait3A_60] : memref<10000x128xf32, #tpu.memory_space<vmem_shared>> -> memref<10000x128xf32, #tpu.memory_space<vmem_shared>>
      tpu.wait_indirect_dma semaphore(%run_scoped3A : memref<!tpu.dma_semaphore, #tpu.memory_space<semaphore_mem>>) src(%arg24 : memref<16x128xf32, #tpu.memory_space<vmem>>) dst(%dma_wait3A_61 : memref<10000x128xf32, #tpu.memory_space<vmem_shared>>)
      tpu.yield
    }) : () -> ()
    %barrier3A_45 = arith.constant 0 : index
    tpu.barrier barrier_id(%barrier3A_45)
    %eq3A_46 = arith.constant 0 : i32
    %eq3A_47 = arith.cmpi eq, %arg0, %eq3A_46 : i32
    %convert_element_type3A_48 = arith.extui %eq3A_47 : i1 to i32
    %cond3A_49 = arith.constant 0 : i32
    %cond3A_50 = arith.cmpi ne, %convert_element_type3A_48, %cond3A_49 : i32
    scf.if %cond3A_50 {
      %mul3A_56 = arith.constant 624 : i32
      %mul3A_57 = arith.muli %arg1, %mul3A_56 : i32
      %mul3A_58 = arith.constant 624 : i32
      %mul3A_59 = arith.muli %arg1, %mul3A_58 : i32
      "tpu.region"() ({
        %run_scoped3A = tpu.sem_alloc : memref<!tpu.dma_semaphore, #tpu.memory_space<semaphore_mem>>
        %dma_start3A_65 = arith.constant 0 : i32
        %dma_start3A_66 = tpu.memref_slice %arg8[%mul3A_59, %dma_start3A_65] : memref<10000x128xf32, #tpu.memory_space<hbm>> -> memref<624x128xf32, #tpu.memory_space<hbm>>
        %dma_start3A_67 = arith.constant 0 : i32
        %dma_start3A_68 = tpu.memref_slice %arg22[%mul3A_57, %dma_start3A_67] : memref<10000x128xf32, #tpu.memory_space<vmem_shared>> -> memref<624x128xf32, #tpu.memory_space<vmem_shared>>
        tpu.enqueue_dma source(%dma_start3A_68 : memref<624x128xf32, #tpu.memory_space<vmem_shared>>) target(%dma_start3A_66 : memref<624x128xf32, #tpu.memory_space<hbm>>) target_semaphore(%run_scoped3A : memref<!tpu.dma_semaphore, #tpu.memory_space<semaphore_mem>>)
        %dma_wait3A_69 = arith.constant 0 : i32
        %dma_wait3A_70 = tpu.memref_slice %arg8[%mul3A_59, %dma_wait3A_69] : memref<10000x128xf32, #tpu.memory_space<hbm>> -> memref<624x128xf32, #tpu.memory_space<hbm>>
        %dma_wait3A_71 = arith.constant 0 : i32
        %dma_wait3A_72 = tpu.memref_slice %arg22[%mul3A_57, %dma_wait3A_71] : memref<10000x128xf32, #tpu.memory_space<vmem_shared>> -> memref<624x128xf32, #tpu.memory_space<vmem_shared>>
        tpu.wait_dma2 semaphore(%run_scoped3A : memref<!tpu.dma_semaphore, #tpu.memory_space<semaphore_mem>>) src(%dma_wait3A_72 : memref<624x128xf32, #tpu.memory_space<vmem_shared>>) dst(%dma_wait3A_70 : memref<624x128xf32, #tpu.memory_space<hbm>>)
        tpu.yield
      }) : () -> ()
      %eq3A_60 = arith.constant 0 : i32
      %eq3A_61 = arith.cmpi eq, %arg1, %eq3A_60 : i32
      %convert_element_type3A_62 = arith.extui %eq3A_61 : i1 to i32
      %cond3A_63 = arith.constant 0 : i32
      %cond3A_64 = arith.cmpi ne, %convert_element_type3A_62, %cond3A_63 : i32
      scf.if %cond3A_64 {
        "tpu.region"() ({
          %run_scoped3A = tpu.sem_alloc : memref<!tpu.dma_semaphore, #tpu.memory_space<semaphore_mem>>
          %dma_start3A_65 = arith.constant 9984 : i32
          %dma_start3A_66 = arith.constant 0 : i32
          %dma_start3A_67 = tpu.memref_slice %arg8[%dma_start3A_65, %dma_start3A_66] : memref<10000x128xf32, #tpu.memory_space<hbm>> -> memref<16x128xf32, #tpu.memory_space<hbm>>
          %dma_start3A_68 = arith.constant 9984 : i32
          %dma_start3A_69 = arith.constant 0 : i32
          %dma_start3A_70 = tpu.memref_slice %arg22[%dma_start3A_68, %dma_start3A_69] : memref<10000x128xf32, #tpu.memory_space<vmem_shared>> -> memref<16x128xf32, #tpu.memory_space<vmem_shared>>
          tpu.enqueue_dma source(%dma_start3A_70 : memref<16x128xf32, #tpu.memory_space<vmem_shared>>) target(%dma_start3A_67 : memref<16x128xf32, #tpu.memory_space<hbm>>) target_semaphore(%run_scoped3A : memref<!tpu.dma_semaphore, #tpu.memory_space<semaphore_mem>>)
          %dma_wait3A_71 = arith.constant 9984 : i32
          %dma_wait3A_72 = arith.constant 0 : i32
          %dma_wait3A_73 = tpu.memref_slice %arg8[%dma_wait3A_71, %dma_wait3A_72] : memref<10000x128xf32, #tpu.memory_space<hbm>> -> memref<16x128xf32, #tpu.memory_space<hbm>>
          %dma_wait3A_74 = arith.constant 9984 : i32
          %dma_wait3A_75 = arith.constant 0 : i32
          %dma_wait3A_76 = tpu.memref_slice %arg22[%dma_wait3A_74, %dma_wait3A_75] : memref<10000x128xf32, #tpu.memory_space<vmem_shared>> -> memref<16x128xf32, #tpu.memory_space<vmem_shared>>
          tpu.wait_dma2 semaphore(%run_scoped3A : memref<!tpu.dma_semaphore, #tpu.memory_space<semaphore_mem>>) src(%dma_wait3A_76 : memref<16x128xf32, #tpu.memory_space<vmem_shared>>) dst(%dma_wait3A_73 : memref<16x128xf32, #tpu.memory_space<hbm>>)
          tpu.yield
        }) : () -> ()
      } else {
      }
    } else {
    }
    %eq3A_51 = arith.constant 1 : i32
    %eq3A_52 = arith.cmpi eq, %arg0, %eq3A_51 : i32
    %convert_element_type3A_53 = arith.extui %eq3A_52 : i1 to i32
    %cond3A_54 = arith.constant 0 : i32
    %cond3A_55 = arith.cmpi ne, %convert_element_type3A_53, %cond3A_54 : i32
    scf.if %cond3A_55 {
      %mul3A_56 = arith.constant 624 : i32
      %mul3A_57 = arith.muli %arg1, %mul3A_56 : i32
      %mul3A_58 = arith.constant 624 : i32
      %mul3A_59 = arith.muli %arg1, %mul3A_58 : i32
      "tpu.region"() ({
        %run_scoped3A = tpu.sem_alloc : memref<!tpu.dma_semaphore, #tpu.memory_space<semaphore_mem>>
        %dma_start3A_65 = arith.constant 0 : i32
        %dma_start3A_66 = tpu.memref_slice %arg9[%mul3A_59, %dma_start3A_65] : memref<10000x128xf32, #tpu.memory_space<hbm>> -> memref<624x128xf32, #tpu.memory_space<hbm>>
        %dma_start3A_67 = arith.constant 0 : i32
        %dma_start3A_68 = tpu.memref_slice %arg22[%mul3A_57, %dma_start3A_67] : memref<10000x128xf32, #tpu.memory_space<vmem_shared>> -> memref<624x128xf32, #tpu.memory_space<vmem_shared>>
        tpu.enqueue_dma source(%dma_start3A_68 : memref<624x128xf32, #tpu.memory_space<vmem_shared>>) target(%dma_start3A_66 : memref<624x128xf32, #tpu.memory_space<hbm>>) target_semaphore(%run_scoped3A : memref<!tpu.dma_semaphore, #tpu.memory_space<semaphore_mem>>)
        %dma_wait3A_69 = arith.constant 0 : i32
        %dma_wait3A_70 = tpu.memref_slice %arg9[%mul3A_59, %dma_wait3A_69] : memref<10000x128xf32, #tpu.memory_space<hbm>> -> memref<624x128xf32, #tpu.memory_space<hbm>>
        %dma_wait3A_71 = arith.constant 0 : i32
        %dma_wait3A_72 = tpu.memref_slice %arg22[%mul3A_57, %dma_wait3A_71] : memref<10000x128xf32, #tpu.memory_space<vmem_shared>> -> memref<624x128xf32, #tpu.memory_space<vmem_shared>>
        tpu.wait_dma2 semaphore(%run_scoped3A : memref<!tpu.dma_semaphore, #tpu.memory_space<semaphore_mem>>) src(%dma_wait3A_72 : memref<624x128xf32, #tpu.memory_space<vmem_shared>>) dst(%dma_wait3A_70 : memref<624x128xf32, #tpu.memory_space<hbm>>)
        tpu.yield
      }) : () -> ()
      %eq3A_60 = arith.constant 0 : i32
      %eq3A_61 = arith.cmpi eq, %arg1, %eq3A_60 : i32
      %convert_element_type3A_62 = arith.extui %eq3A_61 : i1 to i32
      %cond3A_63 = arith.constant 0 : i32
      %cond3A_64 = arith.cmpi ne, %convert_element_type3A_62, %cond3A_63 : i32
      scf.if %cond3A_64 {
        "tpu.region"() ({
          %run_scoped3A = tpu.sem_alloc : memref<!tpu.dma_semaphore, #tpu.memory_space<semaphore_mem>>
          %dma_start3A_65 = arith.constant 9984 : i32
          %dma_start3A_66 = arith.constant 0 : i32
          %dma_start3A_67 = tpu.memref_slice %arg9[%dma_start3A_65, %dma_start3A_66] : memref<10000x128xf32, #tpu.memory_space<hbm>> -> memref<16x128xf32, #tpu.memory_space<hbm>>
          %dma_start3A_68 = arith.constant 9984 : i32
          %dma_start3A_69 = arith.constant 0 : i32
          %dma_start3A_70 = tpu.memref_slice %arg22[%dma_start3A_68, %dma_start3A_69] : memref<10000x128xf32, #tpu.memory_space<vmem_shared>> -> memref<16x128xf32, #tpu.memory_space<vmem_shared>>
          tpu.enqueue_dma source(%dma_start3A_70 : memref<16x128xf32, #tpu.memory_space<vmem_shared>>) target(%dma_start3A_67 : memref<16x128xf32, #tpu.memory_space<hbm>>) target_semaphore(%run_scoped3A : memref<!tpu.dma_semaphore, #tpu.memory_space<semaphore_mem>>)
          %dma_wait3A_71 = arith.constant 9984 : i32
          %dma_wait3A_72 = arith.constant 0 : i32
          %dma_wait3A_73 = tpu.memref_slice %arg9[%dma_wait3A_71, %dma_wait3A_72] : memref<10000x128xf32, #tpu.memory_space<hbm>> -> memref<16x128xf32, #tpu.memory_space<hbm>>
          %dma_wait3A_74 = arith.constant 9984 : i32
          %dma_wait3A_75 = arith.constant 0 : i32
          %dma_wait3A_76 = tpu.memref_slice %arg22[%dma_wait3A_74, %dma_wait3A_75] : memref<10000x128xf32, #tpu.memory_space<vmem_shared>> -> memref<16x128xf32, #tpu.memory_space<vmem_shared>>
          tpu.wait_dma2 semaphore(%run_scoped3A : memref<!tpu.dma_semaphore, #tpu.memory_space<semaphore_mem>>) src(%dma_wait3A_76 : memref<16x128xf32, #tpu.memory_space<vmem_shared>>) dst(%dma_wait3A_73 : memref<16x128xf32, #tpu.memory_space<hbm>>)
          tpu.yield
        }) : () -> ()
      } else {
      }
    } else {
    }
    return
  }
}

module attributes {stable_mosaic.version = 14 : i64} {
  func.func @body(%arg0: i32, %arg1: memref<8000x16xf32, #tpu.memory_space<vmem>>, %arg2: memref<16x16xf32, #tpu.memory_space<vmem>>, %arg3: memref<1x16xf32, #tpu.memory_space<vmem>>, %arg4: memref<8000x128xf32, #tpu.memory_space<vmem>>) attributes {dimension_semantics = [#tpu.dimension_semantics<arbitrary>], iteration_bounds = array<i64: 40>, scalar_prefetch = 0 : i64, scratch_operands = 0 : i64, tpu.core_type = #tpu.core_type<tc>, window_params = [{transform_indices = @transform_0, window_bounds = array<i64: 8000, 16>}, {pipeline_mode = #tpu.pipeline_mode<synchronous>, transform_indices = @transform_1, window_bounds = array<i64: 16, 16>}, {pipeline_mode = #tpu.pipeline_mode<synchronous>, transform_indices = @transform_2, window_bounds = array<i64: 1, 16>}, {transform_indices = @transform_3, window_bounds = array<i64: 8000, 128>}]} {
    %get3A = arith.constant 0 : index
    %get3A_0 = arith.constant 0 : index
    %get3A_1 = vector.load %arg1[%get3A, %get3A_0] : memref<8000x16xf32, #tpu.memory_space<vmem>>, vector<8000x16xf32>
    %get3A_2 = arith.constant 0 : index
    %get3A_3 = arith.constant 0 : index
    %get3A_4 = vector.load %arg2[%get3A_2, %get3A_3] : memref<16x16xf32, #tpu.memory_space<vmem>>, vector<16x16xf32>
    %dot_general3A = arith.constant dense<0.000000e+00> : vector<8000x16xf32>
    %dot_general3A_5 = tpu.matmul %get3A_1, %get3A_4, %dot_general3A {dimension_numbers = #tpu.dot_dimension_numbers<[1], [0], [0], [1], [0, 0, 1, 1], [], []>, transpose_lhs_hint = false} : vector<8000x16xf32>, vector<16x16xf32>, vector<8000x16xf32> -> vector<8000x16xf32>
    %get3A_6 = arith.constant 0 : index
    %get3A_7 = arith.constant 0 : index
    %get3A_8 = vector.load %arg3[%get3A_6, %get3A_7] : memref<1x16xf32, #tpu.memory_space<vmem>>, vector<1x16xf32>
    %add3A = vector.broadcast %get3A_8 : vector<1x16xf32> to vector<8000x16xf32>
    %add3A_9 = arith.addf %dot_general3A_5, %add3A : vector<8000x16xf32>
    %max3A = arith.constant 0.000000e+00 : f32
    %max3A_10 = vector.broadcast %max3A : f32 to vector<8000x16xf32>
    %max3A_11 = arith.maximumf %add3A_9, %max3A_10 : vector<8000x16xf32>
    %broadcast_in_dim3A = arith.constant 1.000000e+00 : f32
    %broadcast_in_dim3A_12 = vector.broadcast %broadcast_in_dim3A : f32 to vector<8000x1xf32>
    %broadcast_in_dim3A_13 = arith.constant 0.000000e+00 : f32
    %broadcast_in_dim3A_14 = vector.broadcast %broadcast_in_dim3A_13 : f32 to vector<8000x111xf32>
    %concatenate3A = tpu.concatenate %max3A_11, %broadcast_in_dim3A_12, %broadcast_in_dim3A_14 in 1 : vector<8000x16xf32>, vector<8000x1xf32>, vector<8000x111xf32> -> vector<8000x128xf32>
    %swap3A = arith.constant 0 : index
    %swap3A_15 = arith.constant 0 : index
    %swap3A_16 = vector.load %arg4[%swap3A, %swap3A_15] : memref<8000x128xf32, #tpu.memory_space<vmem>>, vector<8000x128xf32>
    tpu.vector_store %arg4[%swap3A, %swap3A_15], %concatenate3A {strides = array<i32>} : memref<8000x128xf32, #tpu.memory_space<vmem>>, vector<8000x128xf32>,
    return
  }
  func.func @transform_0(%arg0: i32) -> (i32, i32) {
    %c0_i32 = arith.constant 0 : i32
    %c0_i32_0 = arith.constant 0 : i32
    return %arg0, %c0_i32 : i32, i32
  }
  func.func @transform_1(%arg0: i32) -> (i32, i32) {
    %c0_i32 = arith.constant 0 : i32
    %c0_i32_0 = arith.constant 0 : i32
    %c0_i32_1 = arith.constant 0 : i32
    return %c0_i32, %c0_i32_0 : i32, i32
  }
  func.func @transform_2(%arg0: i32) -> (i32, i32) {
    %c0_i32 = arith.constant 0 : i32
    %c0_i32_0 = arith.constant 0 : i32
    %c0_i32_1 = arith.constant 0 : i32
    return %c0_i32, %c0_i32_0 : i32, i32
  }
  func.func @transform_3(%arg0: i32) -> (i32, i32) {
    %c0_i32 = arith.constant 0 : i32
    %c0_i32_0 = arith.constant 0 : i32
    return %arg0, %c0_i32 : i32, i32
  }
}

module attributes {stable_mosaic.version = 14 : i64} {
  func.func @body(%arg0: i32, %arg1: memref<2000x128xf32, #tpu.memory_space<vmem>>, %arg2: memref<128x128xf32, #tpu.memory_space<vmem>>, %arg3: memref<1x128xf32, #tpu.memory_space<vmem>>, %arg4: memref<2000x128xf32, #tpu.memory_space<vmem>>, %arg5: memref<2000x128xf32, #tpu.memory_space<vmem>>, %arg6: memref<2000x128xf32, #tpu.memory_space<vmem>>, %arg7: memref<208x128xf32, #tpu.memory_space<vmem>>, %arg8: memref<192x128xf32, #tpu.memory_space<vmem>>, %arg9: memref<144x128xf32, #tpu.memory_space<vmem>>, %arg10: memref<1x128xf32, #tpu.memory_space<vmem>>, %arg11: memref<2000x128xf32, #tpu.memory_space<vmem>>, %arg12: memref<2000x128xf32, #tpu.memory_space<vmem>>, %arg13: memref<2000x128xf32, #tpu.memory_space<vmem>>) attributes {dimension_semantics = [#tpu.dimension_semantics<arbitrary>], iteration_bounds = array<i64: 5>, scalar_prefetch = 0 : i64, scratch_operands = 0 : i64, tpu.core_type = #tpu.core_type<tc>, window_params = [{transform_indices = @transform_0, window_bounds = array<i64: 2000, 128>}, {pipeline_mode = #tpu.pipeline_mode<synchronous>, transform_indices = @transform_1, window_bounds = array<i64: 128, 128>}, {pipeline_mode = #tpu.pipeline_mode<synchronous>, transform_indices = @transform_2, window_bounds = array<i64: 1, 128>}, {transform_indices = @transform_3, window_bounds = array<i64: 2000, 128>}, {transform_indices = @transform_4, window_bounds = array<i64: 2000, 128>}, {transform_indices = @transform_5, window_bounds = array<i64: 2000, 128>}, {pipeline_mode = #tpu.pipeline_mode<synchronous>, transform_indices = @transform_6, window_bounds = array<i64: 208, 128>}, {pipeline_mode = #tpu.pipeline_mode<synchronous>, transform_indices = @transform_7, window_bounds = array<i64: 192, 128>}, {pipeline_mode = #tpu.pipeline_mode<synchronous>, transform_indices = @transform_8, window_bounds = array<i64: 144, 128>}, {pipeline_mode = #tpu.pipeline_mode<synchronous>, transform_indices = @transform_9, window_bounds = array<i64: 1, 128>}, {transform_indices = @transform_10, window_bounds = array<i64: 2000, 128>}, {transform_indices = @transform_11, window_bounds = array<i64: 2000, 128>}, {transform_indices = @transform_12, window_bounds = array<i64: 2000, 128>}]} {
    %get3A = arith.constant 0 : index
    %get3A_0 = arith.constant 0 : index
    %get3A_1 = vector.load %arg1[%get3A, %get3A_0] : memref<2000x128xf32, #tpu.memory_space<vmem>>, vector<2000x128xf32>
    %get3A_2 = arith.constant 0 : index
    %get3A_3 = arith.constant 0 : index
    %get3A_4 = vector.load %arg2[%get3A_2, %get3A_3] : memref<128x128xf32, #tpu.memory_space<vmem>>, vector<128x128xf32>
    %dot_general3A = arith.constant dense<0.000000e+00> : vector<2000x128xf32>
    %dot_general3A_5 = tpu.matmul %get3A_1, %get3A_4, %dot_general3A {dimension_numbers = #tpu.dot_dimension_numbers<[1], [0], [0], [1], [0, 0, 1, 1], [], []>, transpose_lhs_hint = false} : vector<2000x128xf32>, vector<128x128xf32>, vector<2000x128xf32> -> vector<2000x128xf32>
    %get3A_6 = arith.constant 0 : index
    %get3A_7 = arith.constant 0 : index
    %get3A_8 = vector.load %arg3[%get3A_6, %get3A_7] : memref<1x128xf32, #tpu.memory_space<vmem>>, vector<1x128xf32>
    %add3A = vector.broadcast %get3A_8 : vector<1x128xf32> to vector<2000x128xf32>
    %add3A_9 = arith.addf %dot_general3A_5, %add3A : vector<2000x128xf32>
    %mul3A = arith.constant 2000 : i32
    %mul3A_10 = arith.muli %arg0, %mul3A : i32
    %iota3A = tpu.iota {dimensions = array<i32: 0>} : vector<2000x1xi32>
    %add3A_11 = vector.broadcast %mul3A_10 : i32 to vector<2000x1xi32>
    %add3A_12 = arith.addi %add3A_11, %iota3A : vector<2000x1xi32>
    %lt3A = arith.constant 1024 : i32
    %lt3A_13 = vector.broadcast %lt3A : i32 to vector<2000x1xi32>
    %lt3A_14 = arith.cmpi slt, %add3A_12, %lt3A_13 : vector<2000x1xi32>
    %jit3A = arith.constant 0.000000e+00 : f32
    %broadcast_in_dim3A = vector.shape_cast %lt3A_14 : vector<2000x1xi1> to vector<2000x1xi1>
    %broadcast_in_dim3A_15 = vector.broadcast %broadcast_in_dim3A : vector<2000x1xi1> to vector<2000x128xi1>
    %broadcast_in_dim3A_16 = vector.broadcast %jit3A : f32 to vector<2000x128xf32>
    %select_n3A = arith.select %broadcast_in_dim3A_15, %broadcast_in_dim3A_16, %add3A_9 : vector<2000x128xi1>, vector<2000x128xf32>
    %get3A_17 = arith.constant 0 : index
    %get3A_18 = arith.constant 0 : index
    %get3A_19 = vector.load %arg5[%get3A_17, %get3A_18] : memref<2000x128xf32, #tpu.memory_space<vmem>>, vector<2000x128xf32>
    %get3A_20 = arith.constant 0 : index
    %get3A_21 = arith.constant 0 : index
    %get3A_22 = vector.load %arg6[%get3A_20, %get3A_21] : memref<2000x128xf32, #tpu.memory_space<vmem>>, vector<2000x128xf32>
    %add3A_23 = arith.addf %get3A_19, %get3A_22 : vector<2000x128xf32>
    %slice3A = vector.extract_strided_slice %add3A_23 {offsets = [0, 0], sizes = [2000, 16], strides = [1, 1]} : vector<2000x128xf32> to vector<2000x16xf32>
    %slice3A_24 = vector.extract_strided_slice %add3A_23 {offsets = [0, 16], sizes = [2000, 1], strides = [1, 1]} : vector<2000x128xf32> to vector<2000x1xf32>
    %max3A = arith.constant 1.000000e+00 : f32
    %max3A_25 = vector.broadcast %max3A : f32 to vector<2000x1xf32>
    %max3A_26 = arith.maximumf %slice3A_24, %max3A_25 : vector<2000x1xf32>
    %div3A = vector.broadcast %max3A_26 : vector<2000x1xf32> to vector<2000x16xf32>
    %div3A_27 = arith.divf %slice3A, %div3A : vector<2000x16xf32>
    %get3A_28 = arith.constant 0 : index
    %get3A_29 = arith.constant 0 : index
    %get3A_30 = vector.load %arg7[%get3A_28, %get3A_29] : memref<208x128xf32, #tpu.memory_space<vmem>>, vector<208x128xf32>
    %get3A_31 = arith.constant 0 : index
    %get3A_32 = arith.constant 0 : index
    %get3A_33 = vector.load %arg8[%get3A_31, %get3A_32] : memref<192x128xf32, #tpu.memory_space<vmem>>, vector<192x128xf32>
    %get3A_34 = arith.constant 0 : index
    %get3A_35 = arith.constant 0 : index
    %get3A_36 = vector.load %arg4[%get3A_34, %get3A_35] : memref<2000x128xf32, #tpu.memory_space<vmem>>, vector<2000x128xf32>
    %slice3A_37 = vector.extract_strided_slice %get3A_36 {offsets = [0, 0], sizes = [2000, 64], strides = [1, 1]} : vector<2000x128xf32> to vector<2000x64xf32>
    %slice3A_38 = vector.extract_strided_slice %get3A_30 {offsets = [0, 0], sizes = [128, 128], strides = [1, 1]} : vector<208x128xf32> to vector<128x128xf32>
    %dot_general3A_39 = arith.constant dense<0.000000e+00> : vector<2000x128xf32>
    %dot_general3A_40 = tpu.matmul %select_n3A, %slice3A_38, %dot_general3A_39 {dimension_numbers = #tpu.dot_dimension_numbers<[1], [0], [0], [1], [0, 0, 1, 1], [], []>, transpose_lhs_hint = false} : vector<2000x128xf32>, vector<128x128xf32>, vector<2000x128xf32> -> vector<2000x128xf32>
    %slice3A_41 = vector.extract_strided_slice %get3A_30 {offsets = [128, 0], sizes = [64, 128], strides = [1, 1]} : vector<208x128xf32> to vector<64x128xf32>
    %dot_general3A_42 = arith.constant dense<0.000000e+00> : vector<2000x128xf32>
    %dot_general3A_43 = tpu.matmul %slice3A_37, %slice3A_41, %dot_general3A_42 {dimension_numbers = #tpu.dot_dimension_numbers<[1], [0], [0], [1], [0, 0, 1, 1], [], []>, transpose_lhs_hint = false} : vector<2000x64xf32>, vector<64x128xf32>, vector<2000x128xf32> -> vector<2000x128xf32>
    %add3A_44 = arith.addf %dot_general3A_40, %dot_general3A_43 : vector<2000x128xf32>
    %swap3A = arith.constant 0 : index
    %swap3A_45 = arith.constant 0 : index
    %swap3A_46 = vector.load %arg11[%swap3A, %swap3A_45] : memref<2000x128xf32, #tpu.memory_space<vmem>>, vector<2000x128xf32>
    tpu.vector_store %arg11[%swap3A, %swap3A_45], %add3A_44 {strides = array<i32>} : memref<2000x128xf32, #tpu.memory_space<vmem>>, vector<2000x128xf32>,
    %slice3A_47 = vector.extract_strided_slice %get3A_33 {offsets = [0, 0], sizes = [128, 128], strides = [1, 1]} : vector<192x128xf32> to vector<128x128xf32>
    %dot_general3A_48 = arith.constant dense<0.000000e+00> : vector<2000x128xf32>
    %dot_general3A_49 = tpu.matmul %select_n3A, %slice3A_47, %dot_general3A_48 {dimension_numbers = #tpu.dot_dimension_numbers<[1], [0], [0], [1], [0, 0, 1, 1], [], []>, transpose_lhs_hint = false} : vector<2000x128xf32>, vector<128x128xf32>, vector<2000x128xf32> -> vector<2000x128xf32>
    %slice3A_50 = vector.extract_strided_slice %get3A_33 {offsets = [128, 0], sizes = [64, 128], strides = [1, 1]} : vector<192x128xf32> to vector<64x128xf32>
    %dot_general3A_51 = arith.constant dense<0.000000e+00> : vector<2000x128xf32>
    %dot_general3A_52 = tpu.matmul %slice3A_37, %slice3A_50, %dot_general3A_51 {dimension_numbers = #tpu.dot_dimension_numbers<[1], [0], [0], [1], [0, 0, 1, 1], [], []>, transpose_lhs_hint = false} : vector<2000x64xf32>, vector<64x128xf32>, vector<2000x128xf32> -> vector<2000x128xf32>
    %add3A_53 = arith.addf %dot_general3A_49, %dot_general3A_52 : vector<2000x128xf32>
    %slice3A_54 = vector.extract_strided_slice %get3A_30 {offsets = [192, 0], sizes = [16, 128], strides = [1, 1]} : vector<208x128xf32> to vector<16x128xf32>
    %dot_general3A_55 = arith.constant dense<0.000000e+00> : vector<2000x128xf32>
    %dot_general3A_56 = tpu.matmul %div3A_27, %slice3A_54, %dot_general3A_55 {dimension_numbers = #tpu.dot_dimension_numbers<[1], [0], [0], [1], [0, 0, 1, 1], [], []>, transpose_lhs_hint = false} : vector<2000x16xf32>, vector<16x128xf32>, vector<2000x128xf32> -> vector<2000x128xf32>
    %add3A_57 = arith.addf %add3A_53, %dot_general3A_56 : vector<2000x128xf32>
    %get3A_58 = arith.constant 0 : index
    %get3A_59 = arith.constant 0 : index
    %get3A_60 = vector.load %arg10[%get3A_58, %get3A_59] : memref<1x128xf32, #tpu.memory_space<vmem>>, vector<1x128xf32>
    %add3A_61 = vector.broadcast %get3A_60 : vector<1x128xf32> to vector<2000x128xf32>
    %add3A_62 = arith.addf %add3A_57, %add3A_61 : vector<2000x128xf32>
    %swap3A_63 = arith.constant 0 : index
    %swap3A_64 = arith.constant 0 : index
    %swap3A_65 = vector.load %arg12[%swap3A_63, %swap3A_64] : memref<2000x128xf32, #tpu.memory_space<vmem>>, vector<2000x128xf32>
    tpu.vector_store %arg12[%swap3A_63, %swap3A_64], %add3A_62 {strides = array<i32>} : memref<2000x128xf32, #tpu.memory_space<vmem>>, vector<2000x128xf32>,
    %get3A_66 = arith.constant 0 : index
    %get3A_67 = arith.constant 0 : index
    %get3A_68 = vector.load %arg9[%get3A_66, %get3A_67] : memref<144x128xf32, #tpu.memory_space<vmem>>, vector<144x128xf32>
    %slice3A_69 = vector.extract_strided_slice %get3A_68 {offsets = [128, 0], sizes = [16, 128], strides = [1, 1]} : vector<144x128xf32> to vector<16x128xf32>
    %dot_general3A_70 = arith.constant dense<0.000000e+00> : vector<2000x128xf32>
    %dot_general3A_71 = tpu.matmul %div3A_27, %slice3A_69, %dot_general3A_70 {dimension_numbers = #tpu.dot_dimension_numbers<[1], [0], [0], [1], [0, 0, 1, 1], [], []>, transpose_lhs_hint = false} : vector<2000x16xf32>, vector<16x128xf32>, vector<2000x128xf32> -> vector<2000x128xf32>
    %swap3A_72 = arith.constant 0 : index
    %swap3A_73 = arith.constant 0 : index
    %swap3A_74 = vector.load %arg13[%swap3A_72, %swap3A_73] : memref<2000x128xf32, #tpu.memory_space<vmem>>, vector<2000x128xf32>
    tpu.vector_store %arg13[%swap3A_72, %swap3A_73], %dot_general3A_71 {strides = array<i32>} : memref<2000x128xf32, #tpu.memory_space<vmem>>, vector<2000x128xf32>,
    return
  }
  func.func @transform_0(%arg0: i32) -> (i32, i32) {
    %c0_i32 = arith.constant 0 : i32
    %c0_i32_0 = arith.constant 0 : i32
    return %arg0, %c0_i32 : i32, i32
  }
  func.func @transform_1(%arg0: i32) -> (i32, i32) {
    %c0_i32 = arith.constant 0 : i32
    %c0_i32_0 = arith.constant 0 : i32
    %c0_i32_1 = arith.constant 0 : i32
    return %c0_i32, %c0_i32_0 : i32, i32
  }
  func.func @transform_2(%arg0: i32) -> (i32, i32) {
    %c0_i32 = arith.constant 0 : i32
    %c0_i32_0 = arith.constant 0 : i32
    %c0_i32_1 = arith.constant 0 : i32
    return %c0_i32, %c0_i32_0 : i32, i32
  }
  func.func @transform_3(%arg0: i32) -> (i32, i32) {
    %c0_i32 = arith.constant 0 : i32
    %c0_i32_0 = arith.constant 0 : i32
    return %arg0, %c0_i32 : i32, i32
  }
  func.func @transform_4(%arg0: i32) -> (i32, i32) {
    %c0_i32 = arith.constant 0 : i32
    %c0_i32_0 = arith.constant 0 : i32
    return %arg0, %c0_i32 : i32, i32
  }
  func.func @transform_5(%arg0: i32) -> (i32, i32) {
    %c0_i32 = arith.constant 0 : i32
    %c0_i32_0 = arith.constant 0 : i32
    return %arg0, %c0_i32 : i32, i32
  }
  func.func @transform_6(%arg0: i32) -> (i32, i32) {
    %c0_i32 = arith.constant 0 : i32
    %c0_i32_0 = arith.constant 0 : i32
    %c0_i32_1 = arith.constant 0 : i32
    return %c0_i32, %c0_i32_0 : i32, i32
  }
  func.func @transform_7(%arg0: i32) -> (i32, i32) {
    %c0_i32 = arith.constant 0 : i32
    %c0_i32_0 = arith.constant 0 : i32
    %c0_i32_1 = arith.constant 0 : i32
    return %c0_i32, %c0_i32_0 : i32, i32
  }
  func.func @transform_8(%arg0: i32) -> (i32, i32) {
    %c0_i32 = arith.constant 0 : i32
    %c0_i32_0 = arith.constant 0 : i32
    %c0_i32_1 = arith.constant 0 : i32
    return %c0_i32, %c0_i32_0 : i32, i32
  }
  func.func @transform_9(%arg0: i32) -> (i32, i32) {
    %c0_i32 = arith.constant 0 : i32
    %c0_i32_0 = arith.constant 0 : i32
    %c0_i32_1 = arith.constant 0 : i32
    return %c0_i32, %c0_i32_0 : i32, i32
  }
  func.func @transform_10(%arg0: i32) -> (i32, i32) {
    %c0_i32 = arith.constant 0 : i32
    %c0_i32_0 = arith.constant 0 : i32
    return %arg0, %c0_i32 : i32, i32
  }
  func.func @transform_11(%arg0: i32) -> (i32, i32) {
    %c0_i32 = arith.constant 0 : i32
    %c0_i32_0 = arith.constant 0 : i32
    return %arg0, %c0_i32 : i32, i32
  }
  func.func @transform_12(%arg0: i32) -> (i32, i32) {
    %c0_i32 = arith.constant 0 : i32
    %c0_i32_0 = arith.constant 0 : i32
    return %arg0, %c0_i32 : i32, i32
  }
}

module attributes {stable_mosaic.version = 14 : i64} {
  func.func @body(%arg0: i32, %arg1: memref<2000x128xf32, #tpu.memory_space<vmem>>, %arg2: memref<2000x128xf32, #tpu.memory_space<vmem>>, %arg3: memref<2000x128xf32, #tpu.memory_space<vmem>>, %arg4: memref<2000x128xf32, #tpu.memory_space<vmem>>, %arg5: memref<2000x128xf32, #tpu.memory_space<vmem>>, %arg6: memref<2000x128xf32, #tpu.memory_space<vmem>>, %arg7: memref<144x128xf32, #tpu.memory_space<vmem>>, %arg8: memref<128x128xf32, #tpu.memory_space<vmem>>, %arg9: memref<1x128xf32, #tpu.memory_space<vmem>>, %arg10: memref<2000x128xf32, #tpu.memory_space<vmem>>, %arg11: memref<2000x128xf32, #tpu.memory_space<vmem>>) attributes {dimension_semantics = [#tpu.dimension_semantics<arbitrary>], iteration_bounds = array<i64: 5>, scalar_prefetch = 0 : i64, scratch_operands = 0 : i64, tpu.core_type = #tpu.core_type<tc>, window_params = [{transform_indices = @transform_0, window_bounds = array<i64: 2000, 128>}, {transform_indices = @transform_1, window_bounds = array<i64: 2000, 128>}, {transform_indices = @transform_2, window_bounds = array<i64: 2000, 128>}, {transform_indices = @transform_3, window_bounds = array<i64: 2000, 128>}, {transform_indices = @transform_4, window_bounds = array<i64: 2000, 128>}, {transform_indices = @transform_5, window_bounds = array<i64: 2000, 128>}, {pipeline_mode = #tpu.pipeline_mode<synchronous>, transform_indices = @transform_6, window_bounds = array<i64: 144, 128>}, {pipeline_mode = #tpu.pipeline_mode<synchronous>, transform_indices = @transform_7, window_bounds = array<i64: 128, 128>}, {pipeline_mode = #tpu.pipeline_mode<synchronous>, transform_indices = @transform_8, window_bounds = array<i64: 1, 128>}, {transform_indices = @transform_9, window_bounds = array<i64: 2000, 128>}, {transform_indices = @transform_10, window_bounds = array<i64: 2000, 128>}]} {
    %get3A = arith.constant 0 : index
    %get3A_0 = arith.constant 0 : index
    %get3A_1 = vector.load %arg3[%get3A, %get3A_0] : memref<2000x128xf32, #tpu.memory_space<vmem>>, vector<2000x128xf32>
    %slice3A = vector.extract_strided_slice %get3A_1 {offsets = [0, 16], sizes = [2000, 1], strides = [1, 1]} : vector<2000x128xf32> to vector<2000x1xf32>
    %get3A_2 = arith.constant 0 : index
    %get3A_3 = arith.constant 0 : index
    %get3A_4 = vector.load %arg4[%get3A_2, %get3A_3] : memref<2000x128xf32, #tpu.memory_space<vmem>>, vector<2000x128xf32>
    %slice3A_5 = vector.extract_strided_slice %get3A_4 {offsets = [0, 16], sizes = [2000, 1], strides = [1, 1]} : vector<2000x128xf32> to vector<2000x1xf32>
    %add3A = arith.addf %slice3A, %slice3A_5 : vector<2000x1xf32>
    %max3A = arith.constant 1.000000e+00 : f32
    %max3A_6 = vector.broadcast %max3A : f32 to vector<2000x1xf32>
    %max3A_7 = arith.maximumf %add3A, %max3A_6 : vector<2000x1xf32>
    %get3A_8 = arith.constant 0 : index
    %get3A_9 = arith.constant 0 : index
    %get3A_10 = vector.load %arg1[%get3A_8, %get3A_9] : memref<2000x128xf32, #tpu.memory_space<vmem>>, vector<2000x128xf32>
    %get3A_11 = arith.constant 0 : index
    %get3A_12 = arith.constant 0 : index
    %get3A_13 = vector.load %arg2[%get3A_11, %get3A_12] : memref<2000x128xf32, #tpu.memory_space<vmem>>, vector<2000x128xf32>
    %add3A_14 = arith.addf %get3A_10, %get3A_13 : vector<2000x128xf32>
    %div3A = vector.broadcast %max3A_7 : vector<2000x1xf32> to vector<2000x128xf32>
    %div3A_15 = arith.divf %add3A_14, %div3A : vector<2000x128xf32>
    %get3A_16 = arith.constant 0 : index
    %get3A_17 = arith.constant 0 : index
    %get3A_18 = vector.load %arg5[%get3A_16, %get3A_17] : memref<2000x128xf32, #tpu.memory_space<vmem>>, vector<2000x128xf32>
    %add3A_19 = arith.addf %div3A_15, %get3A_18 : vector<2000x128xf32>
    %max3A_20 = arith.constant 0.000000e+00 : f32
    %max3A_21 = vector.broadcast %max3A_20 : f32 to vector<2000x128xf32>
    %max3A_22 = arith.maximumf %add3A_19, %max3A_21 : vector<2000x128xf32>
    %get3A_23 = arith.constant 0 : index
    %get3A_24 = arith.constant 0 : index
    %get3A_25 = vector.load %arg7[%get3A_23, %get3A_24] : memref<144x128xf32, #tpu.memory_space<vmem>>, vector<144x128xf32>
    %slice3A_26 = vector.extract_strided_slice %get3A_25 {offsets = [0, 0], sizes = [128, 128], strides = [1, 1]} : vector<144x128xf32> to vector<128x128xf32>
    %dot_general3A = arith.constant dense<0.000000e+00> : vector<2000x128xf32>
    %dot_general3A_27 = tpu.matmul %max3A_22, %slice3A_26, %dot_general3A {dimension_numbers = #tpu.dot_dimension_numbers<[1], [0], [0], [1], [0, 0, 1, 1], [], []>, transpose_lhs_hint = false} : vector<2000x128xf32>, vector<128x128xf32>, vector<2000x128xf32> -> vector<2000x128xf32>
    %swap3A = arith.constant 0 : index
    %swap3A_28 = arith.constant 0 : index
    %swap3A_29 = vector.load %arg10[%swap3A, %swap3A_28] : memref<2000x128xf32, #tpu.memory_space<vmem>>, vector<2000x128xf32>
    tpu.vector_store %arg10[%swap3A, %swap3A_28], %dot_general3A_27 {strides = array<i32>} : memref<2000x128xf32, #tpu.memory_space<vmem>>, vector<2000x128xf32>,
    %get3A_30 = arith.constant 0 : index
    %get3A_31 = arith.constant 0 : index
    %get3A_32 = vector.load %arg8[%get3A_30, %get3A_31] : memref<128x128xf32, #tpu.memory_space<vmem>>, vector<128x128xf32>
    %dot_general3A_33 = arith.constant dense<0.000000e+00> : vector<2000x128xf32>
    %dot_general3A_34 = tpu.matmul %max3A_22, %get3A_32, %dot_general3A_33 {dimension_numbers = #tpu.dot_dimension_numbers<[1], [0], [0], [1], [0, 0, 1, 1], [], []>, transpose_lhs_hint = false} : vector<2000x128xf32>, vector<128x128xf32>, vector<2000x128xf32> -> vector<2000x128xf32>
    %get3A_35 = arith.constant 0 : index
    %get3A_36 = arith.constant 0 : index
    %get3A_37 = vector.load %arg6[%get3A_35, %get3A_36] : memref<2000x128xf32, #tpu.memory_space<vmem>>, vector<2000x128xf32>
    %add3A_38 = arith.addf %dot_general3A_34, %get3A_37 : vector<2000x128xf32>
    %get3A_39 = arith.constant 0 : index
    %get3A_40 = arith.constant 0 : index
    %get3A_41 = vector.load %arg9[%get3A_39, %get3A_40] : memref<1x128xf32, #tpu.memory_space<vmem>>, vector<1x128xf32>
    %add3A_42 = vector.broadcast %get3A_41 : vector<1x128xf32> to vector<2000x128xf32>
    %add3A_43 = arith.addf %add3A_38, %add3A_42 : vector<2000x128xf32>
    %swap3A_44 = arith.constant 0 : index
    %swap3A_45 = arith.constant 0 : index
    %swap3A_46 = vector.load %arg11[%swap3A_44, %swap3A_45] : memref<2000x128xf32, #tpu.memory_space<vmem>>, vector<2000x128xf32>
    tpu.vector_store %arg11[%swap3A_44, %swap3A_45], %add3A_43 {strides = array<i32>} : memref<2000x128xf32, #tpu.memory_space<vmem>>, vector<2000x128xf32>,
    return
  }
  func.func @transform_0(%arg0: i32) -> (i32, i32) {
    %c0_i32 = arith.constant 0 : i32
    %c0_i32_0 = arith.constant 0 : i32
    return %arg0, %c0_i32 : i32, i32
  }
  func.func @transform_1(%arg0: i32) -> (i32, i32) {
    %c0_i32 = arith.constant 0 : i32
    %c0_i32_0 = arith.constant 0 : i32
    return %arg0, %c0_i32 : i32, i32
  }
  func.func @transform_2(%arg0: i32) -> (i32, i32) {
    %c0_i32 = arith.constant 0 : i32
    %c0_i32_0 = arith.constant 0 : i32
    return %arg0, %c0_i32 : i32, i32
  }
  func.func @transform_3(%arg0: i32) -> (i32, i32) {
    %c0_i32 = arith.constant 0 : i32
    %c0_i32_0 = arith.constant 0 : i32
    return %arg0, %c0_i32 : i32, i32
  }
  func.func @transform_4(%arg0: i32) -> (i32, i32) {
    %c0_i32 = arith.constant 0 : i32
    %c0_i32_0 = arith.constant 0 : i32
    return %arg0, %c0_i32 : i32, i32
  }
  func.func @transform_5(%arg0: i32) -> (i32, i32) {
    %c0_i32 = arith.constant 0 : i32
    %c0_i32_0 = arith.constant 0 : i32
    return %arg0, %c0_i32 : i32, i32
  }
  func.func @transform_6(%arg0: i32) -> (i32, i32) {
    %c0_i32 = arith.constant 0 : i32
    %c0_i32_0 = arith.constant 0 : i32
    %c0_i32_1 = arith.constant 0 : i32
    return %c0_i32, %c0_i32_0 : i32, i32
  }
  func.func @transform_7(%arg0: i32) -> (i32, i32) {
    %c0_i32 = arith.constant 0 : i32
    %c0_i32_0 = arith.constant 0 : i32
    %c0_i32_1 = arith.constant 0 : i32
    return %c0_i32, %c0_i32_0 : i32, i32
  }
  func.func @transform_8(%arg0: i32) -> (i32, i32) {
    %c0_i32 = arith.constant 0 : i32
    %c0_i32_0 = arith.constant 0 : i32
    %c0_i32_1 = arith.constant 0 : i32
    return %c0_i32, %c0_i32_0 : i32, i32
  }
  func.func @transform_9(%arg0: i32) -> (i32, i32) {
    %c0_i32 = arith.constant 0 : i32
    %c0_i32_0 = arith.constant 0 : i32
    return %arg0, %c0_i32 : i32, i32
  }
  func.func @transform_10(%arg0: i32) -> (i32, i32) {
    %c0_i32 = arith.constant 0 : i32
    %c0_i32_0 = arith.constant 0 : i32
    return %arg0, %c0_i32 : i32, i32
  }
}

module attributes {stable_mosaic.version = 14 : i64} {
  func.func @body(%arg0: memref<1024x128xf32, #tpu.memory_space<vmem>>, %arg1: memref<1024x128xf32, #tpu.memory_space<vmem>>, %arg2: memref<1024x128xf32, #tpu.memory_space<vmem>>, %arg3: memref<1024x128xf32, #tpu.memory_space<vmem>>, %arg4: memref<1024x128xf32, #tpu.memory_space<vmem>>, %arg5: memref<1024x64xf32, #tpu.memory_space<vmem>>, %arg6: memref<64x64xf32, #tpu.memory_space<vmem>>, %arg7: memref<1x64xf32, #tpu.memory_space<vmem>>, %arg8: memref<192x16xf32, #tpu.memory_space<vmem>>, %arg9: memref<1x16xf32, #tpu.memory_space<vmem>>, %arg10: memref<1024x16xf32, #tpu.memory_space<vmem>>) attributes {dimension_semantics = [], scalar_prefetch = 0 : i64, scratch_operands = 0 : i64, tpu.core_type = #tpu.core_type<tc>} {
    %get3A = arith.constant 0 : index
    %get3A_0 = arith.constant 0 : index
    %get3A_1 = vector.load %arg3[%get3A, %get3A_0] : memref<1024x128xf32, #tpu.memory_space<vmem>>, vector<1024x128xf32>
    %slice3A = vector.extract_strided_slice %get3A_1 {offsets = [0, 16], sizes = [1024, 1], strides = [1, 1]} : vector<1024x128xf32> to vector<1024x1xf32>
    %get3A_2 = arith.constant 0 : index
    %get3A_3 = arith.constant 0 : index
    %get3A_4 = vector.load %arg4[%get3A_2, %get3A_3] : memref<1024x128xf32, #tpu.memory_space<vmem>>, vector<1024x128xf32>
    %slice3A_5 = vector.extract_strided_slice %get3A_4 {offsets = [0, 16], sizes = [1024, 1], strides = [1, 1]} : vector<1024x128xf32> to vector<1024x1xf32>
    %add3A = arith.addf %slice3A, %slice3A_5 : vector<1024x1xf32>
    %max3A = arith.constant 1.000000e+00 : f32
    %max3A_6 = vector.broadcast %max3A : f32 to vector<1024x1xf32>
    %max3A_7 = arith.maximumf %add3A, %max3A_6 : vector<1024x1xf32>
    %get3A_8 = arith.constant 0 : index
    %get3A_9 = arith.constant 0 : index
    %get3A_10 = vector.load %arg0[%get3A_8, %get3A_9] : memref<1024x128xf32, #tpu.memory_space<vmem>>, vector<1024x128xf32>
    %get3A_11 = arith.constant 0 : index
    %get3A_12 = arith.constant 0 : index
    %get3A_13 = vector.load %arg1[%get3A_11, %get3A_12] : memref<1024x128xf32, #tpu.memory_space<vmem>>, vector<1024x128xf32>
    %add3A_14 = arith.addf %get3A_10, %get3A_13 : vector<1024x128xf32>
    %div3A = vector.broadcast %max3A_7 : vector<1024x1xf32> to vector<1024x128xf32>
    %div3A_15 = arith.divf %add3A_14, %div3A : vector<1024x128xf32>
    %get3A_16 = arith.constant 0 : index
    %get3A_17 = arith.constant 0 : index
    %get3A_18 = vector.load %arg2[%get3A_16, %get3A_17] : memref<1024x128xf32, #tpu.memory_space<vmem>>, vector<1024x128xf32>
    %add3A_19 = arith.addf %div3A_15, %get3A_18 : vector<1024x128xf32>
    %max3A_20 = arith.constant 0.000000e+00 : f32
    %max3A_21 = vector.broadcast %max3A_20 : f32 to vector<1024x128xf32>
    %max3A_22 = arith.maximumf %add3A_19, %max3A_21 : vector<1024x128xf32>
    %get3A_23 = arith.constant 0 : index
    %get3A_24 = arith.constant 0 : index
    %get3A_25 = vector.load %arg5[%get3A_23, %get3A_24] : memref<1024x64xf32, #tpu.memory_space<vmem>>, vector<1024x64xf32>
    %get3A_26 = arith.constant 0 : index
    %get3A_27 = arith.constant 0 : index
    %get3A_28 = vector.load %arg6[%get3A_26, %get3A_27] : memref<64x64xf32, #tpu.memory_space<vmem>>, vector<64x64xf32>
    %dot_general3A = arith.constant dense<0.000000e+00> : vector<1024x64xf32>
    %dot_general3A_29 = tpu.matmul %get3A_25, %get3A_28, %dot_general3A {dimension_numbers = #tpu.dot_dimension_numbers<[1], [0], [0], [1], [0, 0, 1, 1], [], []>, transpose_lhs_hint = false} : vector<1024x64xf32>, vector<64x64xf32>, vector<1024x64xf32> -> vector<1024x64xf32>
    %get3A_30 = arith.constant 0 : index
    %get3A_31 = arith.constant 0 : index
    %get3A_32 = vector.load %arg7[%get3A_30, %get3A_31] : memref<1x64xf32, #tpu.memory_space<vmem>>, vector<1x64xf32>
    %add3A_33 = vector.broadcast %get3A_32 : vector<1x64xf32> to vector<1024x64xf32>
    %add3A_34 = arith.addf %dot_general3A_29, %add3A_33 : vector<1024x64xf32>
    %max3A_35 = arith.constant 0.000000e+00 : f32
    %max3A_36 = vector.broadcast %max3A_35 : f32 to vector<1024x64xf32>
    %max3A_37 = arith.maximumf %add3A_34, %max3A_36 : vector<1024x64xf32>
    %get3A_38 = arith.constant 0 : index
    %get3A_39 = arith.constant 0 : index
    %get3A_40 = vector.load %arg8[%get3A_38, %get3A_39] : memref<192x16xf32, #tpu.memory_space<vmem>>, vector<192x16xf32>
    %slice3A_41 = vector.extract_strided_slice %get3A_40 {offsets = [0, 0], sizes = [128, 16], strides = [1, 1]} : vector<192x16xf32> to vector<128x16xf32>
    %dot_general3A_42 = arith.constant dense<0.000000e+00> : vector<1024x16xf32>
    %dot_general3A_43 = tpu.matmul %max3A_22, %slice3A_41, %dot_general3A_42 {dimension_numbers = #tpu.dot_dimension_numbers<[1], [0], [0], [1], [0, 0, 1, 1], [], []>, transpose_lhs_hint = false} : vector<1024x128xf32>, vector<128x16xf32>, vector<1024x16xf32> -> vector<1024x16xf32>
    %slice3A_44 = vector.extract_strided_slice %get3A_40 {offsets = [128, 0], sizes = [64, 16], strides = [1, 1]} : vector<192x16xf32> to vector<64x16xf32>
    %dot_general3A_45 = arith.constant dense<0.000000e+00> : vector<1024x16xf32>
    %dot_general3A_46 = tpu.matmul %max3A_37, %slice3A_44, %dot_general3A_45 {dimension_numbers = #tpu.dot_dimension_numbers<[1], [0], [0], [1], [0, 0, 1, 1], [], []>, transpose_lhs_hint = false} : vector<1024x64xf32>, vector<64x16xf32>, vector<1024x16xf32> -> vector<1024x16xf32>
    %add3A_47 = arith.addf %dot_general3A_43, %dot_general3A_46 : vector<1024x16xf32>
    %get3A_48 = arith.constant 0 : index
    %get3A_49 = arith.constant 0 : index
    %get3A_50 = vector.load %arg9[%get3A_48, %get3A_49] : memref<1x16xf32, #tpu.memory_space<vmem>>, vector<1x16xf32>
    %add3A_51 = vector.broadcast %get3A_50 : vector<1x16xf32> to vector<1024x16xf32>
    %add3A_52 = arith.addf %add3A_47, %add3A_51 : vector<1024x16xf32>
    %swap3A = arith.constant 0 : index
    %swap3A_53 = arith.constant 0 : index
    %swap3A_54 = vector.load %arg10[%swap3A, %swap3A_53] : memref<1024x16xf32, #tpu.memory_space<vmem>>, vector<1024x16xf32>
    tpu.vector_store %arg10[%swap3A, %swap3A_53], %add3A_52 {strides = array<i32>} : memref<1024x16xf32, #tpu.memory_space<vmem>>, vector<1024x16xf32>,
    return
  }
}

</mosaic_0001>

<sc_bundles>
// kernel: kernel.12.cloned.1.call-start
scs
__scs_entry_jumppad:
0x0: {  	(pc) =	sbr.rel $0x88, $3  }
0x1: {  	(tag) =	ssettag $0x0;
	lr =	simm.s32 $0x1  }
0x2: {  	[smem:$0x3F8C] =	sst lr;
	_ =	strace $0xD0000000  }
0x3: {  	_ = 	snop  }
0x4: {  	_ = 	snop  }
0x5: {  	_ = 	snop  }
0x6: {  	_ = 	snop  }
0x7: {  	_ = 	snop  }
__scs_overlays_trampoline_lowered:
0x8: {  	[smem:$0x3F9B] =	sst s0  }
0x9: {  	[smem:$0x3F9C] =	sst s1  }
0xa: {  	[smem:$0x3F9D] =	sst s2  }
0xb: {  	[smem:$0x3F9E] =	sst s3  }
0xc: {  	[smem:$0x3F9F] =	sst s4  }
0xd: {  	[smem:$0x3FA0] =	sst s5  }
0xe: {  	[smem:$0x3FA1] =	sst s6  }
0xf: {  	[smem:$0x3FA2] =	sst s7  }
0x10: {  	[smem:$0x3FA3] =	sst s8  }
0x11: {  	[smem:$0x3FA4] =	sst s9;
	s0 =	simm.s32 @!p0 $0x0  }
0x12: {  	s1 =	sld [smem:$0x3F8A];
	s0 =	simm.s32 @p0 $0x1  }
0x13: {  	[smem:$0x3FA5] =	sst s0;
	s0 =	simm.s32 @!p1 $0x0  }
0x14: {  	s2 =	sld [smem:$0x3F89];
	s0 =	simm.s32 @p1 $0x1  }
0x15: {  	[smem:$0x3FA6] =	sst s0;
	s0 =	simm.s32 @!p2 $0x0  }
0x16: {  	s3 =	sld [smem:$0x3FDB];
	s0 =	simm.s32 @p2 $0x1  }
0x17: {  	s4 =	simm.s32 $0x1BF5;
	[smem:$0x3FA8] =	sst s0  }
0x18: {  	s0 =	sld [smem:$0x3F8B];
	_ =	swait.ge [sflag:s4], $0x0  }
0x19: {  	s7 =	sld [smem:$0x3F8C]  }
0x1a: {  	s8 =	sadd.s32 $0xFFFFE003, lr  }
0x1b: {  	s9 =	sadd.s32 $0xFFFFFEF7, lr;
	s5 =	simm.s32 $0xFFFFFFFF;
	p2 =	slt.u32 s8, $0xFFFFF086  }
0x1c: {  	p1 =	slt.u32 s9, $0xF7A;
	s5 =	simm.s32 @!p2 $0x0  }
0x1d: {  	s5 =	simm.s32 @p1 $0x1;
	p0 =	seq.s32 s7, s2  }
0x1e: {  	s7 =	smul.u32 @!p0 $0xF7A, s2;
	p2 =	seq.s32 @!p0 s5, $0x0  }
0x1f: {  	s9 =	smul.u32 $0xF7A, s1;
	s8 =	simm.s32 @!p0 $0x1BF5;
	p2 =	por !p2, p0  }
0x20: {  	[sflag:s8] =	ssyncset.s32 @!p0 $0xFFFFF086;
	s6 =	sadd.s32 @!p0 s3, s7;
	s7 =	simm.s32 @!p0 $0x108  }
0x21: {  	s3 =	sadd.s32 s3, s9;
	s6 =	sadd.s32 @!p0 $0x88, s6;
	s7 =	simm.s32 @p2 $0x1082  }
0x22: {  	[simem:s7], [sflag:s8] =	dma.local @!p0 [hbm:s6], $0xF7A  }
0x23: {  	s9 =	sor.u32 $0xD0000000, s2;
	s6 =	simm.s32 $0x108;
	_ =	swait.ge @!p0 [sflag:s8], $0x0  }
0x24: {  	s3 =	sadd.s32 $0x88, s3;
	s6 =	simm.s32 @!p1 $0x1082;
	[sflag:s4] =	ssyncset.s32 $0xFFFFF086  }
0x25: {  	[simem:s6], [sflag:s4] =	dma.local [hbm:s3], $0xF7A  }
0x26: {  	[smem:$0x3F8C] =	sst s1;
	(tag) =	ssettag s2;
	_ =	strace s9  }
0x27: {  	s1 =	sld [smem:$0x3F9C]  }
0x28: {  	s2 =	sld [smem:$0x3F9D]  }
0x29: {  	s4 =	sld [smem:$0x3F9F]  }
0x2a: {  	p0 =	seq.s32 s5, $0x0;
	s5 =	sld [smem:$0x3FA0]  }
0x2b: {  	s6 =	sld [smem:$0x3FA1]  }
0x2c: {  	s7 =	sld [smem:$0x3FA2]  }
0x2d: {  	s3 =	simm.s32 $0x108;
	s8 =	sld [smem:$0x3FA3]  }
0x2e: {  	s3 =	simm.s32 @!p0 $0x1082;
	s9 =	sld [smem:$0x3FA4]  }
0x2f: {  	lr =	sadd.s32 s0, s3;
	s0 =	sld [smem:$0x3F9B]  }
0x30: {  	s3 =	sld [smem:$0x3F9E]  }
0x31: {  	[smem:$0x3FA7] =	sst s10  }
0x32: {  	s10 =	sld [smem:$0x3FA5];
	_ =	sdelay $0x3  }
0x33: {  	p0 =	seq.s32 s10, $0x1;
	s10 =	sld [smem:$0x3FA7];
	_ =	sdelay $0x3  }
0x34: {  	[smem:$0x3FA7] =	sst s10  }
0x35: {  	s10 =	sld [smem:$0x3FA6];
	_ =	sdelay $0x3  }
0x36: {  	p1 =	seq.s32 s10, $0x1;
	s10 =	sld [smem:$0x3FA7];
	_ =	sdelay $0x3  }
0x37: {  	[smem:$0x3FA7] =	sst s10  }
0x38: {  	s10 =	sld [smem:$0x3FA8]  }
0x39: {  	_ = 	snop;
	(pc) =	sbr.ind lr, $3  }
0x3a: {  	_ = 	snop  }
0x3b: {  	_ = 	snop  }
0x3c: {  	p2 =	seq.s32 s10, $0x1;
	s10 =	sld [smem:$0x3FA7]  }
0x3d: {  	_ =	shalt  }
0x3e: {  	_ =	shalt  }
0x3f: {  	_ =	shalt  }
0x40: {  	_ =	shalt  }
0x41: {  	_ =	shalt  }
0x42: {  	_ =	shalt  }
0x43: {  	_ =	shalt  }
0x44: {  	_ =	shalt  }
0x45: {  	_ =	shalt  }
0x46: {  	_ =	shalt  }
0x47: {  	_ =	shalt  }
0x48: {  	_ =	shalt  }
0x49: {  	_ =	shalt  }
0x4a: {  	_ =	shalt  }
0x4b: {  	_ =	shalt  }
0x4c: {  	_ =	shalt  }
0x4d: {  	_ =	shalt  }
0x4e: {  	_ =	shalt  }
0x4f: {  	_ =	shalt  }
0x50: {  	_ =	shalt  }
0x51: {  	_ =	shalt  }
0x52: {  	_ =	shalt  }
0x53: {  	_ =	shalt  }
0x54: {  	_ =	shalt  }
0x55: {  	_ =	shalt  }
0x56: {  	_ =	shalt  }
0x57: {  	_ =	shalt  }
0x58: {  	_ =	shalt  }
0x59: {  	_ =	shalt  }
0x5a: {  	_ =	shalt  }
0x5b: {  	_ =	shalt  }
0x5c: {  	_ =	shalt  }
0x5d: {  	_ =	shalt  }
0x5e: {  	_ =	shalt  }
0x5f: {  	_ =	shalt  }
0x60: {  	_ =	shalt  }
0x61: {  	_ =	shalt  }
0x62: {  	_ =	shalt  }
0x63: {  	_ =	shalt  }
0x64: {  	_ =	shalt  }
0x65: {  	_ =	shalt  }
0x66: {  	_ =	shalt  }
0x67: {  	_ =	shalt  }
0x68: {  	_ =	shalt  }
0x69: {  	_ =	shalt  }
0x6a: {  	_ =	shalt  }
0x6b: {  	_ =	shalt  }
0x6c: {  	_ =	shalt  }
0x6d: {  	_ =	shalt  }
0x6e: {  	_ =	shalt  }
0x6f: {  	_ =	shalt  }
0x70: {  	_ =	shalt  }
0x71: {  	_ =	shalt  }
0x72: {  	_ =	shalt  }
0x73: {  	_ =	shalt  }
0x74: {  	_ =	shalt  }
0x75: {  	_ =	shalt  }
0x76: {  	_ =	shalt  }
0x77: {  	_ =	shalt  }
0x78: {  	_ =	shalt  }
0x79: {  	_ =	shalt  }
0x7a: {  	_ =	shalt  }
0x7b: {  	_ =	shalt  }
0x7c: {  	_ =	shalt  }
0x7d: {  	_ =	shalt  }
0x7e: {  	_ =	shalt  }
0x7f: {  	_ =	shalt  }
0x80: {  	_ =	shalt  }
0x81: {  	_ =	shalt  }
0x82: {  	_ =	shalt  }
0x83: {  	_ =	shalt  }
0x84: {  	_ =	shalt  }
0x85: {  	_ =	shalt  }
0x86: {  	_ =	shalt  }
0x87: {  	_ =	shalt  }
.Lfunc_end0:
.L_simem_size_0:
called_computation.1_lowered:
.L_overlay_start_0:
0x88: {  	s2 =	sld [smem:$0x3FD9]  }
0x89: {  	s3 =	sld [smem:$0x3FFE];
	_ =	sdelay $0x1  }
0x8a: {  	s1 =	srdreg.scid  }
0x8b: {  	s0 =	sand.u32 $0x1, s1  }
0x8c: {  	s16 =	sshll.u32 s0, $0xA;
	s2 =	sadd.s32 s3, s2  }
0x8d: {  	s2 =	sadd.s32 s2, s16  }
0x8e: {  	[smem:$0x3FB3] =	sst s2  }
0x8f: {  	_ = 	snop  }
0x90: {  	(tm) =	ssettm $0x1  }
0x91: {  	s17 =	sld [smem:$0x3FFB];
	_ =	sdelay $0x3  }
0x92: {  	_ =	strace s17  }
0x93: {  	s2 =	sld [smem:$0x3FFC];
	_ =	sdelay $0x3  }
0x94: {  	_ =	strace s2  }
0x95: {  	s2 =	sld [smem:$0x3FFD];
	_ =	sdelay $0x3  }
0x96: {  	_ =	strace s2  }
0x97: {  	_ =	strace $0x8FFFFFFF  }
0x98: {  	s18 =	sld [smem:$0x3FDB];
	_ =	sdelay $0x1  }
0x99: {  	s19 =	simm.s32 $_scs_section_size  }
0x9a: {  	s4 =	simm.s32 $_size__tile_overlayer_lowered;
	s5 =	simm.s32 $_tile_overlayer_lowered  }
0x9b: {  	s22 =	simm.s32 $0x1BFF;
	s21 =	sshll.u32 s5, $0x1;
	s2 =	sadd.s32 s19, s18  }
0x9c: {  	s6 =	simm.s32 $0x0;
	s20 =	sshll.u32 s4, $0x1;
	s4 =	sadd.s32 s21, s2  }
0x9d: {  	[timem:s6], [sflag:s22] =	dma.local [hbm:s4], s20  }
0x9e: {  	_ =	swait.ge [sflag:s22], s20  }
0x9f: {  	s3 =	ssub.s32 $0x0, s20;
	[sflag:s22] =	ssyncset.done $0x0  }
0xa0: {  	[sflag:s22] =	ssyncadd.s32 s3;
	_ =	sdelay $0x1  }
0xa1: {  	s23 =	simm.s32 $0x1B8B  }
0xa2: {  	_ =	swait.ge [sflag:s23], $0x1  }
0xa3: {  	[sflag:s23] =	ssyncset.done $0x0  }
0xa4: {  	s25 =	simm.s32 $0x1B8E;
	s24 =	sld [smem:$0x3FFE];
	[sflag:s23] =	ssyncadd.s32 $0xFFFFFFFF  }
0xa5: {  	s26 =	simm.s32 $execute0_lowered;
	[smem:$0x3FD2] =	sst s25  }
0xa6: {  	s4 =	sshll.u32 s26, $0x1;
	_ =	strace $0x80000049;
	[dreg:$0x1] =	wrdreg $0xFFFFFFFF  }
0xa7: {  	s28 =	simm.s32 $_size_execute0_lowered;
	s2 =	sadd.s32 s2, s4;
	[dreg:$0x0] =	wrdreg $0x0  }
0xa8: {  	s4 =	sshll.u32 s28, $0x1;
	[dreg:$0x2] =	wrdreg s2  }
0xa9: {  	[dreg:$0x3] =	wrdreg s4  }
0xaa: {  	[dreg:$0x4] =	wrdreg $0xC0  }
0xab: {  	_ =	task [dreg:s6], $0x5FFFF  }
0xac: {  	[dreg:$0x1] =	wrdreg $0xFFFFFFFF  }
0xad: {  	[dreg:$0x0] =	wrdreg $0x60  }
0xae: {  	[dreg:$0x2] =	wrdreg s24  }
0xaf: {  	[dreg:$0x3] =	wrdreg $0x6E000  }
0xb0: {  	[dreg:$0x4] =	wrdreg $0x9  }
0xb1: {  	_ =	task.clear_ibuf [dreg:s6], $0x5FFFF;
	_ =	strace $0x90000049  }
0xb2: {  	s29 =	simm.s32 $0x9;
	_ =	strace $0x8000004B  }
0xb3: {  	_ =	swait.ge [sflag:s29], $0x1  }
0xb4: {  	[sflag:s29] =	ssyncadd.s32 $0xFFFFFFFF  }
0xb5: {  	_ =	strace $0x9000004B  }
0xb6: {  	_ =	sfence  }
0xb7: {  	s30 =	sld [smem:$0x0];
	_ =	sdelay $0x2  }
0xb8: {  	s31 =	sshll.u32 s1, $0xD;
	s1 =	sshrl.u32 s1, $0x2  }
0xb9: {  	s3 =	sand.u32 $0x4000, s31;
	s1 =	sadd.s32 s1, s30  }
0xba: {  	s0 =	sor.u32 s3, s0;
	s1 =	sshll.u32 s1, $0x11  }
0xbb: {  	s0 =	sor.u32 s1, s0  }
0xbc: {  	s0 =	sadd.s32 $0x8F2B, s0  }
0xbd: {  	[sflag:s0] =	ssyncadd.remote.s32 $0x1  }
0xbe: {  	_ =	sfence.sel $0xFFFF  }
0xbf: {  	[dreg:$0x0] =	wrdreg $0xFFFFFFFF;
	(pc) =	sbr.abs _section_cstart, $3  }
0xc0: {  	[dreg:$0x1] =	wrdreg $0xFFFFFFFF  }
0xc1: {  	_ =	task.clear_ibuf [dreg:s6], $0x2FFFF;
	_ =	strace $0x9FFFFFFF  }
0xc2: {  	(tm) =	ssettm $0x7FFFFFFF  }
0xc3: {  	_ =	shalt  }
tec
execute0_lowered:
.L_overlay_start_1:
0x0: {  	(tag) =	ssettag $0x1  }
0x1: {  	s9 =	rddreg [dreg:$0x0]  }
0x2: {  	s2 =	rddreg [dreg:$0x1];
	s1 =	simm.s32 $0x0  }
0x3: {  	s3 =	srdreg.scid;
	s0 =	stileid.u32;
	s28 =	simm.s32 $0x600  }
0x4: {  	s29 =	simm.s32 $0x10;
	[smem:$0x7FF] =	sst s1;
	s8 =	sand.u32 $0x1, s3  }
0x5: {  	s15 =	sshll.u32 s0, $0x1;
	s3 =	sadd.s32 $0x2C000, s9;
	s19 =	sadd.s32 $0x4F0C00, s9  }
0x6: {  	s12 =	sadd.s32 $0x4E00, s9;
	s6 =	smul.u32 $0x4E000, s0;
	s13 =	sadd.s32 $0xEFA00, s9  }
0x7: {  	s7 =	smul.u32 $0x4E20, s0;
	s14 =	sadd.s32 $0x116C00, s9;
	s18 =	sshll.u32 s0, $0x6  }
0x8: {  	s22 =	sadd.s32 $0x138000, s2;
	p1 =	sne.s32 s0, $0x0;
	p2 =	seq.s32 s0, $0x0  }
0x9: {  	_ =	strace $0x8000004A;
	s4 =	sor.u32 s8, s15;
	[dreg:$0x17] =	wrdreg s12  }
0xa: {  	s15 =	sadd.s32 $0x4E6E00, s9;
	s16 =	ssub.s32 $0x2, s8;
	[dreg:$0x1d] =	wrdreg s22  }
0xb: {  	s11 =	smul.u32 $0x2710, s8;
	s9 =	sadd.s32 $0x2BE00, s9;
	[dreg:$0x18] =	wrdreg s13  }
0xc: {  	[dreg:$0x19] =	wrdreg s14;
	s5 =	smul.u32 $0x2710, s4;
	s10 =	sshrl.u32 s16, $0x1  }
0xd: {  	s17 =	sshrl.u32 s6, $0x2;
	s6 =	smul.u32 $0x2700, s0;
	[dreg:$0x1e] =	wrdreg s9  }
0xe: {  	[dreg:$0x16] =	wrdreg s15;
	s4 =	ssub.s32 s16, s10;
	s10 =	sadd.s32 s17, s2  }
0xf: {  	p0 =	seq.s32 s8, $0x1;
	s7 =	sadd.s32 s11, s7;
	[dreg:$0x1a] =	wrdreg s10  }
0x10: {  	s20 =	sadd.s32 s12, s6;
	s21 =	sadd.s32 $0x208, s7;
	s10 =	sshrl.u32 s5, $0x3  }
0x11: {  	s25 =	sadd.s32 $0x1E0, s7;
	s31 =	sadd.s32 $0x1B8, s7;
	[dreg:$0x1b] =	wrdreg s20  }
0x12: {  	s20 =	sor.u32 $0x1C15, s18;
	s23 =	sshrl.u32 s21, $0x3;
	s26 =	sshrl.u32 s25, $0x3  }
0x13: {  	s16 =	sshrl.u32 s31, $0x3;
	s24 =	sadd.s32 s23, s19;
	[dreg:$0x1c] =	wrdreg s20  }
0x14: {  	s18 =	sadd.s32 $0x168, s7;
	s9 =	sadd.s32 s23, s15;
	[dreg:$0x3] =	wrdreg s24  }
0x15: {  	s31 =	sadd.s32 $0x118, s7;
	s30 =	sadd.s32 s26, s19;
	[dreg:$0x4] =	wrdreg s9  }
0x16: {  	s11 =	sadd.s32 s26, s15;
	s17 =	sadd.s32 s16, s19;
	[dreg:$0x5] =	wrdreg s30  }
0x17: {  	s21 =	sadd.s32 s16, s15;
	s22 =	sshrl.u32 s18, $0x3;
	[dreg:$0x6] =	wrdreg s11  }
0x18: {  	s12 =	sshrl.u32 s31, $0x3;
	s31 =	sadd.s32 $0xA0, s7;
	[dreg:$0x7] =	wrdreg s17  }
0x19: {  	[dreg:$0x8] =	wrdreg s21;
	s23 =	sadd.s32 s22, s19;
	s24 =	sadd.s32 $0x140, s7  }
0x1a: {  	s25 =	sadd.s32 s22, s15;
	s16 =	sadd.s32 s12, s19;
	[dreg:$0x9] =	wrdreg s23  }
0x1b: {  	s17 =	sadd.s32 $0xF0, s7;
	s18 =	sadd.s32 s12, s15;
	[dreg:$0xa] =	wrdreg s25  }
0x1c: {  	s22 =	sadd.s32 s15, s10;
	s8 =	sshrl.u32 s31, $0x3;
	[dreg:$0xd] =	wrdreg s16  }
0x1d: {  	s31 =	sadd.s32 $0x190, s7;
	s26 =	sshrl.u32 s24, $0x3;
	[dreg:$0x1f] =	wrdreg s22  }
0x1e: {  	s21 =	sshrl.u32 s17, $0x3;
	[dreg:$0xe] =	wrdreg s18;
	s24 =	sadd.s32 s19, s10  }
0x1f: {  	s25 =	sadd.s32 $0xC8, s7;
	s10 =	sadd.s32 $0xA, s10;
	[smem:$0x7FD] =	sst s31  }
0x20: {  	s17 =	sadd.s32 s8, s19;
	s8 =	sadd.s32 s8, s15;
	[smem:$0x7F3] =	sst s24  }
0x21: {  	s7 =	simm.s32 $0x15;
	s30 =	sadd.s32 s26, s19;
	[dreg:$0x13] =	wrdreg s17  }
0x22: {  	s11 =	sadd.s32 s26, s15;
	s23 =	sadd.s32 s21, s19;
	[dreg:$0x14] =	wrdreg s8  }
0x23: {  	s26 =	sadd.s32 $0x28, s5;
	s9 =	sshrl.u32 s25, $0x3;
	[dreg:$0xb] =	wrdreg s30  }
0x24: {  	s22 =	sadd.s32 s19, s10;
	s5 =	sadd.s32 $0x78, s5;
	[dreg:$0xc] =	wrdreg s11  }
0x25: {  	s25 =	sadd.s32 s13, s6;
	s13 =	simm.s32 $0x580;
	[dreg:$0xf] =	wrdreg s23  }
0x26: {  	s17 =	simm.s32 $0xB;
	s11 =	sadd.s32 s21, s15;
	[smem:$0x7F7] =	sst s22  }
0x27: {  	s12 =	sshrl.u32 s26, $0x3;
	s30 =	sadd.s32 s9, s19;
	[smem:$0x7FA] =	sst s25  }
0x28: {  	s9 =	sadd.s32 s9, s15;
	s21 =	sadd.s32 s15, s10;
	[dreg:$0x10] =	wrdreg s11  }
0x29: {  	s5 =	sshrl.u32 s5, $0x3;
	s23 =	simm.s32 $0x900;
	[dreg:$0x11] =	wrdreg s30  }
0x2a: {  	s26 =	sadd.s32 s14, s6;
	s14 =	simm.s32 $0x100;
	[dreg:$0x12] =	wrdreg s9  }
0x2b: {  	s25 =	simm.s32 $0xC;
	s10 =	simm.s32 $0x5;
	[smem:$0x7F6] =	sst s21  }
0x2c: {  	s22 =	simm.s32 $0x0;
	s16 =	sadd.s32 s15, s12;
	[dreg:$0x15] =	wrdreg s23  }
0x2d: {  	s18 =	sadd.s32 s19, s12;
	s24 =	sadd.s32 s15, s5;
	[smem:$0x7FB] =	sst s26  }
0x2e: {  	s5 =	sadd.s32 s19, s5;
	s30 =	smax.u32 s4, $0x1;
	[smem:$0x7F4] =	sst s16  }
.Ltmp0:
0x2f: {  	s12 =	simm.s32 $0x500;
	[smem:$0x7F5] =	sst s18;
	(pc) =	sbr.rel .LBB2_1-.Ltmp0, $4  }
0x30: {  	s9 =	simm.s32 $0x180;
	s23 =	simm.s32 $0x28;
	[smem:$0x7F8] =	sst s24  }
0x31: {  	s15 =	simm.s32 $0x3;
	s21 =	simm.s32 $0x4;
	[smem:$0x7F9] =	sst s5  }
0x32: {  	s11 =	simm.s32 $0xD;
	s26 =	simm.s32 $0xA;
	[smem:$0x7FC] =	sst s30  }
0x33: {  	v0 =	vimm.s32 $0x0;
	s16 =	simm.s32 $0x3200;
	s18 =	simm.s32 $0x8;
	s24 =	simm.s32 $0x9  }
.LBB2_6:
0x34: {  	s5 =	rddreg [dreg:$0x1d]  }
0x35: {  	s0 =	sadd.s32 $0x27000, s6;
	s5 =	sshrl.u32 s5, $0x3  }
0x36: {  	[hbm:s0], [sflag:s20] =	dma.local [spmem:s5], $0x100  }
0x37: {  	_ =	swait.ge [sflag:s7], $0x100  }
0x38: {  	[sflag:s7] =	ssyncset.done $0x0  }
0x39: {  	[sflag:s7] =	ssyncadd.s32 $0xFFFFFF00  }
.LBB2_7:
0x3a: {  	s0 =	sld [smem:$0x7FC];
	_ =	sdelay $0x1  }
0x3b: {  	s22 =	sadd.s32 $0x1, s22  }
0x3c: {  	p3 =	sne.s32 s22, s0  }
.Ltmp1:
0x3d: {  	_ = 	snop;
	(pc) =	sbr.rel @!p3 .LBB2_8-.Ltmp1, $3  }
0x3e: {  	_ =	sdelay $0x1  }
0x3f: {  	s28 =	simm.s32 $0x600;
	s9 =	simm.s32 $0x180  }
0x40: {  	s15 =	simm.s32 $0x3;
	s21 =	simm.s32 $0x4;
	s10 =	simm.s32 $0x5  }
.LBB2_1:
0x41: {  	[smem:$0x7F1] =	sst s22  }
0x42: {  	s0 =	rddreg [dreg:$0x1a]  }
0x43: {  	s6 =	rddreg [dreg:$0x1b];
	s5 =	sshrl.u32 s0, $0x3  }
0x44: {  	[smem:$0x7F2] =	sst s5  }
0x45: {  	[spmem:s5], [sflag:s20] =	dma.local [hbm:s6], $0x2700  }
0x46: {  	_ =	swait.ge [sflag:s7], $0x2700  }
0x47: {  	[sflag:s7] =	ssyncset.done $0x0;
	s0 =	rddreg [dreg:$0x1d]  }
0x48: {  	[sflag:s7] =	ssyncadd.s32 $0xFFFFD900;
	s6 =	sshrl.u32 @!p1 s0, $0x3;
	s0 =	rddreg [dreg:$0x1e]  }
0x49: {  	[spmem:s6], [sflag:s20] =	dma.local @!p1 [hbm:s0], $0x100  }
0x4a: {  	s6 =	simm.s32 @!p1 $0x15  }
0x4b: {  	_ =	swait.ge @!p1 [sflag:s6], $0x100  }
0x4c: {  	[sflag:s6] =	ssyncset.done @!p1 $0x0  }
0x4d: {  	[sflag:s6] =	ssyncadd.s32 @!p1 $0xFFFFFF00  }
0x4e: {  	[bflag:$0x0] =	sbarrier.arrive $0xFFFF  }
0x4f: {  	s7 =	rddreg [dreg:$0x1f]  }
0x50: {  	s8 =	sld [smem:$0x7F3]  }
0x51: {  	[tilespmem:s1], [sflag:$0x1] =	stream.linear.gather [hbm4b:s7+s1], $0x28, $0x38;
	[tilespmem:$0x1AF00] =	vst v63  }
0x52: {  	s20 =	sld [smem:$0x7F4]  }
0x53: {  	[tilespmem:s12], [sflag:$0x1] =	stream.linear.gather [hbm4b:s8+s1], $0x28, $0x38;
	[tilespmem:$0x1AF00] =	vst v63  }
0x54: {  	s5 =	simm.s32 $0x80;
	s22 =	sld [smem:$0x7F5]  }
0x55: {  	[tilespmem:s5], [sflag:$0x2] =	stream.linear.gather [hbm4b:s20+s1], $0x28, $0x38;
	[tilespmem:$0x1AF00] =	vst v63  }
0x56: {  	s30 =	sld [smem:$0x7F6]  }
0x57: {  	[tilespmem:s13], [sflag:$0x2] =	stream.linear.gather [hbm4b:s22+s1], $0x28, $0x38;
	[tilespmem:$0x1AF00] =	vst v63  }
0x58: {  	s31 =	sld [smem:$0x7F7]  }
0x59: {  	[tilespmem:s14], [sflag:$0x3] =	stream.linear.gather [hbm4b:s30+s1], $0x28, $0x38;
	[tilespmem:$0x1AF00] =	vst v63  }
0x5a: {  	s4 =	sld [smem:$0x7F8]  }
0x5b: {  	[tilespmem:s28], [sflag:$0x3] =	stream.linear.gather [hbm4b:s31+s1], $0x28, $0x38;
	[tilespmem:$0x1AF00] =	vst v63  }
0x5c: {  	s6 =	sld [smem:$0x7F9]  }
0x5d: {  	[tilespmem:s9], [sflag:$0x4] =	stream.linear.gather [hbm4b:s4+s1], $0x28, $0x38;
	[tilespmem:$0x1AF00] =	vst v63  }
0x5e: {  	s7 =	simm.s32 $0x1;
	s4 =	simm.s32 $0x680  }
0x5f: {  	[tilespmem:s4], [sflag:$0x4] =	stream.linear.gather [hbm4b:s6+s1], $0x28, $0x38;
	[tilespmem:$0x1AF00] =	vst v63  }
0x60: {  	_ =	swait.ge [sflag:s7], $0x28  }
0x61: {  	[sflag:s7] =	ssyncset.done $0x0  }
0x62: {  	[sflag:s7] =	ssyncadd.s32 $0xFFFFFFD8  }
0x63: {  	_ =	swait.ge [sflag:s7], $0x28  }
0x64: {  	[sflag:s7] =	ssyncset.done $0x0  }
0x65: {  	s8 =	simm.s32 $0x2;
	s20 =	simm.s32 $0xA00;
	[sflag:s7] =	ssyncadd.s32 $0xFFFFFFD8  }
0x66: {  	[tilespmem:s20], [sflag:$0xB] =	stream.indirect.gather [hbm4b:s3+s23], $0x80, s1, s23, $0xb8;
	[tilespmem:$0x1AF00] =	vst v63  }
0x67: {  	_ =	swait.ge [sflag:s8], $0x28  }
0x68: {  	[sflag:s8] =	ssyncset.done $0x0  }
0x69: {  	[sflag:s8] =	ssyncadd.s32 $0xFFFFFFD8  }
0x6a: {  	_ =	swait.ge [sflag:s8], $0x28  }
0x6b: {  	p3 =	por $0x1, $0x1;
	[sflag:s8] =	ssyncset.done $0x0  }
0x6c: {  	s9 =	simm.s32 $0x1E00;
	s6 =	simm.s32 @!p3 $0x12;
	[sflag:s8] =	ssyncadd.s32 $0xFFFFFFD8  }
0x6d: {  	[tilespmem:s9], [sflag:$0xC] =	stream.indirect.gather [hbm4b:s3+s23], $0x80, s5, s23, $0xb8;
	[tilespmem:$0x1AF00] =	vst v63  }
0x6e: {  	_ =	swait.ge @!p3 [sflag:s6], $0x1400  }
0x6f: {  	s4 =	simm.s32 $0x200;
	s22 =	rddreg [dreg:$0x14];
	[sflag:s6] =	ssyncset.done @!p3 $0x0  }
0x70: {  	s30 =	rddreg [dreg:$0x13];
	[sflag:s6] =	ssyncadd.s32 @!p3 $0xFFFFEC00;
	s7 =	sadd.s32 $0x0, s22  }
0x71: {  	[tilespmem:s4], [sflag:$0x5] =	stream.linear.gather [hbm4b:s7+s1], $0x28, $0x38;
	[tilespmem:$0x1AF00] =	vst v63  }
0x72: {  	s9 =	simm.s32 $0x700;
	s8 =	sadd.s32 $0x0, s30  }
0x73: {  	[tilespmem:s9], [sflag:$0x5] =	stream.linear.gather [hbm4b:s8+s1], $0x28, $0x38;
	[tilespmem:$0x1AF00] =	vst v63  }
0x74: {  	_ =	swait.ge [sflag:s15], $0x28  }
0x75: {  	[sflag:s15] =	ssyncset.done $0x0  }
0x76: {  	[sflag:s15] =	ssyncadd.s32 $0xFFFFFFD8  }
0x77: {  	_ =	swait.ge [sflag:s15], $0x28  }
0x78: {  	[sflag:s15] =	ssyncset.done $0x0  }
0x79: {  	[sflag:s15] =	ssyncadd.s32 $0xFFFFFFD8  }
0x7a: {  	[tilespmem:s16], [sflag:$0xD] =	stream.indirect.gather [hbm4b:s3+s23], $0x80, s14, s23, $0xb8;
	[tilespmem:$0x1AF00] =	vst v63  }
0x7b: {  	_ =	swait.ge [sflag:s17], $0x1400  }
0x7c: {  	[sflag:s17] =	ssyncset.done $0x0  }
0x7d: {  	s6 =	simm.s32 @!p3 $0x13;
	[sflag:s17] =	ssyncadd.s32 $0xFFFFEC00  }
0x7e: {  	[spmem:s2] =	stream.indirect.scatter.add.f32 [tilespmem:s20], [sflag:$0x10], $0x80, s12, s23, $0xb8;
	[tilespmem:$0x1AF00] =	vst v63  }
0x7f: {  	_ =	swait.ge @!p3 [sflag:s6], $0x1400  }
0x80: {  	s8 =	simm.s32 $0x280;
	s17 =	rddreg [dreg:$0x12];
	[sflag:s6] =	ssyncset.done @!p3 $0x0  }
0x81: {  	s30 =	rddreg [dreg:$0x11];
	[sflag:s6] =	ssyncadd.s32 @!p3 $0xFFFFEC00;
	s7 =	sadd.s32 $0x0, s17  }
0x82: {  	[tilespmem:s8], [sflag:$0x6] =	stream.linear.gather [hbm4b:s7+s1], $0x28, $0x38;
	[tilespmem:$0x1AF00] =	vst v63  }
0x83: {  	s14 =	sadd.s32 $0x0, s30;
	s30 =	simm.s32 $0x780  }
0x84: {  	[tilespmem:s30], [sflag:$0x6] =	stream.linear.gather [hbm4b:s14+s1], $0x28, $0x38;
	[tilespmem:$0x1AF00] =	vst v63  }
0x85: {  	_ =	swait.ge [sflag:s21], $0x28  }
0x86: {  	[sflag:s21] =	ssyncset.done $0x0  }
0x87: {  	[sflag:s21] =	ssyncadd.s32 $0xFFFFFFD8  }
0x88: {  	_ =	swait.ge [sflag:s21], $0x28  }
0x89: {  	[sflag:s21] =	ssyncset.done $0x0  }
0x8a: {  	s31 =	simm.s32 $0x180;
	s14 =	simm.s32 $0x4600;
	[sflag:s21] =	ssyncadd.s32 $0xFFFFFFD8  }
0x8b: {  	[tilespmem:s14], [sflag:$0xE] =	stream.indirect.gather [hbm4b:s3+s23], $0x80, s31, s23, $0xb8;
	[tilespmem:$0x1AF00] =	vst v63  }
0x8c: {  	_ =	swait.ge [sflag:s25], $0x1400  }
0x8d: {  	[sflag:s25] =	ssyncset.done $0x0  }
0x8e: {  	s0 =	simm.s32 $0x1E00;
	s6 =	simm.s32 @!p3 $0x14;
	[sflag:s25] =	ssyncadd.s32 $0xFFFFEC00  }
0x8f: {  	[spmem:s2] =	stream.indirect.scatter.add.f32 [tilespmem:s0], [sflag:$0x11], $0x80, s13, s23, $0xb8;
	[tilespmem:$0x1AF00] =	vst v63  }
0x90: {  	_ =	swait.ge @!p3 [sflag:s6], $0x1400  }
0x91: {  	s21 =	simm.s32 $0x300;
	s15 =	rddreg [dreg:$0x10];
	[sflag:s6] =	ssyncset.done @!p3 $0x0  }
0x92: {  	s17 =	rddreg [dreg:$0xf];
	[sflag:s6] =	ssyncadd.s32 @!p3 $0xFFFFEC00;
	s25 =	sadd.s32 $0x0, s15  }
0x93: {  	[tilespmem:s21], [sflag:$0x7] =	stream.linear.gather [hbm4b:s25+s1], $0x28, $0x38;
	[tilespmem:$0x1AF00] =	vst v63  }
0x94: {  	s13 =	simm.s32 $0x800;
	s31 =	sadd.s32 $0x0, s17  }
0x95: {  	[tilespmem:s13], [sflag:$0x7] =	stream.linear.gather [hbm4b:s31+s1], $0x28, $0x38;
	[tilespmem:$0x1AF00] =	vst v63  }
0x96: {  	_ =	swait.ge [sflag:s10], $0x28  }
0x97: {  	[sflag:s10] =	ssyncset.done $0x0  }
0x98: {  	[sflag:s10] =	ssyncadd.s32 $0xFFFFFFD8  }
0x99: {  	_ =	swait.ge [sflag:s10], $0x28  }
0x9a: {  	[sflag:s10] =	ssyncset.done $0x0  }
0x9b: {  	s22 =	simm.s32 $0x5A00;
	[sflag:s10] =	ssyncadd.s32 $0xFFFFFFD8  }
0x9c: {  	[tilespmem:s22], [sflag:$0xF] =	stream.indirect.gather [hbm4b:s3+s23], $0x80, s4, s23, $0xb8;
	[tilespmem:$0x1AF00] =	vst v63  }
0x9d: {  	_ =	swait.ge [sflag:s11], $0x1400  }
0x9e: {  	[sflag:s11] =	ssyncset.done $0x0  }
0x9f: {  	[sflag:s11] =	ssyncadd.s32 $0xFFFFEC00  }
0xa0: {  	[spmem:s2] =	stream.indirect.scatter.add.f32 [tilespmem:s16], [sflag:$0x12], $0x80, s28, s23, $0xb8;
	[tilespmem:$0x1AF00] =	vst v63  }
0xa1: {  	s9 =	simm.s32 $0x6;
	_ =	swait.ge [sflag:s29], $0x1400  }
0xa2: {  	s17 =	simm.s32 $0x380;
	s0 =	rddreg [dreg:$0xe];
	[sflag:s29] =	ssyncset.done $0x0  }
0xa3: {  	s4 =	rddreg [dreg:$0xd];
	[sflag:s29] =	ssyncadd.s32 $0xFFFFEC00;
	s6 =	sadd.s32 $0x0, s0  }
0xa4: {  	[tilespmem:s17], [sflag:$0x8] =	stream.linear.gather [hbm4b:s6+s1], $0x28, $0x38;
	[tilespmem:$0x1AF00] =	vst v63  }
0xa5: {  	s15 =	simm.s32 $0x880;
	s7 =	sadd.s32 $0x0, s4;
	s29 =	simm.s32 $0x0  }
0xa6: {  	[tilespmem:s15], [sflag:$0x8] =	stream.linear.gather [hbm4b:s7+s29], $0x28, $0x38;
	[tilespmem:$0x1AF00] =	vst v63  }
0xa7: {  	_ =	swait.ge [sflag:s9], $0x28  }
0xa8: {  	[sflag:s9] =	ssyncset.done $0x0  }
0xa9: {  	[sflag:s9] =	ssyncadd.s32 $0xFFFFFFD8  }
0xaa: {  	_ =	swait.ge [sflag:s9], $0x28  }
0xab: {  	[sflag:s9] =	ssyncset.done $0x0  }
0xac: {  	s10 =	simm.s32 $0xE;
	[sflag:s9] =	ssyncadd.s32 $0xFFFFFFD8  }
0xad: {  	[tilespmem:s20], [sflag:$0xB] =	stream.indirect.gather [hbm4b:s3+s23], $0x80, s8, s23, $0xb8;
	[tilespmem:$0x1AF00] =	vst v63  }
0xae: {  	_ =	swait.ge [sflag:s10], $0x1400  }
0xaf: {  	[sflag:s10] =	ssyncset.done $0x0  }
0xb0: {  	s22 =	simm.s32 $0x680;
	s6 =	simm.s32 $0x11;
	[sflag:s10] =	ssyncadd.s32 $0xFFFFEC00  }
0xb1: {  	[spmem:s2] =	stream.indirect.scatter.add.f32 [tilespmem:s14], [sflag:$0x13], $0x80, s22, s23, $0xb8;
	[tilespmem:$0x1AF00] =	vst v63  }
0xb2: {  	_ =	swait.ge [sflag:s6], $0x1400  }
0xb3: {  	s10 =	simm.s32 $0x400;
	s7 =	rddreg [dreg:$0xc];
	[sflag:s6] =	ssyncset.done $0x0  }
0xb4: {  	s9 =	rddreg [dreg:$0xb];
	[sflag:s6] =	ssyncadd.s32 $0xFFFFEC00;
	s6 =	sadd.s32 $0x0, s7  }
0xb5: {  	[tilespmem:s10], [sflag:$0x9] =	stream.linear.gather [hbm4b:s6+s29], $0x28, $0x38;
	[tilespmem:$0x1AF00] =	vst v63  }
0xb6: {  	s31 =	simm.s32 $0x7;
	s22 =	rddreg [dreg:$0x15];
	s0 =	sadd.s32 $0x0, s9  }
0xb7: {  	[tilespmem:s22], [sflag:$0x9] =	stream.linear.gather [hbm4b:s0+s29], $0x28, $0x38;
	[tilespmem:$0x1AF00] =	vst v63  }
0xb8: {  	_ =	swait.ge [sflag:s31], $0x28  }
0xb9: {  	[sflag:s31] =	ssyncset.done $0x0  }
0xba: {  	[sflag:s31] =	ssyncadd.s32 $0xFFFFFFD8  }
0xbb: {  	_ =	swait.ge [sflag:s31], $0x28  }
0xbc: {  	[sflag:s31] =	ssyncset.done $0x0  }
0xbd: {  	s22 =	simm.s32 $0xF;
	[sflag:s31] =	ssyncadd.s32 $0xFFFFFFD8;
	s31 =	simm.s32 $0x1E00  }
0xbe: {  	[tilespmem:s31], [sflag:$0xC] =	stream.indirect.gather [hbm4b:s3+s23], $0x80, s21, s23, $0xb8;
	[tilespmem:$0x1AF00] =	vst v63  }
0xbf: {  	_ =	swait.ge [sflag:s22], $0x1400  }
0xc0: {  	s16 =	simm.s32 $0x5A00;
	[sflag:s22] =	ssyncset.done $0x0  }
0xc1: {  	s7 =	simm.s32 $0x12;
	s6 =	simm.s32 $0x700;
	[sflag:s22] =	ssyncadd.s32 $0xFFFFEC00  }
0xc2: {  	[spmem:s2] =	stream.indirect.scatter.add.f32 [tilespmem:s16], [sflag:$0x14], $0x80, s6, s23, $0xb8;
	[tilespmem:$0x1AF00] =	vst v63  }
0xc3: {  	_ =	swait.ge [sflag:s7], $0x1400  }
0xc4: {  	s8 =	rddreg [dreg:$0xa]  }
0xc5: {  	[sflag:s7] =	ssyncset.done $0x0;
	s9 =	rddreg [dreg:$0x9]  }
0xc6: {  	[sflag:s7] =	ssyncadd.s32 $0xFFFFEC00;
	s6 =	sadd.s32 $0x0, s8;
	s8 =	simm.s32 $0x480  }
0xc7: {  	[tilespmem:s8], [sflag:$0xA] =	stream.linear.gather [hbm4b:s6+s29], $0x28, $0x38;
	[tilespmem:$0x1AF00] =	vst v63  }
0xc8: {  	s5 =	simm.s32 $0x980;
	s21 =	sadd.s32 $0x0, s9  }
0xc9: {  	[tilespmem:s5], [sflag:$0xA] =	stream.linear.gather [hbm4b:s21+s29], $0x28, $0x38;
	[tilespmem:$0x1AF00] =	vst v63  }
0xca: {  	_ =	swait.ge [sflag:s18], $0x28  }
0xcb: {  	[sflag:s18] =	ssyncset.done $0x0  }
0xcc: {  	[sflag:s18] =	ssyncadd.s32 $0xFFFFFFD8  }
0xcd: {  	_ =	swait.ge [sflag:s18], $0x28  }
0xce: {  	[sflag:s18] =	ssyncset.done $0x0  }
0xcf: {  	s28 =	simm.s32 $0x3200;
	s1 =	simm.s32 $0xB;
	[sflag:s18] =	ssyncadd.s32 $0xFFFFFFD8  }
0xd0: {  	[tilespmem:s28], [sflag:$0xD] =	stream.indirect.gather [hbm4b:s3+s23], $0x80, s17, s23, $0xb8;
	[tilespmem:$0x1AF00] =	vst v63  }
0xd1: {  	_ =	swait.ge [sflag:s1], $0x1400  }
0xd2: {  	[sflag:s1] =	ssyncset.done $0x0  }
0xd3: {  	[sflag:s1] =	ssyncadd.s32 $0xFFFFEC00  }
0xd4: {  	[spmem:s2] =	stream.indirect.scatter.add.f32 [tilespmem:s20], [sflag:$0x10], $0x80, s30, s23, $0xb8;
	[tilespmem:$0x1AF00] =	vst v63  }
0xd5: {  	s30 =	simm.s32 $0x13  }
0xd6: {  	_ =	swait.ge [sflag:s30], $0x1400  }
0xd7: {  	s0 =	sld [smem:$0x7FD];
	_ =	sdelay $0x1  }
0xd8: {  	p3 =	por $0x0, $0x0  }
0xd9: {  	[sflag:s30] =	ssyncset.done $0x0;
	s6 =	rddreg [dreg:$0x16];
	s7 =	sshrl.u32 @!p3 s0, $0x3  }
0xda: {  	[sflag:s30] =	ssyncadd.s32 $0xFFFFEC00;
	s9 =	sadd.s32 @!p3 s6, s7;
	s6 =	simm.s32 @!p3 $0x0  }
0xdb: {  	[tilespmem:s6], [sflag:$0x1] =	stream.linear.gather @!p3 [hbm4b:s9+s6], $0x28, $0x38;
	[tilespmem:$0x1AF00] =	vst v63  }
0xdc: {  	s7 =	sadd.s32 @!p3 s19, s7;
	s9 =	simm.s32 @!p3 $0x500  }
0xdd: {  	[tilespmem:s9], [sflag:$0x1] =	stream.linear.gather @!p3 [hbm4b:s7+s6], $0x28, $0x38;
	[tilespmem:$0x1AF00] =	vst v63  }
0xde: {  	_ =	swait.ge [sflag:s24], $0x28  }
0xdf: {  	[sflag:s24] =	ssyncset.done $0x0  }
0xe0: {  	[sflag:s24] =	ssyncadd.s32 $0xFFFFFFD8  }
0xe1: {  	_ =	swait.ge [sflag:s24], $0x28  }
0xe2: {  	[sflag:s24] =	ssyncset.done $0x0  }
0xe3: {  	s4 =	simm.s32 $0xC;
	[sflag:s24] =	ssyncadd.s32 $0xFFFFFFD8  }
0xe4: {  	[tilespmem:s14], [sflag:$0xE] =	stream.indirect.gather [hbm4b:s3+s23], $0x80, s10, s23, $0xb8;
	[tilespmem:$0x1AF00] =	vst v63  }
0xe5: {  	_ =	swait.ge [sflag:s4], $0x1400  }
0xe6: {  	[sflag:s4] =	ssyncset.done $0x0  }
0xe7: {  	[sflag:s4] =	ssyncadd.s32 $0xFFFFEC00  }
0xe8: {  	[spmem:s2] =	stream.indirect.scatter.add.f32 [tilespmem:s31], [sflag:$0x11], $0x80, s13, s23, $0xb8;
	[tilespmem:$0x1AF00] =	vst v63  }
0xe9: {  	s31 =	simm.s32 $0x14  }
0xea: {  	_ =	swait.ge [sflag:s31], $0x1400  }
0xeb: {  	s7 =	rddreg [dreg:$0x8]  }
0xec: {  	[sflag:s31] =	ssyncset.done $0x0;
	s9 =	rddreg [dreg:$0x7]  }
0xed: {  	[sflag:s31] =	ssyncadd.s32 $0xFFFFEC00;
	s13 =	sadd.s32 @!p3 $0x0, s7;
	s7 =	simm.s32 @!p3 $0x80  }
0xee: {  	[tilespmem:s7], [sflag:$0x2] =	stream.linear.gather @!p3 [hbm4b:s13+s6], $0x28, $0x38;
	[tilespmem:$0x1AF00] =	vst v63  }
0xef: {  	s9 =	sadd.s32 @!p3 $0x0, s9;
	s13 =	simm.s32 @!p3 $0x580  }
0xf0: {  	[tilespmem:s13], [sflag:$0x2] =	stream.linear.gather @!p3 [hbm4b:s9+s6], $0x28, $0x38;
	[tilespmem:$0x1AF00] =	vst v63  }
0xf1: {  	_ =	swait.ge [sflag:s26], $0x28  }
0xf2: {  	[sflag:s26] =	ssyncset.done $0x0  }
0xf3: {  	[sflag:s26] =	ssyncadd.s32 $0xFFFFFFD8  }
0xf4: {  	_ =	swait.ge [sflag:s26], $0x28  }
0xf5: {  	[sflag:s26] =	ssyncset.done $0x0  }
0xf6: {  	s25 =	simm.s32 $0xD;
	[sflag:s26] =	ssyncadd.s32 $0xFFFFFFD8  }
0xf7: {  	[tilespmem:s16], [sflag:$0xF] =	stream.indirect.gather [hbm4b:s3+s23], $0x80, s8, s23, $0xb8;
	[tilespmem:$0x1AF00] =	vst v63  }
0xf8: {  	_ =	swait.ge [sflag:s25], $0x1400  }
0xf9: {  	[sflag:s25] =	ssyncset.done $0x0  }
0xfa: {  	s11 =	simm.s32 $0x10;
	[sflag:s25] =	ssyncadd.s32 $0xFFFFEC00  }
0xfb: {  	[spmem:s2] =	stream.indirect.scatter.add.f32 [tilespmem:s28], [sflag:$0x12], $0x80, s15, s23, $0xb8;
	[tilespmem:$0x1AF00] =	vst v63  }
0xfc: {  	_ =	swait.ge [sflag:s11], $0x1400  }
0xfd: {  	[sflag:s11] =	ssyncset.done $0x0  }
0xfe: {  	s9 =	simm.s32 @p3 $0xE;
	[sflag:s11] =	ssyncadd.s32 $0xFFFFEC00  }
0xff: {  	_ =	swait.ge @p3 [sflag:s9], $0x1400  }
0x100: {  	s14 =	simm.s32 @p3 $0x11;
	s13 =	simm.s32 @p3 $0x4600;
	[sflag:s9] =	ssyncset.done @p3 $0x0  }
0x101: {  	s28 =	simm.s32 @p3 $0x900;
	[sflag:s9] =	ssyncadd.s32 @p3 $0xFFFFEC00;
	s9 =	simm.s32 @p3 $0x28  }
0x102: {  	[spmem:s2] =	stream.indirect.scatter.add.f32 @p3 [tilespmem:s13], [sflag:$0x13], $0x80, s28, s9, $0xb8;
	[tilespmem:$0x1AF00] =	vst v63  }
0x103: {  	_ =	swait.ge @p3 [sflag:s14], $0x1400  }
0x104: {  	s9 =	rddreg [dreg:$0x6]  }
0x105: {  	[sflag:s14] =	ssyncset.done @p3 $0x0;
	s13 =	rddreg [dreg:$0x5]  }
0x106: {  	[sflag:s14] =	ssyncadd.s32 @p3 $0xFFFFEC00;
	s9 =	sadd.s32 @!p3 $0x0, s9;
	s14 =	simm.s32 @!p3 $0x100  }
0x107: {  	[tilespmem:s14], [sflag:$0x3] =	stream.linear.gather @!p3 [hbm4b:s9+s6], $0x28, $0x38;
	[tilespmem:$0x1AF00] =	vst v63  }
0x108: {  	s9 =	sadd.s32 @!p3 $0x0, s13;
	s13 =	simm.s32 @!p3 $0x600;
	s14 =	simm.s32 @!p3 $0x1  }
0x109: {  	[tilespmem:s13], [sflag:$0x3] =	stream.linear.gather @!p3 [hbm4b:s9+s6], $0x28, $0x38;
	[tilespmem:$0x1AF00] =	vst v63  }
0x10a: {  	_ =	swait.ge @!p3 [sflag:s14], $0x28  }
0x10b: {  	[sflag:s14] =	ssyncset.done @!p3 $0x0  }
0x10c: {  	[sflag:s14] =	ssyncadd.s32 @!p3 $0xFFFFFFD8  }
0x10d: {  	_ =	swait.ge @!p3 [sflag:s14], $0x28  }
0x10e: {  	s9 =	simm.s32 @!p3 $0xE;
	[sflag:s14] =	ssyncset.done @!p3 $0x0  }
0x10f: {  	s13 =	simm.s32 @!p3 $0x28;
	[sflag:s14] =	ssyncadd.s32 @!p3 $0xFFFFFFD8;
	s14 =	simm.s32 @!p3 $0xA00  }
0x110: {  	[tilespmem:s14], [sflag:$0xB] =	stream.indirect.gather @!p3 [hbm4b:s3+s13], $0x80, s6, s13, $0xb8;
	[tilespmem:$0x1AF00] =	vst v63  }
0x111: {  	_ =	swait.ge @!p3 [sflag:s9], $0x1400  }
0x112: {  	s28 =	simm.s32 @!p3 $0x4600;
	[sflag:s9] =	ssyncset.done @!p3 $0x0  }
0x113: {  	s14 =	simm.s32 @!p3 $0x11;
	[sflag:s9] =	ssyncadd.s32 @!p3 $0xFFFFEC00;
	s9 =	simm.s32 @!p3 $0x900  }
0x114: {  	[spmem:s2] =	stream.indirect.scatter.add.f32 @!p3 [tilespmem:s28], [sflag:$0x13], $0x80, s9, s13, $0xb8;
	[tilespmem:$0x1AF00] =	vst v63  }
0x115: {  	_ =	swait.ge @!p3 [sflag:s14], $0x1400  }
0x116: {  	s9 =	rddreg [dreg:$0x4]  }
0x117: {  	[sflag:s14] =	ssyncset.done @!p3 $0x0;
	s28 =	rddreg [dreg:$0x3]  }
0x118: {  	[sflag:s14] =	ssyncadd.s32 @!p3 $0xFFFFEC00;
	s9 =	sadd.s32 @!p3 $0x0, s9;
	s14 =	simm.s32 @!p3 $0x180  }
0x119: {  	[tilespmem:s14], [sflag:$0x4] =	stream.linear.gather @!p3 [hbm4b:s9+s6], $0x28, $0x38;
	[tilespmem:$0x1AF00] =	vst v63  }
0x11a: {  	s9 =	sadd.s32 @!p3 $0x0, s28;
	s14 =	simm.s32 @!p3 $0x680  }
0x11b: {  	[tilespmem:s14], [sflag:$0x4] =	stream.linear.gather @!p3 [hbm4b:s9+s6], $0x28, $0x38;
	[tilespmem:$0x1AF00] =	vst v63  }
0x11c: {  	s6 =	simm.s32 @!p3 $0x2  }
0x11d: {  	_ =	swait.ge @!p3 [sflag:s6], $0x28  }
0x11e: {  	[sflag:s6] =	ssyncset.done @!p3 $0x0  }
0x11f: {  	[sflag:s6] =	ssyncadd.s32 @!p3 $0xFFFFFFD8  }
0x120: {  	_ =	swait.ge @!p3 [sflag:s6], $0x28  }
0x121: {  	[sflag:s6] =	ssyncset.done @!p3 $0x0  }
0x122: {  	p4 =	por $0x0, $0x0;
	[sflag:s6] =	ssyncadd.s32 @!p3 $0xFFFFFFD8;
	s6 =	simm.s32 @!p3 $0x1E00  }
0x123: {  	[tilespmem:s6], [sflag:$0xC] =	stream.indirect.gather @!p3 [hbm4b:s3+s13], $0x80, s7, s13, $0xb8;
	[tilespmem:$0x1AF00] =	vst v63  }
0x124: {  	s1 =	smov.u32 s2;
	s28 =	simm.s32 $0x32;
	_ =	swait.ge [sflag:s22], $0x1400  }
0x125: {  	s6 =	simm.s32 $0x64;
	s7 =	sadd.s32 $0x190, s0;
	[sflag:s22] =	ssyncset.done $0x0  }
.LBB2_2:
0x126: {  	s9 =	simm.s32 @!p4 $0x12;
	[sflag:s22] =	ssyncadd.s32 $0xFFFFEC00;
	s22 =	simm.s32 $0x5A00  }
0x127: {  	[spmem:s1] =	stream.indirect.scatter.add.f32 [tilespmem:s22], [sflag:$0x14], $0x80, s5, s23, $0xb8;
	[tilespmem:$0x1AF00] =	vst v63  }
0x128: {  	s8 =	simm.s32 $0x200;
	_ =	swait.ge @!p4 [sflag:s9], $0x1400  }
0x129: {  	s31 =	simm.s32 $0x0;
	[sflag:s9] =	ssyncset.done @!p4 $0x0;
	s13 =	rddreg [dreg:$0x14]  }
0x12a: {  	s10 =	rddreg [dreg:$0x13];
	[sflag:s9] =	ssyncadd.s32 @!p4 $0xFFFFEC00;
	s13 =	sadd.s32 s28, s13  }
0x12b: {  	[tilespmem:s8], [sflag:$0x5] =	stream.linear.gather [hbm4b:s13+s31], $0x28, $0x38;
	[tilespmem:$0x1AF00] =	vst v63  }
0x12c: {  	s24 =	simm.s32 $0x700;
	s0 =	simm.s32 $0x3;
	s9 =	sadd.s32 s28, s10  }
0x12d: {  	[tilespmem:s24], [sflag:$0x5] =	stream.linear.gather [hbm4b:s9+s31], $0x28, $0x38;
	[tilespmem:$0x1AF00] =	vst v63  }
0x12e: {  	_ =	swait.ge [sflag:s0], $0x28  }
0x12f: {  	[sflag:s0] =	ssyncset.done $0x0  }
0x130: {  	[sflag:s0] =	ssyncadd.s32 $0xFFFFFFD8  }
0x131: {  	_ =	swait.ge [sflag:s0], $0x28  }
0x132: {  	s29 =	simm.s32 $0x3200;
	[sflag:s0] =	ssyncset.done $0x0  }
0x133: {  	s11 =	simm.s32 $0x100;
	s1 =	simm.s32 $0xB;
	[sflag:s0] =	ssyncadd.s32 $0xFFFFFFD8  }
0x134: {  	[tilespmem:s29], [sflag:$0xD] =	stream.indirect.gather [hbm4b:s3+s23], $0x80, s11, s23, $0xb8;
	[tilespmem:$0x1AF00] =	vst v63  }
0x135: {  	_ =	swait.ge [sflag:s1], $0x1400  }
0x136: {  	[sflag:s1] =	ssyncset.done $0x0  }
0x137: {  	s9 =	simm.s32 @!p4 $0x13;
	[sflag:s1] =	ssyncadd.s32 $0xFFFFEC00  }
0x138: {  	[spmem:s2] =	stream.indirect.scatter.add.f32 [tilespmem:s20], [sflag:$0x10], $0x80, s12, s23, $0xb8;
	[tilespmem:$0x1AF00] =	vst v63  }
0x139: {  	_ =	swait.ge @!p4 [sflag:s9], $0x1400  }
0x13a: {  	s10 =	simm.s32 $0x280;
	s12 =	rddreg [dreg:$0x12];
	[sflag:s9] =	ssyncset.done @!p4 $0x0  }
0x13b: {  	s15 =	rddreg [dreg:$0x11];
	[sflag:s9] =	ssyncadd.s32 @!p4 $0xFFFFEC00;
	s16 =	sadd.s32 s28, s12  }
0x13c: {  	[tilespmem:s10], [sflag:$0x6] =	stream.linear.gather [hbm4b:s16+s31], $0x28, $0x38;
	[tilespmem:$0x1AF00] =	vst v63  }
0x13d: {  	s30 =	simm.s32 $0x780;
	s4 =	simm.s32 $0x4;
	s17 =	sadd.s32 s28, s15  }
0x13e: {  	[tilespmem:s30], [sflag:$0x6] =	stream.linear.gather [hbm4b:s17+s31], $0x28, $0x38;
	[tilespmem:$0x1AF00] =	vst v63  }
0x13f: {  	_ =	swait.ge [sflag:s4], $0x28  }
0x140: {  	[sflag:s4] =	ssyncset.done $0x0  }
0x141: {  	[sflag:s4] =	ssyncadd.s32 $0xFFFFFFD8  }
0x142: {  	_ =	swait.ge [sflag:s4], $0x28  }
0x143: {  	s20 =	simm.s32 $0x180;
	[sflag:s4] =	ssyncset.done $0x0  }
0x144: {  	s16 =	simm.s32 $0x4600;
	[sflag:s4] =	ssyncadd.s32 $0xFFFFFFD8;
	s4 =	simm.s32 $0xC  }
0x145: {  	[tilespmem:s16], [sflag:$0xE] =	stream.indirect.gather [hbm4b:s3+s23], $0x80, s20, s23, $0xb8;
	[tilespmem:$0x1AF00] =	vst v63  }
0x146: {  	_ =	swait.ge [sflag:s4], $0x1400  }
0x147: {  	s11 =	simm.s32 $0x580;
	[sflag:s4] =	ssyncset.done $0x0  }
0x148: {  	s9 =	simm.s32 @!p4 $0x14;
	s12 =	simm.s32 $0x1E00;
	[sflag:s4] =	ssyncadd.s32 $0xFFFFEC00  }
0x149: {  	[spmem:s2] =	stream.indirect.scatter.add.f32 [tilespmem:s12], [sflag:$0x11], $0x80, s11, s23, $0xb8;
	[tilespmem:$0x1AF00] =	vst v63  }
0x14a: {  	_ =	swait.ge @!p4 [sflag:s9], $0x1400  }
0x14b: {  	s21 =	rddreg [dreg:$0x10]  }
0x14c: {  	[sflag:s9] =	ssyncset.done @!p4 $0x0;
	s25 =	rddreg [dreg:$0xf]  }
0x14d: {  	[sflag:s9] =	ssyncadd.s32 @!p4 $0xFFFFEC00;
	s26 =	sadd.s32 s28, s21;
	s21 =	simm.s32 $0x300  }
0x14e: {  	[tilespmem:s21], [sflag:$0x7] =	stream.linear.gather [hbm4b:s26+s31], $0x28, $0x38;
	[tilespmem:$0x1AF00] =	vst v63  }
0x14f: {  	s13 =	simm.s32 $0x5;
	s11 =	sadd.s32 s28, s25;
	s26 =	simm.s32 $0x800  }
0x150: {  	[tilespmem:s26], [sflag:$0x7] =	stream.linear.gather [hbm4b:s11+s31], $0x28, $0x38;
	[tilespmem:$0x1AF00] =	vst v63  }
0x151: {  	_ =	swait.ge [sflag:s13], $0x28  }
0x152: {  	[sflag:s13] =	ssyncset.done $0x0  }
0x153: {  	[sflag:s13] =	ssyncadd.s32 $0xFFFFFFD8  }
0x154: {  	_ =	swait.ge [sflag:s13], $0x28  }
0x155: {  	[sflag:s13] =	ssyncset.done $0x0  }
0x156: {  	s25 =	simm.s32 $0xD;
	[sflag:s13] =	ssyncadd.s32 $0xFFFFFFD8  }
0x157: {  	[tilespmem:s22], [sflag:$0xF] =	stream.indirect.gather [hbm4b:s3+s23], $0x80, s8, s23, $0xb8;
	[tilespmem:$0x1AF00] =	vst v63  }
0x158: {  	_ =	swait.ge [sflag:s25], $0x1400  }
0x159: {  	[sflag:s25] =	ssyncset.done $0x0  }
0x15a: {  	s15 =	simm.s32 $0x600;
	s11 =	simm.s32 $0x10;
	[sflag:s25] =	ssyncadd.s32 $0xFFFFEC00  }
0x15b: {  	[spmem:s2] =	stream.indirect.scatter.add.f32 [tilespmem:s29], [sflag:$0x12], $0x80, s15, s23, $0xb8;
	[tilespmem:$0x1AF00] =	vst v63  }
0x15c: {  	_ =	swait.ge [sflag:s11], $0x1400  }
0x15d: {  	s17 =	rddreg [dreg:$0xe]  }
0x15e: {  	[sflag:s11] =	ssyncset.done $0x0;
	s20 =	rddreg [dreg:$0xd]  }
0x15f: {  	[sflag:s11] =	ssyncadd.s32 $0xFFFFEC00;
	s9 =	sadd.s32 s28, s17;
	s17 =	simm.s32 $0x380  }
0x160: {  	[tilespmem:s17], [sflag:$0x8] =	stream.linear.gather [hbm4b:s9+s31], $0x28, $0x38;
	[tilespmem:$0x1AF00] =	vst v63  }
0x161: {  	s13 =	simm.s32 $0x6;
	s15 =	simm.s32 $0x880;
	s8 =	sadd.s32 s28, s20  }
0x162: {  	[tilespmem:s15], [sflag:$0x8] =	stream.linear.gather [hbm4b:s8+s31], $0x28, $0x38;
	[tilespmem:$0x1AF00] =	vst v63  }
0x163: {  	_ =	swait.ge [sflag:s13], $0x28  }
0x164: {  	[sflag:s13] =	ssyncset.done $0x0  }
0x165: {  	[sflag:s13] =	ssyncadd.s32 $0xFFFFFFD8  }
0x166: {  	_ =	swait.ge [sflag:s13], $0x28  }
0x167: {  	[sflag:s13] =	ssyncset.done $0x0  }
0x168: {  	s0 =	simm.s32 $0xA00;
	s20 =	simm.s32 $0xE;
	[sflag:s13] =	ssyncadd.s32 $0xFFFFFFD8  }
0x169: {  	[tilespmem:s0], [sflag:$0xB] =	stream.indirect.gather [hbm4b:s3+s23], $0x80, s10, s23, $0xb8;
	[tilespmem:$0x1AF00] =	vst v63  }
0x16a: {  	_ =	swait.ge [sflag:s20], $0x1400  }
0x16b: {  	[sflag:s20] =	ssyncset.done $0x0  }
0x16c: {  	s8 =	simm.s32 $0x680;
	s10 =	simm.s32 $0x11;
	[sflag:s20] =	ssyncadd.s32 $0xFFFFEC00  }
0x16d: {  	[spmem:s2] =	stream.indirect.scatter.add.f32 [tilespmem:s16], [sflag:$0x13], $0x80, s8, s23, $0xb8;
	[tilespmem:$0x1AF00] =	vst v63  }
0x16e: {  	_ =	swait.ge [sflag:s10], $0x1400  }
0x16f: {  	s13 =	rddreg [dreg:$0xc]  }
0x170: {  	[sflag:s10] =	ssyncset.done $0x0;
	s20 =	rddreg [dreg:$0xb]  }
0x171: {  	[sflag:s10] =	ssyncadd.s32 $0xFFFFEC00;
	s9 =	sadd.s32 s28, s13;
	s10 =	simm.s32 $0x400  }
0x172: {  	[tilespmem:s10], [sflag:$0x9] =	stream.linear.gather [hbm4b:s9+s31], $0x28, $0x38;
	[tilespmem:$0x1AF00] =	vst v63  }
0x173: {  	s8 =	rddreg [dreg:$0x15];
	s13 =	sadd.s32 s28, s20;
	s20 =	simm.s32 $0x7  }
0x174: {  	[tilespmem:s8], [sflag:$0x9] =	stream.linear.gather [hbm4b:s13+s31], $0x28, $0x38;
	[tilespmem:$0x1AF00] =	vst v63  }
0x175: {  	_ =	swait.ge [sflag:s20], $0x28  }
0x176: {  	[sflag:s20] =	ssyncset.done $0x0  }
0x177: {  	[sflag:s20] =	ssyncadd.s32 $0xFFFFFFD8  }
0x178: {  	_ =	swait.ge [sflag:s20], $0x28  }
0x179: {  	[sflag:s20] =	ssyncset.done $0x0  }
0x17a: {  	s18 =	simm.s32 $0xF;
	[sflag:s20] =	ssyncadd.s32 $0xFFFFFFD8  }
0x17b: {  	[tilespmem:s12], [sflag:$0xC] =	stream.indirect.gather [hbm4b:s3+s23], $0x80, s21, s23, $0xb8;
	[tilespmem:$0x1AF00] =	vst v63  }
0x17c: {  	_ =	swait.ge [sflag:s18], $0x1400  }
0x17d: {  	[sflag:s18] =	ssyncset.done $0x0  }
0x17e: {  	s9 =	simm.s32 $0x12;
	[sflag:s18] =	ssyncadd.s32 $0xFFFFEC00  }
0x17f: {  	[spmem:s2] =	stream.indirect.scatter.add.f32 [tilespmem:s22], [sflag:$0x14], $0x80, s24, s23, $0xb8;
	[tilespmem:$0x1AF00] =	vst v63  }
0x180: {  	_ =	swait.ge [sflag:s9], $0x1400  }
0x181: {  	s8 =	simm.s32 $0x480;
	s13 =	rddreg [dreg:$0xa];
	[sflag:s9] =	ssyncset.done $0x0  }
0x182: {  	s21 =	rddreg [dreg:$0x9];
	[sflag:s9] =	ssyncadd.s32 $0xFFFFEC00;
	s9 =	sadd.s32 s28, s13  }
0x183: {  	[tilespmem:s8], [sflag:$0xA] =	stream.linear.gather [hbm4b:s9+s31], $0x28, $0x38;
	[tilespmem:$0x1AF00] =	vst v63  }
0x184: {  	s18 =	simm.s32 $0x8;
	s21 =	sadd.s32 s28, s21  }
0x185: {  	[tilespmem:s5], [sflag:$0xA] =	stream.linear.gather [hbm4b:s21+s31], $0x28, $0x38;
	[tilespmem:$0x1AF00] =	vst v63  }
0x186: {  	_ =	swait.ge [sflag:s18], $0x28  }
0x187: {  	[sflag:s18] =	ssyncset.done $0x0  }
0x188: {  	[sflag:s18] =	ssyncadd.s32 $0xFFFFFFD8  }
0x189: {  	_ =	swait.ge [sflag:s18], $0x28  }
0x18a: {  	[sflag:s18] =	ssyncset.done $0x0  }
0x18b: {  	[sflag:s18] =	ssyncadd.s32 $0xFFFFFFD8  }
0x18c: {  	[tilespmem:s29], [sflag:$0xD] =	stream.indirect.gather [hbm4b:s3+s23], $0x80, s17, s23, $0xb8;
	[tilespmem:$0x1AF00] =	vst v63  }
0x18d: {  	_ =	swait.ge [sflag:s1], $0x1400  }
0x18e: {  	[sflag:s1] =	ssyncset.done $0x0  }
0x18f: {  	[sflag:s1] =	ssyncadd.s32 $0xFFFFEC00  }
0x190: {  	[spmem:s2] =	stream.indirect.scatter.add.f32 [tilespmem:s0], [sflag:$0x10], $0x80, s30, s23, $0xb8;
	[tilespmem:$0x1AF00] =	vst v63  }
0x191: {  	s30 =	simm.s32 $0x13  }
0x192: {  	p4 =	seq.s32 s28, $0x4B0;
	_ =	swait.ge [sflag:s30], $0x1400  }
0x193: {  	s13 =	sshrl.u32 @!p4 s7, $0x3;
	[sflag:s30] =	ssyncset.done $0x0;
	s0 =	rddreg [dreg:$0x16]  }
0x194: {  	s9 =	simm.s32 @!p4 $0x0;
	[sflag:s30] =	ssyncadd.s32 $0xFFFFEC00;
	s20 =	sadd.s32 @!p4 s0, s13  }
0x195: {  	[tilespmem:s9], [sflag:$0x1] =	stream.linear.gather @!p4 [hbm4b:s20+s9], $0x28, $0x38;
	[tilespmem:$0x1AF00] =	vst v63  }
0x196: {  	s24 =	simm.s32 $0x9;
	s13 =	sadd.s32 @!p4 s19, s13;
	s20 =	simm.s32 @!p4 $0x500  }
0x197: {  	[tilespmem:s20], [sflag:$0x1] =	stream.linear.gather @!p4 [hbm4b:s13+s9], $0x28, $0x38;
	[tilespmem:$0x1AF00] =	vst v63  }
0x198: {  	_ =	swait.ge [sflag:s24], $0x28  }
0x199: {  	[sflag:s24] =	ssyncset.done $0x0  }
0x19a: {  	[sflag:s24] =	ssyncadd.s32 $0xFFFFFFD8  }
0x19b: {  	_ =	swait.ge [sflag:s24], $0x28  }
0x19c: {  	[sflag:s24] =	ssyncset.done $0x0  }
0x19d: {  	[sflag:s24] =	ssyncadd.s32 $0xFFFFFFD8  }
0x19e: {  	[tilespmem:s16], [sflag:$0xE] =	stream.indirect.gather [hbm4b:s3+s23], $0x80, s10, s23, $0xb8;
	[tilespmem:$0x1AF00] =	vst v63  }
0x19f: {  	_ =	swait.ge [sflag:s4], $0x1400  }
0x1a0: {  	[sflag:s4] =	ssyncset.done $0x0  }
0x1a1: {  	s31 =	simm.s32 $0x14;
	[sflag:s4] =	ssyncadd.s32 $0xFFFFEC00  }
0x1a2: {  	[spmem:s2] =	stream.indirect.scatter.add.f32 [tilespmem:s12], [sflag:$0x11], $0x80, s26, s23, $0xb8;
	[tilespmem:$0x1AF00] =	vst v63  }
0x1a3: {  	_ =	swait.ge [sflag:s31], $0x1400  }
0x1a4: {  	s13 =	rddreg [dreg:$0x8]  }
0x1a5: {  	[sflag:s31] =	ssyncset.done $0x0;
	s20 =	rddreg [dreg:$0x7]  }
0x1a6: {  	[sflag:s31] =	ssyncadd.s32 $0xFFFFEC00;
	s31 =	sadd.s32 @!p4 s28, s13;
	s13 =	simm.s32 @!p4 $0x80  }
0x1a7: {  	[tilespmem:s13], [sflag:$0x2] =	stream.linear.gather @!p4 [hbm4b:s31+s9], $0x28, $0x38;
	[tilespmem:$0x1AF00] =	vst v63  }
0x1a8: {  	s26 =	simm.s32 $0xA;
	s20 =	sadd.s32 @!p4 s28, s20;
	s31 =	simm.s32 @!p4 $0x580  }
0x1a9: {  	[tilespmem:s31], [sflag:$0x2] =	stream.linear.gather @!p4 [hbm4b:s20+s9], $0x28, $0x38;
	[tilespmem:$0x1AF00] =	vst v63  }
0x1aa: {  	_ =	swait.ge [sflag:s26], $0x28  }
0x1ab: {  	[sflag:s26] =	ssyncset.done $0x0  }
0x1ac: {  	[sflag:s26] =	ssyncadd.s32 $0xFFFFFFD8  }
0x1ad: {  	_ =	swait.ge [sflag:s26], $0x28  }
0x1ae: {  	[sflag:s26] =	ssyncset.done $0x0  }
0x1af: {  	[sflag:s26] =	ssyncadd.s32 $0xFFFFFFD8  }
0x1b0: {  	[tilespmem:s22], [sflag:$0xF] =	stream.indirect.gather [hbm4b:s3+s23], $0x80, s8, s23, $0xb8;
	[tilespmem:$0x1AF00] =	vst v63  }
0x1b1: {  	_ =	swait.ge [sflag:s25], $0x1400  }
0x1b2: {  	[sflag:s25] =	ssyncset.done $0x0  }
0x1b3: {  	[sflag:s25] =	ssyncadd.s32 $0xFFFFEC00  }
0x1b4: {  	[spmem:s2] =	stream.indirect.scatter.add.f32 [tilespmem:s29], [sflag:$0x12], $0x80, s15, s23, $0xb8;
	[tilespmem:$0x1AF00] =	vst v63  }
0x1b5: {  	_ =	swait.ge [sflag:s11], $0x1400  }
0x1b6: {  	[sflag:s11] =	ssyncset.done $0x0  }
0x1b7: {  	s20 =	simm.s32 @p4 $0xE;
	[sflag:s11] =	ssyncadd.s32 $0xFFFFEC00  }
0x1b8: {  	_ =	swait.ge @p4 [sflag:s20], $0x1400  }
0x1b9: {  	s5 =	simm.s32 @p4 $0x900;
	s0 =	simm.s32 @p4 $0x11;
	[sflag:s20] =	ssyncset.done @p4 $0x0  }
0x1ba: {  	s31 =	simm.s32 @p4 $0x4600;
	[sflag:s20] =	ssyncadd.s32 @p4 $0xFFFFEC00;
	s20 =	simm.s32 @p4 $0x28  }
0x1bb: {  	[spmem:s2] =	stream.indirect.scatter.add.f32 @p4 [tilespmem:s31], [sflag:$0x13], $0x80, s5, s20, $0xb8;
	[tilespmem:$0x1AF00] =	vst v63  }
0x1bc: {  	_ =	swait.ge @p4 [sflag:s0], $0x1400  }
0x1bd: {  	s5 =	rddreg [dreg:$0x6]  }
0x1be: {  	[sflag:s0] =	ssyncset.done @p4 $0x0;
	s20 =	rddreg [dreg:$0x5]  }
0x1bf: {  	[sflag:s0] =	ssyncadd.s32 @p4 $0xFFFFEC00;
	s0 =	sadd.s32 @!p4 s28, s5;
	s5 =	simm.s32 @!p4 $0x100  }
0x1c0: {  	[tilespmem:s5], [sflag:$0x3] =	stream.linear.gather @!p4 [hbm4b:s0+s9], $0x28, $0x38;
	[tilespmem:$0x1AF00] =	vst v63  }
0x1c1: {  	s0 =	sadd.s32 @!p4 s28, s20;
	s5 =	simm.s32 @!p4 $0x600;
	s20 =	simm.s32 @!p4 $0x1  }
0x1c2: {  	[tilespmem:s5], [sflag:$0x3] =	stream.linear.gather @!p4 [hbm4b:s0+s9], $0x28, $0x38;
	[tilespmem:$0x1AF00] =	vst v63  }
0x1c3: {  	_ =	swait.ge @!p4 [sflag:s20], $0x28  }
0x1c4: {  	[sflag:s20] =	ssyncset.done @!p4 $0x0  }
0x1c5: {  	[sflag:s20] =	ssyncadd.s32 @!p4 $0xFFFFFFD8  }
0x1c6: {  	_ =	swait.ge @!p4 [sflag:s20], $0x28  }
0x1c7: {  	s0 =	simm.s32 @!p4 $0xE;
	[sflag:s20] =	ssyncset.done @!p4 $0x0  }
0x1c8: {  	s5 =	simm.s32 @!p4 $0x28;
	[sflag:s20] =	ssyncadd.s32 @!p4 $0xFFFFFFD8;
	s20 =	simm.s32 @!p4 $0xA00  }
0x1c9: {  	[tilespmem:s20], [sflag:$0xB] =	stream.indirect.gather @!p4 [hbm4b:s3+s5], $0x80, s9, s5, $0xb8;
	[tilespmem:$0x1AF00] =	vst v63  }
0x1ca: {  	_ =	swait.ge @!p4 [sflag:s0], $0x1400  }
0x1cb: {  	s31 =	simm.s32 @!p4 $0x4600;
	[sflag:s0] =	ssyncset.done @!p4 $0x0  }
0x1cc: {  	s20 =	simm.s32 @!p4 $0x11;
	[sflag:s0] =	ssyncadd.s32 @!p4 $0xFFFFEC00;
	s0 =	simm.s32 @!p4 $0x900  }
0x1cd: {  	[spmem:s2] =	stream.indirect.scatter.add.f32 @!p4 [tilespmem:s31], [sflag:$0x13], $0x80, s0, s5, $0xb8;
	[tilespmem:$0x1AF00] =	vst v63  }
0x1ce: {  	_ =	swait.ge @!p4 [sflag:s20], $0x1400  }
0x1cf: {  	s0 =	rddreg [dreg:$0x4]  }
0x1d0: {  	[sflag:s20] =	ssyncset.done @!p4 $0x0;
	s31 =	rddreg [dreg:$0x3]  }
0x1d1: {  	[sflag:s20] =	ssyncadd.s32 @!p4 $0xFFFFEC00;
	s0 =	sadd.s32 @!p4 s28, s0;
	s20 =	simm.s32 @!p4 $0x180  }
0x1d2: {  	[tilespmem:s20], [sflag:$0x4] =	stream.linear.gather @!p4 [hbm4b:s0+s9], $0x28, $0x38;
	[tilespmem:$0x1AF00] =	vst v63  }
0x1d3: {  	s0 =	sadd.s32 @!p4 s28, s31;
	s20 =	simm.s32 @!p4 $0x680;
	s31 =	simm.s32 @!p4 $0x2  }
0x1d4: {  	[tilespmem:s20], [sflag:$0x4] =	stream.linear.gather @!p4 [hbm4b:s0+s9], $0x28, $0x38;
	[tilespmem:$0x1AF00] =	vst v63  }
0x1d5: {  	_ =	swait.ge @!p4 [sflag:s31], $0x28  }
0x1d6: {  	s14 =	smov.u32 s6;
	s6 =	sadd.s32 $0x32, s6;
	[sflag:s31] =	ssyncset.done @!p4 $0x0  }
0x1d7: {  	p3 =	sne.s32 s6, $0x4E2;
	[sflag:s31] =	ssyncadd.s32 @!p4 $0xFFFFFFD8  }
0x1d8: {  	s7 =	sadd.s32 $0x190, s7;
	s1 =	smov.u32 s2;
	_ =	swait.ge @!p4 [sflag:s31], $0x28  }
.Ltmp2:
0x1d9: {  	s12 =	simm.s32 $0x500;
	[sflag:s31] =	ssyncset.done @!p4 $0x0;
	(pc) =	sbr.rel @p3 .LBB2_2-.Ltmp2, $4  }
0x1da: {  	s22 =	simm.s32 $0xF;
	s0 =	simm.s32 @!p4 $0x1E00;
	[sflag:s31] =	ssyncadd.s32 @!p4 $0xFFFFFFD8  }
0x1db: {  	[tilespmem:s0], [sflag:$0xC] =	stream.indirect.gather @!p4 [hbm4b:s3+s5], $0x80, s13, s5, $0xb8;
	[tilespmem:$0x1AF00] =	vst v63  }
0x1dc: {  	s28 =	smov.u32 s14;
	s20 =	simm.s32 $0xA00;
	_ =	swait.ge [sflag:s22], $0x1400  }
0x1dd: {  	s5 =	simm.s32 $0x980;
	p4 =	seq.s32 s28, $0x0;
	[sflag:s22] =	ssyncset.done $0x0  }
0x1de: {  	s0 =	simm.s32 @!p4 $0x12;
	[sflag:s22] =	ssyncadd.s32 $0xFFFFEC00;
	s22 =	simm.s32 $0x5A00  }
0x1df: {  	[spmem:s1] =	stream.indirect.scatter.add.f32 [tilespmem:s22], [sflag:$0x14], $0x80, s5, s23, $0xb8;
	[tilespmem:$0x1AF00] =	vst v63  }
0x1e0: {  	_ =	swait.ge @!p4 [sflag:s0], $0x1400  }
0x1e1: {  	s8 =	rddreg [dreg:$0x14]  }
0x1e2: {  	s10 =	simm.s32 $0x200;
	[sflag:s0] =	ssyncset.done @!p4 $0x0;
	s6 =	rddreg [dreg:$0x13]  }
0x1e3: {  	[sflag:s0] =	ssyncadd.s32 @!p4 $0xFFFFEC00;
	s9 =	sadd.s32 s28, s8;
	s8 =	simm.s32 $0x0  }
0x1e4: {  	[tilespmem:s10], [sflag:$0x5] =	stream.linear.gather [hbm4b:s9+s8], $0x28, $0x38;
	[tilespmem:$0x1AF00] =	vst v63  }
0x1e5: {  	s14 =	simm.s32 $0x700;
	s13 =	simm.s32 $0x3;
	s11 =	sadd.s32 s28, s6  }
0x1e6: {  	[tilespmem:s14], [sflag:$0x5] =	stream.linear.gather [hbm4b:s11+s8], $0x28, $0x38;
	[tilespmem:$0x1AF00] =	vst v63  }
0x1e7: {  	_ =	swait.ge [sflag:s13], $0x28  }
0x1e8: {  	[sflag:s13] =	ssyncset.done $0x0  }
0x1e9: {  	[sflag:s13] =	ssyncadd.s32 $0xFFFFFFD8  }
0x1ea: {  	_ =	swait.ge [sflag:s13], $0x28  }
0x1eb: {  	s25 =	simm.s32 $0x3200;
	[sflag:s13] =	ssyncset.done $0x0  }
0x1ec: {  	s16 =	simm.s32 $0x100;
	s1 =	simm.s32 $0xB;
	[sflag:s13] =	ssyncadd.s32 $0xFFFFFFD8  }
0x1ed: {  	[tilespmem:s25], [sflag:$0xD] =	stream.indirect.gather [hbm4b:s3+s23], $0x80, s16, s23, $0xb8;
	[tilespmem:$0x1AF00] =	vst v63  }
0x1ee: {  	_ =	swait.ge [sflag:s1], $0x1400  }
0x1ef: {  	[sflag:s1] =	ssyncset.done $0x0  }
0x1f0: {  	s0 =	simm.s32 @!p4 $0x13;
	[sflag:s1] =	ssyncadd.s32 $0xFFFFEC00  }
0x1f1: {  	[spmem:s2] =	stream.indirect.scatter.add.f32 [tilespmem:s20], [sflag:$0x10], $0x80, s12, s23, $0xb8;
	[tilespmem:$0x1AF00] =	vst v63  }
0x1f2: {  	_ =	swait.ge @!p4 [sflag:s0], $0x1400  }
0x1f3: {  	s29 =	simm.s32 $0x280;
	s17 =	rddreg [dreg:$0x12];
	[sflag:s0] =	ssyncset.done @!p4 $0x0  }
0x1f4: {  	s21 =	rddreg [dreg:$0x11];
	[sflag:s0] =	ssyncadd.s32 @!p4 $0xFFFFEC00;
	s30 =	sadd.s32 s28, s17  }
0x1f5: {  	[tilespmem:s29], [sflag:$0x6] =	stream.linear.gather [hbm4b:s30+s8], $0x28, $0x38;
	[tilespmem:$0x1AF00] =	vst v63  }
0x1f6: {  	s4 =	simm.s32 $0x4;
	s31 =	sadd.s32 s28, s21;
	s30 =	simm.s32 $0x780  }
0x1f7: {  	[tilespmem:s30], [sflag:$0x6] =	stream.linear.gather [hbm4b:s31+s8], $0x28, $0x38;
	[tilespmem:$0x1AF00] =	vst v63  }
0x1f8: {  	_ =	swait.ge [sflag:s4], $0x28  }
0x1f9: {  	[sflag:s4] =	ssyncset.done $0x0  }
0x1fa: {  	[sflag:s4] =	ssyncadd.s32 $0xFFFFFFD8  }
0x1fb: {  	_ =	swait.ge [sflag:s4], $0x28  }
0x1fc: {  	s5 =	simm.s32 $0x180;
	[sflag:s4] =	ssyncset.done $0x0  }
0x1fd: {  	s16 =	simm.s32 $0x4600;
	[sflag:s4] =	ssyncadd.s32 $0xFFFFFFD8;
	s4 =	simm.s32 $0xC  }
0x1fe: {  	[tilespmem:s16], [sflag:$0xE] =	stream.indirect.gather [hbm4b:s3+s23], $0x80, s5, s23, $0xb8;
	[tilespmem:$0x1AF00] =	vst v63  }
0x1ff: {  	_ =	swait.ge [sflag:s4], $0x1400  }
0x200: {  	s6 =	simm.s32 $0x580;
	[sflag:s4] =	ssyncset.done $0x0  }
0x201: {  	s13 =	simm.s32 $0x1E00;
	s0 =	simm.s32 @!p4 $0x14;
	[sflag:s4] =	ssyncadd.s32 $0xFFFFEC00  }
0x202: {  	[spmem:s2] =	stream.indirect.scatter.add.f32 [tilespmem:s13], [sflag:$0x11], $0x80, s6, s23, $0xb8;
	[tilespmem:$0x1AF00] =	vst v63  }
0x203: {  	_ =	swait.ge @!p4 [sflag:s0], $0x1400  }
0x204: {  	s31 =	simm.s32 $0x300;
	s9 =	rddreg [dreg:$0x10];
	[sflag:s0] =	ssyncset.done @!p4 $0x0  }
0x205: {  	s11 =	rddreg [dreg:$0xf];
	[sflag:s0] =	ssyncadd.s32 @!p4 $0xFFFFEC00;
	s17 =	sadd.s32 s28, s9  }
0x206: {  	[tilespmem:s31], [sflag:$0x7] =	stream.linear.gather [hbm4b:s17+s8], $0x28, $0x38;
	[tilespmem:$0x1AF00] =	vst v63  }
0x207: {  	s5 =	simm.s32 $0x5;
	s21 =	sadd.s32 s28, s11;
	s17 =	simm.s32 $0x800  }
0x208: {  	[tilespmem:s17], [sflag:$0x7] =	stream.linear.gather [hbm4b:s21+s8], $0x28, $0x38;
	[tilespmem:$0x1AF00] =	vst v63  }
0x209: {  	_ =	swait.ge [sflag:s5], $0x28  }
0x20a: {  	[sflag:s5] =	ssyncset.done $0x0  }
0x20b: {  	[sflag:s5] =	ssyncadd.s32 $0xFFFFFFD8  }
0x20c: {  	_ =	swait.ge [sflag:s5], $0x28  }
0x20d: {  	[sflag:s5] =	ssyncset.done $0x0  }
0x20e: {  	s21 =	simm.s32 $0xD;
	[sflag:s5] =	ssyncadd.s32 $0xFFFFFFD8  }
0x20f: {  	[tilespmem:s22], [sflag:$0xF] =	stream.indirect.gather [hbm4b:s3+s23], $0x80, s10, s23, $0xb8;
	[tilespmem:$0x1AF00] =	vst v63  }
0x210: {  	_ =	swait.ge [sflag:s21], $0x1400  }
0x211: {  	[sflag:s21] =	ssyncset.done $0x0  }
0x212: {  	s6 =	simm.s32 $0x600;
	s11 =	simm.s32 $0x10;
	[sflag:s21] =	ssyncadd.s32 $0xFFFFEC00  }
0x213: {  	[spmem:s2] =	stream.indirect.scatter.add.f32 [tilespmem:s25], [sflag:$0x12], $0x80, s6, s23, $0xb8;
	[tilespmem:$0x1AF00] =	vst v63  }
0x214: {  	_ =	swait.ge [sflag:s11], $0x1400  }
0x215: {  	s9 =	rddreg [dreg:$0xe]  }
0x216: {  	[sflag:s11] =	ssyncset.done $0x0;
	s10 =	rddreg [dreg:$0xd]  }
0x217: {  	[sflag:s11] =	ssyncadd.s32 $0xFFFFEC00;
	s0 =	sadd.s32 s28, s9;
	s9 =	simm.s32 $0x380  }
0x218: {  	[tilespmem:s9], [sflag:$0x8] =	stream.linear.gather [hbm4b:s0+s8], $0x28, $0x38;
	[tilespmem:$0x1AF00] =	vst v63  }
0x219: {  	s6 =	simm.s32 $0x6;
	s5 =	sadd.s32 s28, s10;
	s10 =	simm.s32 $0x880  }
0x21a: {  	[tilespmem:s10], [sflag:$0x8] =	stream.linear.gather [hbm4b:s5+s8], $0x28, $0x38;
	[tilespmem:$0x1AF00] =	vst v63  }
0x21b: {  	_ =	swait.ge [sflag:s6], $0x28  }
0x21c: {  	[sflag:s6] =	ssyncset.done $0x0  }
0x21d: {  	[sflag:s6] =	ssyncadd.s32 $0xFFFFFFD8  }
0x21e: {  	_ =	swait.ge [sflag:s6], $0x28  }
0x21f: {  	[sflag:s6] =	ssyncset.done $0x0  }
0x220: {  	s5 =	simm.s32 $0xE;
	[sflag:s6] =	ssyncadd.s32 $0xFFFFFFD8  }
0x221: {  	[tilespmem:s20], [sflag:$0xB] =	stream.indirect.gather [hbm4b:s3+s23], $0x80, s29, s23, $0xb8;
	[tilespmem:$0x1AF00] =	vst v63  }
0x222: {  	_ =	swait.ge [sflag:s5], $0x1400  }
0x223: {  	[sflag:s5] =	ssyncset.done $0x0  }
0x224: {  	s6 =	simm.s32 $0x680;
	[sflag:s5] =	ssyncadd.s32 $0xFFFFEC00  }
0x225: {  	[spmem:s2] =	stream.indirect.scatter.add.f32 [tilespmem:s16], [sflag:$0x13], $0x80, s6, s23, $0xb8;
	[tilespmem:$0x1AF00] =	vst v63  }
0x226: {  	s6 =	simm.s32 $0x11  }
0x227: {  	_ =	swait.ge [sflag:s6], $0x1400  }
0x228: {  	s29 =	simm.s32 $0x400;
	s0 =	rddreg [dreg:$0xc];
	[sflag:s6] =	ssyncset.done $0x0  }
0x229: {  	s5 =	rddreg [dreg:$0xb];
	[sflag:s6] =	ssyncadd.s32 $0xFFFFEC00;
	s0 =	sadd.s32 s28, s0  }
0x22a: {  	[tilespmem:s29], [sflag:$0x9] =	stream.linear.gather [hbm4b:s0+s8], $0x28, $0x38;
	[tilespmem:$0x1AF00] =	vst v63  }
0x22b: {  	s6 =	rddreg [dreg:$0x15];
	s5 =	sadd.s32 s28, s5  }
0x22c: {  	[tilespmem:s6], [sflag:$0x9] =	stream.linear.gather [hbm4b:s5+s8], $0x28, $0x38;
	[tilespmem:$0x1AF00] =	vst v63  }
0x22d: {  	s6 =	simm.s32 $0x7  }
0x22e: {  	_ =	swait.ge [sflag:s6], $0x28  }
0x22f: {  	[sflag:s6] =	ssyncset.done $0x0  }
0x230: {  	[sflag:s6] =	ssyncadd.s32 $0xFFFFFFD8  }
0x231: {  	_ =	swait.ge [sflag:s6], $0x28  }
0x232: {  	[sflag:s6] =	ssyncset.done $0x0  }
0x233: {  	s15 =	simm.s32 $0xF;
	[sflag:s6] =	ssyncadd.s32 $0xFFFFFFD8  }
0x234: {  	[tilespmem:s13], [sflag:$0xC] =	stream.indirect.gather [hbm4b:s3+s23], $0x80, s31, s23, $0xb8;
	[tilespmem:$0x1AF00] =	vst v63  }
0x235: {  	_ =	swait.ge [sflag:s15], $0x1400  }
0x236: {  	[sflag:s15] =	ssyncset.done $0x0  }
0x237: {  	[sflag:s15] =	ssyncadd.s32 $0xFFFFEC00  }
0x238: {  	[spmem:s2] =	stream.indirect.scatter.add.f32 [tilespmem:s22], [sflag:$0x14], $0x80, s14, s23, $0xb8;
	[tilespmem:$0x1AF00] =	vst v63  }
0x239: {  	s14 =	simm.s32 $0x12  }
0x23a: {  	_ =	swait.ge [sflag:s14], $0x1400  }
0x23b: {  	s31 =	simm.s32 $0x480;
	s5 =	rddreg [dreg:$0xa];
	[sflag:s14] =	ssyncset.done $0x0  }
0x23c: {  	s6 =	rddreg [dreg:$0x9];
	[sflag:s14] =	ssyncadd.s32 $0xFFFFEC00;
	s0 =	sadd.s32 s28, s5  }
0x23d: {  	[tilespmem:s31], [sflag:$0xA] =	stream.linear.gather [hbm4b:s0+s8], $0x28, $0x38;
	[tilespmem:$0x1AF00] =	vst v63  }
0x23e: {  	s5 =	sadd.s32 s28, s6;
	s6 =	simm.s32 $0x980  }
0x23f: {  	[tilespmem:s6], [sflag:$0xA] =	stream.linear.gather [hbm4b:s5+s8], $0x28, $0x38;
	[tilespmem:$0x1AF00] =	vst v63  }
0x240: {  	_ =	swait.ge [sflag:s18], $0x28  }
0x241: {  	[sflag:s18] =	ssyncset.done $0x0  }
0x242: {  	[sflag:s18] =	ssyncadd.s32 $0xFFFFFFD8  }
0x243: {  	_ =	swait.ge [sflag:s18], $0x28  }
0x244: {  	[sflag:s18] =	ssyncset.done $0x0  }
0x245: {  	[sflag:s18] =	ssyncadd.s32 $0xFFFFFFD8  }
0x246: {  	[tilespmem:s25], [sflag:$0xD] =	stream.indirect.gather [hbm4b:s3+s23], $0x80, s9, s23, $0xb8;
	[tilespmem:$0x1AF00] =	vst v63  }
0x247: {  	_ =	swait.ge [sflag:s1], $0x1400  }
0x248: {  	[sflag:s1] =	ssyncset.done $0x0  }
0x249: {  	[sflag:s1] =	ssyncadd.s32 $0xFFFFEC00  }
0x24a: {  	[spmem:s2] =	stream.indirect.scatter.add.f32 [tilespmem:s20], [sflag:$0x10], $0x80, s30, s23, $0xb8;
	[tilespmem:$0x1AF00] =	vst v63  }
0x24b: {  	s30 =	simm.s32 $0x13  }
0x24c: {  	p3 =	seq.s32 s28, $0x4B0;
	_ =	swait.ge [sflag:s30], $0x1400  }
0x24d: {  	s0 =	sshrl.u32 @!p3 s7, $0x3;
	[sflag:s30] =	ssyncset.done $0x0;
	s1 =	rddreg [dreg:$0x16]  }
0x24e: {  	s6 =	simm.s32 @!p3 $0x0;
	[sflag:s30] =	ssyncadd.s32 $0xFFFFEC00;
	s5 =	sadd.s32 @!p3 s1, s0  }
0x24f: {  	[tilespmem:s6], [sflag:$0x1] =	stream.linear.gather @!p3 [hbm4b:s5+s6], $0x28, $0x38;
	[tilespmem:$0x1AF00] =	vst v63  }
0x250: {  	s0 =	sadd.s32 @!p3 s19, s0;
	s5 =	simm.s32 @!p3 $0x500  }
0x251: {  	[tilespmem:s5], [sflag:$0x1] =	stream.linear.gather @!p3 [hbm4b:s0+s6], $0x28, $0x38;
	[tilespmem:$0x1AF00] =	vst v63  }
0x252: {  	_ =	swait.ge [sflag:s24], $0x28  }
0x253: {  	[sflag:s24] =	ssyncset.done $0x0  }
0x254: {  	[sflag:s24] =	ssyncadd.s32 $0xFFFFFFD8  }
0x255: {  	_ =	swait.ge [sflag:s24], $0x28  }
0x256: {  	[sflag:s24] =	ssyncset.done $0x0  }
0x257: {  	[sflag:s24] =	ssyncadd.s32 $0xFFFFFFD8  }
0x258: {  	[tilespmem:s16], [sflag:$0xE] =	stream.indirect.gather [hbm4b:s3+s23], $0x80, s29, s23, $0xb8;
	[tilespmem:$0x1AF00] =	vst v63  }
0x259: {  	_ =	swait.ge [sflag:s4], $0x1400  }
0x25a: {  	[sflag:s4] =	ssyncset.done $0x0  }
0x25b: {  	[sflag:s4] =	ssyncadd.s32 $0xFFFFEC00  }
0x25c: {  	[spmem:s2] =	stream.indirect.scatter.add.f32 [tilespmem:s13], [sflag:$0x11], $0x80, s17, s23, $0xb8;
	[tilespmem:$0x1AF00] =	vst v63  }
0x25d: {  	s17 =	simm.s32 $0x14  }
0x25e: {  	_ =	swait.ge [sflag:s17], $0x1400  }
0x25f: {  	s7 =	simm.s32 @!p3 $0x80;
	s0 =	rddreg [dreg:$0x8];
	[sflag:s17] =	ssyncset.done $0x0  }
0x260: {  	s5 =	rddreg [dreg:$0x7];
	[sflag:s17] =	ssyncadd.s32 $0xFFFFEC00;
	s0 =	sadd.s32 @!p3 s28, s0  }
0x261: {  	[tilespmem:s7], [sflag:$0x2] =	stream.linear.gather @!p3 [hbm4b:s0+s6], $0x28, $0x38;
	[tilespmem:$0x1AF00] =	vst v63  }
0x262: {  	s0 =	sadd.s32 @!p3 s28, s5;
	s5 =	simm.s32 @!p3 $0x580  }
0x263: {  	[tilespmem:s5], [sflag:$0x2] =	stream.linear.gather @!p3 [hbm4b:s0+s6], $0x28, $0x38;
	[tilespmem:$0x1AF00] =	vst v63  }
0x264: {  	_ =	swait.ge [sflag:s26], $0x28  }
0x265: {  	[sflag:s26] =	ssyncset.done $0x0  }
0x266: {  	[sflag:s26] =	ssyncadd.s32 $0xFFFFFFD8  }
0x267: {  	_ =	swait.ge [sflag:s26], $0x28  }
0x268: {  	[sflag:s26] =	ssyncset.done $0x0  }
0x269: {  	[sflag:s26] =	ssyncadd.s32 $0xFFFFFFD8  }
0x26a: {  	[tilespmem:s22], [sflag:$0xF] =	stream.indirect.gather [hbm4b:s3+s23], $0x80, s31, s23, $0xb8;
	[tilespmem:$0x1AF00] =	vst v63  }
0x26b: {  	_ =	swait.ge [sflag:s21], $0x1400  }
0x26c: {  	[sflag:s21] =	ssyncset.done $0x0  }
0x26d: {  	[sflag:s21] =	ssyncadd.s32 $0xFFFFEC00  }
0x26e: {  	[spmem:s2] =	stream.indirect.scatter.add.f32 [tilespmem:s25], [sflag:$0x12], $0x80, s10, s23, $0xb8;
	[tilespmem:$0x1AF00] =	vst v63  }
0x26f: {  	_ =	swait.ge [sflag:s11], $0x1400  }
0x270: {  	[sflag:s11] =	ssyncset.done $0x0  }
0x271: {  	s0 =	simm.s32 @p3 $0xE;
	[sflag:s11] =	ssyncadd.s32 $0xFFFFEC00  }
0x272: {  	_ =	swait.ge @p3 [sflag:s0], $0x1400  }
0x273: {  	s9 =	simm.s32 @p3 $0x11;
	s13 =	simm.s32 @p3 $0x900;
	[sflag:s0] =	ssyncset.done @p3 $0x0  }
0x274: {  	s5 =	simm.s32 @p3 $0x4600;
	[sflag:s0] =	ssyncadd.s32 @p3 $0xFFFFEC00;
	s0 =	simm.s32 @p3 $0x28  }
0x275: {  	[spmem:s2] =	stream.indirect.scatter.add.f32 @p3 [tilespmem:s5], [sflag:$0x13], $0x80, s13, s0, $0xb8;
	[tilespmem:$0x1AF00] =	vst v63  }
0x276: {  	_ =	swait.ge @p3 [sflag:s9], $0x1400  }
0x277: {  	s0 =	rddreg [dreg:$0x6]  }
0x278: {  	[sflag:s9] =	ssyncset.done @p3 $0x0;
	s5 =	rddreg [dreg:$0x5]  }
0x279: {  	[sflag:s9] =	ssyncadd.s32 @p3 $0xFFFFEC00;
	s0 =	sadd.s32 @!p3 s28, s0;
	s9 =	simm.s32 @!p3 $0x100  }
0x27a: {  	[tilespmem:s9], [sflag:$0x3] =	stream.linear.gather @!p3 [hbm4b:s0+s6], $0x28, $0x38;
	[tilespmem:$0x1AF00] =	vst v63  }
0x27b: {  	s0 =	sadd.s32 @!p3 s28, s5;
	s5 =	simm.s32 @!p3 $0x600;
	s9 =	simm.s32 @!p3 $0x1  }
0x27c: {  	[tilespmem:s5], [sflag:$0x3] =	stream.linear.gather @!p3 [hbm4b:s0+s6], $0x28, $0x38;
	[tilespmem:$0x1AF00] =	vst v63  }
0x27d: {  	_ =	swait.ge @!p3 [sflag:s9], $0x28  }
0x27e: {  	[sflag:s9] =	ssyncset.done @!p3 $0x0  }
0x27f: {  	[sflag:s9] =	ssyncadd.s32 @!p3 $0xFFFFFFD8  }
0x280: {  	_ =	swait.ge @!p3 [sflag:s9], $0x28  }
0x281: {  	s0 =	simm.s32 @!p3 $0xE;
	[sflag:s9] =	ssyncset.done @!p3 $0x0  }
0x282: {  	s5 =	simm.s32 @!p3 $0x28;
	[sflag:s9] =	ssyncadd.s32 @!p3 $0xFFFFFFD8;
	s9 =	simm.s32 @!p3 $0xA00  }
0x283: {  	[tilespmem:s9], [sflag:$0xB] =	stream.indirect.gather @!p3 [hbm4b:s3+s5], $0x80, s6, s5, $0xb8;
	[tilespmem:$0x1AF00] =	vst v63  }
0x284: {  	_ =	swait.ge @!p3 [sflag:s0], $0x1400  }
0x285: {  	s13 =	simm.s32 @!p3 $0x4600;
	[sflag:s0] =	ssyncset.done @!p3 $0x0  }
0x286: {  	s9 =	simm.s32 @!p3 $0x11;
	[sflag:s0] =	ssyncadd.s32 @!p3 $0xFFFFEC00;
	s0 =	simm.s32 @!p3 $0x900  }
0x287: {  	[spmem:s2] =	stream.indirect.scatter.add.f32 @!p3 [tilespmem:s13], [sflag:$0x13], $0x80, s0, s5, $0xb8;
	[tilespmem:$0x1AF00] =	vst v63  }
0x288: {  	_ =	swait.ge @!p3 [sflag:s9], $0x1400  }
0x289: {  	s0 =	rddreg [dreg:$0x4]  }
0x28a: {  	[sflag:s9] =	ssyncset.done @!p3 $0x0;
	s13 =	rddreg [dreg:$0x3]  }
0x28b: {  	[sflag:s9] =	ssyncadd.s32 @!p3 $0xFFFFEC00;
	s0 =	sadd.s32 @!p3 s28, s0;
	s9 =	simm.s32 @!p3 $0x180  }
0x28c: {  	[tilespmem:s9], [sflag:$0x4] =	stream.linear.gather @!p3 [hbm4b:s0+s6], $0x28, $0x38;
	[tilespmem:$0x1AF00] =	vst v63  }
0x28d: {  	s0 =	sadd.s32 @!p3 s28, s13;
	s9 =	simm.s32 @!p3 $0x680  }
0x28e: {  	[tilespmem:s9], [sflag:$0x4] =	stream.linear.gather @!p3 [hbm4b:s0+s6], $0x28, $0x38;
	[tilespmem:$0x1AF00] =	vst v63  }
0x28f: {  	s0 =	simm.s32 @!p3 $0x2  }
0x290: {  	_ =	swait.ge @!p3 [sflag:s0], $0x28  }
0x291: {  	[sflag:s0] =	ssyncset.done @!p3 $0x0  }
0x292: {  	[sflag:s0] =	ssyncadd.s32 @!p3 $0xFFFFFFD8  }
0x293: {  	_ =	swait.ge @!p3 [sflag:s0], $0x28  }
0x294: {  	[sflag:s0] =	ssyncset.done @!p3 $0x0  }
0x295: {  	[sflag:s0] =	ssyncadd.s32 @!p3 $0xFFFFFFD8;
	s0 =	simm.s32 @!p3 $0x1E00  }
0x296: {  	[tilespmem:s0], [sflag:$0xC] =	stream.indirect.gather @!p3 [hbm4b:s3+s5], $0x80, s7, s5, $0xb8;
	[tilespmem:$0x1AF00] =	vst v63  }
0x297: {  	_ =	swait.ge [sflag:s15], $0x1400  }
0x298: {  	[sflag:s15] =	ssyncset.done $0x0  }
0x299: {  	s25 =	simm.s32 $0x980;
	[sflag:s15] =	ssyncadd.s32 $0xFFFFEC00  }
0x29a: {  	[spmem:s2] =	stream.indirect.scatter.add.f32 [tilespmem:s22], [sflag:$0x14], $0x80, s25, s23, $0xb8;
	[tilespmem:$0x1AF00] =	vst v63  }
0x29b: {  	_ =	swait.ge [sflag:s14], $0x1400  }
0x29c: {  	[sflag:s14] =	ssyncset.done $0x0  }
0x29d: {  	[sflag:s14] =	ssyncadd.s32 $0xFFFFEC00  }
0x29e: {  	_ =	swait.ge [sflag:s30], $0x1400  }
0x29f: {  	[sflag:s30] =	ssyncset.done $0x0  }
0x2a0: {  	[sflag:s30] =	ssyncadd.s32 $0xFFFFEC00  }
0x2a1: {  	_ =	swait.ge [sflag:s17], $0x1400  }
0x2a2: {  	[sflag:s17] =	ssyncset.done $0x0  }
0x2a3: {  	[sflag:s17] =	ssyncadd.s32 $0xFFFFEC00  }
0x2a4: {  	s7 =	simm.s32 $0x15;
	s30 =	simm.s32 $0x1A700;
	s28 =	rddreg [dreg:$0x17];
	[tilespmem:$0x1A680] =	vst v0  }
0x2a5: {  	[tilespmem:s30], [sflag:$0x15] =	stream.linear.gather [hbm4b:s28+s8], $0x800, $0x38;
	[tilespmem:$0x1AF00] =	vst v63  }
0x2a6: {  	_ =	swait.ge [sflag:s7], $0x800  }
0x2a7: {  	[sflag:s7] =	ssyncset.done $0x0  }
0x2a8: {  	s31 =	simm.s32 $0x1A680;
	[sflag:s7] =	ssyncadd.s32 $0xFFFFF800  }
0x2a9: {  	[spmem:s2] =	stream.indirect.scatter.add.f32 [tilespmem:s30], [sflag:$0x15], $0x80, s31, s11, $0xb8;
	[tilespmem:$0x1AF00] =	vst v63  }
.Ltmp3:
0x2aa: {  	_ =	swait.ge [sflag:s7], $0x800;
	(pc) =	sbr.rel @!p0 .LBB2_4-.Ltmp3, $4  }
0x2ab: {  	s1 =	simm.s32 $0x0;
	[sflag:s7] =	ssyncset.done $0x0  }
0x2ac: {  	s16 =	simm.s32 $0x3200;
	s29 =	simm.s32 $0x10;
	[sflag:s7] =	ssyncadd.s32 $0xFFFFF800  }
0x2ad: {  	s13 =	simm.s32 $0x580;
	s25 =	simm.s32 $0xC;
	[bflag:$0x0] =	sbarrier.arrive $0xFFFF  }
0x2ae: {  	s14 =	simm.s32 $0x100;
	s17 =	simm.s32 $0xB;
	s11 =	simm.s32 $0xD  }
0x2af: {  	s0 =	sld [smem:$0x7FB]  }
0x2b0: {  	s5 =	sld [smem:$0x7F2];
	_ =	sdelay $0x1  }
0x2b1: {  	s20 =	rddreg [dreg:$0x1c]  }
0x2b2: {  	[hbm:s0], [sflag:s20] =	dma.local [spmem:s5], $0x2700  }
.Ltmp4:
0x2b3: {  	_ = 	snop;
	(pc) =	sbr.rel @p1 .LBB2_7-.Ltmp4, $4  }
.Ltmp5:
0x2b4: {  	_ = 	snop;
	(pc) =	sbr.rel @!p1 .LBB2_6-.Ltmp5, $4  }
0x2b5: {  	_ =	swait.ge [sflag:s7], $0x2700  }
0x2b6: {  	[sflag:s7] =	ssyncset.done $0x0;
	s6 =	rddreg [dreg:$0x19]  }
0x2b7: {  	s22 =	sld [smem:$0x7F1];
	[sflag:s7] =	ssyncadd.s32 $0xFFFFD900  }
0x2b8: {  	_ = 	snop  }
.LBB2_4:
0x2b9: {  	s0 =	sld [smem:$0x7FA]  }
0x2ba: {  	s5 =	sld [smem:$0x7F2];
	_ =	sdelay $0x1  }
0x2bb: {  	s20 =	rddreg [dreg:$0x1c]  }
0x2bc: {  	[hbm:s0], [sflag:s20] =	dma.local [spmem:s5], $0x2700  }
.Ltmp6:
0x2bd: {  	_ = 	snop;
	(pc) =	sbr.rel @!p2 .LBB2_7-.Ltmp6, $4  }
.Ltmp7:
0x2be: {  	_ = 	snop;
	(pc) =	sbr.rel @p2 .LBB2_6-.Ltmp7, $4  }
0x2bf: {  	_ =	swait.ge [sflag:s7], $0x2700  }
0x2c0: {  	[sflag:s7] =	ssyncset.done $0x0;
	s6 =	rddreg [dreg:$0x18]  }
0x2c1: {  	s22 =	sld [smem:$0x7F1];
	[sflag:s7] =	ssyncadd.s32 $0xFFFFD900  }
0x2c2: {  	_ = 	snop  }
.LBB2_8:
0x2c3: {  	_ =	sfence.sel $0x180000  }
0x2c4: {  	[bflag:$0x0] =	sbarrier.arrive $0xFFFF  }
0x2c5: {  	_ =	strace $0x9000004A  }
0x2c6: {  	[bflag:$0x2] =	sbarrier.arrive $0xFFFF  }
0x2c7: {  	s0 =	rddreg [dreg:$0x2]  }
0x2c8: {  	s0 =	sadd.s32 @!p1 $0x100000, s0  }
0x2c9: {  	[sflag:s0] =	ssyncadd.tile.s32 @!p1 $0x1;
	_ =	shalt  }
.Lfunc_end2:
_tile_overlayer_lowered:
.L_overlay_start_2:
0x2ca: {  	(tag) =	ssettag $0x2  }
0x2cb: {  	s0 =	rddreg [dreg:$0x0];
	s2 =	stileid.u32  }
0x2cc: {  	s1 =	rddreg [dreg:$0x1];
	p0 =	sne.s32 s2, $0x0  }
0x2cd: {  	s3 =	rddreg [dreg:$0x2];
	[bflag:$0x3] =	sbarrier.arrive $0xFFFF;
	s2 =	simm.s32 @!p0 $0x1C15  }
0x2ce: {  	[timem:s3], [sflag:s2] =	dma.local @!p0 [hbm:s0], s1  }
0x2cf: {  	s0 =	simm.s32 @!p0 $0x15  }
0x2d0: {  	_ =	swait.ge @!p0 [sflag:s0], s1  }
0x2d1: {  	s1 =	ssub.s32 @!p0 $0x0, s1;
	[sflag:s0] =	ssyncset.done @!p0 $0x0  }
0x2d2: {  	[sflag:s0] =	ssyncadd.s32 @!p0 s1  }
0x2d3: {  	[bflag:$0x3] =	sbarrier.arrive $0xFFFF  }
0x2d4: {  	_ =	shalt  }

// kernel: kernel.15.cloned.1.call-start
scs
__scs_entry_jumppad:
0x0: {  	(pc) =	sbr.rel $0x88, $3  }
0x1: {  	(tag) =	ssettag $0x0;
	lr =	simm.s32 $0x1  }
0x2: {  	[smem:$0x3F8C] =	sst lr;
	_ =	strace $0xD0000000  }
0x3: {  	_ = 	snop  }
0x4: {  	_ = 	snop  }
0x5: {  	_ = 	snop  }
0x6: {  	_ = 	snop  }
0x7: {  	_ = 	snop  }
__scs_overlays_trampoline_lowered:
0x8: {  	[smem:$0x3F9B] =	sst s0  }
0x9: {  	[smem:$0x3F9C] =	sst s1  }
0xa: {  	[smem:$0x3F9D] =	sst s2  }
0xb: {  	[smem:$0x3F9E] =	sst s3  }
0xc: {  	[smem:$0x3F9F] =	sst s4  }
0xd: {  	[smem:$0x3FA0] =	sst s5  }
0xe: {  	[smem:$0x3FA1] =	sst s6  }
0xf: {  	[smem:$0x3FA2] =	sst s7  }
0x10: {  	[smem:$0x3FA3] =	sst s8  }
0x11: {  	[smem:$0x3FA4] =	sst s9;
	s0 =	simm.s32 @!p0 $0x0  }
0x12: {  	s1 =	sld [smem:$0x3F8A];
	s0 =	simm.s32 @p0 $0x1  }
0x13: {  	[smem:$0x3FA5] =	sst s0;
	s0 =	simm.s32 @!p1 $0x0  }
0x14: {  	s2 =	sld [smem:$0x3F89];
	s0 =	simm.s32 @p1 $0x1  }
0x15: {  	[smem:$0x3FA6] =	sst s0;
	s0 =	simm.s32 @!p2 $0x0  }
0x16: {  	s3 =	sld [smem:$0x3FDB];
	s0 =	simm.s32 @p2 $0x1  }
0x17: {  	s4 =	simm.s32 $0x1BF5;
	[smem:$0x3FA8] =	sst s0  }
0x18: {  	s0 =	sld [smem:$0x3F8B];
	_ =	swait.ge [sflag:s4], $0x0  }
0x19: {  	s7 =	sld [smem:$0x3F8C]  }
0x1a: {  	s8 =	sadd.s32 $0xFFFFE003, lr  }
0x1b: {  	s9 =	sadd.s32 $0xFFFFFEF7, lr;
	s5 =	simm.s32 $0xFFFFFFFF;
	p2 =	slt.u32 s8, $0xFFFFF086  }
0x1c: {  	p1 =	slt.u32 s9, $0xF7A;
	s5 =	simm.s32 @!p2 $0x0  }
0x1d: {  	s5 =	simm.s32 @p1 $0x1;
	p0 =	seq.s32 s7, s2  }
0x1e: {  	s7 =	smul.u32 @!p0 $0xF7A, s2;
	p2 =	seq.s32 @!p0 s5, $0x0  }
0x1f: {  	s9 =	smul.u32 $0xF7A, s1;
	s8 =	simm.s32 @!p0 $0x1BF5;
	p2 =	por !p2, p0  }
0x20: {  	[sflag:s8] =	ssyncset.s32 @!p0 $0xFFFFF086;
	s6 =	sadd.s32 @!p0 s3, s7;
	s7 =	simm.s32 @!p0 $0x108  }
0x21: {  	s3 =	sadd.s32 s3, s9;
	s6 =	sadd.s32 @!p0 $0x88, s6;
	s7 =	simm.s32 @p2 $0x1082  }
0x22: {  	[simem:s7], [sflag:s8] =	dma.local @!p0 [hbm:s6], $0xF7A  }
0x23: {  	s9 =	sor.u32 $0xD0000000, s2;
	s6 =	simm.s32 $0x108;
	_ =	swait.ge @!p0 [sflag:s8], $0x0  }
0x24: {  	s3 =	sadd.s32 $0x88, s3;
	s6 =	simm.s32 @!p1 $0x1082;
	[sflag:s4] =	ssyncset.s32 $0xFFFFF086  }
0x25: {  	[simem:s6], [sflag:s4] =	dma.local [hbm:s3], $0xF7A  }
0x26: {  	[smem:$0x3F8C] =	sst s1;
	(tag) =	ssettag s2;
	_ =	strace s9  }
0x27: {  	s1 =	sld [smem:$0x3F9C]  }
0x28: {  	s2 =	sld [smem:$0x3F9D]  }
0x29: {  	s4 =	sld [smem:$0x3F9F]  }
0x2a: {  	p0 =	seq.s32 s5, $0x0;
	s5 =	sld [smem:$0x3FA0]  }
0x2b: {  	s6 =	sld [smem:$0x3FA1]  }
0x2c: {  	s7 =	sld [smem:$0x3FA2]  }
0x2d: {  	s3 =	simm.s32 $0x108;
	s8 =	sld [smem:$0x3FA3]  }
0x2e: {  	s3 =	simm.s32 @!p0 $0x1082;
	s9 =	sld [smem:$0x3FA4]  }
0x2f: {  	lr =	sadd.s32 s0, s3;
	s0 =	sld [smem:$0x3F9B]  }
0x30: {  	s3 =	sld [smem:$0x3F9E]  }
0x31: {  	[smem:$0x3FA7] =	sst s10  }
0x32: {  	s10 =	sld [smem:$0x3FA5];
	_ =	sdelay $0x3  }
0x33: {  	p0 =	seq.s32 s10, $0x1;
	s10 =	sld [smem:$0x3FA7];
	_ =	sdelay $0x3  }
0x34: {  	[smem:$0x3FA7] =	sst s10  }
0x35: {  	s10 =	sld [smem:$0x3FA6];
	_ =	sdelay $0x3  }
0x36: {  	p1 =	seq.s32 s10, $0x1;
	s10 =	sld [smem:$0x3FA7];
	_ =	sdelay $0x3  }
0x37: {  	[smem:$0x3FA7] =	sst s10  }
0x38: {  	s10 =	sld [smem:$0x3FA8]  }
0x39: {  	_ = 	snop;
	(pc) =	sbr.ind lr, $3  }
0x3a: {  	_ = 	snop  }
0x3b: {  	_ = 	snop  }
0x3c: {  	p2 =	seq.s32 s10, $0x1;
	s10 =	sld [smem:$0x3FA7]  }
0x3d: {  	_ =	shalt  }
0x3e: {  	_ =	shalt  }
0x3f: {  	_ =	shalt  }
0x40: {  	_ =	shalt  }
0x41: {  	_ =	shalt  }
0x42: {  	_ =	shalt  }
0x43: {  	_ =	shalt  }
0x44: {  	_ =	shalt  }
0x45: {  	_ =	shalt  }
0x46: {  	_ =	shalt  }
0x47: {  	_ =	shalt  }
0x48: {  	_ =	shalt  }
0x49: {  	_ =	shalt  }
0x4a: {  	_ =	shalt  }
0x4b: {  	_ =	shalt  }
0x4c: {  	_ =	shalt  }
0x4d: {  	_ =	shalt  }
0x4e: {  	_ =	shalt  }
0x4f: {  	_ =	shalt  }
0x50: {  	_ =	shalt  }
0x51: {  	_ =	shalt  }
0x52: {  	_ =	shalt  }
0x53: {  	_ =	shalt  }
0x54: {  	_ =	shalt  }
0x55: {  	_ =	shalt  }
0x56: {  	_ =	shalt  }
0x57: {  	_ =	shalt  }
0x58: {  	_ =	shalt  }
0x59: {  	_ =	shalt  }
0x5a: {  	_ =	shalt  }
0x5b: {  	_ =	shalt  }
0x5c: {  	_ =	shalt  }
0x5d: {  	_ =	shalt  }
0x5e: {  	_ =	shalt  }
0x5f: {  	_ =	shalt  }
0x60: {  	_ =	shalt  }
0x61: {  	_ =	shalt  }
0x62: {  	_ =	shalt  }
0x63: {  	_ =	shalt  }
0x64: {  	_ =	shalt  }
0x65: {  	_ =	shalt  }
0x66: {  	_ =	shalt  }
0x67: {  	_ =	shalt  }
0x68: {  	_ =	shalt  }
0x69: {  	_ =	shalt  }
0x6a: {  	_ =	shalt  }
0x6b: {  	_ =	shalt  }
0x6c: {  	_ =	shalt  }
0x6d: {  	_ =	shalt  }
0x6e: {  	_ =	shalt  }
0x6f: {  	_ =	shalt  }
0x70: {  	_ =	shalt  }
0x71: {  	_ =	shalt  }
0x72: {  	_ =	shalt  }
0x73: {  	_ =	shalt  }
0x74: {  	_ =	shalt  }
0x75: {  	_ =	shalt  }
0x76: {  	_ =	shalt  }
0x77: {  	_ =	shalt  }
0x78: {  	_ =	shalt  }
0x79: {  	_ =	shalt  }
0x7a: {  	_ =	shalt  }
0x7b: {  	_ =	shalt  }
0x7c: {  	_ =	shalt  }
0x7d: {  	_ =	shalt  }
0x7e: {  	_ =	shalt  }
0x7f: {  	_ =	shalt  }
0x80: {  	_ =	shalt  }
0x81: {  	_ =	shalt  }
0x82: {  	_ =	shalt  }
0x83: {  	_ =	shalt  }
0x84: {  	_ =	shalt  }
0x85: {  	_ =	shalt  }
0x86: {  	_ =	shalt  }
0x87: {  	_ =	shalt  }
.Lfunc_end0:
.L_simem_size_0:
called_computation.2_lowered:
.L_overlay_start_0:
0x88: {  	s2 =	sld [smem:$0x3FD9]  }
0x89: {  	s3 =	sld [smem:$0x3FFE];
	_ =	sdelay $0x1  }
0x8a: {  	s1 =	srdreg.scid  }
0x8b: {  	s0 =	sand.u32 $0x1, s1  }
0x8c: {  	s17 =	sshll.u32 s0, $0xA;
	s2 =	sadd.s32 s3, s2  }
0x8d: {  	s2 =	sadd.s32 s2, s17  }
0x8e: {  	[smem:$0x3FB3] =	sst s2  }
0x8f: {  	_ = 	snop  }
0x90: {  	s2 =	sld [smem:$0x3FC4];
	(tm) =	ssettm $0x1  }
0x91: {  	s18 =	sld [smem:$0x3FFB];
	_ =	sdelay $0x3  }
0x92: {  	_ =	strace s18  }
0x93: {  	s3 =	sld [smem:$0x3FFC];
	_ =	sdelay $0x3  }
0x94: {  	_ =	strace s3  }
0x95: {  	s3 =	sld [smem:$0x3FFD];
	_ =	sdelay $0x3  }
0x96: {  	_ =	strace s3  }
0x97: {  	_ =	strace $0x8FFFFFFF  }
0x98: {  	s19 =	sld [smem:$0x3FDB];
	_ =	sdelay $0x1  }
0x99: {  	s4 =	simm.s32 $_scs_section_size  }
0x9a: {  	s5 =	simm.s32 $_size__tile_overlayer_lowered;
	s6 =	simm.s32 $_tile_overlayer_lowered  }
0x9b: {  	s22 =	simm.s32 $0x1BFF;
	s21 =	sshll.u32 s6, $0x1;
	s3 =	sadd.s32 s4, s19  }
0x9c: {  	s7 =	simm.s32 $0x0;
	s20 =	sshll.u32 s5, $0x1;
	s5 =	sadd.s32 s21, s3  }
0x9d: {  	[timem:s7], [sflag:s22] =	dma.local [hbm:s5], s20  }
0x9e: {  	_ =	swait.ge [sflag:s22], s20  }
0x9f: {  	s4 =	ssub.s32 $0x0, s20;
	[sflag:s22] =	ssyncset.done $0x0  }
0xa0: {  	[sflag:s22] =	ssyncadd.s32 s4;
	_ =	sdelay $0x1  }
0xa1: {  	s23 =	simm.s32 $0x1B8B  }
0xa2: {  	_ =	swait.ge [sflag:s23], $0x1  }
0xa3: {  	[sflag:s23] =	ssyncset.done $0x0  }
0xa4: {  	s25 =	simm.s32 $0x1B8E;
	s24 =	sld [smem:$0x3FFE];
	[sflag:s23] =	ssyncadd.s32 $0xFFFFFFFF  }
0xa5: {  	s26 =	simm.s32 $execute0_lowered;
	[smem:$0x3FD2] =	sst s25  }
0xa6: {  	s5 =	sshll.u32 s26, $0x1;
	_ =	strace $0x8000004C;
	[dreg:$0x1] =	wrdreg $0xFFFFFFFF  }
0xa7: {  	s28 =	simm.s32 $_size_execute0_lowered;
	s3 =	sadd.s32 s3, s5;
	[dreg:$0x0] =	wrdreg $0x0  }
0xa8: {  	s5 =	sshll.u32 s28, $0x1;
	[dreg:$0x2] =	wrdreg s3  }
0xa9: {  	[dreg:$0x3] =	wrdreg s5  }
0xaa: {  	[dreg:$0x4] =	wrdreg $0xC0  }
0xab: {  	_ =	task [dreg:s7], $0x5FFFF  }
0xac: {  	[dreg:$0x1] =	wrdreg $0xFFFFFFFF  }
0xad: {  	[dreg:$0x0] =	wrdreg $0x60  }
0xae: {  	[dreg:$0x2] =	wrdreg s24  }
0xaf: {  	[dreg:$0x3] =	wrdreg s2  }
0xb0: {  	[dreg:$0x4] =	wrdreg $0x6E000  }
0xb1: {  	[dreg:$0x5] =	wrdreg $0x9  }
0xb2: {  	_ =	task.clear_ibuf [dreg:s7], $0x6FFFF;
	_ =	strace $0x9000004C  }
0xb3: {  	s29 =	simm.s32 $0x9;
	_ =	strace $0x8000004E  }
0xb4: {  	_ =	swait.ge [sflag:s29], $0x1  }
0xb5: {  	[sflag:s29] =	ssyncadd.s32 $0xFFFFFFFF  }
0xb6: {  	_ =	strace $0x9000004E  }
0xb7: {  	_ =	sfence  }
0xb8: {  	s30 =	sld [smem:$0x0];
	_ =	sdelay $0x2  }
0xb9: {  	s31 =	sshll.u32 s1, $0xD;
	s1 =	sshrl.u32 s1, $0x2  }
0xba: {  	s3 =	sand.u32 $0x4000, s31;
	s1 =	sadd.s32 s1, s30  }
0xbb: {  	s0 =	sor.u32 s3, s0;
	s1 =	sshll.u32 s1, $0x11  }
0xbc: {  	s0 =	sor.u32 s1, s0  }
0xbd: {  	s0 =	sadd.s32 $0x8F2B, s0  }
0xbe: {  	[sflag:s0] =	ssyncadd.remote.s32 $0x1  }
0xbf: {  	_ =	sfence.sel $0xFFFF  }
0xc0: {  	[dreg:$0x0] =	wrdreg $0xFFFFFFFF;
	(pc) =	sbr.abs _section_cstart, $3  }
0xc1: {  	[dreg:$0x1] =	wrdreg $0xFFFFFFFF  }
0xc2: {  	_ =	task.clear_ibuf [dreg:s7], $0x2FFFF;
	_ =	strace $0x9FFFFFFF  }
0xc3: {  	(tm) =	ssettm $0x7FFFFFFF  }
tec
execute0_lowered:
.L_overlay_start_1:
0x0: {  	(tag) =	ssettag $0x1  }
0x1: {  	s5 =	rddreg [dreg:$0x0]  }
0x2: {  	s15 =	rddreg [dreg:$0x1]  }
0x3: {  	s1 =	rddreg [dreg:$0x2]  }
0x4: {  	s2 =	simm.s32 $0x0;
	s11 =	stileid.u32;
	s6 =	srdreg.scid  }
0x5: {  	[smem:$0x7FF] =	sst s2;
	s20 =	sadd.s32 $0x4E6E00, s5;
	s4 =	sadd.s32 $0x2C000, s5  }
0x6: {  	s21 =	sadd.s32 $0x4F0C00, s5;
	s22 =	sadd.s32 $0x4E00, s5;
	s0 =	sadd.s32 $0xA1600, s5  }
0x7: {  	s23 =	sadd.s32 $0x53200, s5;
	s9 =	sadd.s32 $0x7A400, s5;
	s3 =	sshll.u32 s11, $0xA  }
0x8: {  	s12 =	sadd.s32 $0xCC800, s5;
	s16 =	sand.u32 $0x1, s6;
	s6 =	sadd.s32 $0xD0800, s5  }
0x9: {  	s8 =	smul.u32 $0x4E20, s11;
	s10 =	sadd.s32 $0xD4800, s5;
	s13 =	sadd.s32 $0xD8800, s5  }
0xa: {  	s30 =	sshll.u32 s11, $0x1;
	_ =	strace $0x8000004D;
	[dreg:$0x1a] =	wrdreg s0  }
0xb: {  	s31 =	sshll.u32 s11, $0x3;
	p1 =	sne.s32 s11, $0x0;
	[dreg:$0x19] =	wrdreg s22  }
0xc: {  	s0 =	sadd.s32 s3, s5;
	s7 =	ssub.s32 $0x2, s16;
	[dreg:$0x17] =	wrdreg s20  }
0xd: {  	s17 =	smul.u32 $0x2710, s16;
	s15 =	sadd.s32 s15, s31;
	[dreg:$0x18] =	wrdreg s21  }
0xe: {  	p0 =	seq.s32 s16, $0x1;
	s5 =	sadd.s32 $0x2BE00, s5;
	[dreg:$0x1c] =	wrdreg s15  }
0xf: {  	s14 =	sshrl.u32 s7, $0x1;
	[dreg:$0x1f] =	wrdreg s5;
	s6 =	smov.u32 @p0 s12  }
0x10: {  	s23 =	smov.u32 @p0 s9;
	s10 =	smov.u32 @p0 s13;
	s0 =	sadd.s32 $0xC8800, s0  }
0x11: {  	s7 =	ssub.s32 s7, s14;
	s14 =	sor.u32 s16, s30;
	s8 =	sadd.s32 s17, s8  }
0x12: {  	[dreg:$0x1b] =	wrdreg s23;
	s10 =	sadd.s32 s10, s3;
	s3 =	sadd.s32 s6, s3  }
0x13: {  	[smem:$0x7F9] =	sst s0;
	s0 =	sadd.s32 $0x138000, s1;
	s19 =	sadd.s32 $0x208, s8  }
0x14: {  	s26 =	sadd.s32 $0x1E0, s8;
	s31 =	sadd.s32 $0x1B8, s8;
	[smem:$0x7F3] =	sst s10  }
0x15: {  	[smem:$0x7F4] =	sst s3;
	s0 =	sshrl.u32 @!p1 s0, $0x3;
	s24 =	sshrl.u32 s19, $0x3  }
0x16: {  	s28 =	sshrl.u32 s26, $0x3;
	[smem:$0x7FD] =	sst s0;
	s25 =	sadd.s32 s24, s21  }
0x17: {  	s19 =	sshrl.u32 s31, $0x3;
	s15 =	sadd.s32 s24, s20;
	[dreg:$0x4] =	wrdreg s25  }
0x18: {  	s31 =	sadd.s32 $0x140, s8;
	s30 =	sadd.s32 s28, s21;
	[dreg:$0x5] =	wrdreg s15  }
0x19: {  	s16 =	sadd.s32 s28, s20;
	s24 =	sadd.s32 s19, s21;
	[dreg:$0x6] =	wrdreg s30  }
0x1a: {  	s26 =	sadd.s32 s19, s20;
	s19 =	sshrl.u32 s31, $0x3;
	[dreg:$0x7] =	wrdreg s16  }
0x1b: {  	s31 =	sadd.s32 $0xF0, s8;
	s25 =	sadd.s32 $0x168, s8;
	[dreg:$0x8] =	wrdreg s24  }
0x1c: {  	[dreg:$0x9] =	wrdreg s26;
	s24 =	sadd.s32 s19, s21;
	s26 =	sadd.s32 s19, s20  }
0x1d: {  	s19 =	sshrl.u32 s31, $0x3;
	s31 =	sadd.s32 $0xA0, s8;
	[dreg:$0xc] =	wrdreg s24  }
0x1e: {  	s28 =	sshrl.u32 s25, $0x3;
	[dreg:$0xd] =	wrdreg s26;
	s24 =	sadd.s32 s19, s21  }
0x1f: {  	s25 =	sadd.s32 $0x118, s8;
	s26 =	sadd.s32 s19, s20;
	[dreg:$0x10] =	wrdreg s24  }
0x20: {  	s19 =	sshrl.u32 s31, $0x3;
	s30 =	sadd.s32 s28, s21;
	[dreg:$0x11] =	wrdreg s26  }
0x21: {  	s16 =	sadd.s32 s28, s20;
	s28 =	sshrl.u32 s25, $0x3;
	[dreg:$0xa] =	wrdreg s30  }
0x22: {  	s25 =	sadd.s32 $0xC8, s8;
	[dreg:$0xb] =	wrdreg s16;
	s30 =	sadd.s32 s28, s21  }
0x23: {  	s26 =	sshll.u32 s11, $0x6;
	s16 =	sadd.s32 s28, s20;
	[dreg:$0xe] =	wrdreg s30  }
0x24: {  	s28 =	sshrl.u32 s25, $0x3;
	s25 =	sadd.s32 s19, s21;
	[dreg:$0xf] =	wrdreg s16  }
0x25: {  	s15 =	sor.u32 $0x1C15, s26;
	[dreg:$0x14] =	wrdreg s25  }
0x26: {  	s24 =	smul.u32 $0x2700, s11;
	s30 =	sadd.s32 s28, s21;
	[dreg:$0x1e] =	wrdreg s15  }
0x27: {  	s14 =	smul.u32 $0x2710, s14;
	s16 =	sadd.s32 s28, s20;
	[dreg:$0x12] =	wrdreg s30  }
0x28: {  	s17 =	sadd.s32 s22, s24;
	[dreg:$0x13] =	wrdreg s16  }
0x29: {  	s31 =	sshrl.u32 s14, $0x3;
	s28 =	sadd.s32 s19, s20;
	[dreg:$0x1d] =	wrdreg s17  }
0x2a: {  	s18 =	smul.u32 $0x4E000, s11;
	s15 =	sadd.s32 s20, s31;
	[dreg:$0x15] =	wrdreg s28  }
0x2b: {  	s23 =	sadd.s32 $0x78, s14;
	s30 =	simm.s32 $0x900;
	[smem:$0x7EF] =	sst s15  }
0x2c: {  	s22 =	sadd.s32 $0xA, s31;
	s17 =	sadd.s32 s21, s31;
	[dreg:$0x16] =	wrdreg s30  }
0x2d: {  	s25 =	sshrl.u32 s23, $0x3;
	s24 =	sadd.s32 s20, s22;
	[smem:$0x7F0] =	sst s17  }
0x2e: {  	s29 =	simm.s32 $0xA;
	s26 =	sadd.s32 s20, s25;
	[smem:$0x7F5] =	sst s24  }
0x2f: {  	s18 =	sshrl.u32 s18, $0x2;
	s3 =	sadd.s32 s21, s25;
	[smem:$0x7F7] =	sst s26  }
0x30: {  	s18 =	sadd.s32 s18, s1;
	s28 =	smax.u32 s7, $0x1;
	[smem:$0x7F8] =	sst s3  }
0x31: {  	s16 =	sadd.s32 $0x28, s14;
	s31 =	sshrl.u32 s18, $0x3;
	[smem:$0x7FA] =	sst s28  }
0x32: {  	s5 =	sshrl.u32 s16, $0x3;
	s30 =	sadd.s32 $0x190, s8;
	[smem:$0x7FC] =	sst s31  }
0x33: {  	s13 =	simm.s32 $0x15;
	s19 =	sadd.s32 s20, s5;
	[smem:$0x7FB] =	sst s30  }
0x34: {  	s12 =	simm.s32 $0x28;
	s5 =	sadd.s32 s21, s5;
	[smem:$0x7F1] =	sst s19  }
0x35: {  	s0 =	simm.s32 $0x0;
	[smem:$0x7F2] =	sst s5;
	s5 =	sadd.s32 s21, s22  }
0x36: {  	v0 =	vimm.s32 $0x0;
	s24 =	simm.s32 $0x980;
	s26 =	simm.s32 $0x980;
	[smem:$0x7F6] =	sst s5  }
.LBB2_1:
0x37: {  	[smem:$0x7EE] =	sst s0  }
0x38: {  	s7 =	sld [smem:$0x7FC]  }
0x39: {  	s5 =	rddreg [dreg:$0x1d]  }
0x3a: {  	s6 =	rddreg [dreg:$0x1e]  }
0x3b: {  	[spmem:s7], [sflag:s6] =	dma.local [hbm:s5], $0x2700  }
0x3c: {  	_ =	swait.ge [sflag:s13], $0x2700  }
0x3d: {  	s7 =	sld [smem:$0x7FD]  }
0x3e: {  	[sflag:s13] =	ssyncset.done $0x0  }
0x3f: {  	s5 =	rddreg [dreg:$0x1f];
	[sflag:s13] =	ssyncadd.s32 $0xFFFFD900  }
0x40: {  	[spmem:s7], [sflag:s6] =	dma.local @!p1 [hbm:s5], $0x100  }
0x41: {  	s6 =	simm.s32 @!p1 $0x15  }
0x42: {  	_ =	swait.ge @!p1 [sflag:s6], $0x100  }
0x43: {  	[sflag:s6] =	ssyncset.done @!p1 $0x0  }
0x44: {  	[sflag:s6] =	ssyncadd.s32 @!p1 $0xFFFFFF00  }
0x45: {  	[bflag:$0x0] =	sbarrier.arrive $0xFFFF  }
0x46: {  	s20 =	sld [smem:$0x7EF];
	_ =	sdelay $0x1  }
0x47: {  	s21 =	sld [smem:$0x7F0]  }
0x48: {  	[tilespmem:s2], [sflag:$0x1] =	stream.linear.gather [hbm4b:s20+s2], $0x28, $0x38;
	[tilespmem:$0x1CF80] =	vst v63  }
0x49: {  	s22 =	simm.s32 $0x500;
	s23 =	sld [smem:$0x7F1]  }
0x4a: {  	[tilespmem:s22], [sflag:$0x1] =	stream.linear.gather [hbm4b:s21+s2], $0x28, $0x38;
	[tilespmem:$0x1CF80] =	vst v63  }
0x4b: {  	s25 =	simm.s32 $0x80;
	s28 =	sld [smem:$0x7F2]  }
0x4c: {  	[tilespmem:s25], [sflag:$0x2] =	stream.linear.gather [hbm4b:s23+s2], $0x28, $0x38;
	[tilespmem:$0x1CF80] =	vst v63  }
0x4d: {  	s9 =	simm.s32 $0x580;
	s31 =	sld [smem:$0x7F5]  }
0x4e: {  	[tilespmem:s9], [sflag:$0x2] =	stream.linear.gather [hbm4b:s28+s2], $0x28, $0x38;
	[tilespmem:$0x1CF80] =	vst v63  }
0x4f: {  	s16 =	simm.s32 $0x100;
	s0 =	sld [smem:$0x7F6]  }
0x50: {  	[tilespmem:s16], [sflag:$0x3] =	stream.linear.gather [hbm4b:s31+s2], $0x28, $0x38;
	[tilespmem:$0x1CF80] =	vst v63  }
0x51: {  	s3 =	sld [smem:$0x7F7];
	s31 =	simm.s32 $0x600  }
0x52: {  	[tilespmem:s31], [sflag:$0x3] =	stream.linear.gather [hbm4b:s0+s2], $0x28, $0x38;
	[tilespmem:$0x1CF80] =	vst v63  }
0x53: {  	s30 =	simm.s32 $0x180;
	s8 =	sld [smem:$0x7F8]  }
0x54: {  	[tilespmem:s30], [sflag:$0x4] =	stream.linear.gather [hbm4b:s3+s2], $0x28, $0x38;
	[tilespmem:$0x1CF80] =	vst v63  }
0x55: {  	s10 =	simm.s32 $0x1;
	s20 =	simm.s32 $0x680  }
0x56: {  	[tilespmem:s20], [sflag:$0x4] =	stream.linear.gather [hbm4b:s8+s2], $0x28, $0x38;
	[tilespmem:$0x1CF80] =	vst v63  }
0x57: {  	_ =	swait.ge [sflag:s10], $0x28  }
0x58: {  	[sflag:s10] =	ssyncset.done $0x0  }
0x59: {  	[sflag:s10] =	ssyncadd.s32 $0xFFFFFFD8  }
0x5a: {  	_ =	swait.ge [sflag:s10], $0x28  }
0x5b: {  	[sflag:s10] =	ssyncset.done $0x0  }
0x5c: {  	s11 =	simm.s32 $0x2;
	s5 =	simm.s32 $0xA00;
	[sflag:s10] =	ssyncadd.s32 $0xFFFFFFD8  }
0x5d: {  	[tilespmem:s5], [sflag:$0xB] =	stream.indirect.gather [hbm4b:s4+s12], $0x80, s2, s12, $0xb8;
	[tilespmem:$0x1CF80] =	vst v63  }
0x5e: {  	_ =	swait.ge [sflag:s11], $0x28  }
0x5f: {  	[sflag:s11] =	ssyncset.done $0x0  }
0x60: {  	[sflag:s11] =	ssyncadd.s32 $0xFFFFFFD8  }
0x61: {  	_ =	swait.ge [sflag:s11], $0x28  }
0x62: {  	p2 =	por $0x1, $0x1;
	[sflag:s11] =	ssyncset.done $0x0  }
0x63: {  	s6 =	simm.s32 @!p2 $0x12;
	s23 =	simm.s32 $0x1E00;
	[sflag:s11] =	ssyncadd.s32 $0xFFFFFFD8  }
0x64: {  	[tilespmem:s23], [sflag:$0xC] =	stream.indirect.gather [hbm4b:s4+s12], $0x80, s25, s12, $0xb8;
	[tilespmem:$0x1CF80] =	vst v63  }
0x65: {  	_ =	swait.ge @!p2 [sflag:s6], $0x1400  }
0x66: {  	s21 =	simm.s32 $0x200;
	s14 =	rddreg [dreg:$0x15];
	[sflag:s6] =	ssyncset.done @!p2 $0x0  }
0x67: {  	s15 =	rddreg [dreg:$0x14];
	[sflag:s6] =	ssyncadd.s32 @!p2 $0xFFFFEC00;
	s17 =	sadd.s32 $0x0, s14  }
0x68: {  	[tilespmem:s21], [sflag:$0x5] =	stream.linear.gather [hbm4b:s17+s2], $0x28, $0x38;
	[tilespmem:$0x1CF80] =	vst v63  }
0x69: {  	s19 =	simm.s32 $0x3;
	s28 =	simm.s32 $0x700;
	s18 =	sadd.s32 $0x0, s15  }
0x6a: {  	[tilespmem:s28], [sflag:$0x5] =	stream.linear.gather [hbm4b:s18+s2], $0x28, $0x38;
	[tilespmem:$0x1CF80] =	vst v63  }
0x6b: {  	_ =	swait.ge [sflag:s19], $0x28  }
0x6c: {  	[sflag:s19] =	ssyncset.done $0x0  }
0x6d: {  	[sflag:s19] =	ssyncadd.s32 $0xFFFFFFD8  }
0x6e: {  	_ =	swait.ge [sflag:s19], $0x28  }
0x6f: {  	[sflag:s19] =	ssyncset.done $0x0  }
0x70: {  	s18 =	simm.s32 $0x3200;
	[sflag:s19] =	ssyncadd.s32 $0xFFFFFFD8;
	s19 =	simm.s32 $0xB  }
0x71: {  	[tilespmem:s18], [sflag:$0xD] =	stream.indirect.gather [hbm4b:s4+s12], $0x80, s16, s12, $0xb8;
	[tilespmem:$0x1CF80] =	vst v63  }
0x72: {  	_ =	swait.ge [sflag:s19], $0x1400  }
0x73: {  	[sflag:s19] =	ssyncset.done $0x0  }
0x74: {  	s6 =	simm.s32 @!p2 $0x13;
	[sflag:s19] =	ssyncadd.s32 $0xFFFFEC00  }
0x75: {  	[spmem:s1] =	stream.indirect.scatter.add.f32 [tilespmem:s5], [sflag:$0x10], $0x80, s22, s12, $0xb8;
	[tilespmem:$0x1CF80] =	vst v63  }
0x76: {  	_ =	swait.ge @!p2 [sflag:s6], $0x1400  }
0x77: {  	s7 =	simm.s32 $0x280;
	s22 =	rddreg [dreg:$0x13];
	[sflag:s6] =	ssyncset.done @!p2 $0x0  }
0x78: {  	s25 =	rddreg [dreg:$0x12];
	[sflag:s6] =	ssyncadd.s32 @!p2 $0xFFFFEC00;
	s0 =	sadd.s32 $0x0, s22  }
0x79: {  	[tilespmem:s7], [sflag:$0x6] =	stream.linear.gather [hbm4b:s0+s2], $0x28, $0x38;
	[tilespmem:$0x1CF80] =	vst v63  }
0x7a: {  	s8 =	simm.s32 $0x4;
	s16 =	simm.s32 $0x780;
	s3 =	sadd.s32 $0x0, s25  }
0x7b: {  	[tilespmem:s16], [sflag:$0x6] =	stream.linear.gather [hbm4b:s3+s2], $0x28, $0x38;
	[tilespmem:$0x1CF80] =	vst v63  }
0x7c: {  	_ =	swait.ge [sflag:s8], $0x28  }
0x7d: {  	[sflag:s8] =	ssyncset.done $0x0  }
0x7e: {  	[sflag:s8] =	ssyncadd.s32 $0xFFFFFFD8  }
0x7f: {  	_ =	swait.ge [sflag:s8], $0x28  }
0x80: {  	[sflag:s8] =	ssyncset.done $0x0  }
0x81: {  	s11 =	simm.s32 $0xC;
	s17 =	simm.s32 $0x4600;
	[sflag:s8] =	ssyncadd.s32 $0xFFFFFFD8  }
0x82: {  	[tilespmem:s17], [sflag:$0xE] =	stream.indirect.gather [hbm4b:s4+s12], $0x80, s30, s12, $0xb8;
	[tilespmem:$0x1CF80] =	vst v63  }
0x83: {  	_ =	swait.ge [sflag:s11], $0x1400  }
0x84: {  	[sflag:s11] =	ssyncset.done $0x0  }
0x85: {  	s6 =	simm.s32 @!p2 $0x14;
	[sflag:s11] =	ssyncadd.s32 $0xFFFFEC00  }
0x86: {  	[spmem:s1] =	stream.indirect.scatter.add.f32 [tilespmem:s23], [sflag:$0x11], $0x80, s9, s12, $0xb8;
	[tilespmem:$0x1CF80] =	vst v63  }
0x87: {  	_ =	swait.ge @!p2 [sflag:s6], $0x1400  }
0x88: {  	s9 =	rddreg [dreg:$0x11]  }
0x89: {  	[sflag:s6] =	ssyncset.done @!p2 $0x0;
	s10 =	rddreg [dreg:$0x10]  }
0x8a: {  	[sflag:s6] =	ssyncadd.s32 @!p2 $0xFFFFEC00;
	s13 =	sadd.s32 $0x0, s9;
	s9 =	simm.s32 $0x300  }
0x8b: {  	[tilespmem:s9], [sflag:$0x7] =	stream.linear.gather [hbm4b:s13+s2], $0x28, $0x38;
	[tilespmem:$0x1CF80] =	vst v63  }
0x8c: {  	s15 =	simm.s32 $0x5;
	s14 =	sadd.s32 $0x0, s10;
	s10 =	simm.s32 $0x800  }
0x8d: {  	[tilespmem:s10], [sflag:$0x7] =	stream.linear.gather [hbm4b:s14+s2], $0x28, $0x38;
	[tilespmem:$0x1CF80] =	vst v63  }
0x8e: {  	_ =	swait.ge [sflag:s15], $0x28  }
0x8f: {  	[sflag:s15] =	ssyncset.done $0x0  }
0x90: {  	[sflag:s15] =	ssyncadd.s32 $0xFFFFFFD8  }
0x91: {  	_ =	swait.ge [sflag:s15], $0x28  }
0x92: {  	[sflag:s15] =	ssyncset.done $0x0  }
0x93: {  	s14 =	simm.s32 $0x5A00;
	[sflag:s15] =	ssyncadd.s32 $0xFFFFFFD8  }
0x94: {  	[tilespmem:s14], [sflag:$0xF] =	stream.indirect.gather [hbm4b:s4+s12], $0x80, s21, s12, $0xb8;
	[tilespmem:$0x1CF80] =	vst v63  }
0x95: {  	s21 =	simm.s32 $0xD  }
0x96: {  	_ =	swait.ge [sflag:s21], $0x1400  }
0x97: {  	[sflag:s21] =	ssyncset.done $0x0  }
0x98: {  	s0 =	simm.s32 $0x10;
	[sflag:s21] =	ssyncadd.s32 $0xFFFFEC00  }
0x99: {  	[spmem:s1] =	stream.indirect.scatter.add.f32 [tilespmem:s18], [sflag:$0x12], $0x80, s31, s12, $0xb8;
	[tilespmem:$0x1CF80] =	vst v63  }
0x9a: {  	_ =	swait.ge [sflag:s0], $0x1400  }
0x9b: {  	s8 =	simm.s32 $0x380;
	s22 =	rddreg [dreg:$0xf];
	[sflag:s0] =	ssyncset.done $0x0  }
0x9c: {  	s25 =	rddreg [dreg:$0xe];
	[sflag:s0] =	ssyncadd.s32 $0xFFFFEC00;
	s6 =	sadd.s32 $0x0, s22  }
0x9d: {  	[tilespmem:s8], [sflag:$0x8] =	stream.linear.gather [hbm4b:s6+s2], $0x28, $0x38;
	[tilespmem:$0x1CF80] =	vst v63  }
0x9e: {  	s3 =	simm.s32 $0x880;
	s13 =	simm.s32 $0x6;
	s31 =	sadd.s32 $0x0, s25  }
0x9f: {  	[tilespmem:s3], [sflag:$0x8] =	stream.linear.gather [hbm4b:s31+s2], $0x28, $0x38;
	[tilespmem:$0x1CF80] =	vst v63  }
0xa0: {  	_ =	swait.ge [sflag:s13], $0x28  }
0xa1: {  	[sflag:s13] =	ssyncset.done $0x0  }
0xa2: {  	[sflag:s13] =	ssyncadd.s32 $0xFFFFFFD8  }
0xa3: {  	_ =	swait.ge [sflag:s13], $0x28  }
0xa4: {  	[sflag:s13] =	ssyncset.done $0x0  }
0xa5: {  	s15 =	simm.s32 $0xE;
	[sflag:s13] =	ssyncadd.s32 $0xFFFFFFD8  }
0xa6: {  	[tilespmem:s5], [sflag:$0xB] =	stream.indirect.gather [hbm4b:s4+s12], $0x80, s7, s12, $0xb8;
	[tilespmem:$0x1CF80] =	vst v63  }
0xa7: {  	_ =	swait.ge [sflag:s15], $0x1400  }
0xa8: {  	[sflag:s15] =	ssyncset.done $0x0  }
0xa9: {  	s22 =	simm.s32 $0x11;
	[sflag:s15] =	ssyncadd.s32 $0xFFFFEC00  }
0xaa: {  	[spmem:s1] =	stream.indirect.scatter.add.f32 [tilespmem:s17], [sflag:$0x13], $0x80, s20, s12, $0xb8;
	[tilespmem:$0x1CF80] =	vst v63  }
0xab: {  	_ =	swait.ge [sflag:s22], $0x1400  }
0xac: {  	s25 =	rddreg [dreg:$0xd]  }
0xad: {  	[sflag:s22] =	ssyncset.done $0x0;
	s31 =	rddreg [dreg:$0xc]  }
0xae: {  	[sflag:s22] =	ssyncadd.s32 $0xFFFFEC00;
	s6 =	sadd.s32 $0x0, s25;
	s22 =	simm.s32 $0x400  }
0xaf: {  	[tilespmem:s22], [sflag:$0x9] =	stream.linear.gather [hbm4b:s6+s2], $0x28, $0x38;
	[tilespmem:$0x1CF80] =	vst v63  }
0xb0: {  	s20 =	simm.s32 $0x7;
	s7 =	rddreg [dreg:$0x16];
	s13 =	sadd.s32 $0x0, s31  }
0xb1: {  	[tilespmem:s7], [sflag:$0x9] =	stream.linear.gather [hbm4b:s13+s2], $0x28, $0x38;
	[tilespmem:$0x1CF80] =	vst v63  }
0xb2: {  	_ =	swait.ge [sflag:s20], $0x28  }
0xb3: {  	[sflag:s20] =	ssyncset.done $0x0  }
0xb4: {  	[sflag:s20] =	ssyncadd.s32 $0xFFFFFFD8  }
0xb5: {  	_ =	swait.ge [sflag:s20], $0x28  }
0xb6: {  	[sflag:s20] =	ssyncset.done $0x0  }
0xb7: {  	[sflag:s20] =	ssyncadd.s32 $0xFFFFFFD8  }
0xb8: {  	[tilespmem:s23], [sflag:$0xC] =	stream.indirect.gather [hbm4b:s4+s12], $0x80, s9, s12, $0xb8;
	[tilespmem:$0x1CF80] =	vst v63  }
0xb9: {  	s9 =	simm.s32 $0xF  }
0xba: {  	_ =	swait.ge [sflag:s9], $0x1400  }
0xbb: {  	[sflag:s9] =	ssyncset.done $0x0  }
0xbc: {  	s25 =	simm.s32 $0x12;
	[sflag:s9] =	ssyncadd.s32 $0xFFFFEC00  }
0xbd: {  	[spmem:s1] =	stream.indirect.scatter.add.f32 [tilespmem:s14], [sflag:$0x14], $0x80, s28, s12, $0xb8;
	[tilespmem:$0x1CF80] =	vst v63  }
0xbe: {  	_ =	swait.ge [sflag:s25], $0x1400  }
0xbf: {  	s20 =	simm.s32 $0x480;
	s28 =	rddreg [dreg:$0xb];
	[sflag:s25] =	ssyncset.done $0x0  }
0xc0: {  	s31 =	rddreg [dreg:$0xa];
	[sflag:s25] =	ssyncadd.s32 $0xFFFFEC00;
	s6 =	sadd.s32 $0x0, s28  }
0xc1: {  	[tilespmem:s20], [sflag:$0xA] =	stream.linear.gather [hbm4b:s6+s2], $0x28, $0x38;
	[tilespmem:$0x1CF80] =	vst v63  }
0xc2: {  	s15 =	sadd.s32 $0x0, s31  }
0xc3: {  	[tilespmem:s24], [sflag:$0xA] =	stream.linear.gather [hbm4b:s15+s2], $0x28, $0x38;
	[tilespmem:$0x1CF80] =	vst v63  }
0xc4: {  	s24 =	simm.s32 $0x8  }
0xc5: {  	_ =	swait.ge [sflag:s24], $0x28  }
0xc6: {  	[sflag:s24] =	ssyncset.done $0x0  }
0xc7: {  	[sflag:s24] =	ssyncadd.s32 $0xFFFFFFD8  }
0xc8: {  	_ =	swait.ge [sflag:s24], $0x28  }
0xc9: {  	[sflag:s24] =	ssyncset.done $0x0  }
0xca: {  	[sflag:s24] =	ssyncadd.s32 $0xFFFFFFD8  }
0xcb: {  	[tilespmem:s18], [sflag:$0xD] =	stream.indirect.gather [hbm4b:s4+s12], $0x80, s8, s12, $0xb8;
	[tilespmem:$0x1CF80] =	vst v63  }
0xcc: {  	_ =	swait.ge [sflag:s19], $0x1400  }
0xcd: {  	[sflag:s19] =	ssyncset.done $0x0  }
0xce: {  	s25 =	simm.s32 $0x13;
	[sflag:s19] =	ssyncadd.s32 $0xFFFFEC00  }
0xcf: {  	[spmem:s1] =	stream.indirect.scatter.add.f32 [tilespmem:s5], [sflag:$0x10], $0x80, s16, s12, $0xb8;
	[tilespmem:$0x1CF80] =	vst v63  }
0xd0: {  	_ =	swait.ge [sflag:s25], $0x1400  }
0xd1: {  	s7 =	sld [smem:$0x7FB]  }
0xd2: {  	p2 =	por $0x0, $0x0  }
0xd3: {  	s6 =	simm.s32 @!p2 $0x0  }
0xd4: {  	[sflag:s25] =	ssyncset.done $0x0;
	s5 =	rddreg [dreg:$0x17];
	s13 =	sshrl.u32 @!p2 s7, $0x3  }
0xd5: {  	[sflag:s25] =	ssyncadd.s32 $0xFFFFEC00;
	s15 =	sadd.s32 @!p2 s5, s13;
	s5 =	rddreg [dreg:$0x18]  }
0xd6: {  	[tilespmem:s6], [sflag:$0x1] =	stream.linear.gather @!p2 [hbm4b:s15+s6], $0x28, $0x38;
	[tilespmem:$0x1CF80] =	vst v63  }
0xd7: {  	s28 =	simm.s32 $0x9;
	s13 =	sadd.s32 @!p2 s5, s13;
	s15 =	simm.s32 @!p2 $0x500  }
0xd8: {  	[tilespmem:s15], [sflag:$0x1] =	stream.linear.gather @!p2 [hbm4b:s13+s6], $0x28, $0x38;
	[tilespmem:$0x1CF80] =	vst v63  }
0xd9: {  	_ =	swait.ge [sflag:s28], $0x28  }
0xda: {  	[sflag:s28] =	ssyncset.done $0x0  }
0xdb: {  	[sflag:s28] =	ssyncadd.s32 $0xFFFFFFD8  }
0xdc: {  	_ =	swait.ge [sflag:s28], $0x28  }
0xdd: {  	[sflag:s28] =	ssyncset.done $0x0  }
0xde: {  	[sflag:s28] =	ssyncadd.s32 $0xFFFFFFD8  }
0xdf: {  	[tilespmem:s17], [sflag:$0xE] =	stream.indirect.gather [hbm4b:s4+s12], $0x80, s22, s12, $0xb8;
	[tilespmem:$0x1CF80] =	vst v63  }
0xe0: {  	_ =	swait.ge [sflag:s11], $0x1400  }
0xe1: {  	[sflag:s11] =	ssyncset.done $0x0  }
0xe2: {  	s31 =	simm.s32 $0x14;
	[sflag:s11] =	ssyncadd.s32 $0xFFFFEC00  }
0xe3: {  	[spmem:s1] =	stream.indirect.scatter.add.f32 [tilespmem:s23], [sflag:$0x11], $0x80, s10, s12, $0xb8;
	[tilespmem:$0x1CF80] =	vst v63  }
0xe4: {  	_ =	swait.ge [sflag:s31], $0x1400  }
0xe5: {  	s13 =	rddreg [dreg:$0x9]  }
0xe6: {  	[sflag:s31] =	ssyncset.done $0x0;
	s15 =	rddreg [dreg:$0x8]  }
0xe7: {  	[sflag:s31] =	ssyncadd.s32 $0xFFFFEC00;
	s16 =	sadd.s32 @!p2 $0x0, s13;
	s13 =	simm.s32 @!p2 $0x80  }
0xe8: {  	[tilespmem:s13], [sflag:$0x2] =	stream.linear.gather @!p2 [hbm4b:s16+s6], $0x28, $0x38;
	[tilespmem:$0x1CF80] =	vst v63  }
0xe9: {  	s15 =	sadd.s32 @!p2 $0x0, s15;
	s16 =	simm.s32 @!p2 $0x580  }
0xea: {  	[tilespmem:s16], [sflag:$0x2] =	stream.linear.gather @!p2 [hbm4b:s15+s6], $0x28, $0x38;
	[tilespmem:$0x1CF80] =	vst v63  }
0xeb: {  	_ =	swait.ge [sflag:s29], $0x28  }
0xec: {  	[sflag:s29] =	ssyncset.done $0x0  }
0xed: {  	[sflag:s29] =	ssyncadd.s32 $0xFFFFFFD8  }
0xee: {  	_ =	swait.ge [sflag:s29], $0x28  }
0xef: {  	[sflag:s29] =	ssyncset.done $0x0  }
0xf0: {  	[sflag:s29] =	ssyncadd.s32 $0xFFFFFFD8  }
0xf1: {  	[tilespmem:s14], [sflag:$0xF] =	stream.indirect.gather [hbm4b:s4+s12], $0x80, s20, s12, $0xb8;
	[tilespmem:$0x1CF80] =	vst v63  }
0xf2: {  	_ =	swait.ge [sflag:s21], $0x1400  }
0xf3: {  	[sflag:s21] =	ssyncset.done $0x0  }
0xf4: {  	[sflag:s21] =	ssyncadd.s32 $0xFFFFEC00  }
0xf5: {  	[spmem:s1] =	stream.indirect.scatter.add.f32 [tilespmem:s18], [sflag:$0x12], $0x80, s3, s12, $0xb8;
	[tilespmem:$0x1CF80] =	vst v63  }
0xf6: {  	_ =	swait.ge [sflag:s0], $0x1400  }
0xf7: {  	[sflag:s0] =	ssyncset.done $0x0  }
0xf8: {  	s15 =	simm.s32 @p2 $0xE;
	[sflag:s0] =	ssyncadd.s32 $0xFFFFEC00  }
0xf9: {  	_ =	swait.ge @p2 [sflag:s15], $0x1400  }
0xfa: {  	s30 =	simm.s32 @p2 $0x11;
	s31 =	simm.s32 @p2 $0x900;
	[sflag:s15] =	ssyncset.done @p2 $0x0  }
0xfb: {  	s16 =	simm.s32 @p2 $0x4600;
	[sflag:s15] =	ssyncadd.s32 @p2 $0xFFFFEC00;
	s15 =	simm.s32 @p2 $0x28  }
0xfc: {  	[spmem:s1] =	stream.indirect.scatter.add.f32 @p2 [tilespmem:s16], [sflag:$0x13], $0x80, s31, s15, $0xb8;
	[tilespmem:$0x1CF80] =	vst v63  }
0xfd: {  	_ =	swait.ge @p2 [sflag:s30], $0x1400  }
0xfe: {  	s15 =	rddreg [dreg:$0x7]  }
0xff: {  	[sflag:s30] =	ssyncset.done @p2 $0x0;
	s16 =	rddreg [dreg:$0x6]  }
0x100: {  	[sflag:s30] =	ssyncadd.s32 @p2 $0xFFFFEC00;
	s15 =	sadd.s32 @!p2 $0x0, s15;
	s30 =	simm.s32 @!p2 $0x100  }
0x101: {  	[tilespmem:s30], [sflag:$0x3] =	stream.linear.gather @!p2 [hbm4b:s15+s6], $0x28, $0x38;
	[tilespmem:$0x1CF80] =	vst v63  }
0x102: {  	s15 =	sadd.s32 @!p2 $0x0, s16;
	s16 =	simm.s32 @!p2 $0x600;
	s30 =	simm.s32 @!p2 $0x1  }
0x103: {  	[tilespmem:s16], [sflag:$0x3] =	stream.linear.gather @!p2 [hbm4b:s15+s6], $0x28, $0x38;
	[tilespmem:$0x1CF80] =	vst v63  }
0x104: {  	_ =	swait.ge @!p2 [sflag:s30], $0x28  }
0x105: {  	[sflag:s30] =	ssyncset.done @!p2 $0x0  }
0x106: {  	[sflag:s30] =	ssyncadd.s32 @!p2 $0xFFFFFFD8  }
0x107: {  	_ =	swait.ge @!p2 [sflag:s30], $0x28  }
0x108: {  	s15 =	simm.s32 @!p2 $0xE;
	[sflag:s30] =	ssyncset.done @!p2 $0x0  }
0x109: {  	s16 =	simm.s32 @!p2 $0x28;
	[sflag:s30] =	ssyncadd.s32 @!p2 $0xFFFFFFD8;
	s30 =	simm.s32 @!p2 $0xA00  }
0x10a: {  	[tilespmem:s30], [sflag:$0xB] =	stream.indirect.gather @!p2 [hbm4b:s4+s16], $0x80, s6, s16, $0xb8;
	[tilespmem:$0x1CF80] =	vst v63  }
0x10b: {  	_ =	swait.ge @!p2 [sflag:s15], $0x1400  }
0x10c: {  	s31 =	simm.s32 @!p2 $0x4600;
	[sflag:s15] =	ssyncset.done @!p2 $0x0  }
0x10d: {  	s30 =	simm.s32 @!p2 $0x11;
	[sflag:s15] =	ssyncadd.s32 @!p2 $0xFFFFEC00;
	s15 =	simm.s32 @!p2 $0x900  }
0x10e: {  	[spmem:s1] =	stream.indirect.scatter.add.f32 @!p2 [tilespmem:s31], [sflag:$0x13], $0x80, s15, s16, $0xb8;
	[tilespmem:$0x1CF80] =	vst v63  }
0x10f: {  	_ =	swait.ge @!p2 [sflag:s30], $0x1400  }
0x110: {  	s15 =	rddreg [dreg:$0x5]  }
0x111: {  	[sflag:s30] =	ssyncset.done @!p2 $0x0;
	s31 =	rddreg [dreg:$0x4]  }
0x112: {  	[sflag:s30] =	ssyncadd.s32 @!p2 $0xFFFFEC00;
	s15 =	sadd.s32 @!p2 $0x0, s15;
	s30 =	simm.s32 @!p2 $0x180  }
0x113: {  	[tilespmem:s30], [sflag:$0x4] =	stream.linear.gather @!p2 [hbm4b:s15+s6], $0x28, $0x38;
	[tilespmem:$0x1CF80] =	vst v63  }
0x114: {  	s15 =	sadd.s32 @!p2 $0x0, s31;
	s30 =	simm.s32 @!p2 $0x680  }
0x115: {  	[tilespmem:s30], [sflag:$0x4] =	stream.linear.gather @!p2 [hbm4b:s15+s6], $0x28, $0x38;
	[tilespmem:$0x1CF80] =	vst v63  }
0x116: {  	s6 =	simm.s32 @!p2 $0x2  }
0x117: {  	_ =	swait.ge @!p2 [sflag:s6], $0x28  }
0x118: {  	[sflag:s6] =	ssyncset.done @!p2 $0x0  }
0x119: {  	[sflag:s6] =	ssyncadd.s32 @!p2 $0xFFFFFFD8  }
0x11a: {  	_ =	swait.ge @!p2 [sflag:s6], $0x28  }
0x11b: {  	[sflag:s6] =	ssyncset.done @!p2 $0x0  }
0x11c: {  	[sflag:s6] =	ssyncadd.s32 @!p2 $0xFFFFFFD8;
	s6 =	simm.s32 @!p2 $0x1E00  }
0x11d: {  	[tilespmem:s6], [sflag:$0xC] =	stream.indirect.gather @!p2 [hbm4b:s4+s16], $0x80, s13, s16, $0xb8;
	[tilespmem:$0x1CF80] =	vst v63  }
0x11e: {  	p3 =	por $0x0, $0x0;
	s30 =	simm.s32 $0x32;
	_ =	swait.ge [sflag:s9], $0x1400  }
0x11f: {  	s16 =	simm.s32 $0x64;
	s6 =	sadd.s32 $0x190, s7;
	[sflag:s9] =	ssyncset.done $0x0  }
.LBB2_2:
0x120: {  	s20 =	simm.s32 $0xF  }
0x121: {  	s13 =	simm.s32 @!p3 $0x12;
	s14 =	simm.s32 $0x5A00;
	[sflag:s20] =	ssyncadd.s32 $0xFFFFEC00  }
0x122: {  	[spmem:s1] =	stream.indirect.scatter.add.f32 [tilespmem:s14], [sflag:$0x14], $0x80, s26, s12, $0xb8;
	[tilespmem:$0x1CF80] =	vst v63  }
0x123: {  	_ =	swait.ge @!p3 [sflag:s13], $0x1400  }
0x124: {  	s21 =	simm.s32 $0x200;
	[sflag:s13] =	ssyncset.done @!p3 $0x0;
	s15 =	rddreg [dreg:$0x15]  }
0x125: {  	s11 =	rddreg [dreg:$0x14];
	[sflag:s13] =	ssyncadd.s32 @!p3 $0xFFFFEC00;
	s15 =	sadd.s32 s30, s15  }
0x126: {  	[tilespmem:s21], [sflag:$0x5] =	stream.linear.gather [hbm4b:s15+s2], $0x28, $0x38;
	[tilespmem:$0x1CF80] =	vst v63  }
0x127: {  	s28 =	simm.s32 $0x700;
	s5 =	simm.s32 $0x3;
	s13 =	sadd.s32 s30, s11  }
0x128: {  	[tilespmem:s28], [sflag:$0x5] =	stream.linear.gather [hbm4b:s13+s2], $0x28, $0x38;
	[tilespmem:$0x1CF80] =	vst v63  }
0x129: {  	_ =	swait.ge [sflag:s5], $0x28  }
0x12a: {  	[sflag:s5] =	ssyncset.done $0x0  }
0x12b: {  	[sflag:s5] =	ssyncadd.s32 $0xFFFFFFD8  }
0x12c: {  	_ =	swait.ge [sflag:s5], $0x28  }
0x12d: {  	s25 =	simm.s32 $0x3200;
	[sflag:s5] =	ssyncset.done $0x0  }
0x12e: {  	s22 =	simm.s32 $0xB;
	s15 =	simm.s32 $0x100;
	[sflag:s5] =	ssyncadd.s32 $0xFFFFFFD8  }
0x12f: {  	[tilespmem:s25], [sflag:$0xD] =	stream.indirect.gather [hbm4b:s4+s12], $0x80, s15, s12, $0xb8;
	[tilespmem:$0x1CF80] =	vst v63  }
0x130: {  	_ =	swait.ge [sflag:s22], $0x1400  }
0x131: {  	s17 =	simm.s32 $0x500;
	[sflag:s22] =	ssyncset.done $0x0  }
0x132: {  	s7 =	simm.s32 $0xA00;
	s13 =	simm.s32 @!p3 $0x13;
	[sflag:s22] =	ssyncadd.s32 $0xFFFFEC00  }
0x133: {  	[spmem:s1] =	stream.indirect.scatter.add.f32 [tilespmem:s7], [sflag:$0x10], $0x80, s17, s12, $0xb8;
	[tilespmem:$0x1CF80] =	vst v63  }
0x134: {  	_ =	swait.ge @!p3 [sflag:s13], $0x1400  }
0x135: {  	s18 =	rddreg [dreg:$0x13]  }
0x136: {  	[sflag:s13] =	ssyncset.done @!p3 $0x0;
	s23 =	rddreg [dreg:$0x12]  }
0x137: {  	[sflag:s13] =	ssyncadd.s32 @!p3 $0xFFFFEC00;
	s19 =	sadd.s32 s30, s18;
	s18 =	simm.s32 $0x280  }
0x138: {  	[tilespmem:s18], [sflag:$0x6] =	stream.linear.gather [hbm4b:s19+s2], $0x28, $0x38;
	[tilespmem:$0x1CF80] =	vst v63  }
0x139: {  	s24 =	simm.s32 $0x4;
	s17 =	simm.s32 $0x780;
	s23 =	sadd.s32 s30, s23  }
0x13a: {  	[tilespmem:s17], [sflag:$0x6] =	stream.linear.gather [hbm4b:s23+s2], $0x28, $0x38;
	[tilespmem:$0x1CF80] =	vst v63  }
0x13b: {  	_ =	swait.ge [sflag:s24], $0x28  }
0x13c: {  	[sflag:s24] =	ssyncset.done $0x0  }
0x13d: {  	[sflag:s24] =	ssyncadd.s32 $0xFFFFFFD8  }
0x13e: {  	_ =	swait.ge [sflag:s24], $0x28  }
0x13f: {  	s0 =	simm.s32 $0x180;
	[sflag:s24] =	ssyncset.done $0x0  }
0x140: {  	s11 =	simm.s32 $0xC;
	s19 =	simm.s32 $0x4600;
	[sflag:s24] =	ssyncadd.s32 $0xFFFFFFD8  }
0x141: {  	[tilespmem:s19], [sflag:$0xE] =	stream.indirect.gather [hbm4b:s4+s12], $0x80, s0, s12, $0xb8;
	[tilespmem:$0x1CF80] =	vst v63  }
0x142: {  	_ =	swait.ge [sflag:s11], $0x1400  }
0x143: {  	s3 =	simm.s32 $0x580;
	[sflag:s11] =	ssyncset.done $0x0  }
0x144: {  	s9 =	simm.s32 $0x1E00;
	s13 =	simm.s32 @!p3 $0x14;
	[sflag:s11] =	ssyncadd.s32 $0xFFFFEC00  }
0x145: {  	[spmem:s1] =	stream.indirect.scatter.add.f32 [tilespmem:s9], [sflag:$0x11], $0x80, s3, s12, $0xb8;
	[tilespmem:$0x1CF80] =	vst v63  }
0x146: {  	_ =	swait.ge @!p3 [sflag:s13], $0x1400  }
0x147: {  	s24 =	simm.s32 $0x300;
	s5 =	rddreg [dreg:$0x11];
	[sflag:s13] =	ssyncset.done @!p3 $0x0  }
0x148: {  	s8 =	rddreg [dreg:$0x10];
	[sflag:s13] =	ssyncadd.s32 @!p3 $0xFFFFEC00;
	s10 =	sadd.s32 s30, s5  }
0x149: {  	[tilespmem:s24], [sflag:$0x7] =	stream.linear.gather [hbm4b:s10+s2], $0x28, $0x38;
	[tilespmem:$0x1CF80] =	vst v63  }
0x14a: {  	s23 =	simm.s32 $0x5;
	s15 =	sadd.s32 s30, s8;
	s10 =	simm.s32 $0x800  }
0x14b: {  	[tilespmem:s10], [sflag:$0x7] =	stream.linear.gather [hbm4b:s15+s2], $0x28, $0x38;
	[tilespmem:$0x1CF80] =	vst v63  }
0x14c: {  	_ =	swait.ge [sflag:s23], $0x28  }
0x14d: {  	[sflag:s23] =	ssyncset.done $0x0  }
0x14e: {  	[sflag:s23] =	ssyncadd.s32 $0xFFFFFFD8  }
0x14f: {  	_ =	swait.ge [sflag:s23], $0x28  }
0x150: {  	[sflag:s23] =	ssyncset.done $0x0  }
0x151: {  	[sflag:s23] =	ssyncadd.s32 $0xFFFFFFD8  }
0x152: {  	[tilespmem:s14], [sflag:$0xF] =	stream.indirect.gather [hbm4b:s4+s12], $0x80, s21, s12, $0xb8;
	[tilespmem:$0x1CF80] =	vst v63  }
0x153: {  	s21 =	simm.s32 $0xD  }
0x154: {  	_ =	swait.ge [sflag:s21], $0x1400  }
0x155: {  	[sflag:s21] =	ssyncset.done $0x0  }
0x156: {  	s0 =	simm.s32 $0x600;
	[sflag:s21] =	ssyncadd.s32 $0xFFFFEC00  }
0x157: {  	[spmem:s1] =	stream.indirect.scatter.add.f32 [tilespmem:s25], [sflag:$0x12], $0x80, s0, s12, $0xb8;
	[tilespmem:$0x1CF80] =	vst v63  }
0x158: {  	s0 =	simm.s32 $0x10  }
0x159: {  	_ =	swait.ge [sflag:s0], $0x1400  }
0x15a: {  	s8 =	simm.s32 $0x380;
	s3 =	rddreg [dreg:$0xf];
	[sflag:s0] =	ssyncset.done $0x0  }
0x15b: {  	s5 =	rddreg [dreg:$0xe];
	[sflag:s0] =	ssyncadd.s32 $0xFFFFEC00;
	s13 =	sadd.s32 s30, s3  }
0x15c: {  	[tilespmem:s8], [sflag:$0x8] =	stream.linear.gather [hbm4b:s13+s2], $0x28, $0x38;
	[tilespmem:$0x1CF80] =	vst v63  }
0x15d: {  	s23 =	simm.s32 $0x6;
	s15 =	sadd.s32 s30, s5;
	s3 =	simm.s32 $0x880  }
0x15e: {  	[tilespmem:s3], [sflag:$0x8] =	stream.linear.gather [hbm4b:s15+s2], $0x28, $0x38;
	[tilespmem:$0x1CF80] =	vst v63  }
0x15f: {  	_ =	swait.ge [sflag:s23], $0x28  }
0x160: {  	[sflag:s23] =	ssyncset.done $0x0  }
0x161: {  	[sflag:s23] =	ssyncadd.s32 $0xFFFFFFD8  }
0x162: {  	_ =	swait.ge [sflag:s23], $0x28  }
0x163: {  	[sflag:s23] =	ssyncset.done $0x0  }
0x164: {  	s13 =	simm.s32 $0xE;
	[sflag:s23] =	ssyncadd.s32 $0xFFFFFFD8  }
0x165: {  	[tilespmem:s7], [sflag:$0xB] =	stream.indirect.gather [hbm4b:s4+s12], $0x80, s18, s12, $0xb8;
	[tilespmem:$0x1CF80] =	vst v63  }
0x166: {  	_ =	swait.ge [sflag:s13], $0x1400  }
0x167: {  	[sflag:s13] =	ssyncset.done $0x0  }
0x168: {  	s15 =	simm.s32 $0x680;
	s18 =	simm.s32 $0x11;
	[sflag:s13] =	ssyncadd.s32 $0xFFFFEC00  }
0x169: {  	[spmem:s1] =	stream.indirect.scatter.add.f32 [tilespmem:s19], [sflag:$0x13], $0x80, s15, s12, $0xb8;
	[tilespmem:$0x1CF80] =	vst v63  }
0x16a: {  	_ =	swait.ge [sflag:s18], $0x1400  }
0x16b: {  	s23 =	rddreg [dreg:$0xd]  }
0x16c: {  	[sflag:s18] =	ssyncset.done $0x0;
	s15 =	rddreg [dreg:$0xc]  }
0x16d: {  	[sflag:s18] =	ssyncadd.s32 $0xFFFFEC00;
	s13 =	sadd.s32 s30, s23;
	s18 =	simm.s32 $0x400  }
0x16e: {  	[tilespmem:s18], [sflag:$0x9] =	stream.linear.gather [hbm4b:s13+s2], $0x28, $0x38;
	[tilespmem:$0x1CF80] =	vst v63  }
0x16f: {  	s23 =	rddreg [dreg:$0x16];
	s5 =	sadd.s32 s30, s15;
	s15 =	simm.s32 $0x7  }
0x170: {  	[tilespmem:s23], [sflag:$0x9] =	stream.linear.gather [hbm4b:s5+s2], $0x28, $0x38;
	[tilespmem:$0x1CF80] =	vst v63  }
0x171: {  	_ =	swait.ge [sflag:s15], $0x28  }
0x172: {  	[sflag:s15] =	ssyncset.done $0x0  }
0x173: {  	[sflag:s15] =	ssyncadd.s32 $0xFFFFFFD8  }
0x174: {  	_ =	swait.ge [sflag:s15], $0x28  }
0x175: {  	[sflag:s15] =	ssyncset.done $0x0  }
0x176: {  	[sflag:s15] =	ssyncadd.s32 $0xFFFFFFD8  }
0x177: {  	[tilespmem:s9], [sflag:$0xC] =	stream.indirect.gather [hbm4b:s4+s12], $0x80, s24, s12, $0xb8;
	[tilespmem:$0x1CF80] =	vst v63  }
0x178: {  	_ =	swait.ge [sflag:s20], $0x1400  }
0x179: {  	[sflag:s20] =	ssyncset.done $0x0  }
0x17a: {  	s23 =	simm.s32 $0x12;
	[sflag:s20] =	ssyncadd.s32 $0xFFFFEC00  }
0x17b: {  	[spmem:s1] =	stream.indirect.scatter.add.f32 [tilespmem:s14], [sflag:$0x14], $0x80, s28, s12, $0xb8;
	[tilespmem:$0x1CF80] =	vst v63  }
0x17c: {  	_ =	swait.ge [sflag:s23], $0x1400  }
0x17d: {  	s24 =	rddreg [dreg:$0xb]  }
0x17e: {  	[sflag:s23] =	ssyncset.done $0x0;
	s28 =	rddreg [dreg:$0xa]  }
0x17f: {  	[sflag:s23] =	ssyncadd.s32 $0xFFFFEC00;
	s13 =	sadd.s32 s30, s24;
	s24 =	simm.s32 $0x480  }
0x180: {  	[tilespmem:s24], [sflag:$0xA] =	stream.linear.gather [hbm4b:s13+s2], $0x28, $0x38;
	[tilespmem:$0x1CF80] =	vst v63  }
0x181: {  	s15 =	simm.s32 $0x8;
	s5 =	sadd.s32 s30, s28  }
0x182: {  	[tilespmem:s26], [sflag:$0xA] =	stream.linear.gather [hbm4b:s5+s2], $0x28, $0x38;
	[tilespmem:$0x1CF80] =	vst v63  }
0x183: {  	_ =	swait.ge [sflag:s15], $0x28  }
0x184: {  	[sflag:s15] =	ssyncset.done $0x0  }
0x185: {  	[sflag:s15] =	ssyncadd.s32 $0xFFFFFFD8  }
0x186: {  	_ =	swait.ge [sflag:s15], $0x28  }
0x187: {  	[sflag:s15] =	ssyncset.done $0x0  }
0x188: {  	[sflag:s15] =	ssyncadd.s32 $0xFFFFFFD8  }
0x189: {  	[tilespmem:s25], [sflag:$0xD] =	stream.indirect.gather [hbm4b:s4+s12], $0x80, s8, s12, $0xb8;
	[tilespmem:$0x1CF80] =	vst v63  }
0x18a: {  	_ =	swait.ge [sflag:s22], $0x1400  }
0x18b: {  	[sflag:s22] =	ssyncset.done $0x0  }
0x18c: {  	p3 =	seq.s32 s30, $0x4B0;
	[sflag:s22] =	ssyncadd.s32 $0xFFFFEC00;
	s22 =	simm.s32 $0x13  }
0x18d: {  	[spmem:s1] =	stream.indirect.scatter.add.f32 [tilespmem:s7], [sflag:$0x10], $0x80, s17, s12, $0xb8;
	[tilespmem:$0x1CF80] =	vst v63  }
0x18e: {  	s13 =	simm.s32 @!p3 $0x0;
	_ =	swait.ge [sflag:s22], $0x1400  }
0x18f: {  	s15 =	sshrl.u32 @!p3 s6, $0x3;
	[sflag:s22] =	ssyncset.done $0x0;
	s5 =	rddreg [dreg:$0x17]  }
0x190: {  	[sflag:s22] =	ssyncadd.s32 $0xFFFFEC00;
	s23 =	sadd.s32 @!p3 s5, s15;
	s5 =	rddreg [dreg:$0x18]  }
0x191: {  	[tilespmem:s13], [sflag:$0x1] =	stream.linear.gather @!p3 [hbm4b:s23+s13], $0x28, $0x38;
	[tilespmem:$0x1CF80] =	vst v63  }
0x192: {  	s15 =	sadd.s32 @!p3 s5, s15;
	s23 =	simm.s32 @!p3 $0x500  }
0x193: {  	[tilespmem:s23], [sflag:$0x1] =	stream.linear.gather @!p3 [hbm4b:s15+s13], $0x28, $0x38;
	[tilespmem:$0x1CF80] =	vst v63  }
0x194: {  	s23 =	simm.s32 $0x9  }
0x195: {  	_ =	swait.ge [sflag:s23], $0x28  }
0x196: {  	[sflag:s23] =	ssyncset.done $0x0  }
0x197: {  	[sflag:s23] =	ssyncadd.s32 $0xFFFFFFD8  }
0x198: {  	_ =	swait.ge [sflag:s23], $0x28  }
0x199: {  	[sflag:s23] =	ssyncset.done $0x0  }
0x19a: {  	[sflag:s23] =	ssyncadd.s32 $0xFFFFFFD8  }
0x19b: {  	[tilespmem:s19], [sflag:$0xE] =	stream.indirect.gather [hbm4b:s4+s12], $0x80, s18, s12, $0xb8;
	[tilespmem:$0x1CF80] =	vst v63  }
0x19c: {  	_ =	swait.ge [sflag:s11], $0x1400  }
0x19d: {  	[sflag:s11] =	ssyncset.done $0x0  }
0x19e: {  	s28 =	simm.s32 $0x14;
	[sflag:s11] =	ssyncadd.s32 $0xFFFFEC00  }
0x19f: {  	[spmem:s1] =	stream.indirect.scatter.add.f32 [tilespmem:s9], [sflag:$0x11], $0x80, s10, s12, $0xb8;
	[tilespmem:$0x1CF80] =	vst v63  }
0x1a0: {  	_ =	swait.ge [sflag:s28], $0x1400  }
0x1a1: {  	s15 =	rddreg [dreg:$0x9]  }
0x1a2: {  	[sflag:s28] =	ssyncset.done $0x0;
	s23 =	rddreg [dreg:$0x8]  }
0x1a3: {  	[sflag:s28] =	ssyncadd.s32 $0xFFFFEC00;
	s7 =	sadd.s32 @!p3 s30, s15;
	s15 =	simm.s32 @!p3 $0x80  }
0x1a4: {  	[tilespmem:s15], [sflag:$0x2] =	stream.linear.gather @!p3 [hbm4b:s7+s13], $0x28, $0x38;
	[tilespmem:$0x1CF80] =	vst v63  }
0x1a5: {  	s7 =	sadd.s32 @!p3 s30, s23;
	s23 =	simm.s32 @!p3 $0x580  }
0x1a6: {  	[tilespmem:s23], [sflag:$0x2] =	stream.linear.gather @!p3 [hbm4b:s7+s13], $0x28, $0x38;
	[tilespmem:$0x1CF80] =	vst v63  }
0x1a7: {  	_ =	swait.ge [sflag:s29], $0x28  }
0x1a8: {  	[sflag:s29] =	ssyncset.done $0x0  }
0x1a9: {  	[sflag:s29] =	ssyncadd.s32 $0xFFFFFFD8  }
0x1aa: {  	_ =	swait.ge [sflag:s29], $0x28  }
0x1ab: {  	[sflag:s29] =	ssyncset.done $0x0  }
0x1ac: {  	[sflag:s29] =	ssyncadd.s32 $0xFFFFFFD8  }
0x1ad: {  	[tilespmem:s14], [sflag:$0xF] =	stream.indirect.gather [hbm4b:s4+s12], $0x80, s24, s12, $0xb8;
	[tilespmem:$0x1CF80] =	vst v63  }
0x1ae: {  	_ =	swait.ge [sflag:s21], $0x1400  }
0x1af: {  	[sflag:s21] =	ssyncset.done $0x0  }
0x1b0: {  	[sflag:s21] =	ssyncadd.s32 $0xFFFFEC00  }
0x1b1: {  	[spmem:s1] =	stream.indirect.scatter.add.f32 [tilespmem:s25], [sflag:$0x12], $0x80, s3, s12, $0xb8;
	[tilespmem:$0x1CF80] =	vst v63  }
0x1b2: {  	_ =	swait.ge [sflag:s0], $0x1400  }
0x1b3: {  	[sflag:s0] =	ssyncset.done $0x0  }
0x1b4: {  	s7 =	simm.s32 @p3 $0xE;
	[sflag:s0] =	ssyncadd.s32 $0xFFFFEC00  }
0x1b5: {  	_ =	swait.ge @p3 [sflag:s7], $0x1400  }
0x1b6: {  	s5 =	simm.s32 @p3 $0x900;
	s9 =	simm.s32 @p3 $0x11;
	[sflag:s7] =	ssyncset.done @p3 $0x0  }
0x1b7: {  	s23 =	simm.s32 @p3 $0x4600;
	[sflag:s7] =	ssyncadd.s32 @p3 $0xFFFFEC00;
	s7 =	simm.s32 @p3 $0x28  }
0x1b8: {  	[spmem:s1] =	stream.indirect.scatter.add.f32 @p3 [tilespmem:s23], [sflag:$0x13], $0x80, s5, s7, $0xb8;
	[tilespmem:$0x1CF80] =	vst v63  }
0x1b9: {  	_ =	swait.ge @p3 [sflag:s9], $0x1400  }
0x1ba: {  	s5 =	rddreg [dreg:$0x7]  }
0x1bb: {  	[sflag:s9] =	ssyncset.done @p3 $0x0;
	s7 =	rddreg [dreg:$0x6]  }
0x1bc: {  	[sflag:s9] =	ssyncadd.s32 @p3 $0xFFFFEC00;
	s5 =	sadd.s32 @!p3 s30, s5;
	s9 =	simm.s32 @!p3 $0x100  }
0x1bd: {  	[tilespmem:s9], [sflag:$0x3] =	stream.linear.gather @!p3 [hbm4b:s5+s13], $0x28, $0x38;
	[tilespmem:$0x1CF80] =	vst v63  }
0x1be: {  	s5 =	sadd.s32 @!p3 s30, s7;
	s7 =	simm.s32 @!p3 $0x600;
	s9 =	simm.s32 @!p3 $0x1  }
0x1bf: {  	[tilespmem:s7], [sflag:$0x3] =	stream.linear.gather @!p3 [hbm4b:s5+s13], $0x28, $0x38;
	[tilespmem:$0x1CF80] =	vst v63  }
0x1c0: {  	_ =	swait.ge @!p3 [sflag:s9], $0x28  }
0x1c1: {  	[sflag:s9] =	ssyncset.done @!p3 $0x0  }
0x1c2: {  	[sflag:s9] =	ssyncadd.s32 @!p3 $0xFFFFFFD8  }
0x1c3: {  	_ =	swait.ge @!p3 [sflag:s9], $0x28  }
0x1c4: {  	s5 =	simm.s32 @!p3 $0xE;
	[sflag:s9] =	ssyncset.done @!p3 $0x0  }
0x1c5: {  	s7 =	simm.s32 @!p3 $0x28;
	[sflag:s9] =	ssyncadd.s32 @!p3 $0xFFFFFFD8;
	s9 =	simm.s32 @!p3 $0xA00  }
0x1c6: {  	[tilespmem:s9], [sflag:$0xB] =	stream.indirect.gather @!p3 [hbm4b:s4+s7], $0x80, s13, s7, $0xb8;
	[tilespmem:$0x1CF80] =	vst v63  }
0x1c7: {  	_ =	swait.ge @!p3 [sflag:s5], $0x1400  }
0x1c8: {  	s23 =	simm.s32 @!p3 $0x4600;
	[sflag:s5] =	ssyncset.done @!p3 $0x0  }
0x1c9: {  	s9 =	simm.s32 @!p3 $0x11;
	[sflag:s5] =	ssyncadd.s32 @!p3 $0xFFFFEC00;
	s5 =	simm.s32 @!p3 $0x900  }
0x1ca: {  	[spmem:s1] =	stream.indirect.scatter.add.f32 @!p3 [tilespmem:s23], [sflag:$0x13], $0x80, s5, s7, $0xb8;
	[tilespmem:$0x1CF80] =	vst v63  }
0x1cb: {  	_ =	swait.ge @!p3 [sflag:s9], $0x1400  }
0x1cc: {  	s5 =	rddreg [dreg:$0x5]  }
0x1cd: {  	[sflag:s9] =	ssyncset.done @!p3 $0x0;
	s23 =	rddreg [dreg:$0x4]  }
0x1ce: {  	[sflag:s9] =	ssyncadd.s32 @!p3 $0xFFFFEC00;
	s5 =	sadd.s32 @!p3 s30, s5;
	s9 =	simm.s32 @!p3 $0x180  }
0x1cf: {  	[tilespmem:s9], [sflag:$0x4] =	stream.linear.gather @!p3 [hbm4b:s5+s13], $0x28, $0x38;
	[tilespmem:$0x1CF80] =	vst v63  }
0x1d0: {  	s5 =	sadd.s32 @!p3 s30, s23;
	s9 =	simm.s32 @!p3 $0x680;
	s23 =	simm.s32 @!p3 $0x2  }
0x1d1: {  	[tilespmem:s9], [sflag:$0x4] =	stream.linear.gather @!p3 [hbm4b:s5+s13], $0x28, $0x38;
	[tilespmem:$0x1CF80] =	vst v63  }
0x1d2: {  	_ =	swait.ge @!p3 [sflag:s23], $0x28  }
0x1d3: {  	[sflag:s23] =	ssyncset.done @!p3 $0x0  }
0x1d4: {  	s31 =	smov.u32 s16;
	s16 =	sadd.s32 $0x32, s16;
	[sflag:s23] =	ssyncadd.s32 @!p3 $0xFFFFFFD8  }
0x1d5: {  	p2 =	sne.s32 s16, $0x4E2;
	_ =	swait.ge @!p3 [sflag:s23], $0x28  }
.Ltmp0:
0x1d6: {  	[sflag:s23] =	ssyncset.done @!p3 $0x0;
	(pc) =	sbr.rel @p2 .LBB2_2-.Ltmp0, $4  }
0x1d7: {  	s5 =	simm.s32 @!p3 $0x1E00;
	[sflag:s23] =	ssyncadd.s32 @!p3 $0xFFFFFFD8  }
0x1d8: {  	[tilespmem:s5], [sflag:$0xC] =	stream.indirect.gather @!p3 [hbm4b:s4+s7], $0x80, s15, s7, $0xb8;
	[tilespmem:$0x1CF80] =	vst v63  }
0x1d9: {  	s30 =	smov.u32 s31;
	_ =	swait.ge [sflag:s20], $0x1400  }
0x1da: {  	s6 =	sadd.s32 $0x190, s6;
	p3 =	seq.s32 s30, $0x0;
	[sflag:s20] =	ssyncset.done $0x0  }
0x1db: {  	s5 =	simm.s32 @!p3 $0x12;
	s20 =	simm.s32 $0xF  }
0x1dc: {  	s14 =	simm.s32 $0x5A00;
	s28 =	simm.s32 $0x980;
	[sflag:s20] =	ssyncadd.s32 $0xFFFFEC00  }
0x1dd: {  	[spmem:s1] =	stream.indirect.scatter.add.f32 [tilespmem:s14], [sflag:$0x14], $0x80, s28, s12, $0xb8;
	[tilespmem:$0x1CF80] =	vst v63  }
0x1de: {  	_ =	swait.ge @!p3 [sflag:s5], $0x1400  }
0x1df: {  	s16 =	simm.s32 $0x200;
	s7 =	rddreg [dreg:$0x15];
	[sflag:s5] =	ssyncset.done @!p3 $0x0  }
0x1e0: {  	s9 =	rddreg [dreg:$0x14];
	[sflag:s5] =	ssyncadd.s32 @!p3 $0xFFFFEC00;
	s3 =	sadd.s32 s30, s7  }
0x1e1: {  	[tilespmem:s16], [sflag:$0x5] =	stream.linear.gather [hbm4b:s3+s2], $0x28, $0x38;
	[tilespmem:$0x1CF80] =	vst v63  }
0x1e2: {  	s21 =	simm.s32 $0x700;
	s8 =	simm.s32 $0x3;
	s7 =	sadd.s32 s30, s9  }
0x1e3: {  	[tilespmem:s21], [sflag:$0x5] =	stream.linear.gather [hbm4b:s7+s2], $0x28, $0x38;
	[tilespmem:$0x1CF80] =	vst v63  }
0x1e4: {  	_ =	swait.ge [sflag:s8], $0x28  }
0x1e5: {  	[sflag:s8] =	ssyncset.done $0x0  }
0x1e6: {  	[sflag:s8] =	ssyncadd.s32 $0xFFFFFFD8  }
0x1e7: {  	_ =	swait.ge [sflag:s8], $0x28  }
0x1e8: {  	s23 =	simm.s32 $0x3200;
	[sflag:s8] =	ssyncset.done $0x0  }
0x1e9: {  	s25 =	simm.s32 $0xB;
	s9 =	simm.s32 $0x100;
	[sflag:s8] =	ssyncadd.s32 $0xFFFFFFD8  }
0x1ea: {  	[tilespmem:s23], [sflag:$0xD] =	stream.indirect.gather [hbm4b:s4+s12], $0x80, s9, s12, $0xb8;
	[tilespmem:$0x1CF80] =	vst v63  }
0x1eb: {  	_ =	swait.ge [sflag:s25], $0x1400  }
0x1ec: {  	s10 =	simm.s32 $0x500;
	[sflag:s25] =	ssyncset.done $0x0  }
0x1ed: {  	s13 =	simm.s32 $0xA00;
	s5 =	simm.s32 @!p3 $0x13;
	[sflag:s25] =	ssyncadd.s32 $0xFFFFEC00  }
0x1ee: {  	[spmem:s1] =	stream.indirect.scatter.add.f32 [tilespmem:s13], [sflag:$0x10], $0x80, s10, s12, $0xb8;
	[tilespmem:$0x1CF80] =	vst v63  }
0x1ef: {  	_ =	swait.ge @!p3 [sflag:s5], $0x1400  }
0x1f0: {  	s18 =	simm.s32 $0x280;
	s11 =	rddreg [dreg:$0x13];
	[sflag:s5] =	ssyncset.done @!p3 $0x0  }
0x1f1: {  	s15 =	rddreg [dreg:$0x12];
	[sflag:s5] =	ssyncadd.s32 @!p3 $0xFFFFEC00;
	s17 =	sadd.s32 s30, s11  }
0x1f2: {  	[tilespmem:s18], [sflag:$0x6] =	stream.linear.gather [hbm4b:s17+s2], $0x28, $0x38;
	[tilespmem:$0x1CF80] =	vst v63  }
0x1f3: {  	s22 =	simm.s32 $0x4;
	s19 =	sadd.s32 s30, s15;
	s17 =	simm.s32 $0x780  }
0x1f4: {  	[tilespmem:s17], [sflag:$0x6] =	stream.linear.gather [hbm4b:s19+s2], $0x28, $0x38;
	[tilespmem:$0x1CF80] =	vst v63  }
0x1f5: {  	_ =	swait.ge [sflag:s22], $0x28  }
0x1f6: {  	[sflag:s22] =	ssyncset.done $0x0  }
0x1f7: {  	[sflag:s22] =	ssyncadd.s32 $0xFFFFFFD8  }
0x1f8: {  	_ =	swait.ge [sflag:s22], $0x28  }
0x1f9: {  	s24 =	simm.s32 $0x180;
	[sflag:s22] =	ssyncset.done $0x0  }
0x1fa: {  	s11 =	simm.s32 $0xC;
	s19 =	simm.s32 $0x4600;
	[sflag:s22] =	ssyncadd.s32 $0xFFFFFFD8  }
0x1fb: {  	[tilespmem:s19], [sflag:$0xE] =	stream.indirect.gather [hbm4b:s4+s12], $0x80, s24, s12, $0xb8;
	[tilespmem:$0x1CF80] =	vst v63  }
0x1fc: {  	_ =	swait.ge [sflag:s11], $0x1400  }
0x1fd: {  	s31 =	simm.s32 $0x580;
	[sflag:s11] =	ssyncset.done $0x0  }
0x1fe: {  	s5 =	simm.s32 @!p3 $0x14;
	s15 =	simm.s32 $0x1E00;
	[sflag:s11] =	ssyncadd.s32 $0xFFFFEC00  }
0x1ff: {  	[spmem:s1] =	stream.indirect.scatter.add.f32 [tilespmem:s15], [sflag:$0x11], $0x80, s31, s12, $0xb8;
	[tilespmem:$0x1CF80] =	vst v63  }
0x200: {  	_ =	swait.ge @!p3 [sflag:s5], $0x1400  }
0x201: {  	s22 =	simm.s32 $0x300;
	s0 =	rddreg [dreg:$0x11];
	[sflag:s5] =	ssyncset.done @!p3 $0x0  }
0x202: {  	s3 =	rddreg [dreg:$0x10];
	[sflag:s5] =	ssyncadd.s32 @!p3 $0xFFFFEC00;
	s7 =	sadd.s32 s30, s0  }
0x203: {  	[tilespmem:s22], [sflag:$0x7] =	stream.linear.gather [hbm4b:s7+s2], $0x28, $0x38;
	[tilespmem:$0x1CF80] =	vst v63  }
0x204: {  	s9 =	simm.s32 $0x5;
	s10 =	simm.s32 $0x800;
	s8 =	sadd.s32 s30, s3  }
0x205: {  	[tilespmem:s10], [sflag:$0x7] =	stream.linear.gather [hbm4b:s8+s2], $0x28, $0x38;
	[tilespmem:$0x1CF80] =	vst v63  }
0x206: {  	_ =	swait.ge [sflag:s9], $0x28  }
0x207: {  	[sflag:s9] =	ssyncset.done $0x0  }
0x208: {  	[sflag:s9] =	ssyncadd.s32 $0xFFFFFFD8  }
0x209: {  	_ =	swait.ge [sflag:s9], $0x28  }
0x20a: {  	[sflag:s9] =	ssyncset.done $0x0  }
0x20b: {  	[sflag:s9] =	ssyncadd.s32 $0xFFFFFFD8  }
0x20c: {  	[tilespmem:s14], [sflag:$0xF] =	stream.indirect.gather [hbm4b:s4+s12], $0x80, s16, s12, $0xb8;
	[tilespmem:$0x1CF80] =	vst v63  }
0x20d: {  	s16 =	simm.s32 $0xD  }
0x20e: {  	_ =	swait.ge [sflag:s16], $0x1400  }
0x20f: {  	[sflag:s16] =	ssyncset.done $0x0  }
0x210: {  	s24 =	simm.s32 $0x600;
	s0 =	simm.s32 $0x10;
	[sflag:s16] =	ssyncadd.s32 $0xFFFFEC00  }
0x211: {  	[spmem:s1] =	stream.indirect.scatter.add.f32 [tilespmem:s23], [sflag:$0x12], $0x80, s24, s12, $0xb8;
	[tilespmem:$0x1CF80] =	vst v63  }
0x212: {  	_ =	swait.ge [sflag:s0], $0x1400  }
0x213: {  	s8 =	simm.s32 $0x380;
	s31 =	rddreg [dreg:$0xf];
	[sflag:s0] =	ssyncset.done $0x0  }
0x214: {  	s3 =	rddreg [dreg:$0xe];
	[sflag:s0] =	ssyncadd.s32 $0xFFFFEC00;
	s5 =	sadd.s32 s30, s31  }
0x215: {  	[tilespmem:s8], [sflag:$0x8] =	stream.linear.gather [hbm4b:s5+s2], $0x28, $0x38;
	[tilespmem:$0x1CF80] =	vst v63  }
0x216: {  	s9 =	simm.s32 $0x6;
	s7 =	sadd.s32 s30, s3;
	s3 =	simm.s32 $0x880  }
0x217: {  	[tilespmem:s3], [sflag:$0x8] =	stream.linear.gather [hbm4b:s7+s2], $0x28, $0x38;
	[tilespmem:$0x1CF80] =	vst v63  }
0x218: {  	_ =	swait.ge [sflag:s9], $0x28  }
0x219: {  	[sflag:s9] =	ssyncset.done $0x0  }
0x21a: {  	[sflag:s9] =	ssyncadd.s32 $0xFFFFFFD8  }
0x21b: {  	_ =	swait.ge [sflag:s9], $0x28  }
0x21c: {  	[sflag:s9] =	ssyncset.done $0x0  }
0x21d: {  	s24 =	simm.s32 $0xE;
	[sflag:s9] =	ssyncadd.s32 $0xFFFFFFD8  }
0x21e: {  	[tilespmem:s13], [sflag:$0xB] =	stream.indirect.gather [hbm4b:s4+s12], $0x80, s18, s12, $0xb8;
	[tilespmem:$0x1CF80] =	vst v63  }
0x21f: {  	_ =	swait.ge [sflag:s24], $0x1400  }
0x220: {  	[sflag:s24] =	ssyncset.done $0x0  }
0x221: {  	s31 =	simm.s32 $0x680;
	s7 =	simm.s32 $0x11;
	[sflag:s24] =	ssyncadd.s32 $0xFFFFEC00  }
0x222: {  	[spmem:s1] =	stream.indirect.scatter.add.f32 [tilespmem:s19], [sflag:$0x13], $0x80, s31, s12, $0xb8;
	[tilespmem:$0x1CF80] =	vst v63  }
0x223: {  	_ =	swait.ge [sflag:s7], $0x1400  }
0x224: {  	s18 =	rddreg [dreg:$0xd]  }
0x225: {  	[sflag:s7] =	ssyncset.done $0x0;
	s24 =	rddreg [dreg:$0xc]  }
0x226: {  	[sflag:s7] =	ssyncadd.s32 $0xFFFFEC00;
	s5 =	sadd.s32 s30, s18;
	s18 =	simm.s32 $0x400  }
0x227: {  	[tilespmem:s18], [sflag:$0x9] =	stream.linear.gather [hbm4b:s5+s2], $0x28, $0x38;
	[tilespmem:$0x1CF80] =	vst v63  }
0x228: {  	s9 =	simm.s32 $0x7;
	s31 =	rddreg [dreg:$0x16];
	s7 =	sadd.s32 s30, s24  }
0x229: {  	[tilespmem:s31], [sflag:$0x9] =	stream.linear.gather [hbm4b:s7+s2], $0x28, $0x38;
	[tilespmem:$0x1CF80] =	vst v63  }
0x22a: {  	_ =	swait.ge [sflag:s9], $0x28  }
0x22b: {  	[sflag:s9] =	ssyncset.done $0x0  }
0x22c: {  	[sflag:s9] =	ssyncadd.s32 $0xFFFFFFD8  }
0x22d: {  	_ =	swait.ge [sflag:s9], $0x28  }
0x22e: {  	[sflag:s9] =	ssyncset.done $0x0  }
0x22f: {  	[sflag:s9] =	ssyncadd.s32 $0xFFFFFFD8  }
0x230: {  	[tilespmem:s15], [sflag:$0xC] =	stream.indirect.gather [hbm4b:s4+s12], $0x80, s22, s12, $0xb8;
	[tilespmem:$0x1CF80] =	vst v63  }
0x231: {  	_ =	swait.ge [sflag:s20], $0x1400  }
0x232: {  	[sflag:s20] =	ssyncset.done $0x0  }
0x233: {  	[sflag:s20] =	ssyncadd.s32 $0xFFFFEC00  }
0x234: {  	[spmem:s1] =	stream.indirect.scatter.add.f32 [tilespmem:s14], [sflag:$0x14], $0x80, s21, s12, $0xb8;
	[tilespmem:$0x1CF80] =	vst v63  }
0x235: {  	s21 =	simm.s32 $0x12  }
0x236: {  	_ =	swait.ge [sflag:s21], $0x1400  }
0x237: {  	s9 =	simm.s32 $0x480;
	s24 =	rddreg [dreg:$0xb];
	[sflag:s21] =	ssyncset.done $0x0  }
0x238: {  	s31 =	rddreg [dreg:$0xa];
	[sflag:s21] =	ssyncadd.s32 $0xFFFFEC00;
	s5 =	sadd.s32 s30, s24  }
0x239: {  	[tilespmem:s9], [sflag:$0xA] =	stream.linear.gather [hbm4b:s5+s2], $0x28, $0x38;
	[tilespmem:$0x1CF80] =	vst v63  }
0x23a: {  	s22 =	sadd.s32 s30, s31;
	s24 =	simm.s32 $0x8  }
0x23b: {  	[tilespmem:s28], [sflag:$0xA] =	stream.linear.gather [hbm4b:s22+s2], $0x28, $0x38;
	[tilespmem:$0x1CF80] =	vst v63  }
0x23c: {  	_ =	swait.ge [sflag:s24], $0x28  }
0x23d: {  	[sflag:s24] =	ssyncset.done $0x0  }
0x23e: {  	[sflag:s24] =	ssyncadd.s32 $0xFFFFFFD8  }
0x23f: {  	_ =	swait.ge [sflag:s24], $0x28  }
0x240: {  	[sflag:s24] =	ssyncset.done $0x0  }
0x241: {  	[sflag:s24] =	ssyncadd.s32 $0xFFFFFFD8  }
0x242: {  	[tilespmem:s23], [sflag:$0xD] =	stream.indirect.gather [hbm4b:s4+s12], $0x80, s8, s12, $0xb8;
	[tilespmem:$0x1CF80] =	vst v63  }
0x243: {  	_ =	swait.ge [sflag:s25], $0x1400  }
0x244: {  	[sflag:s25] =	ssyncset.done $0x0  }
0x245: {  	s31 =	simm.s32 $0x13;
	[sflag:s25] =	ssyncadd.s32 $0xFFFFEC00  }
0x246: {  	[spmem:s1] =	stream.indirect.scatter.add.f32 [tilespmem:s13], [sflag:$0x10], $0x80, s17, s12, $0xb8;
	[tilespmem:$0x1CF80] =	vst v63  }
0x247: {  	p2 =	seq.s32 s30, $0x4B0;
	_ =	swait.ge [sflag:s31], $0x1400  }
0x248: {  	s5 =	sshrl.u32 @!p2 s6, $0x3;
	[sflag:s31] =	ssyncset.done $0x0;
	s6 =	rddreg [dreg:$0x17]  }
0x249: {  	[sflag:s31] =	ssyncadd.s32 $0xFFFFEC00;
	s7 =	sadd.s32 @!p2 s6, s5;
	s6 =	simm.s32 @!p2 $0x0  }
0x24a: {  	[tilespmem:s6], [sflag:$0x1] =	stream.linear.gather @!p2 [hbm4b:s7+s6], $0x28, $0x38;
	[tilespmem:$0x1CF80] =	vst v63  }
0x24b: {  	s7 =	rddreg [dreg:$0x18]  }
0x24c: {  	s5 =	sadd.s32 @!p2 s7, s5;
	s7 =	simm.s32 @!p2 $0x500  }
0x24d: {  	[tilespmem:s7], [sflag:$0x1] =	stream.linear.gather @!p2 [hbm4b:s5+s6], $0x28, $0x38;
	[tilespmem:$0x1CF80] =	vst v63  }
0x24e: {  	s7 =	simm.s32 $0x9  }
0x24f: {  	_ =	swait.ge [sflag:s7], $0x28  }
0x250: {  	[sflag:s7] =	ssyncset.done $0x0  }
0x251: {  	[sflag:s7] =	ssyncadd.s32 $0xFFFFFFD8  }
0x252: {  	_ =	swait.ge [sflag:s7], $0x28  }
0x253: {  	[sflag:s7] =	ssyncset.done $0x0  }
0x254: {  	[sflag:s7] =	ssyncadd.s32 $0xFFFFFFD8  }
0x255: {  	[tilespmem:s19], [sflag:$0xE] =	stream.indirect.gather [hbm4b:s4+s12], $0x80, s18, s12, $0xb8;
	[tilespmem:$0x1CF80] =	vst v63  }
0x256: {  	_ =	swait.ge [sflag:s11], $0x1400  }
0x257: {  	[sflag:s11] =	ssyncset.done $0x0  }
0x258: {  	[sflag:s11] =	ssyncadd.s32 $0xFFFFEC00;
	s11 =	simm.s32 $0x14  }
0x259: {  	[spmem:s1] =	stream.indirect.scatter.add.f32 [tilespmem:s15], [sflag:$0x11], $0x80, s10, s12, $0xb8;
	[tilespmem:$0x1CF80] =	vst v63  }
0x25a: {  	_ =	swait.ge [sflag:s11], $0x1400  }
0x25b: {  	s13 =	simm.s32 @!p2 $0x80;
	s5 =	rddreg [dreg:$0x9];
	[sflag:s11] =	ssyncset.done $0x0  }
0x25c: {  	s7 =	rddreg [dreg:$0x8];
	[sflag:s11] =	ssyncadd.s32 $0xFFFFEC00;
	s5 =	sadd.s32 @!p2 s30, s5  }
0x25d: {  	[tilespmem:s13], [sflag:$0x2] =	stream.linear.gather @!p2 [hbm4b:s5+s6], $0x28, $0x38;
	[tilespmem:$0x1CF80] =	vst v63  }
0x25e: {  	s5 =	sadd.s32 @!p2 s30, s7;
	s7 =	simm.s32 @!p2 $0x580  }
0x25f: {  	[tilespmem:s7], [sflag:$0x2] =	stream.linear.gather @!p2 [hbm4b:s5+s6], $0x28, $0x38;
	[tilespmem:$0x1CF80] =	vst v63  }
0x260: {  	_ =	swait.ge [sflag:s29], $0x28  }
0x261: {  	[sflag:s29] =	ssyncset.done $0x0  }
0x262: {  	[sflag:s29] =	ssyncadd.s32 $0xFFFFFFD8  }
0x263: {  	_ =	swait.ge [sflag:s29], $0x28  }
0x264: {  	[sflag:s29] =	ssyncset.done $0x0  }
0x265: {  	[sflag:s29] =	ssyncadd.s32 $0xFFFFFFD8  }
0x266: {  	[tilespmem:s14], [sflag:$0xF] =	stream.indirect.gather [hbm4b:s4+s12], $0x80, s9, s12, $0xb8;
	[tilespmem:$0x1CF80] =	vst v63  }
0x267: {  	_ =	swait.ge [sflag:s16], $0x1400  }
0x268: {  	[sflag:s16] =	ssyncset.done $0x0  }
0x269: {  	[sflag:s16] =	ssyncadd.s32 $0xFFFFEC00  }
0x26a: {  	[spmem:s1] =	stream.indirect.scatter.add.f32 [tilespmem:s23], [sflag:$0x12], $0x80, s3, s12, $0xb8;
	[tilespmem:$0x1CF80] =	vst v63  }
0x26b: {  	_ =	swait.ge [sflag:s0], $0x1400  }
0x26c: {  	[sflag:s0] =	ssyncset.done $0x0  }
0x26d: {  	s5 =	simm.s32 @p2 $0xE;
	[sflag:s0] =	ssyncadd.s32 $0xFFFFEC00  }
0x26e: {  	_ =	swait.ge @p2 [sflag:s5], $0x1400  }
0x26f: {  	s15 =	simm.s32 @p2 $0x900;
	s7 =	simm.s32 @p2 $0x4600;
	[sflag:s5] =	ssyncset.done @p2 $0x0  }
0x270: {  	s9 =	simm.s32 @p2 $0x11;
	[sflag:s5] =	ssyncadd.s32 @p2 $0xFFFFEC00;
	s5 =	simm.s32 @p2 $0x28  }
0x271: {  	[spmem:s1] =	stream.indirect.scatter.add.f32 @p2 [tilespmem:s7], [sflag:$0x13], $0x80, s15, s5, $0xb8;
	[tilespmem:$0x1CF80] =	vst v63  }
0x272: {  	_ =	swait.ge @p2 [sflag:s9], $0x1400  }
0x273: {  	s5 =	rddreg [dreg:$0x7]  }
0x274: {  	[sflag:s9] =	ssyncset.done @p2 $0x0;
	s7 =	rddreg [dreg:$0x6]  }
0x275: {  	[sflag:s9] =	ssyncadd.s32 @p2 $0xFFFFEC00;
	s5 =	sadd.s32 @!p2 s30, s5;
	s9 =	simm.s32 @!p2 $0x100  }
0x276: {  	[tilespmem:s9], [sflag:$0x3] =	stream.linear.gather @!p2 [hbm4b:s5+s6], $0x28, $0x38;
	[tilespmem:$0x1CF80] =	vst v63  }
0x277: {  	s5 =	sadd.s32 @!p2 s30, s7;
	s7 =	simm.s32 @!p2 $0x600;
	s9 =	simm.s32 @!p2 $0x1  }
0x278: {  	[tilespmem:s7], [sflag:$0x3] =	stream.linear.gather @!p2 [hbm4b:s5+s6], $0x28, $0x38;
	[tilespmem:$0x1CF80] =	vst v63  }
0x279: {  	_ =	swait.ge @!p2 [sflag:s9], $0x28  }
0x27a: {  	[sflag:s9] =	ssyncset.done @!p2 $0x0  }
0x27b: {  	[sflag:s9] =	ssyncadd.s32 @!p2 $0xFFFFFFD8  }
0x27c: {  	_ =	swait.ge @!p2 [sflag:s9], $0x28  }
0x27d: {  	s5 =	simm.s32 @!p2 $0xE;
	[sflag:s9] =	ssyncset.done @!p2 $0x0  }
0x27e: {  	s7 =	simm.s32 @!p2 $0x28;
	[sflag:s9] =	ssyncadd.s32 @!p2 $0xFFFFFFD8;
	s9 =	simm.s32 @!p2 $0xA00  }
0x27f: {  	[tilespmem:s9], [sflag:$0xB] =	stream.indirect.gather @!p2 [hbm4b:s4+s7], $0x80, s6, s7, $0xb8;
	[tilespmem:$0x1CF80] =	vst v63  }
0x280: {  	_ =	swait.ge @!p2 [sflag:s5], $0x1400  }
0x281: {  	s15 =	simm.s32 @!p2 $0x4600;
	[sflag:s5] =	ssyncset.done @!p2 $0x0  }
0x282: {  	s9 =	simm.s32 @!p2 $0x11;
	[sflag:s5] =	ssyncadd.s32 @!p2 $0xFFFFEC00;
	s5 =	simm.s32 @!p2 $0x900  }
0x283: {  	[spmem:s1] =	stream.indirect.scatter.add.f32 @!p2 [tilespmem:s15], [sflag:$0x13], $0x80, s5, s7, $0xb8;
	[tilespmem:$0x1CF80] =	vst v63  }
0x284: {  	_ =	swait.ge @!p2 [sflag:s9], $0x1400  }
0x285: {  	s5 =	rddreg [dreg:$0x5]  }
0x286: {  	[sflag:s9] =	ssyncset.done @!p2 $0x0;
	s15 =	rddreg [dreg:$0x4]  }
0x287: {  	[sflag:s9] =	ssyncadd.s32 @!p2 $0xFFFFEC00;
	s5 =	sadd.s32 @!p2 s30, s5;
	s9 =	simm.s32 @!p2 $0x180  }
0x288: {  	[tilespmem:s9], [sflag:$0x4] =	stream.linear.gather @!p2 [hbm4b:s5+s6], $0x28, $0x38;
	[tilespmem:$0x1CF80] =	vst v63  }
0x289: {  	s5 =	sadd.s32 @!p2 s30, s15;
	s9 =	simm.s32 @!p2 $0x680  }
0x28a: {  	[tilespmem:s9], [sflag:$0x4] =	stream.linear.gather @!p2 [hbm4b:s5+s6], $0x28, $0x38;
	[tilespmem:$0x1CF80] =	vst v63  }
0x28b: {  	s5 =	simm.s32 @!p2 $0x2  }
0x28c: {  	_ =	swait.ge @!p2 [sflag:s5], $0x28  }
0x28d: {  	[sflag:s5] =	ssyncset.done @!p2 $0x0  }
0x28e: {  	[sflag:s5] =	ssyncadd.s32 @!p2 $0xFFFFFFD8  }
0x28f: {  	_ =	swait.ge @!p2 [sflag:s5], $0x28  }
0x290: {  	[sflag:s5] =	ssyncset.done @!p2 $0x0  }
0x291: {  	[sflag:s5] =	ssyncadd.s32 @!p2 $0xFFFFFFD8;
	s5 =	simm.s32 @!p2 $0x1E00  }
0x292: {  	[tilespmem:s5], [sflag:$0xC] =	stream.indirect.gather @!p2 [hbm4b:s4+s7], $0x80, s13, s7, $0xb8;
	[tilespmem:$0x1CF80] =	vst v63  }
0x293: {  	_ =	swait.ge [sflag:s20], $0x1400  }
0x294: {  	[sflag:s20] =	ssyncset.done $0x0  }
0x295: {  	[sflag:s20] =	ssyncadd.s32 $0xFFFFEC00  }
0x296: {  	[spmem:s1] =	stream.indirect.scatter.add.f32 [tilespmem:s14], [sflag:$0x14], $0x80, s28, s12, $0xb8;
	[tilespmem:$0x1CF80] =	vst v63  }
0x297: {  	_ =	swait.ge [sflag:s21], $0x1400  }
0x298: {  	[sflag:s21] =	ssyncset.done $0x0  }
0x299: {  	[sflag:s21] =	ssyncadd.s32 $0xFFFFEC00  }
0x29a: {  	_ =	swait.ge [sflag:s31], $0x1400  }
0x29b: {  	[sflag:s31] =	ssyncset.done $0x0  }
0x29c: {  	[sflag:s31] =	ssyncadd.s32 $0xFFFFEC00  }
0x29d: {  	_ =	swait.ge [sflag:s11], $0x1400  }
0x29e: {  	[sflag:s11] =	ssyncset.done $0x0  }
0x29f: {  	[sflag:s11] =	ssyncadd.s32 $0xFFFFEC00  }
0x2a0: {  	s16 =	simm.s32 $0x1A700;
	s13 =	simm.s32 $0x15;
	s15 =	rddreg [dreg:$0x19];
	[tilespmem:$0x1A680] =	vst v0  }
0x2a1: {  	[tilespmem:s16], [sflag:$0x15] =	stream.linear.gather [hbm4b:s15+s2], $0x800, $0x38;
	[tilespmem:$0x1CF80] =	vst v63  }
0x2a2: {  	_ =	swait.ge [sflag:s13], $0x800  }
0x2a3: {  	[sflag:s13] =	ssyncset.done $0x0  }
0x2a4: {  	s17 =	simm.s32 $0x1A680;
	[sflag:s13] =	ssyncadd.s32 $0xFFFFF800  }
0x2a5: {  	[spmem:s1] =	stream.indirect.scatter.add.f32 [tilespmem:s16], [sflag:$0x15], $0x80, s17, s0, $0xb8;
	[tilespmem:$0x1CF80] =	vst v63  }
0x2a6: {  	_ =	swait.ge [sflag:s13], $0x800  }
0x2a7: {  	[sflag:s13] =	ssyncset.done $0x0  }
0x2a8: {  	[sflag:s13] =	ssyncadd.s32 $0xFFFFF800  }
0x2a9: {  	[bflag:$0x0] =	sbarrier.arrive $0xFFFF  }
0x2aa: {  	s19 =	simm.s32 $0x1AF00;
	s18 =	rddreg [dreg:$0x1c]  }
0x2ab: {  	[tilespmem:s19], [sflag:$0x15] =	stream.linear.gather [hbm4b:s18+s2], $0x40, $0x38;
	[tilespmem:$0x1CF80] =	vst v63  }
0x2ac: {  	_ =	swait.ge [sflag:s13], $0x40  }
0x2ad: {  	[sflag:s13] =	ssyncset.done $0x0  }
0x2ae: {  	s20 =	simm.s32 $0x40;
	s21 =	simm.s32 $0x1AF80;
	[sflag:s13] =	ssyncadd.s32 $0xFFFFFFC0  }
0x2af: {  	[tilespmem:s21], [sflag:$0xB] =	stream.indirect.gather [spmem:s1], $0x80, s19, s20, $0xb8;
	[tilespmem:$0x1CF80] =	vst v63  }
0x2b0: {  	_ =	swait.ge [sflag:s25], $0x2000  }
0x2b1: {  	s7 =	sld [smem:$0x7F9]  }
0x2b2: {  	[sflag:s25] =	ssyncset.done $0x0  }
0x2b3: {  	s6 =	simm.s32 @!p0 $0x1AF80;
	s5 =	simm.s32 @!p0 $0x0;
	[sflag:s25] =	ssyncadd.s32 $0xFFFFE000  }
0x2b4: {  	[hbm4b:s7+s5] =	stream.linear.scatter @!p0 [tilespmem:s6], [sflag:$0x15], $0x2000, $0x38;
	[tilespmem:$0x1CF80] =	vst v63  }
0x2b5: {  	s5 =	simm.s32 @!p0 $0x15  }
0x2b6: {  	_ =	swait.ge @!p0 [sflag:s5], $0x2000  }
0x2b7: {  	s7 =	simm.s32 @!p0 $0x1AF00;
	[sflag:s5] =	ssyncset.done @!p0 $0x0  }
0x2b8: {  	s9 =	rddreg [dreg:$0x1a];
	[sflag:s5] =	ssyncadd.s32 @!p0 $0xFFFFE000;
	s5 =	simm.s32 @!p0 $0x40  }
0x2b9: {  	[tilespmem:s6], [sflag:$0xB] =	stream.indirect.gather @!p0 [hbm4b:s9+s5], $0x80, s7, s5, $0xb8;
	[tilespmem:$0x1CF80] =	vst v63  }
0x2ba: {  	s5 =	simm.s32 @!p0 $0xB  }
0x2bb: {  	_ =	swait.ge @!p0 [sflag:s5], $0x2000  }
0x2bc: {  	s22 =	sld [smem:$0x7F4]  }
0x2bd: {  	[sflag:s5] =	ssyncset.done @!p0 $0x0  }
0x2be: {  	[sflag:s5] =	ssyncadd.s32 @!p0 $0xFFFFE000  }
0x2bf: {  	[hbm4b:s22+s2] =	stream.linear.scatter [tilespmem:s21], [sflag:$0x15], $0x2000, $0x38;
	[tilespmem:$0x1CF80] =	vst v63  }
0x2c0: {  	_ =	swait.ge [sflag:s13], $0x2000  }
0x2c1: {  	[sflag:s13] =	ssyncset.done $0x0  }
0x2c2: {  	s23 =	rddreg [dreg:$0x1b];
	[sflag:s13] =	ssyncadd.s32 $0xFFFFE000  }
0x2c3: {  	[tilespmem:s21], [sflag:$0xB] =	stream.indirect.gather [hbm4b:s23+s20], $0x80, s19, s20, $0xb8;
	[tilespmem:$0x1CF80] =	vst v63  }
0x2c4: {  	_ =	swait.ge [sflag:s25], $0x2000  }
0x2c5: {  	s28 =	sld [smem:$0x7F3]  }
0x2c6: {  	[sflag:s25] =	ssyncset.done $0x0  }
0x2c7: {  	[sflag:s25] =	ssyncadd.s32 $0xFFFFE000  }
0x2c8: {  	[hbm4b:s28+s2] =	stream.linear.scatter [tilespmem:s21], [sflag:$0x15], $0x2000, $0x38;
	[tilespmem:$0x1CF80] =	vst v63  }
0x2c9: {  	_ =	swait.ge [sflag:s13], $0x2000  }
0x2ca: {  	s30 =	sld [smem:$0x7EE]  }
0x2cb: {  	s31 =	sld [smem:$0x7FA];
	_ =	sdelay $0x1  }
0x2cc: {  	s0 =	sadd.s32 $0x1, s30  }
0x2cd: {  	p2 =	sne.s32 s0, s31  }
.Ltmp1:
0x2ce: {  	_ = 	snop;
	(pc) =	sbr.rel @p2 .LBB2_1-.Ltmp1, $3  }
0x2cf: {  	_ =	sdelay $0x1  }
0x2d0: {  	[sflag:s13] =	ssyncset.done $0x0  }
0x2d1: {  	s24 =	simm.s32 $0x980;
	[sflag:s13] =	ssyncadd.s32 $0xFFFFE000  }
0x2d2: {  	_ =	sfence.sel $0x180000  }
0x2d3: {  	[bflag:$0x0] =	sbarrier.arrive $0xFFFF  }
0x2d4: {  	_ =	strace $0x9000004D  }
0x2d5: {  	[bflag:$0x2] =	sbarrier.arrive $0xFFFF  }
0x2d6: {  	s0 =	rddreg [dreg:$0x3]  }
0x2d7: {  	s0 =	sadd.s32 @!p1 $0x100000, s0  }
0x2d8: {  	[sflag:s0] =	ssyncadd.tile.s32 @!p1 $0x1;
	_ =	shalt  }
.Lfunc_end2:
_tile_overlayer_lowered:
.L_overlay_start_2:
0x2d9: {  	(tag) =	ssettag $0x2  }
0x2da: {  	s0 =	rddreg [dreg:$0x0];
	s2 =	stileid.u32  }
0x2db: {  	s1 =	rddreg [dreg:$0x1];
	p0 =	sne.s32 s2, $0x0  }
0x2dc: {  	s3 =	rddreg [dreg:$0x2];
	[bflag:$0x3] =	sbarrier.arrive $0xFFFF;
	s2 =	simm.s32 @!p0 $0x1C15  }
0x2dd: {  	[timem:s3], [sflag:s2] =	dma.local @!p0 [hbm:s0], s1  }
0x2de: {  	s0 =	simm.s32 @!p0 $0x15  }
0x2df: {  	_ =	swait.ge @!p0 [sflag:s0], s1  }
0x2e0: {  	s1 =	ssub.s32 @!p0 $0x0, s1;
	[sflag:s0] =	ssyncset.done @!p0 $0x0  }
0x2e1: {  	[sflag:s0] =	ssyncadd.s32 @!p0 s1  }
0x2e2: {  	[bflag:$0x3] =	sbarrier.arrive $0xFFFF  }
0x2e3: {  	_ =	shalt  }

// kernel: kernel.9.cloned.1.call-start
scs
__scs_entry_jumppad:
0x0: {  	(pc) =	sbr.rel $0x88, $3  }
0x1: {  	(tag) =	ssettag $0x0;
	lr =	simm.s32 $0x1  }
0x2: {  	[smem:$0x3F8C] =	sst lr;
	_ =	strace $0xD0000000  }
0x3: {  	_ = 	snop  }
0x4: {  	_ = 	snop  }
0x5: {  	_ = 	snop  }
0x6: {  	_ = 	snop  }
0x7: {  	_ = 	snop  }
__scs_overlays_trampoline_lowered:
0x8: {  	[smem:$0x3F9B] =	sst s0  }
0x9: {  	[smem:$0x3F9C] =	sst s1  }
0xa: {  	[smem:$0x3F9D] =	sst s2  }
0xb: {  	[smem:$0x3F9E] =	sst s3  }
0xc: {  	[smem:$0x3F9F] =	sst s4  }
0xd: {  	[smem:$0x3FA0] =	sst s5  }
0xe: {  	[smem:$0x3FA1] =	sst s6  }
0xf: {  	[smem:$0x3FA2] =	sst s7  }
0x10: {  	[smem:$0x3FA3] =	sst s8  }
0x11: {  	[smem:$0x3FA4] =	sst s9;
	s0 =	simm.s32 @!p0 $0x0  }
0x12: {  	s1 =	sld [smem:$0x3F8A];
	s0 =	simm.s32 @p0 $0x1  }
0x13: {  	[smem:$0x3FA5] =	sst s0;
	s0 =	simm.s32 @!p1 $0x0  }
0x14: {  	s2 =	sld [smem:$0x3F89];
	s0 =	simm.s32 @p1 $0x1  }
0x15: {  	[smem:$0x3FA6] =	sst s0;
	s0 =	simm.s32 @!p2 $0x0  }
0x16: {  	s3 =	sld [smem:$0x3FDB];
	s0 =	simm.s32 @p2 $0x1  }
0x17: {  	s4 =	simm.s32 $0x1BF5;
	[smem:$0x3FA8] =	sst s0  }
0x18: {  	s0 =	sld [smem:$0x3F8B];
	_ =	swait.ge [sflag:s4], $0x0  }
0x19: {  	s7 =	sld [smem:$0x3F8C]  }
0x1a: {  	s8 =	sadd.s32 $0xFFFFE003, lr  }
0x1b: {  	s9 =	sadd.s32 $0xFFFFFEF7, lr;
	s5 =	simm.s32 $0xFFFFFFFF;
	p2 =	slt.u32 s8, $0xFFFFF086  }
0x1c: {  	p1 =	slt.u32 s9, $0xF7A;
	s5 =	simm.s32 @!p2 $0x0  }
0x1d: {  	s5 =	simm.s32 @p1 $0x1;
	p0 =	seq.s32 s7, s2  }
0x1e: {  	s7 =	smul.u32 @!p0 $0xF7A, s2;
	p2 =	seq.s32 @!p0 s5, $0x0  }
0x1f: {  	s9 =	smul.u32 $0xF7A, s1;
	s8 =	simm.s32 @!p0 $0x1BF5;
	p2 =	por !p2, p0  }
0x20: {  	[sflag:s8] =	ssyncset.s32 @!p0 $0xFFFFF086;
	s6 =	sadd.s32 @!p0 s3, s7;
	s7 =	simm.s32 @!p0 $0x108  }
0x21: {  	s3 =	sadd.s32 s3, s9;
	s6 =	sadd.s32 @!p0 $0x88, s6;
	s7 =	simm.s32 @p2 $0x1082  }
0x22: {  	[simem:s7], [sflag:s8] =	dma.local @!p0 [hbm:s6], $0xF7A  }
0x23: {  	s9 =	sor.u32 $0xD0000000, s2;
	s6 =	simm.s32 $0x108;
	_ =	swait.ge @!p0 [sflag:s8], $0x0  }
0x24: {  	s3 =	sadd.s32 $0x88, s3;
	s6 =	simm.s32 @!p1 $0x1082;
	[sflag:s4] =	ssyncset.s32 $0xFFFFF086  }
0x25: {  	[simem:s6], [sflag:s4] =	dma.local [hbm:s3], $0xF7A  }
0x26: {  	[smem:$0x3F8C] =	sst s1;
	(tag) =	ssettag s2;
	_ =	strace s9  }
0x27: {  	s1 =	sld [smem:$0x3F9C]  }
0x28: {  	s2 =	sld [smem:$0x3F9D]  }
0x29: {  	s4 =	sld [smem:$0x3F9F]  }
0x2a: {  	p0 =	seq.s32 s5, $0x0;
	s5 =	sld [smem:$0x3FA0]  }
0x2b: {  	s6 =	sld [smem:$0x3FA1]  }
0x2c: {  	s7 =	sld [smem:$0x3FA2]  }
0x2d: {  	s3 =	simm.s32 $0x108;
	s8 =	sld [smem:$0x3FA3]  }
0x2e: {  	s3 =	simm.s32 @!p0 $0x1082;
	s9 =	sld [smem:$0x3FA4]  }
0x2f: {  	lr =	sadd.s32 s0, s3;
	s0 =	sld [smem:$0x3F9B]  }
0x30: {  	s3 =	sld [smem:$0x3F9E]  }
0x31: {  	[smem:$0x3FA7] =	sst s10  }
0x32: {  	s10 =	sld [smem:$0x3FA5];
	_ =	sdelay $0x3  }
0x33: {  	p0 =	seq.s32 s10, $0x1;
	s10 =	sld [smem:$0x3FA7];
	_ =	sdelay $0x3  }
0x34: {  	[smem:$0x3FA7] =	sst s10  }
0x35: {  	s10 =	sld [smem:$0x3FA6];
	_ =	sdelay $0x3  }
0x36: {  	p1 =	seq.s32 s10, $0x1;
	s10 =	sld [smem:$0x3FA7];
	_ =	sdelay $0x3  }
0x37: {  	[smem:$0x3FA7] =	sst s10  }
0x38: {  	s10 =	sld [smem:$0x3FA8]  }
0x39: {  	_ = 	snop;
	(pc) =	sbr.ind lr, $3  }
0x3a: {  	_ = 	snop  }
0x3b: {  	_ = 	snop  }
0x3c: {  	p2 =	seq.s32 s10, $0x1;
	s10 =	sld [smem:$0x3FA7]  }
0x3d: {  	_ =	shalt  }
0x3e: {  	_ =	shalt  }
0x3f: {  	_ =	shalt  }
0x40: {  	_ =	shalt  }
0x41: {  	_ =	shalt  }
0x42: {  	_ =	shalt  }
0x43: {  	_ =	shalt  }
0x44: {  	_ =	shalt  }
0x45: {  	_ =	shalt  }
0x46: {  	_ =	shalt  }
0x47: {  	_ =	shalt  }
0x48: {  	_ =	shalt  }
0x49: {  	_ =	shalt  }
0x4a: {  	_ =	shalt  }
0x4b: {  	_ =	shalt  }
0x4c: {  	_ =	shalt  }
0x4d: {  	_ =	shalt  }
0x4e: {  	_ =	shalt  }
0x4f: {  	_ =	shalt  }
0x50: {  	_ =	shalt  }
0x51: {  	_ =	shalt  }
0x52: {  	_ =	shalt  }
0x53: {  	_ =	shalt  }
0x54: {  	_ =	shalt  }
0x55: {  	_ =	shalt  }
0x56: {  	_ =	shalt  }
0x57: {  	_ =	shalt  }
0x58: {  	_ =	shalt  }
0x59: {  	_ =	shalt  }
0x5a: {  	_ =	shalt  }
0x5b: {  	_ =	shalt  }
0x5c: {  	_ =	shalt  }
0x5d: {  	_ =	shalt  }
0x5e: {  	_ =	shalt  }
0x5f: {  	_ =	shalt  }
0x60: {  	_ =	shalt  }
0x61: {  	_ =	shalt  }
0x62: {  	_ =	shalt  }
0x63: {  	_ =	shalt  }
0x64: {  	_ =	shalt  }
0x65: {  	_ =	shalt  }
0x66: {  	_ =	shalt  }
0x67: {  	_ =	shalt  }
0x68: {  	_ =	shalt  }
0x69: {  	_ =	shalt  }
0x6a: {  	_ =	shalt  }
0x6b: {  	_ =	shalt  }
0x6c: {  	_ =	shalt  }
0x6d: {  	_ =	shalt  }
0x6e: {  	_ =	shalt  }
0x6f: {  	_ =	shalt  }
0x70: {  	_ =	shalt  }
0x71: {  	_ =	shalt  }
0x72: {  	_ =	shalt  }
0x73: {  	_ =	shalt  }
0x74: {  	_ =	shalt  }
0x75: {  	_ =	shalt  }
0x76: {  	_ =	shalt  }
0x77: {  	_ =	shalt  }
0x78: {  	_ =	shalt  }
0x79: {  	_ =	shalt  }
0x7a: {  	_ =	shalt  }
0x7b: {  	_ =	shalt  }
0x7c: {  	_ =	shalt  }
0x7d: {  	_ =	shalt  }
0x7e: {  	_ =	shalt  }
0x7f: {  	_ =	shalt  }
0x80: {  	_ =	shalt  }
0x81: {  	_ =	shalt  }
0x82: {  	_ =	shalt  }
0x83: {  	_ =	shalt  }
0x84: {  	_ =	shalt  }
0x85: {  	_ =	shalt  }
0x86: {  	_ =	shalt  }
0x87: {  	_ =	shalt  }
.Lfunc_end0:
.L_simem_size_0:
called_computation_lowered:
.L_overlay_start_0:
0x88: {  	s2 =	sld [smem:$0x3FD9]  }
0x89: {  	s3 =	sld [smem:$0x3FFE];
	_ =	sdelay $0x1  }
0x8a: {  	s1 =	srdreg.scid  }
0x8b: {  	s0 =	sand.u32 $0x1, s1  }
0x8c: {  	s17 =	sshll.u32 s0, $0xA;
	s2 =	sadd.s32 s3, s2  }
0x8d: {  	s2 =	sadd.s32 s2, s17  }
0x8e: {  	[smem:$0x3FB3] =	sst s2  }
0x8f: {  	_ = 	snop  }
0x90: {  	s2 =	sld [smem:$0x3FC8];
	(tm) =	ssettm $0x1  }
0x91: {  	s18 =	sld [smem:$0x3FFB];
	_ =	sdelay $0x3  }
0x92: {  	_ =	strace s18  }
0x93: {  	s3 =	sld [smem:$0x3FFC];
	_ =	sdelay $0x3  }
0x94: {  	_ =	strace s3  }
0x95: {  	s3 =	sld [smem:$0x3FFD];
	_ =	sdelay $0x3  }
0x96: {  	_ =	strace s3  }
0x97: {  	_ =	strace $0x8FFFFFFF  }
0x98: {  	s19 =	sld [smem:$0x3FDB];
	_ =	sdelay $0x1  }
0x99: {  	s4 =	simm.s32 $_scs_section_size  }
0x9a: {  	s5 =	simm.s32 $_size__tile_overlayer_lowered;
	s6 =	simm.s32 $_tile_overlayer_lowered  }
0x9b: {  	s22 =	simm.s32 $0x1BFF;
	s21 =	sshll.u32 s6, $0x1;
	s3 =	sadd.s32 s4, s19  }
0x9c: {  	s7 =	simm.s32 $0x0;
	s20 =	sshll.u32 s5, $0x1;
	s5 =	sadd.s32 s21, s3  }
0x9d: {  	[timem:s7], [sflag:s22] =	dma.local [hbm:s5], s20  }
0x9e: {  	_ =	swait.ge [sflag:s22], s20  }
0x9f: {  	s4 =	ssub.s32 $0x0, s20;
	[sflag:s22] =	ssyncset.done $0x0  }
0xa0: {  	[sflag:s22] =	ssyncadd.s32 s4;
	_ =	sdelay $0x1  }
0xa1: {  	s23 =	simm.s32 $0x1B8B  }
0xa2: {  	_ =	swait.ge [sflag:s23], $0x1  }
0xa3: {  	[sflag:s23] =	ssyncset.done $0x0  }
0xa4: {  	s25 =	simm.s32 $0x1B8E;
	s24 =	sld [smem:$0x3FFE];
	[sflag:s23] =	ssyncadd.s32 $0xFFFFFFFF  }
0xa5: {  	s26 =	simm.s32 $execute0_lowered;
	[smem:$0x3FD2] =	sst s25  }
0xa6: {  	s5 =	sshll.u32 s26, $0x1;
	_ =	strace $0x80000046;
	[dreg:$0x1] =	wrdreg $0xFFFFFFFF  }
0xa7: {  	s28 =	simm.s32 $_size_execute0_lowered;
	s3 =	sadd.s32 s3, s5;
	[dreg:$0x0] =	wrdreg $0x0  }
0xa8: {  	s5 =	sshll.u32 s28, $0x1;
	[dreg:$0x2] =	wrdreg s3  }
0xa9: {  	[dreg:$0x3] =	wrdreg s5  }
0xaa: {  	[dreg:$0x4] =	wrdreg $0xC0  }
0xab: {  	_ =	task [dreg:s7], $0x5FFFF  }
0xac: {  	[dreg:$0x1] =	wrdreg $0xFFFFFFFF  }
0xad: {  	[dreg:$0x0] =	wrdreg $0x60  }
0xae: {  	[dreg:$0x2] =	wrdreg s24  }
0xaf: {  	[dreg:$0x3] =	wrdreg s2  }
0xb0: {  	[dreg:$0x4] =	wrdreg $0x8F000  }
0xb1: {  	[dreg:$0x5] =	wrdreg $0x9  }
0xb2: {  	_ =	task.clear_ibuf [dreg:s7], $0x6FFFF;
	_ =	strace $0x90000046  }
0xb3: {  	s29 =	simm.s32 $0x9;
	_ =	strace $0x80000048  }
0xb4: {  	_ =	swait.ge [sflag:s29], $0x1  }
0xb5: {  	[sflag:s29] =	ssyncadd.s32 $0xFFFFFFFF  }
0xb6: {  	_ =	strace $0x90000048  }
0xb7: {  	_ =	sfence  }
0xb8: {  	s30 =	sld [smem:$0x0];
	_ =	sdelay $0x2  }
0xb9: {  	s31 =	sshll.u32 s1, $0xD;
	s1 =	sshrl.u32 s1, $0x2  }
0xba: {  	s3 =	sand.u32 $0x4000, s31;
	s1 =	sadd.s32 s1, s30  }
0xbb: {  	s0 =	sor.u32 s3, s0;
	s1 =	sshll.u32 s1, $0x11  }
0xbc: {  	s0 =	sor.u32 s1, s0  }
0xbd: {  	s0 =	sadd.s32 $0x8F2B, s0  }
0xbe: {  	[sflag:s0] =	ssyncadd.remote.s32 $0x1  }
0xbf: {  	_ =	sfence.sel $0xFFFF  }
0xc0: {  	[dreg:$0x0] =	wrdreg $0xFFFFFFFF;
	(pc) =	sbr.abs _section_cstart, $3  }
0xc1: {  	[dreg:$0x1] =	wrdreg $0xFFFFFFFF  }
0xc2: {  	_ =	task.clear_ibuf [dreg:s7], $0x2FFFF;
	_ =	strace $0x9FFFFFFF  }
0xc3: {  	(tm) =	ssettm $0x7FFFFFFF  }
tec
execute0_lowered:
.L_overlay_start_1:
0x0: {  	(tag) =	ssettag $0x1  }
0x1: {  	s2 =	srdreg.scid;
	s6 =	stileid.u32  }
0x2: {  	s7 =	sand.u32 $0x1, s2;
	s3 =	sshll.u32 s6, $0x1  }
0x3: {  	s0 =	rddreg [dreg:$0x0];
	s31 =	smul.u32 $0x4E200, s6;
	s8 =	sor.u32 s7, s3  }
0x4: {  	s5 =	rddreg [dreg:$0x1];
	s9 =	smul.u32 $0x2710, s8  }
0x5: {  	s1 =	rddreg [dreg:$0x2];
	s28 =	simm.s32 $0x5;
	s10 =	smul.u32 $0x27100, s8  }
0x6: {  	s2 =	simm.s32 $0x0;
	s20 =	sadd.s32 $0x4FAA00, s0;
	s11 =	smul.u32 $0xA, s8  }
0x7: {  	s12 =	sadd.s32 $0x521C00, s0;
	s13 =	smul.u32 $0x500, s8;
	s14 =	sor.u32 $0x20, s8  }
0x8: {  	s4 =	sadd.s32 $0x4F0C00, s0;
	s18 =	sadd.s32 $0x2C000, s0;
	s15 =	smul.u32 $0xA, s14  }
0x9: {  	[smem:$0x7FF] =	sst s2;
	s17 =	sor.u32 $0x40, s8;
	s14 =	smul.u32 $0x500, s14  }
0xa: {  	_ =	strace $0x80000047;
	[dreg:$0x6] =	wrdreg s20;
	s20 =	smul.u32 $0xA, s17  }
0xb: {  	p2 =	sne.s32 s6, $0x0;
	s8 =	sor.u32 $0x60, s8;
	s21 =	smul.u32 $0x500, s17  }
0xc: {  	p3 =	seq.s32 s6, $0x0;
	s16 =	ssub.s32 $0x2, s7;
	s23 =	smul.u32 $0xA, s8  }
0xd: {  	p0 =	seq.s32 s7, $0x1;
	s19 =	sshrl.u32 s16, $0x1;
	s26 =	smul.u32 $0x500, s8  }
0xe: {  	s19 =	ssub.s32 s16, s19;
	s16 =	smul.u32 $0x27100, s7;
	s22 =	sadd.s32 s12, s10  }
0xf: {  	s7 =	smul.u32 $0x2710, s7;
	s24 =	sadd.s32 s5, s11;
	[dreg:$0x7] =	wrdreg s22  }
0x10: {  	p1 =	sgt.u32 s8, $0x7C;
	s25 =	sadd.s32 s18, s13;
	[dreg:$0x8] =	wrdreg s24  }
0x11: {  	s10 =	sadd.s32 $0x28, s9;
	[dreg:$0x9] =	wrdreg s25;
	s29 =	sadd.s32 s5, s15  }
0x12: {  	s11 =	smul.u32 $0x2700, s6;
	s30 =	sadd.s32 s18, s14;
	[dreg:$0xa] =	wrdreg s29  }
0x13: {  	s13 =	sshrl.u32 s9, $0x3;
	s14 =	sadd.s32 s5, s20;
	[dreg:$0xb] =	wrdreg s30  }
0x14: {  	s9 =	simm.s32 $0x280;
	s15 =	sadd.s32 s18, s21;
	[dreg:$0xc] =	wrdreg s14  }
0x15: {  	s17 =	sadd.s32 s5, s23;
	s18 =	sadd.s32 s18, s26;
	[dreg:$0xd] =	wrdreg s15  }
0x16: {  	s20 =	smul.u32 $0x4E20, s6;
	s21 =	sshll.u32 s10, $0x4;
	[dreg:$0xe] =	wrdreg s17  }
0x17: {  	s23 =	sadd.s32 s31, s12;
	s31 =	simm.s32 $0x3E80;
	[dreg:$0xf] =	wrdreg s18  }
0x18: {  	s24 =	sadd.s32 $0x4E00, s0;
	s25 =	smul.u32 $0x4E000, s6;
	[dreg:$0x5] =	wrdreg s31  }
0x19: {  	s26 =	sadd.s32 $0x53200, s0;
	s6 =	sshll.u32 s6, $0x6;
	[dreg:$0x11] =	wrdreg s24  }
0x1a: {  	s22 =	sadd.s32 s12, s21;
	s16 =	sadd.s32 s16, s23;
	[dreg:$0x12] =	wrdreg s26  }
0x1b: {  	s29 =	simm.s32 $0x180;
	s14 =	sadd.s32 $0x7A400, s0;
	[dreg:$0x10] =	wrdreg s22  }
0x1c: {  	s0 =	sadd.s32 $0x2BE00, s0;
	s15 =	sadd.s32 s4, s13;
	[dreg:$0x4] =	wrdreg s29  }
0x1d: {  	s17 =	sshrl.u32 s10, $0x3;
	s18 =	sadd.s32 s24, s11;
	[dreg:$0x16] =	wrdreg s0  }
0x1e: {  	s21 =	sadd.s32 s26, s11;
	s23 =	smax.u32 s19, $0x1;
	[dreg:$0x17] =	wrdreg s15  }
0x1f: {  	s31 =	sadd.s32 $0x138000, s1;
	s10 =	simm.s32 $0x80;
	[dreg:$0x19] =	wrdreg s18  }
0x20: {  	s12 =	simm.s32 $0x100;
	s13 =	simm.s32 $0x2A80;
	[dreg:$0x1a] =	wrdreg s21  }
0x21: {  	s5 =	sadd.s32 s7, s20;
	s30 =	sshrl.u32 s25, $0x2;
	[dreg:$0x15] =	wrdreg s14  }
0x22: {  	s0 =	sadd.s32 s4, s17;
	s22 =	sadd.s32 s14, s11;
	[dreg:$0x1c] =	wrdreg s23  }
0x23: {  	[smem:$0x7FD] =	sst s31;
	s11 =	simm.s32 $0x1680;
	s14 =	simm.s32 $0x1  }
0x24: {  	s18 =	simm.s32 $0x28;
	s15 =	simm.s32 $0x2;
	s21 =	simm.s32 $0x200  }
0x25: {  	s23 =	simm.s32 $0x3;
	s8 =	sadd.s32 s30, s1;
	[dreg:$0x18] =	wrdreg s0  }
0x26: {  	s20 =	sadd.s32 $0xF0, s5;
	[dreg:$0x1b] =	wrdreg s22;
	s24 =	sadd.s32 $0xC8, s5  }
0x27: {  	s25 =	sadd.s32 $0xA0, s5;
	s26 =	sadd.s32 $0x78, s5;
	s5 =	sadd.s32 $0x50, s5  }
0x28: {  	s22 =	simm.s32 $0x5280;
	[dreg:$0x13] =	wrdreg s8;
	s8 =	sor.u32 $0x1C0C, s6  }
0x29: {  	s0 =	sshrl.u32 s20, $0x3;
	[dreg:$0x1e] =	wrdreg s24;
	s6 =	sshrl.u32 s26, $0x3  }
.Ltmp0:
0x2a: {  	s0 =	sadd.s32 s0, s4;
	[dreg:$0x14] =	wrdreg s8;
	(pc) =	sbr.rel .LBB2_1-.Ltmp0, $4  }
0x2b: {  	s5 =	sshrl.u32 s5, $0x3;
	s29 =	sadd.s32 s6, s4;
	[dreg:$0x1d] =	wrdreg s0  }
0x2c: {  	s30 =	sadd.s32 s5, s4;
	s0 =	sshrl.u32 s25, $0x3;
	[smem:$0x7FB] =	sst s29  }
0x2d: {  	s24 =	simm.s32 $0x6;
	[smem:$0x7FC] =	sst s30;
	s0 =	sadd.s32 s0, s4  }
0x2e: {  	v0 =	vimm.s32 $0x0;
	s5 =	simm.s32 $0xC;
	s6 =	simm.s32 $0x0;
	[dreg:$0x1f] =	wrdreg s0  }
.LBB2_6:
0x2f: {  	s3 =	sld [smem:$0x7FD];
	_ =	sdelay $0x2  }
0x30: {  	s0 =	sadd.s32 $0x27000, s0;
	s3 =	sshrl.u32 s3, $0x3  }
0x31: {  	[hbm:s0], [sflag:s8] =	dma.local [spmem:s3], $0x100  }
0x32: {  	_ =	swait.ge [sflag:s5], $0x100  }
0x33: {  	[sflag:s5] =	ssyncset.done $0x0  }
0x34: {  	[sflag:s5] =	ssyncadd.s32 $0xFFFFFF00  }
.LBB2_7:
0x35: {  	s6 =	sadd.s32 $0x1, s6;
	s0 =	rddreg [dreg:$0x1c]  }
0x36: {  	p4 =	sne.s32 s6, s0  }
.Ltmp1:
0x37: {  	_ = 	snop;
	(pc) =	sbr.rel @!p4 .LBB2_8-.Ltmp1, $1  }
0x38: {  	_ =	sdelay $0x3  }
.LBB2_1:
0x39: {  	[smem:$0x7F9] =	sst s6  }
0x3a: {  	s0 =	rddreg [dreg:$0x13]  }
0x3b: {  	s20 =	rddreg [dreg:$0x19];
	s3 =	sshrl.u32 s0, $0x3  }
0x3c: {  	[smem:$0x7FA] =	sst s3  }
0x3d: {  	[spmem:s3], [sflag:s8] =	dma.local [hbm:s20], $0x2700  }
0x3e: {  	_ =	swait.ge [sflag:s5], $0x2700  }
0x3f: {  	s0 =	sld [smem:$0x7FD];
	_ =	sdelay $0x1  }
0x40: {  	[sflag:s5] =	ssyncset.done $0x0  }
0x41: {  	s3 =	rddreg [dreg:$0x16];
	[sflag:s5] =	ssyncadd.s32 $0xFFFFD900;
	s0 =	sshrl.u32 @!p2 s0, $0x3  }
0x42: {  	[spmem:s0], [sflag:s8] =	dma.local @!p2 [hbm:s3], $0x100  }
0x43: {  	s0 =	simm.s32 @!p2 $0xC  }
0x44: {  	_ =	swait.ge @!p2 [sflag:s0], $0x100  }
0x45: {  	[sflag:s0] =	ssyncset.done @!p2 $0x0  }
0x46: {  	[sflag:s0] =	ssyncadd.s32 @!p2 $0xFFFFFF00  }
0x47: {  	[bflag:$0x0] =	sbarrier.arrive $0xFFFF  }
0x48: {  	s6 =	simm.s32 $0x6680;
	s7 =	simm.s32 $0xD;
	s25 =	rddreg [dreg:$0x8]  }
0x49: {  	[tilespmem:s6], [sflag:$0xD] =	stream.linear.gather [hbm4b:s25+s2], $0x50, $0x38;
	[tilespmem:$0x1D000] =	vst v63  }
0x4a: {  	_ =	swait.ge [sflag:s7], $0x50  }
0x4b: {  	s17 =	simm.s32 $0x6700;
	s19 =	simm.s32 $0xB;
	[sflag:s7] =	ssyncset.done $0x0  }
0x4c: {  	s8 =	simm.s32 $0x50;
	s3 =	rddreg [dreg:$0x6];
	[sflag:s7] =	ssyncadd.s32 $0xFFFFFFB0  }
0x4d: {  	[tilespmem:s17], [sflag:$0xB] =	stream.indirect.gather [hbm4b:s3+s8], $0x80, s6, s8, $0xb8;
	[tilespmem:$0x1D000] =	vst v63  }
0x4e: {  	_ =	swait.ge [sflag:s19], $0x2800  }
0x4f: {  	[sflag:s19] =	ssyncset.done $0x0  }
0x50: {  	s26 =	rddreg [dreg:$0x9];
	[sflag:s19] =	ssyncadd.s32 $0xFFFFD800  }
0x51: {  	[hbm4b:s26+s2] =	stream.linear.scatter [tilespmem:s17], [sflag:$0xC], $0x2800, $0x38;
	[tilespmem:$0x1D000] =	vst v63  }
0x52: {  	_ =	swait.ge [sflag:s5], $0x2800  }
0x53: {  	[sflag:s5] =	ssyncset.done $0x0  }
0x54: {  	s20 =	rddreg [dreg:$0xa];
	[sflag:s5] =	ssyncadd.s32 $0xFFFFD800  }
0x55: {  	[tilespmem:s6], [sflag:$0xD] =	stream.linear.gather [hbm4b:s20+s2], $0x50, $0x38;
	[tilespmem:$0x1D000] =	vst v63  }
0x56: {  	_ =	swait.ge [sflag:s7], $0x50  }
0x57: {  	[sflag:s7] =	ssyncset.done $0x0  }
0x58: {  	[sflag:s7] =	ssyncadd.s32 $0xFFFFFFB0  }
0x59: {  	[tilespmem:s17], [sflag:$0xB] =	stream.indirect.gather [hbm4b:s3+s8], $0x80, s6, s8, $0xb8;
	[tilespmem:$0x1D000] =	vst v63  }
0x5a: {  	_ =	swait.ge [sflag:s19], $0x2800  }
0x5b: {  	[sflag:s19] =	ssyncset.done $0x0  }
0x5c: {  	s25 =	rddreg [dreg:$0xb];
	[sflag:s19] =	ssyncadd.s32 $0xFFFFD800  }
0x5d: {  	[hbm4b:s25+s2] =	stream.linear.scatter [tilespmem:s17], [sflag:$0xC], $0x2800, $0x38;
	[tilespmem:$0x1D000] =	vst v63  }
0x5e: {  	_ =	swait.ge [sflag:s5], $0x2800  }
0x5f: {  	[sflag:s5] =	ssyncset.done $0x0  }
0x60: {  	s26 =	rddreg [dreg:$0xc];
	[sflag:s5] =	ssyncadd.s32 $0xFFFFD800  }
0x61: {  	[tilespmem:s6], [sflag:$0xD] =	stream.linear.gather [hbm4b:s26+s2], $0x50, $0x38;
	[tilespmem:$0x1D000] =	vst v63  }
0x62: {  	_ =	swait.ge [sflag:s7], $0x50  }
0x63: {  	[sflag:s7] =	ssyncset.done $0x0  }
0x64: {  	[sflag:s7] =	ssyncadd.s32 $0xFFFFFFB0  }
0x65: {  	[tilespmem:s17], [sflag:$0xB] =	stream.indirect.gather [hbm4b:s3+s8], $0x80, s6, s8, $0xb8;
	[tilespmem:$0x1D000] =	vst v63  }
0x66: {  	_ =	swait.ge [sflag:s19], $0x2800  }
0x67: {  	[sflag:s19] =	ssyncset.done $0x0  }
0x68: {  	s6 =	rddreg [dreg:$0xd];
	[sflag:s19] =	ssyncadd.s32 $0xFFFFD800  }
0x69: {  	[hbm4b:s6+s2] =	stream.linear.scatter [tilespmem:s17], [sflag:$0xC], $0x2800, $0x38;
	[tilespmem:$0x1D000] =	vst v63  }
0x6a: {  	_ =	swait.ge [sflag:s5], $0x2800  }
0x6b: {  	s0 =	simm.s32 @!p1 $0x0;
	s7 =	simm.s32 @!p1 $0x6680;
	[sflag:s5] =	ssyncset.done $0x0  }
0x6c: {  	s19 =	simm.s32 @!p1 $0xD;
	[sflag:s5] =	ssyncadd.s32 $0xFFFFD800;
	s5 =	rddreg [dreg:$0xe]  }
0x6d: {  	[tilespmem:s7], [sflag:$0xD] =	stream.linear.gather @!p1 [hbm4b:s5+s0], $0x50, $0x38;
	[tilespmem:$0x1D000] =	vst v63  }
0x6e: {  	_ =	swait.ge @!p1 [sflag:s19], $0x50  }
0x6f: {  	[sflag:s19] =	ssyncset.done @!p1 $0x0  }
0x70: {  	s20 =	simm.s32 @!p1 $0x6700;
	[sflag:s19] =	ssyncadd.s32 @!p1 $0xFFFFFFB0;
	s19 =	simm.s32 @!p1 $0x50  }
0x71: {  	[tilespmem:s20], [sflag:$0xB] =	stream.indirect.gather @!p1 [hbm4b:s3+s19], $0x80, s7, s19, $0xb8;
	[tilespmem:$0x1D000] =	vst v63  }
0x72: {  	s7 =	simm.s32 @!p1 $0xB  }
0x73: {  	_ =	swait.ge @!p1 [sflag:s7], $0x2800  }
0x74: {  	[sflag:s7] =	ssyncset.done @!p1 $0x0  }
0x75: {  	s3 =	rddreg [dreg:$0xf];
	[sflag:s7] =	ssyncadd.s32 @!p1 $0xFFFFD800  }
0x76: {  	[hbm4b:s3+s0] =	stream.linear.scatter @!p1 [tilespmem:s20], [sflag:$0xC], $0x2800, $0x38;
	[tilespmem:$0x1D000] =	vst v63  }
0x77: {  	s0 =	simm.s32 @!p1 $0xC  }
0x78: {  	_ =	swait.ge @!p1 [sflag:s0], $0x2800  }
0x79: {  	[sflag:s0] =	ssyncset.done @!p1 $0x0  }
0x7a: {  	s7 =	rddreg [dreg:$0x17];
	[sflag:s0] =	ssyncadd.s32 @!p1 $0xFFFFD800  }
0x7b: {  	[tilespmem:s2], [sflag:$0x1] =	stream.linear.gather [hbm4b:s7+s2], $0x28, $0x38;
	[tilespmem:$0x1D000] =	vst v63  }
0x7c: {  	s8 =	rddreg [dreg:$0x7]  }
0x7d: {  	[tilespmem:s9], [sflag:$0x1] =	stream.linear.gather [hbm4b:s8+s2], $0x1400, $0x38;
	[tilespmem:$0x1D000] =	vst v63  }
0x7e: {  	p4 =	por $0x1, $0x1;
	s17 =	rddreg [dreg:$0x18]  }
0x7f: {  	[tilespmem:s10], [sflag:$0x2] =	stream.linear.gather [hbm4b:s17+s2], $0x28, $0x38;
	[tilespmem:$0x1D000] =	vst v63  }
0x80: {  	s19 =	rddreg [dreg:$0x10];
	s0 =	simm.s32 @!p4 $0x8  }
0x81: {  	[tilespmem:s11], [sflag:$0x2] =	stream.linear.gather [hbm4b:s19+s2], $0x1400, $0x38;
	[tilespmem:$0x1D000] =	vst v63  }
0x82: {  	_ =	swait.ge @!p4 [sflag:s0], $0x1400  }
0x83: {  	s17 =	sld [smem:$0x7FC]  }
0x84: {  	[sflag:s0] =	ssyncset.done @!p4 $0x0  }
0x85: {  	s20 =	sadd.s32 $0x0, s16;
	[sflag:s0] =	ssyncadd.s32 @!p4 $0xFFFFEC00  }
0x86: {  	[tilespmem:s12], [sflag:$0x3] =	stream.linear.gather [hbm4b:s17+s2], $0x28, $0x38;
	[tilespmem:$0x1D000] =	vst v63  }
0x87: {  	s26 =	sadd.s32 $0x500, s20  }
0x88: {  	[tilespmem:s13], [sflag:$0x3] =	stream.linear.gather [hbm4b:s26+s2], $0x1400, $0x38;
	[tilespmem:$0x1D000] =	vst v63  }
0x89: {  	_ =	swait.ge [sflag:s14], $0x28  }
0x8a: {  	[sflag:s14] =	ssyncset.done $0x0  }
0x8b: {  	[sflag:s14] =	ssyncadd.s32 $0xFFFFFFD8  }
0x8c: {  	_ =	swait.ge [sflag:s14], $0x1400  }
0x8d: {  	[sflag:s14] =	ssyncset.done $0x0  }
0x8e: {  	s7 =	simm.s32 @!p4 $0x9;
	[sflag:s14] =	ssyncadd.s32 $0xFFFFEC00  }
0x8f: {  	[spmem:s1] =	stream.indirect.scatter.add.f32 [tilespmem:s9], [sflag:$0x6], $0x80, s2, s18, $0xb8;
	[tilespmem:$0x1D000] =	vst v63  }
0x90: {  	_ =	swait.ge @!p4 [sflag:s7], $0x1400  }
0x91: {  	s6 =	sld [smem:$0x7FB]  }
0x92: {  	[sflag:s7] =	ssyncset.done @!p4 $0x0  }
0x93: {  	s3 =	rddreg [dreg:$0x4];
	[sflag:s7] =	ssyncadd.s32 @!p4 $0xFFFFEC00  }
0x94: {  	[tilespmem:s3], [sflag:$0x4] =	stream.linear.gather [hbm4b:s6+s2], $0x28, $0x38;
	[tilespmem:$0x1D000] =	vst v63  }
0x95: {  	s25 =	sadd.s32 $0x780, s20;
	s5 =	rddreg [dreg:$0x5]  }
0x96: {  	[tilespmem:s5], [sflag:$0x4] =	stream.linear.gather [hbm4b:s25+s2], $0x1400, $0x38;
	[tilespmem:$0x1D000] =	vst v63  }
0x97: {  	_ =	swait.ge [sflag:s15], $0x28  }
0x98: {  	[sflag:s15] =	ssyncset.done $0x0  }
0x99: {  	[sflag:s15] =	ssyncadd.s32 $0xFFFFFFD8  }
0x9a: {  	_ =	swait.ge [sflag:s15], $0x1400  }
0x9b: {  	[sflag:s15] =	ssyncset.done $0x0  }
0x9c: {  	s7 =	simm.s32 @!p4 $0xA;
	[sflag:s15] =	ssyncadd.s32 $0xFFFFEC00  }
0x9d: {  	[spmem:s1] =	stream.indirect.scatter.add.f32 [tilespmem:s11], [sflag:$0x7], $0x80, s10, s18, $0xb8;
	[tilespmem:$0x1D000] =	vst v63  }
0x9e: {  	_ =	swait.ge @!p4 [sflag:s7], $0x1400  }
0x9f: {  	[sflag:s7] =	ssyncset.done @!p4 $0x0  }
0xa0: {  	s26 =	rddreg [dreg:$0x1f];
	[sflag:s7] =	ssyncadd.s32 @!p4 $0xFFFFEC00  }
0xa1: {  	[tilespmem:s21], [sflag:$0x5] =	stream.linear.gather [hbm4b:s26+s2], $0x28, $0x38;
	[tilespmem:$0x1D000] =	vst v63  }
0xa2: {  	s0 =	sadd.s32 $0xA00, s20  }
0xa3: {  	[tilespmem:s22], [sflag:$0x5] =	stream.linear.gather [hbm4b:s0+s2], $0x1400, $0x38;
	[tilespmem:$0x1D000] =	vst v63  }
0xa4: {  	_ =	swait.ge [sflag:s23], $0x28  }
0xa5: {  	[sflag:s23] =	ssyncset.done $0x0  }
0xa6: {  	[sflag:s23] =	ssyncadd.s32 $0xFFFFFFD8  }
0xa7: {  	_ =	swait.ge [sflag:s23], $0x1400  }
0xa8: {  	[sflag:s23] =	ssyncset.done $0x0  }
0xa9: {  	[sflag:s23] =	ssyncadd.s32 $0xFFFFEC00  }
0xaa: {  	[spmem:s1] =	stream.indirect.scatter.add.f32 [tilespmem:s13], [sflag:$0x8], $0x80, s12, s18, $0xb8;
	[tilespmem:$0x1D000] =	vst v63  }
0xab: {  	_ =	swait.ge [sflag:s24], $0x1400  }
0xac: {  	p4 =	por $0x0, $0x0;
	[sflag:s24] =	ssyncset.done $0x0  }
0xad: {  	s0 =	simm.s32 @p4 $0x4;
	[sflag:s24] =	ssyncadd.s32 $0xFFFFEC00  }
0xae: {  	_ =	swait.ge @p4 [sflag:s0], $0x28  }
0xaf: {  	[sflag:s0] =	ssyncset.done @p4 $0x0  }
0xb0: {  	[sflag:s0] =	ssyncadd.s32 @p4 $0xFFFFFFD8  }
0xb1: {  	_ =	swait.ge @p4 [sflag:s0], $0x1400  }
0xb2: {  	s7 =	simm.s32 @p4 $0x3E80;
	s19 =	simm.s32 @p4 $0x7;
	[sflag:s0] =	ssyncset.done @p4 $0x0  }
0xb3: {  	s20 =	simm.s32 @p4 $0x180;
	[sflag:s0] =	ssyncadd.s32 @p4 $0xFFFFEC00;
	s0 =	simm.s32 @p4 $0x28  }
0xb4: {  	[spmem:s1] =	stream.indirect.scatter.add.f32 @p4 [tilespmem:s7], [sflag:$0x9], $0x80, s20, s0, $0xb8;
	[tilespmem:$0x1D000] =	vst v63  }
0xb5: {  	s5 =	rddreg [dreg:$0x1e];
	_ =	swait.ge @p4 [sflag:s19], $0x1400  }
0xb6: {  	s0 =	sshrl.u32 @!p4 s5, $0x3;
	s7 =	sadd.s32 @!p4 $0x0, s16;
	[sflag:s19] =	ssyncset.done @p4 $0x0  }
0xb7: {  	s0 =	sadd.s32 @!p4 s4, s0;
	[sflag:s19] =	ssyncadd.s32 @p4 $0xFFFFEC00;
	s19 =	simm.s32 @!p4 $0x0  }
0xb8: {  	[tilespmem:s19], [sflag:$0x1] =	stream.linear.gather @!p4 [hbm4b:s0+s19], $0x28, $0x38;
	[tilespmem:$0x1D000] =	vst v63  }
0xb9: {  	s25 =	simm.s32 @!p4 $0x4;
	s20 =	simm.s32 @!p4 $0x280;
	s0 =	sadd.s32 @!p4 $0xC80, s7  }
0xba: {  	[tilespmem:s20], [sflag:$0x1] =	stream.linear.gather @!p4 [hbm4b:s0+s19], $0x1400, $0x38;
	[tilespmem:$0x1D000] =	vst v63  }
0xbb: {  	_ =	swait.ge @!p4 [sflag:s25], $0x28  }
0xbc: {  	[sflag:s25] =	ssyncset.done @!p4 $0x0  }
0xbd: {  	[sflag:s25] =	ssyncadd.s32 @!p4 $0xFFFFFFD8  }
0xbe: {  	_ =	swait.ge @!p4 [sflag:s25], $0x1400  }
0xbf: {  	s29 =	simm.s32 @!p4 $0x180;
	s0 =	simm.s32 @!p4 $0x3E80;
	[sflag:s25] =	ssyncset.done @!p4 $0x0  }
0xc0: {  	s20 =	simm.s32 @!p4 $0x7;
	[sflag:s25] =	ssyncadd.s32 @!p4 $0xFFFFEC00;
	s25 =	simm.s32 @!p4 $0x28  }
0xc1: {  	[spmem:s1] =	stream.indirect.scatter.add.f32 @!p4 [tilespmem:s0], [sflag:$0x9], $0x80, s29, s25, $0xb8;
	[tilespmem:$0x1D000] =	vst v63  }
0xc2: {  	_ =	swait.ge @!p4 [sflag:s20], $0x1400  }
0xc3: {  	[sflag:s20] =	ssyncset.done @!p4 $0x0  }
0xc4: {  	s0 =	simm.s32 @!p4 $0x80;
	s3 =	rddreg [dreg:$0x1d];
	[sflag:s20] =	ssyncadd.s32 @!p4 $0xFFFFEC00  }
0xc5: {  	[tilespmem:s0], [sflag:$0x2] =	stream.linear.gather @!p4 [hbm4b:s3+s19], $0x28, $0x38;
	[tilespmem:$0x1D000] =	vst v63  }
0xc6: {  	s0 =	sadd.s32 @!p4 $0xF00, s7;
	s7 =	simm.s32 @!p4 $0x1680  }
0xc7: {  	[tilespmem:s7], [sflag:$0x2] =	stream.linear.gather @!p4 [hbm4b:s0+s19], $0x1400, $0x38;
	[tilespmem:$0x1D000] =	vst v63  }
0xc8: {  	_ =	swait.ge [sflag:s28], $0x28  }
0xc9: {  	s30 =	simm.s32 $0xC80;
	p5 =	por $0x0, $0x0;
	[sflag:s28] =	ssyncset.done $0x0  }
0xca: {  	s31 =	sadd.s32 $0xC8, s5;
	s25 =	sadd.s32 $0x19, s6;
	[sflag:s28] =	ssyncadd.s32 $0xFFFFFFD8  }
0xcb: {  	s20 =	sadd.s32 $0x19, s17;
	s29 =	sadd.s32 $0x19, s3;
	_ =	swait.ge [sflag:s28], $0x1400  }
0xcc: {  	s7 =	simm.s32 $0x1900;
	s0 =	sadd.s32 $0x19, s26;
	[sflag:s28] =	ssyncset.done $0x0  }
.LBB2_2:
0xcd: {  	s26 =	simm.s32 @!p5 $0x8;
	[sflag:s28] =	ssyncadd.s32 $0xFFFFEC00  }
0xce: {  	[spmem:s1] =	stream.indirect.scatter.add.f32 [tilespmem:s22], [sflag:$0xA], $0x80, s21, s18, $0xb8;
	[tilespmem:$0x1D000] =	vst v63  }
0xcf: {  	_ =	swait.ge @!p5 [sflag:s26], $0x1400  }
0xd0: {  	[sflag:s26] =	ssyncset.done @!p5 $0x0  }
0xd1: {  	s6 =	sadd.s32 s30, s16;
	[sflag:s26] =	ssyncadd.s32 @!p5 $0xFFFFEC00  }
0xd2: {  	[tilespmem:s12], [sflag:$0x3] =	stream.linear.gather [hbm4b:s20+s2], $0x28, $0x38;
	[tilespmem:$0x1D000] =	vst v63  }
0xd3: {  	s3 =	sadd.s32 $0x500, s6  }
0xd4: {  	[tilespmem:s13], [sflag:$0x3] =	stream.linear.gather [hbm4b:s3+s2], $0x1400, $0x38;
	[tilespmem:$0x1D000] =	vst v63  }
0xd5: {  	_ =	swait.ge [sflag:s14], $0x28  }
0xd6: {  	[sflag:s14] =	ssyncset.done $0x0  }
0xd7: {  	[sflag:s14] =	ssyncadd.s32 $0xFFFFFFD8  }
0xd8: {  	_ =	swait.ge [sflag:s14], $0x1400  }
0xd9: {  	[sflag:s14] =	ssyncset.done $0x0  }
0xda: {  	s3 =	simm.s32 @!p5 $0x9;
	[sflag:s14] =	ssyncadd.s32 $0xFFFFEC00  }
0xdb: {  	[spmem:s1] =	stream.indirect.scatter.add.f32 [tilespmem:s9], [sflag:$0x6], $0x80, s2, s18, $0xb8;
	[tilespmem:$0x1D000] =	vst v63  }
0xdc: {  	_ =	swait.ge @!p5 [sflag:s3], $0x1400  }
0xdd: {  	[sflag:s3] =	ssyncset.done @!p5 $0x0  }
0xde: {  	s5 =	rddreg [dreg:$0x4];
	[sflag:s3] =	ssyncadd.s32 @!p5 $0xFFFFEC00  }
0xdf: {  	[tilespmem:s5], [sflag:$0x4] =	stream.linear.gather [hbm4b:s25+s2], $0x28, $0x38;
	[tilespmem:$0x1D000] =	vst v63  }
0xe0: {  	s17 =	sadd.s32 $0x780, s6;
	s8 =	rddreg [dreg:$0x5]  }
0xe1: {  	[tilespmem:s8], [sflag:$0x4] =	stream.linear.gather [hbm4b:s17+s2], $0x1400, $0x38;
	[tilespmem:$0x1D000] =	vst v63  }
0xe2: {  	_ =	swait.ge [sflag:s15], $0x28  }
0xe3: {  	[sflag:s15] =	ssyncset.done $0x0  }
0xe4: {  	[sflag:s15] =	ssyncadd.s32 $0xFFFFFFD8  }
0xe5: {  	_ =	swait.ge [sflag:s15], $0x1400  }
0xe6: {  	[sflag:s15] =	ssyncset.done $0x0  }
0xe7: {  	s3 =	simm.s32 @!p5 $0xA;
	[sflag:s15] =	ssyncadd.s32 $0xFFFFEC00  }
0xe8: {  	[spmem:s1] =	stream.indirect.scatter.add.f32 [tilespmem:s11], [sflag:$0x7], $0x80, s10, s18, $0xb8;
	[tilespmem:$0x1D000] =	vst v63  }
0xe9: {  	_ =	swait.ge @!p5 [sflag:s3], $0x1400  }
0xea: {  	[sflag:s3] =	ssyncset.done @!p5 $0x0  }
0xeb: {  	[sflag:s3] =	ssyncadd.s32 @!p5 $0xFFFFEC00  }
0xec: {  	[tilespmem:s21], [sflag:$0x5] =	stream.linear.gather [hbm4b:s0+s2], $0x28, $0x38;
	[tilespmem:$0x1D000] =	vst v63  }
0xed: {  	s26 =	sadd.s32 $0xA00, s6  }
0xee: {  	[tilespmem:s22], [sflag:$0x5] =	stream.linear.gather [hbm4b:s26+s2], $0x1400, $0x38;
	[tilespmem:$0x1D000] =	vst v63  }
0xef: {  	_ =	swait.ge [sflag:s23], $0x28  }
0xf0: {  	[sflag:s23] =	ssyncset.done $0x0  }
0xf1: {  	[sflag:s23] =	ssyncadd.s32 $0xFFFFFFD8  }
0xf2: {  	_ =	swait.ge [sflag:s23], $0x1400  }
0xf3: {  	[sflag:s23] =	ssyncset.done $0x0  }
0xf4: {  	[sflag:s23] =	ssyncadd.s32 $0xFFFFEC00  }
0xf5: {  	[spmem:s1] =	stream.indirect.scatter.add.f32 [tilespmem:s13], [sflag:$0x8], $0x80, s12, s18, $0xb8;
	[tilespmem:$0x1D000] =	vst v63  }
0xf6: {  	_ =	swait.ge [sflag:s24], $0x1400  }
0xf7: {  	p5 =	seq.s32 s30, $0x26480;
	[sflag:s24] =	ssyncset.done $0x0  }
0xf8: {  	s3 =	simm.s32 @p5 $0x4;
	[sflag:s24] =	ssyncadd.s32 $0xFFFFEC00  }
0xf9: {  	_ =	swait.ge @p5 [sflag:s3], $0x28  }
0xfa: {  	[sflag:s3] =	ssyncset.done @p5 $0x0  }
0xfb: {  	s19 =	smov.u32 s7;
	[sflag:s3] =	ssyncadd.s32 @p5 $0xFFFFFFD8  }
0xfc: {  	s6 =	simm.s32 @p5 $0x7;
	s17 =	simm.s32 @p5 $0x180;
	_ =	swait.ge @p5 [sflag:s3], $0x1400  }
0xfd: {  	s26 =	sadd.s32 @!p5 s30, s16;
	s30 =	smov.u32 s19;
	[sflag:s3] =	ssyncset.done @p5 $0x0  }
0xfe: {  	s19 =	simm.s32 @p5 $0x3E80;
	[sflag:s3] =	ssyncadd.s32 @p5 $0xFFFFEC00;
	s3 =	simm.s32 @p5 $0x28  }
0xff: {  	[spmem:s1] =	stream.indirect.scatter.add.f32 @p5 [tilespmem:s19], [sflag:$0x9], $0x80, s17, s3, $0xb8;
	[tilespmem:$0x1D000] =	vst v63  }
0x100: {  	_ =	swait.ge @p5 [sflag:s6], $0x1400  }
0x101: {  	s5 =	sshrl.u32 @!p5 s31, $0x3;
	[sflag:s6] =	ssyncset.done @p5 $0x0  }
0x102: {  	s5 =	sadd.s32 @!p5 s4, s5;
	s3 =	simm.s32 @!p5 $0x0;
	[sflag:s6] =	ssyncadd.s32 @p5 $0xFFFFEC00  }
0x103: {  	[tilespmem:s3], [sflag:$0x1] =	stream.linear.gather @!p5 [hbm4b:s5+s3], $0x28, $0x38;
	[tilespmem:$0x1D000] =	vst v63  }
0x104: {  	s8 =	sadd.s32 @!p5 $0xC80, s26;
	s6 =	simm.s32 @!p5 $0x4;
	s5 =	simm.s32 @!p5 $0x280  }
0x105: {  	[tilespmem:s5], [sflag:$0x1] =	stream.linear.gather @!p5 [hbm4b:s8+s3], $0x1400, $0x38;
	[tilespmem:$0x1D000] =	vst v63  }
0x106: {  	_ =	swait.ge @!p5 [sflag:s6], $0x28  }
0x107: {  	[sflag:s6] =	ssyncset.done @!p5 $0x0  }
0x108: {  	[sflag:s6] =	ssyncadd.s32 @!p5 $0xFFFFFFD8  }
0x109: {  	_ =	swait.ge @!p5 [sflag:s6], $0x1400  }
0x10a: {  	s17 =	simm.s32 @!p5 $0x180;
	s5 =	simm.s32 @!p5 $0x3E80;
	[sflag:s6] =	ssyncset.done @!p5 $0x0  }
0x10b: {  	s8 =	simm.s32 @!p5 $0x7;
	[sflag:s6] =	ssyncadd.s32 @!p5 $0xFFFFEC00;
	s6 =	simm.s32 @!p5 $0x28  }
0x10c: {  	[spmem:s1] =	stream.indirect.scatter.add.f32 @!p5 [tilespmem:s5], [sflag:$0x9], $0x80, s17, s6, $0xb8;
	[tilespmem:$0x1D000] =	vst v63  }
0x10d: {  	_ =	swait.ge @!p5 [sflag:s8], $0x1400  }
0x10e: {  	[sflag:s8] =	ssyncset.done @!p5 $0x0  }
0x10f: {  	s7 =	sadd.s32 $0xC80, s7;
	s5 =	simm.s32 @!p5 $0x80;
	[sflag:s8] =	ssyncadd.s32 @!p5 $0xFFFFEC00  }
0x110: {  	[tilespmem:s5], [sflag:$0x2] =	stream.linear.gather @!p5 [hbm4b:s29+s3], $0x28, $0x38;
	[tilespmem:$0x1D000] =	vst v63  }
0x111: {  	p4 =	sne.s32 s7, $0x27100;
	s26 =	sadd.s32 @!p5 $0xF00, s26;
	s5 =	simm.s32 @!p5 $0x1680  }
0x112: {  	[tilespmem:s5], [sflag:$0x2] =	stream.linear.gather @!p5 [hbm4b:s26+s3], $0x1400, $0x38;
	[tilespmem:$0x1D000] =	vst v63  }
.Ltmp2:
0x113: {  	_ =	swait.ge [sflag:s28], $0x28;
	(pc) =	sbr.rel @p4 .LBB2_2-.Ltmp2, $4  }
0x114: {  	[sflag:s28] =	ssyncset.done $0x0  }
0x115: {  	s20 =	sadd.s32 $0x19, s20;
	s25 =	sadd.s32 $0x19, s25;
	[sflag:s28] =	ssyncadd.s32 $0xFFFFFFD8  }
0x116: {  	s31 =	sadd.s32 $0xC8, s31;
	s0 =	sadd.s32 $0x19, s0;
	_ =	swait.ge [sflag:s28], $0x1400  }
0x117: {  	s29 =	sadd.s32 $0x19, s29;
	p5 =	seq.s32 s30, $0x0;
	[sflag:s28] =	ssyncset.done $0x0  }
0x118: {  	s3 =	simm.s32 @!p5 $0x8;
	[sflag:s28] =	ssyncadd.s32 $0xFFFFEC00  }
0x119: {  	[spmem:s1] =	stream.indirect.scatter.add.f32 [tilespmem:s22], [sflag:$0xA], $0x80, s21, s18, $0xb8;
	[tilespmem:$0x1D000] =	vst v63  }
0x11a: {  	_ =	swait.ge @!p5 [sflag:s3], $0x1400  }
0x11b: {  	[sflag:s3] =	ssyncset.done @!p5 $0x0  }
0x11c: {  	s26 =	sadd.s32 s30, s16;
	[sflag:s3] =	ssyncadd.s32 @!p5 $0xFFFFEC00  }
0x11d: {  	[tilespmem:s12], [sflag:$0x3] =	stream.linear.gather [hbm4b:s20+s2], $0x28, $0x38;
	[tilespmem:$0x1D000] =	vst v63  }
0x11e: {  	s5 =	sadd.s32 $0x500, s26  }
0x11f: {  	[tilespmem:s13], [sflag:$0x3] =	stream.linear.gather [hbm4b:s5+s2], $0x1400, $0x38;
	[tilespmem:$0x1D000] =	vst v63  }
0x120: {  	_ =	swait.ge [sflag:s14], $0x28  }
0x121: {  	[sflag:s14] =	ssyncset.done $0x0  }
0x122: {  	[sflag:s14] =	ssyncadd.s32 $0xFFFFFFD8  }
0x123: {  	_ =	swait.ge [sflag:s14], $0x1400  }
0x124: {  	[sflag:s14] =	ssyncset.done $0x0  }
0x125: {  	s5 =	simm.s32 @!p5 $0x9;
	[sflag:s14] =	ssyncadd.s32 $0xFFFFEC00  }
0x126: {  	[spmem:s1] =	stream.indirect.scatter.add.f32 [tilespmem:s9], [sflag:$0x6], $0x80, s2, s18, $0xb8;
	[tilespmem:$0x1D000] =	vst v63  }
0x127: {  	_ =	swait.ge @!p5 [sflag:s5], $0x1400  }
0x128: {  	[sflag:s5] =	ssyncset.done @!p5 $0x0  }
0x129: {  	s6 =	rddreg [dreg:$0x4];
	[sflag:s5] =	ssyncadd.s32 @!p5 $0xFFFFEC00  }
0x12a: {  	[tilespmem:s6], [sflag:$0x4] =	stream.linear.gather [hbm4b:s25+s2], $0x28, $0x38;
	[tilespmem:$0x1D000] =	vst v63  }
0x12b: {  	s8 =	sadd.s32 $0x780, s26;
	s7 =	rddreg [dreg:$0x5]  }
0x12c: {  	[tilespmem:s7], [sflag:$0x4] =	stream.linear.gather [hbm4b:s8+s2], $0x1400, $0x38;
	[tilespmem:$0x1D000] =	vst v63  }
0x12d: {  	_ =	swait.ge [sflag:s15], $0x28  }
0x12e: {  	[sflag:s15] =	ssyncset.done $0x0  }
0x12f: {  	[sflag:s15] =	ssyncadd.s32 $0xFFFFFFD8  }
0x130: {  	_ =	swait.ge [sflag:s15], $0x1400  }
0x131: {  	[sflag:s15] =	ssyncset.done $0x0  }
0x132: {  	s5 =	simm.s32 @!p5 $0xA;
	[sflag:s15] =	ssyncadd.s32 $0xFFFFEC00  }
0x133: {  	[spmem:s1] =	stream.indirect.scatter.add.f32 [tilespmem:s11], [sflag:$0x7], $0x80, s10, s18, $0xb8;
	[tilespmem:$0x1D000] =	vst v63  }
0x134: {  	_ =	swait.ge @!p5 [sflag:s5], $0x1400  }
0x135: {  	[sflag:s5] =	ssyncset.done @!p5 $0x0  }
0x136: {  	[sflag:s5] =	ssyncadd.s32 @!p5 $0xFFFFEC00  }
0x137: {  	[tilespmem:s21], [sflag:$0x5] =	stream.linear.gather [hbm4b:s0+s2], $0x28, $0x38;
	[tilespmem:$0x1D000] =	vst v63  }
0x138: {  	s17 =	sadd.s32 $0xA00, s26  }
0x139: {  	[tilespmem:s22], [sflag:$0x5] =	stream.linear.gather [hbm4b:s17+s2], $0x1400, $0x38;
	[tilespmem:$0x1D000] =	vst v63  }
0x13a: {  	_ =	swait.ge [sflag:s23], $0x28  }
0x13b: {  	[sflag:s23] =	ssyncset.done $0x0  }
0x13c: {  	[sflag:s23] =	ssyncadd.s32 $0xFFFFFFD8  }
0x13d: {  	_ =	swait.ge [sflag:s23], $0x1400  }
0x13e: {  	[sflag:s23] =	ssyncset.done $0x0  }
0x13f: {  	[sflag:s23] =	ssyncadd.s32 $0xFFFFEC00  }
0x140: {  	[spmem:s1] =	stream.indirect.scatter.add.f32 [tilespmem:s13], [sflag:$0x8], $0x80, s12, s18, $0xb8;
	[tilespmem:$0x1D000] =	vst v63  }
0x141: {  	_ =	swait.ge [sflag:s24], $0x1400  }
0x142: {  	p4 =	seq.s32 s30, $0x26480;
	[sflag:s24] =	ssyncset.done $0x0  }
0x143: {  	s0 =	simm.s32 @p4 $0x4;
	[sflag:s24] =	ssyncadd.s32 $0xFFFFEC00  }
0x144: {  	_ =	swait.ge @p4 [sflag:s0], $0x28  }
0x145: {  	[sflag:s0] =	ssyncset.done @p4 $0x0  }
0x146: {  	[sflag:s0] =	ssyncadd.s32 @p4 $0xFFFFFFD8  }
0x147: {  	_ =	swait.ge @p4 [sflag:s0], $0x1400  }
0x148: {  	s3 =	simm.s32 @p4 $0x3E80;
	[sflag:s0] =	ssyncset.done @p4 $0x0  }
0x149: {  	s5 =	simm.s32 @p4 $0x180;
	[sflag:s0] =	ssyncadd.s32 @p4 $0xFFFFEC00;
	s0 =	simm.s32 @p4 $0x28  }
0x14a: {  	[spmem:s1] =	stream.indirect.scatter.add.f32 @p4 [tilespmem:s3], [sflag:$0x9], $0x80, s5, s0, $0xb8;
	[tilespmem:$0x1D000] =	vst v63  }
0x14b: {  	s0 =	simm.s32 @p4 $0x7  }
0x14c: {  	_ =	swait.ge @p4 [sflag:s0], $0x1400  }
0x14d: {  	s3 =	sshrl.u32 @!p4 s31, $0x3;
	s5 =	sadd.s32 @!p4 s30, s16;
	[sflag:s0] =	ssyncset.done @p4 $0x0  }
0x14e: {  	s3 =	sadd.s32 @!p4 s4, s3;
	[sflag:s0] =	ssyncadd.s32 @p4 $0xFFFFEC00;
	s0 =	simm.s32 @!p4 $0x0  }
0x14f: {  	[tilespmem:s0], [sflag:$0x1] =	stream.linear.gather @!p4 [hbm4b:s3+s0], $0x28, $0x38;
	[tilespmem:$0x1D000] =	vst v63  }
0x150: {  	s6 =	simm.s32 @!p4 $0x280;
	s7 =	simm.s32 @!p4 $0x4;
	s3 =	sadd.s32 @!p4 $0xC80, s5  }
0x151: {  	[tilespmem:s6], [sflag:$0x1] =	stream.linear.gather @!p4 [hbm4b:s3+s0], $0x1400, $0x38;
	[tilespmem:$0x1D000] =	vst v63  }
0x152: {  	_ =	swait.ge @!p4 [sflag:s7], $0x28  }
0x153: {  	[sflag:s7] =	ssyncset.done @!p4 $0x0  }
0x154: {  	[sflag:s7] =	ssyncadd.s32 @!p4 $0xFFFFFFD8  }
0x155: {  	_ =	swait.ge @!p4 [sflag:s7], $0x1400  }
0x156: {  	s3 =	simm.s32 @!p4 $0x3E80;
	[sflag:s7] =	ssyncset.done @!p4 $0x0  }
0x157: {  	s6 =	simm.s32 @!p4 $0x28;
	[sflag:s7] =	ssyncadd.s32 @!p4 $0xFFFFEC00;
	s7 =	simm.s32 @!p4 $0x180  }
0x158: {  	[spmem:s1] =	stream.indirect.scatter.add.f32 @!p4 [tilespmem:s3], [sflag:$0x9], $0x80, s7, s6, $0xb8;
	[tilespmem:$0x1D000] =	vst v63  }
0x159: {  	s3 =	simm.s32 @!p4 $0x7  }
0x15a: {  	_ =	swait.ge @!p4 [sflag:s3], $0x1400  }
0x15b: {  	[sflag:s3] =	ssyncset.done @!p4 $0x0  }
0x15c: {  	[sflag:s3] =	ssyncadd.s32 @!p4 $0xFFFFEC00;
	s3 =	simm.s32 @!p4 $0x80  }
0x15d: {  	[tilespmem:s3], [sflag:$0x2] =	stream.linear.gather @!p4 [hbm4b:s29+s0], $0x28, $0x38;
	[tilespmem:$0x1D000] =	vst v63  }
0x15e: {  	s3 =	sadd.s32 @!p4 $0xF00, s5;
	s5 =	simm.s32 @!p4 $0x1680  }
0x15f: {  	[tilespmem:s5], [sflag:$0x2] =	stream.linear.gather @!p4 [hbm4b:s3+s0], $0x1400, $0x38;
	[tilespmem:$0x1D000] =	vst v63  }
0x160: {  	_ =	swait.ge [sflag:s28], $0x28  }
0x161: {  	[sflag:s28] =	ssyncset.done $0x0  }
0x162: {  	[sflag:s28] =	ssyncadd.s32 $0xFFFFFFD8  }
0x163: {  	_ =	swait.ge [sflag:s28], $0x1400  }
0x164: {  	[sflag:s28] =	ssyncset.done $0x0  }
0x165: {  	s19 =	simm.s32 $0x8;
	[sflag:s28] =	ssyncadd.s32 $0xFFFFEC00  }
0x166: {  	[spmem:s1] =	stream.indirect.scatter.add.f32 [tilespmem:s22], [sflag:$0xA], $0x80, s21, s18, $0xb8;
	[tilespmem:$0x1D000] =	vst v63  }
0x167: {  	_ =	swait.ge [sflag:s19], $0x1400  }
0x168: {  	[sflag:s19] =	ssyncset.done $0x0  }
0x169: {  	s20 =	simm.s32 $0x9;
	[sflag:s19] =	ssyncadd.s32 $0xFFFFEC00  }
0x16a: {  	_ =	swait.ge [sflag:s20], $0x1400  }
0x16b: {  	[sflag:s20] =	ssyncset.done $0x0  }
0x16c: {  	s25 =	simm.s32 $0xA;
	[sflag:s20] =	ssyncadd.s32 $0xFFFFEC00  }
0x16d: {  	_ =	swait.ge [sflag:s25], $0x1400  }
0x16e: {  	[sflag:s25] =	ssyncset.done $0x0  }
0x16f: {  	[sflag:s25] =	ssyncadd.s32 $0xFFFFEC00  }
0x170: {  	s29 =	simm.s32 $0x1C800;
	s5 =	simm.s32 $0xC;
	s26 =	rddreg [dreg:$0x11];
	[tilespmem:$0x1C780] =	vst v0  }
0x171: {  	[tilespmem:s29], [sflag:$0xC] =	stream.linear.gather [hbm4b:s26+s2], $0x800, $0x38;
	[tilespmem:$0x1D000] =	vst v63  }
0x172: {  	_ =	swait.ge [sflag:s5], $0x800  }
0x173: {  	[sflag:s5] =	ssyncset.done $0x0  }
0x174: {  	s30 =	simm.s32 $0x10;
	s31 =	simm.s32 $0x1C780;
	[sflag:s5] =	ssyncadd.s32 $0xFFFFF800  }
0x175: {  	[spmem:s1] =	stream.indirect.scatter.add.f32 [tilespmem:s29], [sflag:$0xC], $0x80, s31, s30, $0xb8;
	[tilespmem:$0x1D000] =	vst v63  }
.Ltmp3:
0x176: {  	_ =	swait.ge [sflag:s5], $0x800;
	(pc) =	sbr.rel @!p0 .LBB2_4-.Ltmp3, $3  }
0x177: {  	[sflag:s5] =	ssyncset.done $0x0  }
0x178: {  	[sflag:s5] =	ssyncadd.s32 $0xFFFFF800  }
0x179: {  	[bflag:$0x0] =	sbarrier.arrive $0xFFFF;
	_ =	sdelay $0x1  }
0x17a: {  	s3 =	sld [smem:$0x7FA]  }
0x17b: {  	s8 =	rddreg [dreg:$0x14]  }
0x17c: {  	s0 =	rddreg [dreg:$0x1b]  }
0x17d: {  	[hbm:s0], [sflag:s8] =	dma.local [spmem:s3], $0x2700  }
.Ltmp4:
0x17e: {  	_ = 	snop;
	(pc) =	sbr.rel @p2 .LBB2_7-.Ltmp4, $4  }
.Ltmp5:
0x17f: {  	_ = 	snop;
	(pc) =	sbr.rel @!p2 .LBB2_6-.Ltmp5, $4  }
0x180: {  	_ =	swait.ge [sflag:s5], $0x2700  }
0x181: {  	[sflag:s5] =	ssyncset.done $0x0;
	s6 =	sld [smem:$0x7F9]  }
0x182: {  	s0 =	rddreg [dreg:$0x15];
	[sflag:s5] =	ssyncadd.s32 $0xFFFFD900  }
0x183: {  	_ = 	snop  }
.LBB2_4:
0x184: {  	s3 =	sld [smem:$0x7FA]  }
0x185: {  	s8 =	rddreg [dreg:$0x14]  }
0x186: {  	s0 =	rddreg [dreg:$0x1a]  }
0x187: {  	[hbm:s0], [sflag:s8] =	dma.local [spmem:s3], $0x2700  }
.Ltmp6:
0x188: {  	_ = 	snop;
	(pc) =	sbr.rel @!p3 .LBB2_7-.Ltmp6, $4  }
.Ltmp7:
0x189: {  	_ = 	snop;
	(pc) =	sbr.rel @p3 .LBB2_6-.Ltmp7, $4  }
0x18a: {  	_ =	swait.ge [sflag:s5], $0x2700  }
0x18b: {  	[sflag:s5] =	ssyncset.done $0x0;
	s6 =	sld [smem:$0x7F9]  }
0x18c: {  	s0 =	rddreg [dreg:$0x12];
	[sflag:s5] =	ssyncadd.s32 $0xFFFFD900  }
0x18d: {  	_ = 	snop  }
.LBB2_8:
0x18e: {  	_ =	sfence.sel $0x180000  }
0x18f: {  	[bflag:$0x0] =	sbarrier.arrive $0xFFFF  }
0x190: {  	_ =	strace $0x90000047  }
0x191: {  	[bflag:$0x2] =	sbarrier.arrive $0xFFFF  }
0x192: {  	s0 =	rddreg [dreg:$0x3]  }
0x193: {  	s0 =	sadd.s32 @!p2 $0x100000, s0  }
0x194: {  	[sflag:s0] =	ssyncadd.tile.s32 @!p2 $0x1;
	_ =	shalt  }
.Lfunc_end2:
_tile_overlayer_lowered:
.L_overlay_start_2:
0x195: {  	(tag) =	ssettag $0x2  }
0x196: {  	s0 =	rddreg [dreg:$0x0];
	s2 =	stileid.u32  }
0x197: {  	s1 =	rddreg [dreg:$0x1];
	p0 =	sne.s32 s2, $0x0  }
0x198: {  	s3 =	rddreg [dreg:$0x2];
	[bflag:$0x3] =	sbarrier.arrive $0xFFFF;
	s2 =	simm.s32 @!p0 $0x1C0C  }
0x199: {  	[timem:s3], [sflag:s2] =	dma.local @!p0 [hbm:s0], s1  }
0x19a: {  	s0 =	simm.s32 @!p0 $0xC  }
0x19b: {  	_ =	swait.ge @!p0 [sflag:s0], s1  }
0x19c: {  	s1 =	ssub.s32 @!p0 $0x0, s1;
	[sflag:s0] =	ssyncset.done @!p0 $0x0  }
0x19d: {  	[sflag:s0] =	ssyncadd.s32 @!p0 s1  }
0x19e: {  	[bflag:$0x3] =	sbarrier.arrive $0xFFFF  }
0x19f: {  	_ =	shalt  }

</sc_bundles>
